<compile_context>
chip_gen: v7x
topology: tpu7x:2x2x1
jax: 0.10.2.dev20260603
libtpu: 0.0.44.dev20260713+nightly
codegen_flags: <defaults>
</compile_context>

<pallas_src>
import functools

import jax
import jax.numpy as jnp
from jax import lax
from jax.experimental import pallas as pl
from jax.experimental.pallas import tpu as pltpu
from jax.experimental.pallas import tpu_sc as plsc

VOCAB = 1000000
BATCH = 4096
SEQ = 200
DIM = 64

NUM_CORES = 2
NUM_SUBCORES = 16
NW = NUM_CORES * NUM_SUBCORES
BB = BATCH // NW
IDX_PER_W = BB * SEQ
PITCH = 133

_mesh = plsc.VectorSubcoreMesh(
    core_axis_name="c", subcore_axis_name="s",
    num_cores=NUM_CORES, num_subcores=NUM_SUBCORES,
)


@functools.partial(
    pl.kernel,
    mesh=_mesh,
    out_type=jax.ShapeDtypeStruct((SEQ, 8 * NW * 8, BB), jnp.float32),
    scratch_types=[
        pltpu.VMEM((IDX_PER_W,), jnp.int32),
        pltpu.VMEM((SEQ, BB), jnp.int32),
        pltpu.VMEM((2, BB, DIM), jnp.float32),
        pltpu.VMEM((2, 1, 8 * 8, PITCH), jnp.float32),
        pltpu.SemaphoreType.DMA,
        pltpu.SemaphoreType.DMA,
        pltpu.SemaphoreType.DMA,
        pltpu.SemaphoreType.DMA,
    ],
    compiler_params=pltpu.CompilerParams(
        use_tc_tiling_on_sc=False, needs_layout_passes=False),
)
def _gather_kernel(idx_hbm, table_hbm, out_hbm, idxw_v, idxt_v, wide_v,
                   tile_v, gat_sem0, gat_sem1, out_sem0, out_sem1):
    wid = lax.axis_index("s") * NUM_CORES + lax.axis_index("c")
    gat_sems = [gat_sem0, gat_sem1]
    out_sems = [out_sem0, out_sem1]
    lanes = lax.iota(jnp.int32, 16)
    zeros16 = jnp.zeros((16,), jnp.int32)
    dvecs = [lanes + d0 for d0 in range(0, DIM, 16)]
    dhi = [d >> 3 for d in dvecs]
    dlo = [d & 7 for d in dvecs]

    pltpu.sync_copy(idx_hbm.at[pl.ds(wid * IDX_PER_W, IDX_PER_W)], idxw_v)

    def tr_idx(s):
        for b0 in range(0, BB, 16):
            flat = (lanes + b0) * SEQ + s
            idxt_v[s, pl.ds(b0, 16)] = plsc.load_gather(idxw_v, [flat])
    pl.loop(0, SEQ)(tr_idx)

    def start_gather(s, buf):
        return pltpu.async_copy(table_hbm.at[idxt_v.at[s]], wide_v.at[buf],
                                gat_sems[buf])

    start_gather(0, 0)

    def out_dst(s, dh):
        return out_hbm.at[pl.ds(s, 1), pl.ds(dh * (NW * 8) + wid * 8, 8), :]

    def out_src(buf, dh):
        return tile_v.at[buf, :, pl.ds(dh * 8, 8), pl.ds(0, BB)]

    def body(s0):
        for b in range(2):
            s = s0 + b
            @pl.when(s + 1 < SEQ)
            def _():
                start_gather(s + 1, 1 - b)
            pltpu.make_async_copy(
                table_hbm.at[idxt_v.at[s]], wide_v.at[b], gat_sems[b]).wait()
            @pl.when(s0 > 0)
            def _():
                for dh in range(8):
                    pltpu.make_async_copy(
                        out_src(b, dh), out_dst(s, dh), out_sems[b]).wait()

            tile2d = tile_v.at[b, 0]
            def tr_row(row):
                rvec = zeros16 + row
                for k in range(DIM // 16):
                    vals = wide_v[b, row, pl.ds(k * 16, 16)]
                    plsc.store_scatter(tile2d, [dvecs[k], rvec], vals)
            pl.loop(0, BB, unroll=16)(tr_row)

            for dh in range(8):
                pltpu.async_copy(out_src(b, dh), out_dst(s, dh), out_sems[b])

    pl.loop(0, SEQ, step=2)(body)

    for b in range(2):
        for dh in range(8):
            pltpu.make_async_copy(
                out_src(b, dh), out_dst(SEQ - 2 + b, dh), out_sems[b]).wait()


def kernel(indices, table):
    idx = indices.reshape(-1).astype(jnp.int32)
    p = _gather_kernel(idx, table)
    p = p.reshape(SEQ, 8, NW, 8, BB)
    return p.transpose(2, 4, 0, 1, 3).reshape(BATCH, SEQ, DIM)

# --- scband reference (transcript-rebuilt; emitter-appended) ---
"""Pipeline reference for scband-word2-vec-26714696581184 (READ-ONLY COPY).

The authoritative reference and input builder live on the scoring server;
editing this copy changes nothing except your own understanding.
"""

import jax, jax.numpy as jnp
import numpy as np

VOCAB = 1000000
BATCH = 4096
SEQ = 200
DIM = 64


def setup_inputs(seed: int = 0) -> dict:
    key = jax.random.key(seed)
    k1, k2 = jax.random.split(key)
    indices = jax.random.randint(k1, (BATCH, SEQ), 0, VOCAB)
    table = jax.random.normal(k2, (VOCAB, DIM), dtype=jnp.float32)
    return {"indices": indices, "table": table}


def reference(indices, table):
    # Faithful translation of Word2Vec.forward in the 'bio' branch:
    # per-sentence nn.Embedding lookup, pad_sequence (all sentences same
    # length here so padding is identity), then dropout (identity in eval).
    embeds = jnp.take(table, indices, axis=0)  # [B, S, D]
    return embeds

if __name__ == "__main__":
    import jax
    _d = setup_inputs()
    print(jax.jit(kernel)(*tuple(_d.values())))

</pallas_src>

<mosaic_0001>
#map = affine_map<(d0, d1) -> (0)>
#map1 = affine_map<(d0, d1) -> (0, 0)>
#map2 = affine_map<(d0, d1) -> (0, 0, 0)>
module attributes {stable_mosaic.version = 14 : i64} {
  func.func @_gather_kernel(%arg0: i32, %arg1: i32, %arg2: memref<819200xi32, #tpu.memory_space<hbm>>, %arg3: memref<1000000x64xf32, #tpu.memory_space<hbm>>, %arg4: memref<200x2048x128xf32, #tpu.memory_space<hbm>>, %arg5: memref<25600xi32, #tpu.memory_space<vmem>>, %arg6: memref<200x128xi32, #tpu.memory_space<vmem>>, %arg7: memref<2x128x64xf32, #tpu.memory_space<vmem>>, %arg8: memref<2x1x64x133xf32, #tpu.memory_space<vmem>>, %arg9: memref<!tpu.dma_semaphore, #tpu.memory_space<semaphore_mem>>, %arg10: memref<!tpu.dma_semaphore, #tpu.memory_space<semaphore_mem>>, %arg11: memref<!tpu.dma_semaphore, #tpu.memory_space<semaphore_mem>>, %arg12: memref<!tpu.dma_semaphore, #tpu.memory_space<semaphore_mem>>) attributes {dimension_semantics = [#tpu.dimension_semantics<core_parallel>, #tpu.dimension_semantics<subcore_parallel>], iteration_bounds = array<i64: 2, 16>, scalar_prefetch = 0 : i64, scratch_operands = 8 : i64, tpu.core_type = #tpu.core_type<sc_vector_subcore>, window_params = [{transform_indices = #map}, {transform_indices = #map1}, {transform_indices = #map2}]} {
    %mul3A = arith.constant 2 : i32
    %mul3A_0 = arith.muli %arg1, %mul3A : i32
    %add3A = arith.addi %mul3A_0, %arg0 : i32
    %iota3A = tpu.iota {dimensions = array<i32: 0>} : vector<16xi32>
    %broadcast_in_dim3A = arith.constant 0 : i32
    %broadcast_in_dim3A_1 = vector.broadcast %broadcast_in_dim3A : i32 to vector<16xi32>
    %add3A_2 = arith.constant 0 : i32
    %add3A_3 = vector.broadcast %add3A_2 : i32 to vector<16xi32>
    %add3A_4 = arith.addi %iota3A, %add3A_3 : vector<16xi32>
    %add3A_5 = arith.constant 16 : i32
    %add3A_6 = vector.broadcast %add3A_5 : i32 to vector<16xi32>
    %add3A_7 = arith.addi %iota3A, %add3A_6 : vector<16xi32>
    %add3A_8 = arith.constant 32 : i32
    %add3A_9 = vector.broadcast %add3A_8 : i32 to vector<16xi32>
    %add3A_10 = arith.addi %iota3A, %add3A_9 : vector<16xi32>
    %add3A_11 = arith.constant 48 : i32
    %add3A_12 = vector.broadcast %add3A_11 : i32 to vector<16xi32>
    %add3A_13 = arith.addi %iota3A, %add3A_12 : vector<16xi32>
    %shift_right_arithmetic3A = arith.constant 3 : i32
    %shift_right_arithmetic3A_14 = vector.broadcast %shift_right_arithmetic3A : i32 to vector<16xi32>
    %shift_right_arithmetic3A_15 = arith.shrsi %add3A_4, %shift_right_arithmetic3A_14 : vector<16xi32>
    %shift_right_arithmetic3A_16 = arith.constant 3 : i32
    %shift_right_arithmetic3A_17 = vector.broadcast %shift_right_arithmetic3A_16 : i32 to vector<16xi32>
    %shift_right_arithmetic3A_18 = arith.shrsi %add3A_7, %shift_right_arithmetic3A_17 : vector<16xi32>
    %shift_right_arithmetic3A_19 = arith.constant 3 : i32
    %shift_right_arithmetic3A_20 = vector.broadcast %shift_right_arithmetic3A_19 : i32 to vector<16xi32>
    %shift_right_arithmetic3A_21 = arith.shrsi %add3A_10, %shift_right_arithmetic3A_20 : vector<16xi32>
    %shift_right_arithmetic3A_22 = arith.constant 3 : i32
    %shift_right_arithmetic3A_23 = vector.broadcast %shift_right_arithmetic3A_22 : i32 to vector<16xi32>
    %shift_right_arithmetic3A_24 = arith.shrsi %add3A_13, %shift_right_arithmetic3A_23 : vector<16xi32>
    %and3A = arith.constant 7 : i32
    %and3A_25 = vector.broadcast %and3A : i32 to vector<16xi32>
    %and3A_26 = arith.andi %add3A_4, %and3A_25 : vector<16xi32>
    %and3A_27 = arith.constant 7 : i32
    %and3A_28 = vector.broadcast %and3A_27 : i32 to vector<16xi32>
    %and3A_29 = arith.andi %add3A_7, %and3A_28 : vector<16xi32>
    %and3A_30 = arith.constant 7 : i32
    %and3A_31 = vector.broadcast %and3A_30 : i32 to vector<16xi32>
    %and3A_32 = arith.andi %add3A_10, %and3A_31 : vector<16xi32>
    %and3A_33 = arith.constant 7 : i32
    %and3A_34 = vector.broadcast %and3A_33 : i32 to vector<16xi32>
    %and3A_35 = arith.andi %add3A_13, %and3A_34 : vector<16xi32>
    %mul3A_36 = arith.constant 25600 : i32
    %mul3A_37 = arith.muli %add3A, %mul3A_36 : i32
    "tpu.region"() ({
      %run_scoped3A = tpu.sem_alloc : memref<!tpu.dma_semaphore, #tpu.memory_space<semaphore_mem>>
      %dma_start3A_393 = tpu.memref_slice %arg2[%mul3A_37] : memref<819200xi32, #tpu.memory_space<hbm>> -> memref<25600xi32, #tpu.memory_space<hbm>>
      %dma_start3A_394 = tpu.memref_slice %arg2[%mul3A_37] : memref<819200xi32, #tpu.memory_space<hbm>> -> memref<25600xi32, #tpu.memory_space<hbm>>
      tpu.enqueue_dma source(%dma_start3A_394 : memref<25600xi32, #tpu.memory_space<hbm>>) target(%arg5 : memref<25600xi32, #tpu.memory_space<vmem>>) target_semaphore(%run_scoped3A : memref<!tpu.dma_semaphore, #tpu.memory_space<semaphore_mem>>)
      %dma_wait3A_395 = tpu.memref_slice %arg2[%mul3A_37] : memref<819200xi32, #tpu.memory_space<hbm>> -> memref<25600xi32, #tpu.memory_space<hbm>>
      %dma_wait3A_396 = tpu.memref_slice %arg2[%mul3A_37] : memref<819200xi32, #tpu.memory_space<hbm>> -> memref<25600xi32, #tpu.memory_space<hbm>>
      tpu.wait_dma2 semaphore(%run_scoped3A : memref<!tpu.dma_semaphore, #tpu.memory_space<semaphore_mem>>) src(%dma_wait3A_396 : memref<25600xi32, #tpu.memory_space<hbm>>) dst(%arg5 : memref<25600xi32, #tpu.memory_space<vmem>>)
      tpu.yield
    }) : () -> ()
    %scan3A = arith.constant 0 : i32
    %scan3A_38 = arith.constant 200 : i32
    %scan3A_39 = arith.addi %scan3A, %scan3A_38 : i32
    %scan3A_40 = arith.constant 1 : i32
    scf.for %scan3A_393 = %scan3A to %scan3A_39 step %scan3A_40  : i32 {
      %mul3A_394 = arith.constant 1 : i32
      %mul3A_395 = arith.muli %scan3A_393, %mul3A_394 : i32
      %add3A_396 = arith.constant 0 : i32
      %add3A_397 = arith.addi %add3A_396, %mul3A_395 : i32
      %add3A_398 = arith.constant 0 : i32
      %add3A_399 = vector.broadcast %add3A_398 : i32 to vector<16xi32>
      %add3A_400 = arith.addi %iota3A, %add3A_399 : vector<16xi32>
      %mul3A_401 = arith.constant 200 : i32
      %mul3A_402 = vector.broadcast %mul3A_401 : i32 to vector<16xi32>
      %mul3A_403 = arith.muli %add3A_400, %mul3A_402 : vector<16xi32>
      %add3A_404 = vector.broadcast %add3A_397 : i32 to vector<16xi32>
      %add3A_405 = arith.addi %mul3A_403, %add3A_404 : vector<16xi32>
      %gather3A = tpu.vector_load_idx %arg5[%add3A_405] : memref<25600xi32, #tpu.memory_space<vmem>>[vector<16xi32>], vector<16xi32>,
      %swap3A = arith.index_cast %add3A_397 : i32 to index
      %swap3A_406 = arith.constant 0 : index
      %swap3A_407 = tpu.vector_load %arg6[%swap3A, %swap3A_406] {strides = array<i32>} : memref<200x128xi32, #tpu.memory_space<vmem>>, vector<16xi32>,
      tpu.vector_store %arg6[%swap3A, %swap3A_406], %gather3A {strides = array<i32>} : memref<200x128xi32, #tpu.memory_space<vmem>>, vector<16xi32>,
      %add3A_408 = arith.constant 16 : i32
      %add3A_409 = vector.broadcast %add3A_408 : i32 to vector<16xi32>
      %add3A_410 = arith.addi %iota3A, %add3A_409 : vector<16xi32>
      %mul3A_411 = arith.constant 200 : i32
      %mul3A_412 = vector.broadcast %mul3A_411 : i32 to vector<16xi32>
      %mul3A_413 = arith.muli %add3A_410, %mul3A_412 : vector<16xi32>
      %add3A_414 = vector.broadcast %add3A_397 : i32 to vector<16xi32>
      %add3A_415 = arith.addi %mul3A_413, %add3A_414 : vector<16xi32>
      %gather3A_416 = tpu.vector_load_idx %arg5[%add3A_415] : memref<25600xi32, #tpu.memory_space<vmem>>[vector<16xi32>], vector<16xi32>,
      %swap3A_417 = arith.index_cast %add3A_397 : i32 to index
      %swap3A_418 = arith.constant 16 : index
      %swap3A_419 = tpu.vector_load %arg6[%swap3A_417, %swap3A_418] {strides = array<i32>} : memref<200x128xi32, #tpu.memory_space<vmem>>, vector<16xi32>,
      tpu.vector_store %arg6[%swap3A_417, %swap3A_418], %gather3A_416 {strides = array<i32>} : memref<200x128xi32, #tpu.memory_space<vmem>>, vector<16xi32>,
      %add3A_420 = arith.constant 32 : i32
      %add3A_421 = vector.broadcast %add3A_420 : i32 to vector<16xi32>
      %add3A_422 = arith.addi %iota3A, %add3A_421 : vector<16xi32>
      %mul3A_423 = arith.constant 200 : i32
      %mul3A_424 = vector.broadcast %mul3A_423 : i32 to vector<16xi32>
      %mul3A_425 = arith.muli %add3A_422, %mul3A_424 : vector<16xi32>
      %add3A_426 = vector.broadcast %add3A_397 : i32 to vector<16xi32>
      %add3A_427 = arith.addi %mul3A_425, %add3A_426 : vector<16xi32>
      %gather3A_428 = tpu.vector_load_idx %arg5[%add3A_427] : memref<25600xi32, #tpu.memory_space<vmem>>[vector<16xi32>], vector<16xi32>,
      %swap3A_429 = arith.index_cast %add3A_397 : i32 to index
      %swap3A_430 = arith.constant 32 : index
      %swap3A_431 = tpu.vector_load %arg6[%swap3A_429, %swap3A_430] {strides = array<i32>} : memref<200x128xi32, #tpu.memory_space<vmem>>, vector<16xi32>,
      tpu.vector_store %arg6[%swap3A_429, %swap3A_430], %gather3A_428 {strides = array<i32>} : memref<200x128xi32, #tpu.memory_space<vmem>>, vector<16xi32>,
      %add3A_432 = arith.constant 48 : i32
      %add3A_433 = vector.broadcast %add3A_432 : i32 to vector<16xi32>
      %add3A_434 = arith.addi %iota3A, %add3A_433 : vector<16xi32>
      %mul3A_435 = arith.constant 200 : i32
      %mul3A_436 = vector.broadcast %mul3A_435 : i32 to vector<16xi32>
      %mul3A_437 = arith.muli %add3A_434, %mul3A_436 : vector<16xi32>
      %add3A_438 = vector.broadcast %add3A_397 : i32 to vector<16xi32>
      %add3A_439 = arith.addi %mul3A_437, %add3A_438 : vector<16xi32>
      %gather3A_440 = tpu.vector_load_idx %arg5[%add3A_439] : memref<25600xi32, #tpu.memory_space<vmem>>[vector<16xi32>], vector<16xi32>,
      %swap3A_441 = arith.index_cast %add3A_397 : i32 to index
      %swap3A_442 = arith.constant 48 : index
      %swap3A_443 = tpu.vector_load %arg6[%swap3A_441, %swap3A_442] {strides = array<i32>} : memref<200x128xi32, #tpu.memory_space<vmem>>, vector<16xi32>,
      tpu.vector_store %arg6[%swap3A_441, %swap3A_442], %gather3A_440 {strides = array<i32>} : memref<200x128xi32, #tpu.memory_space<vmem>>, vector<16xi32>,
      %add3A_444 = arith.constant 64 : i32
      %add3A_445 = vector.broadcast %add3A_444 : i32 to vector<16xi32>
      %add3A_446 = arith.addi %iota3A, %add3A_445 : vector<16xi32>
      %mul3A_447 = arith.constant 200 : i32
      %mul3A_448 = vector.broadcast %mul3A_447 : i32 to vector<16xi32>
      %mul3A_449 = arith.muli %add3A_446, %mul3A_448 : vector<16xi32>
      %add3A_450 = vector.broadcast %add3A_397 : i32 to vector<16xi32>
      %add3A_451 = arith.addi %mul3A_449, %add3A_450 : vector<16xi32>
      %gather3A_452 = tpu.vector_load_idx %arg5[%add3A_451] : memref<25600xi32, #tpu.memory_space<vmem>>[vector<16xi32>], vector<16xi32>,
      %swap3A_453 = arith.index_cast %add3A_397 : i32 to index
      %swap3A_454 = arith.constant 64 : index
      %swap3A_455 = tpu.vector_load %arg6[%swap3A_453, %swap3A_454] {strides = array<i32>} : memref<200x128xi32, #tpu.memory_space<vmem>>, vector<16xi32>,
      tpu.vector_store %arg6[%swap3A_453, %swap3A_454], %gather3A_452 {strides = array<i32>} : memref<200x128xi32, #tpu.memory_space<vmem>>, vector<16xi32>,
      %add3A_456 = arith.constant 80 : i32
      %add3A_457 = vector.broadcast %add3A_456 : i32 to vector<16xi32>
      %add3A_458 = arith.addi %iota3A, %add3A_457 : vector<16xi32>
      %mul3A_459 = arith.constant 200 : i32
      %mul3A_460 = vector.broadcast %mul3A_459 : i32 to vector<16xi32>
      %mul3A_461 = arith.muli %add3A_458, %mul3A_460 : vector<16xi32>
      %add3A_462 = vector.broadcast %add3A_397 : i32 to vector<16xi32>
      %add3A_463 = arith.addi %mul3A_461, %add3A_462 : vector<16xi32>
      %gather3A_464 = tpu.vector_load_idx %arg5[%add3A_463] : memref<25600xi32, #tpu.memory_space<vmem>>[vector<16xi32>], vector<16xi32>,
      %swap3A_465 = arith.index_cast %add3A_397 : i32 to index
      %swap3A_466 = arith.constant 80 : index
      %swap3A_467 = tpu.vector_load %arg6[%swap3A_465, %swap3A_466] {strides = array<i32>} : memref<200x128xi32, #tpu.memory_space<vmem>>, vector<16xi32>,
      tpu.vector_store %arg6[%swap3A_465, %swap3A_466], %gather3A_464 {strides = array<i32>} : memref<200x128xi32, #tpu.memory_space<vmem>>, vector<16xi32>,
      %add3A_468 = arith.constant 96 : i32
      %add3A_469 = vector.broadcast %add3A_468 : i32 to vector<16xi32>
      %add3A_470 = arith.addi %iota3A, %add3A_469 : vector<16xi32>
      %mul3A_471 = arith.constant 200 : i32
      %mul3A_472 = vector.broadcast %mul3A_471 : i32 to vector<16xi32>
      %mul3A_473 = arith.muli %add3A_470, %mul3A_472 : vector<16xi32>
      %add3A_474 = vector.broadcast %add3A_397 : i32 to vector<16xi32>
      %add3A_475 = arith.addi %mul3A_473, %add3A_474 : vector<16xi32>
      %gather3A_476 = tpu.vector_load_idx %arg5[%add3A_475] : memref<25600xi32, #tpu.memory_space<vmem>>[vector<16xi32>], vector<16xi32>,
      %swap3A_477 = arith.index_cast %add3A_397 : i32 to index
      %swap3A_478 = arith.constant 96 : index
      %swap3A_479 = tpu.vector_load %arg6[%swap3A_477, %swap3A_478] {strides = array<i32>} : memref<200x128xi32, #tpu.memory_space<vmem>>, vector<16xi32>,
      tpu.vector_store %arg6[%swap3A_477, %swap3A_478], %gather3A_476 {strides = array<i32>} : memref<200x128xi32, #tpu.memory_space<vmem>>, vector<16xi32>,
      %add3A_480 = arith.constant 112 : i32
      %add3A_481 = vector.broadcast %add3A_480 : i32 to vector<16xi32>
      %add3A_482 = arith.addi %iota3A, %add3A_481 : vector<16xi32>
      %mul3A_483 = arith.constant 200 : i32
      %mul3A_484 = vector.broadcast %mul3A_483 : i32 to vector<16xi32>
      %mul3A_485 = arith.muli %add3A_482, %mul3A_484 : vector<16xi32>
      %add3A_486 = vector.broadcast %add3A_397 : i32 to vector<16xi32>
      %add3A_487 = arith.addi %mul3A_485, %add3A_486 : vector<16xi32>
      %gather3A_488 = tpu.vector_load_idx %arg5[%add3A_487] : memref<25600xi32, #tpu.memory_space<vmem>>[vector<16xi32>], vector<16xi32>,
      %swap3A_489 = arith.index_cast %add3A_397 : i32 to index
      %swap3A_490 = arith.constant 112 : index
      %swap3A_491 = tpu.vector_load %arg6[%swap3A_489, %swap3A_490] {strides = array<i32>} : memref<200x128xi32, #tpu.memory_space<vmem>>, vector<16xi32>,
      tpu.vector_store %arg6[%swap3A_489, %swap3A_490], %gather3A_488 {strides = array<i32>} : memref<200x128xi32, #tpu.memory_space<vmem>>, vector<16xi32>,
    }
    %scan3A_41 = arith.constant 200 : i32
    %dma_start3A = arith.constant 0 : i32
    %dma_start3A_42 = arith.constant 0 : i32
    %dma_start3A_43 = arith.constant 0 : i32
    %dma_start3A_44 = arith.constant 0 : i32
    %dma_start3A_45 = tpu.memref_slice %arg7[%dma_start3A_42, %dma_start3A_43, %dma_start3A_44] : memref<2x128x64xf32, #tpu.memory_space<vmem>> -> memref<1x128x64xf32, #tpu.memory_space<vmem>>
    %dma_start3A_46 = tpu.memref_squeeze %dma_start3A_45 : memref<1x128x64xf32, #tpu.memory_space<vmem>> -> memref<128x64xf32, #tpu.memory_space<vmem>>
    %dma_start3A_47 = arith.constant 0 : i32
    %dma_start3A_48 = tpu.memref_slice %arg6[%dma_start3A, %dma_start3A_47] : memref<200x128xi32, #tpu.memory_space<vmem>> -> memref<1x128xi32, #tpu.memory_space<vmem>>
    %dma_start3A_49 = tpu.memref_squeeze %dma_start3A_48 : memref<1x128xi32, #tpu.memory_space<vmem>> -> memref<128xi32, #tpu.memory_space<vmem>>
    %dma_start3A_50 = arith.constant 0 : i32
    %dma_start3A_51 = arith.constant 0 : i32
    %dma_start3A_52 = tpu.memref_slice %arg3[%dma_start3A_50, %dma_start3A_51] : memref<1000000x64xf32, #tpu.memory_space<hbm>> -> memref<1000000x64xf32, #tpu.memory_space<hbm>>
    tpu.enqueue_indirect_dma source(%dma_start3A_52 : memref<1000000x64xf32, #tpu.memory_space<hbm>>) target(%dma_start3A_46 : memref<128x64xf32, #tpu.memory_space<vmem>>) offsets(%dma_start3A_49 : memref<128xi32, #tpu.memory_space<vmem>>) semaphore(%arg9 : memref<!tpu.dma_semaphore, #tpu.memory_space<semaphore_mem>>)
    %scan3A_53 = arith.constant 0 : i32
    %scan3A_54 = arith.constant 100 : i32
    %scan3A_55 = arith.addi %scan3A_53, %scan3A_54 : i32
    %scan3A_56 = arith.constant 1 : i32
    scf.for %scan3A_393 = %scan3A_53 to %scan3A_55 step %scan3A_56  : i32 {
      %mul3A_394 = arith.constant 2 : i32
      %mul3A_395 = arith.muli %scan3A_393, %mul3A_394 : i32
      %add3A_396 = arith.constant 0 : i32
      %add3A_397 = arith.addi %add3A_396, %mul3A_395 : i32
      %add3A_398 = arith.constant 0 : i32
      %add3A_399 = arith.addi %add3A_397, %add3A_398 : i32
      %add3A_400 = arith.constant 1 : i32
      %add3A_401 = arith.addi %add3A_399, %add3A_400 : i32
      %lt3A = arith.constant 200 : i32
      %lt3A_402 = arith.cmpi slt, %add3A_401, %lt3A : i32
      %convert_element_type3A = arith.extui %lt3A_402 : i1 to i32
      %cond3A = arith.constant 0 : i32
      %cond3A_403 = arith.cmpi ne, %convert_element_type3A, %cond3A : i32
      scf.if %cond3A_403 {
        %add3A_762 = arith.constant 1 : i32
        %add3A_763 = arith.addi %add3A_399, %add3A_762 : i32
        %dma_start3A_764 = arith.constant 1 : i32
        %dma_start3A_765 = arith.constant 0 : i32
        %dma_start3A_766 = arith.constant 0 : i32
        %dma_start3A_767 = tpu.memref_slice %arg7[%dma_start3A_764, %dma_start3A_765, %dma_start3A_766] : memref<2x128x64xf32, #tpu.memory_space<vmem>> -> memref<1x128x64xf32, #tpu.memory_space<vmem>>
        %dma_start3A_768 = tpu.memref_squeeze %dma_start3A_767 : memref<1x128x64xf32, #tpu.memory_space<vmem>> -> memref<128x64xf32, #tpu.memory_space<vmem>>
        %dma_start3A_769 = arith.constant 0 : i32
        %dma_start3A_770 = tpu.memref_slice %arg6[%add3A_763, %dma_start3A_769] : memref<200x128xi32, #tpu.memory_space<vmem>> -> memref<1x128xi32, #tpu.memory_space<vmem>>
        %dma_start3A_771 = tpu.memref_squeeze %dma_start3A_770 : memref<1x128xi32, #tpu.memory_space<vmem>> -> memref<128xi32, #tpu.memory_space<vmem>>
        %dma_start3A_772 = arith.constant 0 : i32
        %dma_start3A_773 = arith.constant 0 : i32
        %dma_start3A_774 = tpu.memref_slice %arg3[%dma_start3A_772, %dma_start3A_773] : memref<1000000x64xf32, #tpu.memory_space<hbm>> -> memref<1000000x64xf32, #tpu.memory_space<hbm>>
        tpu.enqueue_indirect_dma source(%dma_start3A_774 : memref<1000000x64xf32, #tpu.memory_space<hbm>>) target(%dma_start3A_768 : memref<128x64xf32, #tpu.memory_space<vmem>>) offsets(%dma_start3A_771 : memref<128xi32, #tpu.memory_space<vmem>>) semaphore(%arg10 : memref<!tpu.dma_semaphore, #tpu.memory_space<semaphore_mem>>)
      } else {
      }
      %dma_wait3A_404 = arith.constant 0 : i32
      %dma_wait3A_405 = arith.constant 0 : i32
      %dma_wait3A_406 = arith.constant 0 : i32
      %dma_wait3A_407 = tpu.memref_slice %arg7[%dma_wait3A_404, %dma_wait3A_405, %dma_wait3A_406] : memref<2x128x64xf32, #tpu.memory_space<vmem>> -> memref<1x128x64xf32, #tpu.memory_space<vmem>>
      %dma_wait3A_408 = tpu.memref_squeeze %dma_wait3A_407 : memref<1x128x64xf32, #tpu.memory_space<vmem>> -> memref<128x64xf32, #tpu.memory_space<vmem>>
      %dma_wait3A_409 = arith.constant 0 : i32
      %dma_wait3A_410 = tpu.memref_slice %arg6[%add3A_399, %dma_wait3A_409] : memref<200x128xi32, #tpu.memory_space<vmem>> -> memref<1x128xi32, #tpu.memory_space<vmem>>
      %dma_wait3A_411 = tpu.memref_squeeze %dma_wait3A_410 : memref<1x128xi32, #tpu.memory_space<vmem>> -> memref<128xi32, #tpu.memory_space<vmem>>
      %dma_wait3A_412 = arith.constant 0 : i32
      %dma_wait3A_413 = arith.constant 0 : i32
      %dma_wait3A_414 = tpu.memref_slice %arg3[%dma_wait3A_412, %dma_wait3A_413] : memref<1000000x64xf32, #tpu.memory_space<hbm>> -> memref<1000000x64xf32, #tpu.memory_space<hbm>>
      tpu.wait_indirect_dma semaphore(%arg9 : memref<!tpu.dma_semaphore, #tpu.memory_space<semaphore_mem>>) src(%dma_wait3A_414 : memref<1000000x64xf32, #tpu.memory_space<hbm>>) dst(%dma_wait3A_408 : memref<128x64xf32, #tpu.memory_space<vmem>>)
      %gt3A = arith.constant 0 : i32
      %gt3A_415 = arith.cmpi sgt, %add3A_397, %gt3A : i32
      %convert_element_type3A_416 = arith.extui %gt3A_415 : i1 to i32
      %cond3A_417 = arith.constant 0 : i32
      %cond3A_418 = arith.cmpi ne, %convert_element_type3A_416, %cond3A_417 : i32
      scf.if %cond3A_418 {
        %mul3A_762 = arith.constant 8 : i32
        %mul3A_763 = arith.muli %add3A, %mul3A_762 : i32
        %add3A_764 = arith.constant 0 : i32
        %add3A_765 = arith.addi %add3A_764, %mul3A_763 : i32
        %dma_wait3A_766 = arith.constant 0 : i32
        %dma_wait3A_767 = arith.constant 0 : i32
        %dma_wait3A_768 = arith.constant 0 : i32
        %dma_wait3A_769 = arith.constant 0 : i32
        %dma_wait3A_770 = tpu.memref_slice %arg8[%dma_wait3A_766, %dma_wait3A_767, %dma_wait3A_768, %dma_wait3A_769] : memref<2x1x64x133xf32, #tpu.memory_space<vmem>> -> memref<1x1x8x128xf32, #tpu.memory_space<vmem>>
        %dma_wait3A_771 = tpu.memref_squeeze %dma_wait3A_770 : memref<1x1x8x128xf32, #tpu.memory_space<vmem>> -> memref<1x8x128xf32, #tpu.memory_space<vmem>>
        %dma_wait3A_772 = arith.constant 0 : i32
        %dma_wait3A_773 = tpu.memref_slice %arg4[%add3A_399, %add3A_765, %dma_wait3A_772] : memref<200x2048x128xf32, #tpu.memory_space<hbm>> -> memref<1x8x128xf32, #tpu.memory_space<hbm>>
        %dma_wait3A_774 = arith.constant 0 : i32
        %dma_wait3A_775 = tpu.memref_slice %arg4[%add3A_399, %add3A_765, %dma_wait3A_774] : memref<200x2048x128xf32, #tpu.memory_space<hbm>> -> memref<1x8x128xf32, #tpu.memory_space<hbm>>
        %dma_wait3A_776 = arith.constant 0 : i32
        %dma_wait3A_777 = arith.constant 0 : i32
        %dma_wait3A_778 = arith.constant 0 : i32
        %dma_wait3A_779 = tpu.memref_slice %arg8[%dma_wait3A_766, %dma_wait3A_776, %dma_wait3A_777, %dma_wait3A_778] : memref<2x1x64x133xf32, #tpu.memory_space<vmem>> -> memref<1x1x8x128xf32, #tpu.memory_space<vmem>>
        %dma_wait3A_780 = tpu.memref_squeeze %dma_wait3A_779 : memref<1x1x8x128xf32, #tpu.memory_space<vmem>> -> memref<1x8x128xf32, #tpu.memory_space<vmem>>
        tpu.wait_dma2 semaphore(%arg11 : memref<!tpu.dma_semaphore, #tpu.memory_space<semaphore_mem>>) src(%dma_wait3A_780 : memref<1x8x128xf32, #tpu.memory_space<vmem>>) dst(%dma_wait3A_775 : memref<1x8x128xf32, #tpu.memory_space<hbm>>)
        %mul3A_781 = arith.constant 8 : i32
        %mul3A_782 = arith.muli %add3A, %mul3A_781 : i32
        %add3A_783 = arith.constant 256 : i32
        %add3A_784 = arith.addi %add3A_783, %mul3A_782 : i32
        %dma_wait3A_785 = arith.constant 0 : i32
        %dma_wait3A_786 = arith.constant 0 : i32
        %dma_wait3A_787 = arith.constant 8 : i32
        %dma_wait3A_788 = arith.constant 0 : i32
        %dma_wait3A_789 = tpu.memref_slice %arg8[%dma_wait3A_785, %dma_wait3A_786, %dma_wait3A_787, %dma_wait3A_788] : memref<2x1x64x133xf32, #tpu.memory_space<vmem>> -> memref<1x1x8x128xf32, #tpu.memory_space<vmem>>
        %dma_wait3A_790 = tpu.memref_squeeze %dma_wait3A_789 : memref<1x1x8x128xf32, #tpu.memory_space<vmem>> -> memref<1x8x128xf32, #tpu.memory_space<vmem>>
        %dma_wait3A_791 = arith.constant 0 : i32
        %dma_wait3A_792 = tpu.memref_slice %arg4[%add3A_399, %add3A_784, %dma_wait3A_791] : memref<200x2048x128xf32, #tpu.memory_space<hbm>> -> memref<1x8x128xf32, #tpu.memory_space<hbm>>
        %dma_wait3A_793 = arith.constant 0 : i32
        %dma_wait3A_794 = tpu.memref_slice %arg4[%add3A_399, %add3A_784, %dma_wait3A_793] : memref<200x2048x128xf32, #tpu.memory_space<hbm>> -> memref<1x8x128xf32, #tpu.memory_space<hbm>>
        %dma_wait3A_795 = arith.constant 0 : i32
        %dma_wait3A_796 = arith.constant 8 : i32
        %dma_wait3A_797 = arith.constant 0 : i32
        %dma_wait3A_798 = tpu.memref_slice %arg8[%dma_wait3A_785, %dma_wait3A_795, %dma_wait3A_796, %dma_wait3A_797] : memref<2x1x64x133xf32, #tpu.memory_space<vmem>> -> memref<1x1x8x128xf32, #tpu.memory_space<vmem>>
        %dma_wait3A_799 = tpu.memref_squeeze %dma_wait3A_798 : memref<1x1x8x128xf32, #tpu.memory_space<vmem>> -> memref<1x8x128xf32, #tpu.memory_space<vmem>>
        tpu.wait_dma2 semaphore(%arg11 : memref<!tpu.dma_semaphore, #tpu.memory_space<semaphore_mem>>) src(%dma_wait3A_799 : memref<1x8x128xf32, #tpu.memory_space<vmem>>) dst(%dma_wait3A_794 : memref<1x8x128xf32, #tpu.memory_space<hbm>>)
        %mul3A_800 = arith.constant 8 : i32
        %mul3A_801 = arith.muli %add3A, %mul3A_800 : i32
        %add3A_802 = arith.constant 512 : i32
        %add3A_803 = arith.addi %add3A_802, %mul3A_801 : i32
        %dma_wait3A_804 = arith.constant 0 : i32
        %dma_wait3A_805 = arith.constant 0 : i32
        %dma_wait3A_806 = arith.constant 16 : i32
        %dma_wait3A_807 = arith.constant 0 : i32
        %dma_wait3A_808 = tpu.memref_slice %arg8[%dma_wait3A_804, %dma_wait3A_805, %dma_wait3A_806, %dma_wait3A_807] : memref<2x1x64x133xf32, #tpu.memory_space<vmem>> -> memref<1x1x8x128xf32, #tpu.memory_space<vmem>>
        %dma_wait3A_809 = tpu.memref_squeeze %dma_wait3A_808 : memref<1x1x8x128xf32, #tpu.memory_space<vmem>> -> memref<1x8x128xf32, #tpu.memory_space<vmem>>
        %dma_wait3A_810 = arith.constant 0 : i32
        %dma_wait3A_811 = tpu.memref_slice %arg4[%add3A_399, %add3A_803, %dma_wait3A_810] : memref<200x2048x128xf32, #tpu.memory_space<hbm>> -> memref<1x8x128xf32, #tpu.memory_space<hbm>>
        %dma_wait3A_812 = arith.constant 0 : i32
        %dma_wait3A_813 = tpu.memref_slice %arg4[%add3A_399, %add3A_803, %dma_wait3A_812] : memref<200x2048x128xf32, #tpu.memory_space<hbm>> -> memref<1x8x128xf32, #tpu.memory_space<hbm>>
        %dma_wait3A_814 = arith.constant 0 : i32
        %dma_wait3A_815 = arith.constant 16 : i32
        %dma_wait3A_816 = arith.constant 0 : i32
        %dma_wait3A_817 = tpu.memref_slice %arg8[%dma_wait3A_804, %dma_wait3A_814, %dma_wait3A_815, %dma_wait3A_816] : memref<2x1x64x133xf32, #tpu.memory_space<vmem>> -> memref<1x1x8x128xf32, #tpu.memory_space<vmem>>
        %dma_wait3A_818 = tpu.memref_squeeze %dma_wait3A_817 : memref<1x1x8x128xf32, #tpu.memory_space<vmem>> -> memref<1x8x128xf32, #tpu.memory_space<vmem>>
        tpu.wait_dma2 semaphore(%arg11 : memref<!tpu.dma_semaphore, #tpu.memory_space<semaphore_mem>>) src(%dma_wait3A_818 : memref<1x8x128xf32, #tpu.memory_space<vmem>>) dst(%dma_wait3A_813 : memref<1x8x128xf32, #tpu.memory_space<hbm>>)
        %mul3A_819 = arith.constant 8 : i32
        %mul3A_820 = arith.muli %add3A, %mul3A_819 : i32
        %add3A_821 = arith.constant 768 : i32
        %add3A_822 = arith.addi %add3A_821, %mul3A_820 : i32
        %dma_wait3A_823 = arith.constant 0 : i32
        %dma_wait3A_824 = arith.constant 0 : i32
        %dma_wait3A_825 = arith.constant 24 : i32
        %dma_wait3A_826 = arith.constant 0 : i32
        %dma_wait3A_827 = tpu.memref_slice %arg8[%dma_wait3A_823, %dma_wait3A_824, %dma_wait3A_825, %dma_wait3A_826] : memref<2x1x64x133xf32, #tpu.memory_space<vmem>> -> memref<1x1x8x128xf32, #tpu.memory_space<vmem>>
        %dma_wait3A_828 = tpu.memref_squeeze %dma_wait3A_827 : memref<1x1x8x128xf32, #tpu.memory_space<vmem>> -> memref<1x8x128xf32, #tpu.memory_space<vmem>>
        %dma_wait3A_829 = arith.constant 0 : i32
        %dma_wait3A_830 = tpu.memref_slice %arg4[%add3A_399, %add3A_822, %dma_wait3A_829] : memref<200x2048x128xf32, #tpu.memory_space<hbm>> -> memref<1x8x128xf32, #tpu.memory_space<hbm>>
        %dma_wait3A_831 = arith.constant 0 : i32
        %dma_wait3A_832 = tpu.memref_slice %arg4[%add3A_399, %add3A_822, %dma_wait3A_831] : memref<200x2048x128xf32, #tpu.memory_space<hbm>> -> memref<1x8x128xf32, #tpu.memory_space<hbm>>
        %dma_wait3A_833 = arith.constant 0 : i32
        %dma_wait3A_834 = arith.constant 24 : i32
        %dma_wait3A_835 = arith.constant 0 : i32
        %dma_wait3A_836 = tpu.memref_slice %arg8[%dma_wait3A_823, %dma_wait3A_833, %dma_wait3A_834, %dma_wait3A_835] : memref<2x1x64x133xf32, #tpu.memory_space<vmem>> -> memref<1x1x8x128xf32, #tpu.memory_space<vmem>>
        %dma_wait3A_837 = tpu.memref_squeeze %dma_wait3A_836 : memref<1x1x8x128xf32, #tpu.memory_space<vmem>> -> memref<1x8x128xf32, #tpu.memory_space<vmem>>
        tpu.wait_dma2 semaphore(%arg11 : memref<!tpu.dma_semaphore, #tpu.memory_space<semaphore_mem>>) src(%dma_wait3A_837 : memref<1x8x128xf32, #tpu.memory_space<vmem>>) dst(%dma_wait3A_832 : memref<1x8x128xf32, #tpu.memory_space<hbm>>)
        %mul3A_838 = arith.constant 8 : i32
        %mul3A_839 = arith.muli %add3A, %mul3A_838 : i32
        %add3A_840 = arith.constant 1024 : i32
        %add3A_841 = arith.addi %add3A_840, %mul3A_839 : i32
        %dma_wait3A_842 = arith.constant 0 : i32
        %dma_wait3A_843 = arith.constant 0 : i32
        %dma_wait3A_844 = arith.constant 32 : i32
        %dma_wait3A_845 = arith.constant 0 : i32
        %dma_wait3A_846 = tpu.memref_slice %arg8[%dma_wait3A_842, %dma_wait3A_843, %dma_wait3A_844, %dma_wait3A_845] : memref<2x1x64x133xf32, #tpu.memory_space<vmem>> -> memref<1x1x8x128xf32, #tpu.memory_space<vmem>>
        %dma_wait3A_847 = tpu.memref_squeeze %dma_wait3A_846 : memref<1x1x8x128xf32, #tpu.memory_space<vmem>> -> memref<1x8x128xf32, #tpu.memory_space<vmem>>
        %dma_wait3A_848 = arith.constant 0 : i32
        %dma_wait3A_849 = tpu.memref_slice %arg4[%add3A_399, %add3A_841, %dma_wait3A_848] : memref<200x2048x128xf32, #tpu.memory_space<hbm>> -> memref<1x8x128xf32, #tpu.memory_space<hbm>>
        %dma_wait3A_850 = arith.constant 0 : i32
        %dma_wait3A_851 = tpu.memref_slice %arg4[%add3A_399, %add3A_841, %dma_wait3A_850] : memref<200x2048x128xf32, #tpu.memory_space<hbm>> -> memref<1x8x128xf32, #tpu.memory_space<hbm>>
        %dma_wait3A_852 = arith.constant 0 : i32
        %dma_wait3A_853 = arith.constant 32 : i32
        %dma_wait3A_854 = arith.constant 0 : i32
        %dma_wait3A_855 = tpu.memref_slice %arg8[%dma_wait3A_842, %dma_wait3A_852, %dma_wait3A_853, %dma_wait3A_854] : memref<2x1x64x133xf32, #tpu.memory_space<vmem>> -> memref<1x1x8x128xf32, #tpu.memory_space<vmem>>
        %dma_wait3A_856 = tpu.memref_squeeze %dma_wait3A_855 : memref<1x1x8x128xf32, #tpu.memory_space<vmem>> -> memref<1x8x128xf32, #tpu.memory_space<vmem>>
        tpu.wait_dma2 semaphore(%arg11 : memref<!tpu.dma_semaphore, #tpu.memory_space<semaphore_mem>>) src(%dma_wait3A_856 : memref<1x8x128xf32, #tpu.memory_space<vmem>>) dst(%dma_wait3A_851 : memref<1x8x128xf32, #tpu.memory_space<hbm>>)
        %mul3A_857 = arith.constant 8 : i32
        %mul3A_858 = arith.muli %add3A, %mul3A_857 : i32
        %add3A_859 = arith.constant 1280 : i32
        %add3A_860 = arith.addi %add3A_859, %mul3A_858 : i32
        %dma_wait3A_861 = arith.constant 0 : i32
        %dma_wait3A_862 = arith.constant 0 : i32
        %dma_wait3A_863 = arith.constant 40 : i32
        %dma_wait3A_864 = arith.constant 0 : i32
        %dma_wait3A_865 = tpu.memref_slice %arg8[%dma_wait3A_861, %dma_wait3A_862, %dma_wait3A_863, %dma_wait3A_864] : memref<2x1x64x133xf32, #tpu.memory_space<vmem>> -> memref<1x1x8x128xf32, #tpu.memory_space<vmem>>
        %dma_wait3A_866 = tpu.memref_squeeze %dma_wait3A_865 : memref<1x1x8x128xf32, #tpu.memory_space<vmem>> -> memref<1x8x128xf32, #tpu.memory_space<vmem>>
        %dma_wait3A_867 = arith.constant 0 : i32
        %dma_wait3A_868 = tpu.memref_slice %arg4[%add3A_399, %add3A_860, %dma_wait3A_867] : memref<200x2048x128xf32, #tpu.memory_space<hbm>> -> memref<1x8x128xf32, #tpu.memory_space<hbm>>
        %dma_wait3A_869 = arith.constant 0 : i32
        %dma_wait3A_870 = tpu.memref_slice %arg4[%add3A_399, %add3A_860, %dma_wait3A_869] : memref<200x2048x128xf32, #tpu.memory_space<hbm>> -> memref<1x8x128xf32, #tpu.memory_space<hbm>>
        %dma_wait3A_871 = arith.constant 0 : i32
        %dma_wait3A_872 = arith.constant 40 : i32
        %dma_wait3A_873 = arith.constant 0 : i32
        %dma_wait3A_874 = tpu.memref_slice %arg8[%dma_wait3A_861, %dma_wait3A_871, %dma_wait3A_872, %dma_wait3A_873] : memref<2x1x64x133xf32, #tpu.memory_space<vmem>> -> memref<1x1x8x128xf32, #tpu.memory_space<vmem>>
        %dma_wait3A_875 = tpu.memref_squeeze %dma_wait3A_874 : memref<1x1x8x128xf32, #tpu.memory_space<vmem>> -> memref<1x8x128xf32, #tpu.memory_space<vmem>>
        tpu.wait_dma2 semaphore(%arg11 : memref<!tpu.dma_semaphore, #tpu.memory_space<semaphore_mem>>) src(%dma_wait3A_875 : memref<1x8x128xf32, #tpu.memory_space<vmem>>) dst(%dma_wait3A_870 : memref<1x8x128xf32, #tpu.memory_space<hbm>>)
        %mul3A_876 = arith.constant 8 : i32
        %mul3A_877 = arith.muli %add3A, %mul3A_876 : i32
        %add3A_878 = arith.constant 1536 : i32
        %add3A_879 = arith.addi %add3A_878, %mul3A_877 : i32
        %dma_wait3A_880 = arith.constant 0 : i32
        %dma_wait3A_881 = arith.constant 0 : i32
        %dma_wait3A_882 = arith.constant 48 : i32
        %dma_wait3A_883 = arith.constant 0 : i32
        %dma_wait3A_884 = tpu.memref_slice %arg8[%dma_wait3A_880, %dma_wait3A_881, %dma_wait3A_882, %dma_wait3A_883] : memref<2x1x64x133xf32, #tpu.memory_space<vmem>> -> memref<1x1x8x128xf32, #tpu.memory_space<vmem>>
        %dma_wait3A_885 = tpu.memref_squeeze %dma_wait3A_884 : memref<1x1x8x128xf32, #tpu.memory_space<vmem>> -> memref<1x8x128xf32, #tpu.memory_space<vmem>>
        %dma_wait3A_886 = arith.constant 0 : i32
        %dma_wait3A_887 = tpu.memref_slice %arg4[%add3A_399, %add3A_879, %dma_wait3A_886] : memref<200x2048x128xf32, #tpu.memory_space<hbm>> -> memref<1x8x128xf32, #tpu.memory_space<hbm>>
        %dma_wait3A_888 = arith.constant 0 : i32
        %dma_wait3A_889 = tpu.memref_slice %arg4[%add3A_399, %add3A_879, %dma_wait3A_888] : memref<200x2048x128xf32, #tpu.memory_space<hbm>> -> memref<1x8x128xf32, #tpu.memory_space<hbm>>
        %dma_wait3A_890 = arith.constant 0 : i32
        %dma_wait3A_891 = arith.constant 48 : i32
        %dma_wait3A_892 = arith.constant 0 : i32
        %dma_wait3A_893 = tpu.memref_slice %arg8[%dma_wait3A_880, %dma_wait3A_890, %dma_wait3A_891, %dma_wait3A_892] : memref<2x1x64x133xf32, #tpu.memory_space<vmem>> -> memref<1x1x8x128xf32, #tpu.memory_space<vmem>>
        %dma_wait3A_894 = tpu.memref_squeeze %dma_wait3A_893 : memref<1x1x8x128xf32, #tpu.memory_space<vmem>> -> memref<1x8x128xf32, #tpu.memory_space<vmem>>
        tpu.wait_dma2 semaphore(%arg11 : memref<!tpu.dma_semaphore, #tpu.memory_space<semaphore_mem>>) src(%dma_wait3A_894 : memref<1x8x128xf32, #tpu.memory_space<vmem>>) dst(%dma_wait3A_889 : memref<1x8x128xf32, #tpu.memory_space<hbm>>)
        %mul3A_895 = arith.constant 8 : i32
        %mul3A_896 = arith.muli %add3A, %mul3A_895 : i32
        %add3A_897 = arith.constant 1792 : i32
        %add3A_898 = arith.addi %add3A_897, %mul3A_896 : i32
        %dma_wait3A_899 = arith.constant 0 : i32
        %dma_wait3A_900 = arith.constant 0 : i32
        %dma_wait3A_901 = arith.constant 56 : i32
        %dma_wait3A_902 = arith.constant 0 : i32
        %dma_wait3A_903 = tpu.memref_slice %arg8[%dma_wait3A_899, %dma_wait3A_900, %dma_wait3A_901, %dma_wait3A_902] : memref<2x1x64x133xf32, #tpu.memory_space<vmem>> -> memref<1x1x8x128xf32, #tpu.memory_space<vmem>>
        %dma_wait3A_904 = tpu.memref_squeeze %dma_wait3A_903 : memref<1x1x8x128xf32, #tpu.memory_space<vmem>> -> memref<1x8x128xf32, #tpu.memory_space<vmem>>
        %dma_wait3A_905 = arith.constant 0 : i32
        %dma_wait3A_906 = tpu.memref_slice %arg4[%add3A_399, %add3A_898, %dma_wait3A_905] : memref<200x2048x128xf32, #tpu.memory_space<hbm>> -> memref<1x8x128xf32, #tpu.memory_space<hbm>>
        %dma_wait3A_907 = arith.constant 0 : i32
        %dma_wait3A_908 = tpu.memref_slice %arg4[%add3A_399, %add3A_898, %dma_wait3A_907] : memref<200x2048x128xf32, #tpu.memory_space<hbm>> -> memref<1x8x128xf32, #tpu.memory_space<hbm>>
        %dma_wait3A_909 = arith.constant 0 : i32
        %dma_wait3A_910 = arith.constant 56 : i32
        %dma_wait3A_911 = arith.constant 0 : i32
        %dma_wait3A_912 = tpu.memref_slice %arg8[%dma_wait3A_899, %dma_wait3A_909, %dma_wait3A_910, %dma_wait3A_911] : memref<2x1x64x133xf32, #tpu.memory_space<vmem>> -> memref<1x1x8x128xf32, #tpu.memory_space<vmem>>
        %dma_wait3A_913 = tpu.memref_squeeze %dma_wait3A_912 : memref<1x1x8x128xf32, #tpu.memory_space<vmem>> -> memref<1x8x128xf32, #tpu.memory_space<vmem>>
        tpu.wait_dma2 semaphore(%arg11 : memref<!tpu.dma_semaphore, #tpu.memory_space<semaphore_mem>>) src(%dma_wait3A_913 : memref<1x8x128xf32, #tpu.memory_space<vmem>>) dst(%dma_wait3A_908 : memref<1x8x128xf32, #tpu.memory_space<hbm>>)
      } else {
      }
      %scan3A_419 = arith.constant 0 : i32
      %scan3A_420 = arith.constant 0 : i32
      %scan3A_421 = arith.constant 0 : i32
      %scan3A_422 = arith.constant 128 : i32
      %scan3A_423 = arith.addi %scan3A_421, %scan3A_422 : i32
      %scan3A_424 = arith.constant 16 : i32
      scf.for %scan3A_762 = %scan3A_421 to %scan3A_423 step %scan3A_424  : i32 {
        %mul3A_763 = arith.constant 1 : i32
        %mul3A_764 = arith.muli %scan3A_762, %mul3A_763 : i32
        %add3A_765 = arith.constant 0 : i32
        %add3A_766 = arith.addi %add3A_765, %mul3A_764 : i32
        %add3A_767 = vector.broadcast %add3A_766 : i32 to vector<16xi32>
        %add3A_768 = arith.addi %broadcast_in_dim3A_1, %add3A_767 : vector<16xi32>
        %get3A = arith.constant 0 : i32
        %get3A_769 = arith.index_cast %get3A : i32 to index
        %get3A_770 = arith.index_cast %add3A_766 : i32 to index
        %get3A_771 = arith.constant 0 : index
        %get3A_772 = tpu.vector_load %arg7[%get3A_769, %get3A_770, %get3A_771] {strides = array<i32>} : memref<2x128x64xf32, #tpu.memory_space<vmem>>, vector<16xf32>,
        %scatter3A = arith.constant 0 : i32
        %scatter3A_773 = arith.constant 0 : i32
        %scatter3A_774 = tpu.memref_slice %arg8[%scan3A_419, %scan3A_420, %scatter3A, %scatter3A_773] : memref<2x1x64x133xf32, #tpu.memory_space<vmem>> -> memref<1x1x64x133xf32, #tpu.memory_space<vmem>>
        %scatter3A_775 = tpu.memref_squeeze %scatter3A_774 : memref<1x1x64x133xf32, #tpu.memory_space<vmem>> -> memref<64x133xf32, #tpu.memory_space<vmem>>
        tpu.vector_store_idx %scatter3A_775[%add3A_4, %add3A_768], %get3A_772 : memref<64x133xf32, #tpu.memory_space<vmem>>[vector<16xi32>, vector<16xi32>], vector<16xf32>,
        %get3A_776 = arith.constant 0 : i32
        %get3A_777 = arith.index_cast %get3A_776 : i32 to index
        %get3A_778 = arith.index_cast %add3A_766 : i32 to index
        %get3A_779 = arith.constant 16 : index
        %get3A_780 = tpu.vector_load %arg7[%get3A_777, %get3A_778, %get3A_779] {strides = array<i32>} : memref<2x128x64xf32, #tpu.memory_space<vmem>>, vector<16xf32>,
        %scatter3A_781 = arith.constant 0 : i32
        %scatter3A_782 = arith.constant 0 : i32
        %scatter3A_783 = tpu.memref_slice %arg8[%scan3A_419, %scan3A_420, %scatter3A_781, %scatter3A_782] : memref<2x1x64x133xf32, #tpu.memory_space<vmem>> -> memref<1x1x64x133xf32, #tpu.memory_space<vmem>>
        %scatter3A_784 = tpu.memref_squeeze %scatter3A_783 : memref<1x1x64x133xf32, #tpu.memory_space<vmem>> -> memref<64x133xf32, #tpu.memory_space<vmem>>
        tpu.vector_store_idx %scatter3A_784[%add3A_7, %add3A_768], %get3A_780 : memref<64x133xf32, #tpu.memory_space<vmem>>[vector<16xi32>, vector<16xi32>], vector<16xf32>,
        %get3A_785 = arith.constant 0 : i32
        %get3A_786 = arith.index_cast %get3A_785 : i32 to index
        %get3A_787 = arith.index_cast %add3A_766 : i32 to index
        %get3A_788 = arith.constant 32 : index
        %get3A_789 = tpu.vector_load %arg7[%get3A_786, %get3A_787, %get3A_788] {strides = array<i32>} : memref<2x128x64xf32, #tpu.memory_space<vmem>>, vector<16xf32>,
        %scatter3A_790 = arith.constant 0 : i32
        %scatter3A_791 = arith.constant 0 : i32
        %scatter3A_792 = tpu.memref_slice %arg8[%scan3A_419, %scan3A_420, %scatter3A_790, %scatter3A_791] : memref<2x1x64x133xf32, #tpu.memory_space<vmem>> -> memref<1x1x64x133xf32, #tpu.memory_space<vmem>>
        %scatter3A_793 = tpu.memref_squeeze %scatter3A_792 : memref<1x1x64x133xf32, #tpu.memory_space<vmem>> -> memref<64x133xf32, #tpu.memory_space<vmem>>
        tpu.vector_store_idx %scatter3A_793[%add3A_10, %add3A_768], %get3A_789 : memref<64x133xf32, #tpu.memory_space<vmem>>[vector<16xi32>, vector<16xi32>], vector<16xf32>,
        %get3A_794 = arith.constant 0 : i32
        %get3A_795 = arith.index_cast %get3A_794 : i32 to index
        %get3A_796 = arith.index_cast %add3A_766 : i32 to index
        %get3A_797 = arith.constant 48 : index
        %get3A_798 = tpu.vector_load %arg7[%get3A_795, %get3A_796, %get3A_797] {strides = array<i32>} : memref<2x128x64xf32, #tpu.memory_space<vmem>>, vector<16xf32>,
        %scatter3A_799 = arith.constant 0 : i32
        %scatter3A_800 = arith.constant 0 : i32
        %scatter3A_801 = tpu.memref_slice %arg8[%scan3A_419, %scan3A_420, %scatter3A_799, %scatter3A_800] : memref<2x1x64x133xf32, #tpu.memory_space<vmem>> -> memref<1x1x64x133xf32, #tpu.memory_space<vmem>>
        %scatter3A_802 = tpu.memref_squeeze %scatter3A_801 : memref<1x1x64x133xf32, #tpu.memory_space<vmem>> -> memref<64x133xf32, #tpu.memory_space<vmem>>
        tpu.vector_store_idx %scatter3A_802[%add3A_13, %add3A_768], %get3A_798 : memref<64x133xf32, #tpu.memory_space<vmem>>[vector<16xi32>, vector<16xi32>], vector<16xf32>,
        %scan3A_803 = arith.constant 1 : i32
        %scan3A_804 = arith.addi %scan3A_762, %scan3A_803 : i32
        %mul3A_805 = arith.constant 1 : i32
        %mul3A_806 = arith.muli %scan3A_804, %mul3A_805 : i32
        %add3A_807 = arith.constant 0 : i32
        %add3A_808 = arith.addi %add3A_807, %mul3A_806 : i32
        %add3A_809 = vector.broadcast %add3A_808 : i32 to vector<16xi32>
        %add3A_810 = arith.addi %broadcast_in_dim3A_1, %add3A_809 : vector<16xi32>
        %get3A_811 = arith.constant 0 : i32
        %get3A_812 = arith.index_cast %get3A_811 : i32 to index
        %get3A_813 = arith.index_cast %add3A_808 : i32 to index
        %get3A_814 = arith.constant 0 : index
        %get3A_815 = tpu.vector_load %arg7[%get3A_812, %get3A_813, %get3A_814] {strides = array<i32>} : memref<2x128x64xf32, #tpu.memory_space<vmem>>, vector<16xf32>,
        %scatter3A_816 = arith.constant 0 : i32
        %scatter3A_817 = arith.constant 0 : i32
        %scatter3A_818 = tpu.memref_slice %arg8[%scan3A_419, %scan3A_420, %scatter3A_816, %scatter3A_817] : memref<2x1x64x133xf32, #tpu.memory_space<vmem>> -> memref<1x1x64x133xf32, #tpu.memory_space<vmem>>
        %scatter3A_819 = tpu.memref_squeeze %scatter3A_818 : memref<1x1x64x133xf32, #tpu.memory_space<vmem>> -> memref<64x133xf32, #tpu.memory_space<vmem>>
        tpu.vector_store_idx %scatter3A_819[%add3A_4, %add3A_810], %get3A_815 : memref<64x133xf32, #tpu.memory_space<vmem>>[vector<16xi32>, vector<16xi32>], vector<16xf32>,
        %get3A_820 = arith.constant 0 : i32
        %get3A_821 = arith.index_cast %get3A_820 : i32 to index
        %get3A_822 = arith.index_cast %add3A_808 : i32 to index
        %get3A_823 = arith.constant 16 : index
        %get3A_824 = tpu.vector_load %arg7[%get3A_821, %get3A_822, %get3A_823] {strides = array<i32>} : memref<2x128x64xf32, #tpu.memory_space<vmem>>, vector<16xf32>,
        %scatter3A_825 = arith.constant 0 : i32
        %scatter3A_826 = arith.constant 0 : i32
        %scatter3A_827 = tpu.memref_slice %arg8[%scan3A_419, %scan3A_420, %scatter3A_825, %scatter3A_826] : memref<2x1x64x133xf32, #tpu.memory_space<vmem>> -> memref<1x1x64x133xf32, #tpu.memory_space<vmem>>
        %scatter3A_828 = tpu.memref_squeeze %scatter3A_827 : memref<1x1x64x133xf32, #tpu.memory_space<vmem>> -> memref<64x133xf32, #tpu.memory_space<vmem>>
        tpu.vector_store_idx %scatter3A_828[%add3A_7, %add3A_810], %get3A_824 : memref<64x133xf32, #tpu.memory_space<vmem>>[vector<16xi32>, vector<16xi32>], vector<16xf32>,
        %get3A_829 = arith.constant 0 : i32
        %get3A_830 = arith.index_cast %get3A_829 : i32 to index
        %get3A_831 = arith.index_cast %add3A_808 : i32 to index
        %get3A_832 = arith.constant 32 : index
        %get3A_833 = tpu.vector_load %arg7[%get3A_830, %get3A_831, %get3A_832] {strides = array<i32>} : memref<2x128x64xf32, #tpu.memory_space<vmem>>, vector<16xf32>,
        %scatter3A_834 = arith.constant 0 : i32
        %scatter3A_835 = arith.constant 0 : i32
        %scatter3A_836 = tpu.memref_slice %arg8[%scan3A_419, %scan3A_420, %scatter3A_834, %scatter3A_835] : memref<2x1x64x133xf32, #tpu.memory_space<vmem>> -> memref<1x1x64x133xf32, #tpu.memory_space<vmem>>
        %scatter3A_837 = tpu.memref_squeeze %scatter3A_836 : memref<1x1x64x133xf32, #tpu.memory_space<vmem>> -> memref<64x133xf32, #tpu.memory_space<vmem>>
        tpu.vector_store_idx %scatter3A_837[%add3A_10, %add3A_810], %get3A_833 : memref<64x133xf32, #tpu.memory_space<vmem>>[vector<16xi32>, vector<16xi32>], vector<16xf32>,
        %get3A_838 = arith.constant 0 : i32
        %get3A_839 = arith.index_cast %get3A_838 : i32 to index
        %get3A_840 = arith.index_cast %add3A_808 : i32 to index
        %get3A_841 = arith.constant 48 : index
        %get3A_842 = tpu.vector_load %arg7[%get3A_839, %get3A_840, %get3A_841] {strides = array<i32>} : memref<2x128x64xf32, #tpu.memory_space<vmem>>, vector<16xf32>,
        %scatter3A_843 = arith.constant 0 : i32
        %scatter3A_844 = arith.constant 0 : i32
        %scatter3A_845 = tpu.memref_slice %arg8[%scan3A_419, %scan3A_420, %scatter3A_843, %scatter3A_844] : memref<2x1x64x133xf32, #tpu.memory_space<vmem>> -> memref<1x1x64x133xf32, #tpu.memory_space<vmem>>
        %scatter3A_846 = tpu.memref_squeeze %scatter3A_845 : memref<1x1x64x133xf32, #tpu.memory_space<vmem>> -> memref<64x133xf32, #tpu.memory_space<vmem>>
        tpu.vector_store_idx %scatter3A_846[%add3A_13, %add3A_810], %get3A_842 : memref<64x133xf32, #tpu.memory_space<vmem>>[vector<16xi32>, vector<16xi32>], vector<16xf32>,
        %scan3A_847 = arith.constant 2 : i32
        %scan3A_848 = arith.addi %scan3A_762, %scan3A_847 : i32
        %mul3A_849 = arith.constant 1 : i32
        %mul3A_850 = arith.muli %scan3A_848, %mul3A_849 : i32
        %add3A_851 = arith.constant 0 : i32
        %add3A_852 = arith.addi %add3A_851, %mul3A_850 : i32
        %add3A_853 = vector.broadcast %add3A_852 : i32 to vector<16xi32>
        %add3A_854 = arith.addi %broadcast_in_dim3A_1, %add3A_853 : vector<16xi32>
        %get3A_855 = arith.constant 0 : i32
        %get3A_856 = arith.index_cast %get3A_855 : i32 to index
        %get3A_857 = arith.index_cast %add3A_852 : i32 to index
        %get3A_858 = arith.constant 0 : index
        %get3A_859 = tpu.vector_load %arg7[%get3A_856, %get3A_857, %get3A_858] {strides = array<i32>} : memref<2x128x64xf32, #tpu.memory_space<vmem>>, vector<16xf32>,
        %scatter3A_860 = arith.constant 0 : i32
        %scatter3A_861 = arith.constant 0 : i32
        %scatter3A_862 = tpu.memref_slice %arg8[%scan3A_419, %scan3A_420, %scatter3A_860, %scatter3A_861] : memref<2x1x64x133xf32, #tpu.memory_space<vmem>> -> memref<1x1x64x133xf32, #tpu.memory_space<vmem>>
        %scatter3A_863 = tpu.memref_squeeze %scatter3A_862 : memref<1x1x64x133xf32, #tpu.memory_space<vmem>> -> memref<64x133xf32, #tpu.memory_space<vmem>>
        tpu.vector_store_idx %scatter3A_863[%add3A_4, %add3A_854], %get3A_859 : memref<64x133xf32, #tpu.memory_space<vmem>>[vector<16xi32>, vector<16xi32>], vector<16xf32>,
        %get3A_864 = arith.constant 0 : i32
        %get3A_865 = arith.index_cast %get3A_864 : i32 to index
        %get3A_866 = arith.index_cast %add3A_852 : i32 to index
        %get3A_867 = arith.constant 16 : index
        %get3A_868 = tpu.vector_load %arg7[%get3A_865, %get3A_866, %get3A_867] {strides = array<i32>} : memref<2x128x64xf32, #tpu.memory_space<vmem>>, vector<16xf32>,
        %scatter3A_869 = arith.constant 0 : i32
        %scatter3A_870 = arith.constant 0 : i32
        %scatter3A_871 = tpu.memref_slice %arg8[%scan3A_419, %scan3A_420, %scatter3A_869, %scatter3A_870] : memref<2x1x64x133xf32, #tpu.memory_space<vmem>> -> memref<1x1x64x133xf32, #tpu.memory_space<vmem>>
        %scatter3A_872 = tpu.memref_squeeze %scatter3A_871 : memref<1x1x64x133xf32, #tpu.memory_space<vmem>> -> memref<64x133xf32, #tpu.memory_space<vmem>>
        tpu.vector_store_idx %scatter3A_872[%add3A_7, %add3A_854], %get3A_868 : memref<64x133xf32, #tpu.memory_space<vmem>>[vector<16xi32>, vector<16xi32>], vector<16xf32>,
        %get3A_873 = arith.constant 0 : i32
        %get3A_874 = arith.index_cast %get3A_873 : i32 to index
        %get3A_875 = arith.index_cast %add3A_852 : i32 to index
        %get3A_876 = arith.constant 32 : index
        %get3A_877 = tpu.vector_load %arg7[%get3A_874, %get3A_875, %get3A_876] {strides = array<i32>} : memref<2x128x64xf32, #tpu.memory_space<vmem>>, vector<16xf32>,
        %scatter3A_878 = arith.constant 0 : i32
        %scatter3A_879 = arith.constant 0 : i32
        %scatter3A_880 = tpu.memref_slice %arg8[%scan3A_419, %scan3A_420, %scatter3A_878, %scatter3A_879] : memref<2x1x64x133xf32, #tpu.memory_space<vmem>> -> memref<1x1x64x133xf32, #tpu.memory_space<vmem>>
        %scatter3A_881 = tpu.memref_squeeze %scatter3A_880 : memref<1x1x64x133xf32, #tpu.memory_space<vmem>> -> memref<64x133xf32, #tpu.memory_space<vmem>>
        tpu.vector_store_idx %scatter3A_881[%add3A_10, %add3A_854], %get3A_877 : memref<64x133xf32, #tpu.memory_space<vmem>>[vector<16xi32>, vector<16xi32>], vector<16xf32>,
        %get3A_882 = arith.constant 0 : i32
        %get3A_883 = arith.index_cast %get3A_882 : i32 to index
        %get3A_884 = arith.index_cast %add3A_852 : i32 to index
        %get3A_885 = arith.constant 48 : index
        %get3A_886 = tpu.vector_load %arg7[%get3A_883, %get3A_884, %get3A_885] {strides = array<i32>} : memref<2x128x64xf32, #tpu.memory_space<vmem>>, vector<16xf32>,
        %scatter3A_887 = arith.constant 0 : i32
        %scatter3A_888 = arith.constant 0 : i32
        %scatter3A_889 = tpu.memref_slice %arg8[%scan3A_419, %scan3A_420, %scatter3A_887, %scatter3A_888] : memref<2x1x64x133xf32, #tpu.memory_space<vmem>> -> memref<1x1x64x133xf32, #tpu.memory_space<vmem>>
        %scatter3A_890 = tpu.memref_squeeze %scatter3A_889 : memref<1x1x64x133xf32, #tpu.memory_space<vmem>> -> memref<64x133xf32, #tpu.memory_space<vmem>>
        tpu.vector_store_idx %scatter3A_890[%add3A_13, %add3A_854], %get3A_886 : memref<64x133xf32, #tpu.memory_space<vmem>>[vector<16xi32>, vector<16xi32>], vector<16xf32>,
        %scan3A_891 = arith.constant 3 : i32
        %scan3A_892 = arith.addi %scan3A_762, %scan3A_891 : i32
        %mul3A_893 = arith.constant 1 : i32
        %mul3A_894 = arith.muli %scan3A_892, %mul3A_893 : i32
        %add3A_895 = arith.constant 0 : i32
        %add3A_896 = arith.addi %add3A_895, %mul3A_894 : i32
        %add3A_897 = vector.broadcast %add3A_896 : i32 to vector<16xi32>
        %add3A_898 = arith.addi %broadcast_in_dim3A_1, %add3A_897 : vector<16xi32>
        %get3A_899 = arith.constant 0 : i32
        %get3A_900 = arith.index_cast %get3A_899 : i32 to index
        %get3A_901 = arith.index_cast %add3A_896 : i32 to index
        %get3A_902 = arith.constant 0 : index
        %get3A_903 = tpu.vector_load %arg7[%get3A_900, %get3A_901, %get3A_902] {strides = array<i32>} : memref<2x128x64xf32, #tpu.memory_space<vmem>>, vector<16xf32>,
        %scatter3A_904 = arith.constant 0 : i32
        %scatter3A_905 = arith.constant 0 : i32
        %scatter3A_906 = tpu.memref_slice %arg8[%scan3A_419, %scan3A_420, %scatter3A_904, %scatter3A_905] : memref<2x1x64x133xf32, #tpu.memory_space<vmem>> -> memref<1x1x64x133xf32, #tpu.memory_space<vmem>>
        %scatter3A_907 = tpu.memref_squeeze %scatter3A_906 : memref<1x1x64x133xf32, #tpu.memory_space<vmem>> -> memref<64x133xf32, #tpu.memory_space<vmem>>
        tpu.vector_store_idx %scatter3A_907[%add3A_4, %add3A_898], %get3A_903 : memref<64x133xf32, #tpu.memory_space<vmem>>[vector<16xi32>, vector<16xi32>], vector<16xf32>,
        %get3A_908 = arith.constant 0 : i32
        %get3A_909 = arith.index_cast %get3A_908 : i32 to index
        %get3A_910 = arith.index_cast %add3A_896 : i32 to index
        %get3A_911 = arith.constant 16 : index
        %get3A_912 = tpu.vector_load %arg7[%get3A_909, %get3A_910, %get3A_911] {strides = array<i32>} : memref<2x128x64xf32, #tpu.memory_space<vmem>>, vector<16xf32>,
        %scatter3A_913 = arith.constant 0 : i32
        %scatter3A_914 = arith.constant 0 : i32
        %scatter3A_915 = tpu.memref_slice %arg8[%scan3A_419, %scan3A_420, %scatter3A_913, %scatter3A_914] : memref<2x1x64x133xf32, #tpu.memory_space<vmem>> -> memref<1x1x64x133xf32, #tpu.memory_space<vmem>>
        %scatter3A_916 = tpu.memref_squeeze %scatter3A_915 : memref<1x1x64x133xf32, #tpu.memory_space<vmem>> -> memref<64x133xf32, #tpu.memory_space<vmem>>
        tpu.vector_store_idx %scatter3A_916[%add3A_7, %add3A_898], %get3A_912 : memref<64x133xf32, #tpu.memory_space<vmem>>[vector<16xi32>, vector<16xi32>], vector<16xf32>,
        %get3A_917 = arith.constant 0 : i32
        %get3A_918 = arith.index_cast %get3A_917 : i32 to index
        %get3A_919 = arith.index_cast %add3A_896 : i32 to index
        %get3A_920 = arith.constant 32 : index
        %get3A_921 = tpu.vector_load %arg7[%get3A_918, %get3A_919, %get3A_920] {strides = array<i32>} : memref<2x128x64xf32, #tpu.memory_space<vmem>>, vector<16xf32>,
        %scatter3A_922 = arith.constant 0 : i32
        %scatter3A_923 = arith.constant 0 : i32
        %scatter3A_924 = tpu.memref_slice %arg8[%scan3A_419, %scan3A_420, %scatter3A_922, %scatter3A_923] : memref<2x1x64x133xf32, #tpu.memory_space<vmem>> -> memref<1x1x64x133xf32, #tpu.memory_space<vmem>>
        %scatter3A_925 = tpu.memref_squeeze %scatter3A_924 : memref<1x1x64x133xf32, #tpu.memory_space<vmem>> -> memref<64x133xf32, #tpu.memory_space<vmem>>
        tpu.vector_store_idx %scatter3A_925[%add3A_10, %add3A_898], %get3A_921 : memref<64x133xf32, #tpu.memory_space<vmem>>[vector<16xi32>, vector<16xi32>], vector<16xf32>,
        %get3A_926 = arith.constant 0 : i32
        %get3A_927 = arith.index_cast %get3A_926 : i32 to index
        %get3A_928 = arith.index_cast %add3A_896 : i32 to index
        %get3A_929 = arith.constant 48 : index
        %get3A_930 = tpu.vector_load %arg7[%get3A_927, %get3A_928, %get3A_929] {strides = array<i32>} : memref<2x128x64xf32, #tpu.memory_space<vmem>>, vector<16xf32>,
        %scatter3A_931 = arith.constant 0 : i32
        %scatter3A_932 = arith.constant 0 : i32
        %scatter3A_933 = tpu.memref_slice %arg8[%scan3A_419, %scan3A_420, %scatter3A_931, %scatter3A_932] : memref<2x1x64x133xf32, #tpu.memory_space<vmem>> -> memref<1x1x64x133xf32, #tpu.memory_space<vmem>>
        %scatter3A_934 = tpu.memref_squeeze %scatter3A_933 : memref<1x1x64x133xf32, #tpu.memory_space<vmem>> -> memref<64x133xf32, #tpu.memory_space<vmem>>
        tpu.vector_store_idx %scatter3A_934[%add3A_13, %add3A_898], %get3A_930 : memref<64x133xf32, #tpu.memory_space<vmem>>[vector<16xi32>, vector<16xi32>], vector<16xf32>,
        %scan3A_935 = arith.constant 4 : i32
        %scan3A_936 = arith.addi %scan3A_762, %scan3A_935 : i32
        %mul3A_937 = arith.constant 1 : i32
        %mul3A_938 = arith.muli %scan3A_936, %mul3A_937 : i32
        %add3A_939 = arith.constant 0 : i32
        %add3A_940 = arith.addi %add3A_939, %mul3A_938 : i32
        %add3A_941 = vector.broadcast %add3A_940 : i32 to vector<16xi32>
        %add3A_942 = arith.addi %broadcast_in_dim3A_1, %add3A_941 : vector<16xi32>
        %get3A_943 = arith.constant 0 : i32
        %get3A_944 = arith.index_cast %get3A_943 : i32 to index
        %get3A_945 = arith.index_cast %add3A_940 : i32 to index
        %get3A_946 = arith.constant 0 : index
        %get3A_947 = tpu.vector_load %arg7[%get3A_944, %get3A_945, %get3A_946] {strides = array<i32>} : memref<2x128x64xf32, #tpu.memory_space<vmem>>, vector<16xf32>,
        %scatter3A_948 = arith.constant 0 : i32
        %scatter3A_949 = arith.constant 0 : i32
        %scatter3A_950 = tpu.memref_slice %arg8[%scan3A_419, %scan3A_420, %scatter3A_948, %scatter3A_949] : memref<2x1x64x133xf32, #tpu.memory_space<vmem>> -> memref<1x1x64x133xf32, #tpu.memory_space<vmem>>
        %scatter3A_951 = tpu.memref_squeeze %scatter3A_950 : memref<1x1x64x133xf32, #tpu.memory_space<vmem>> -> memref<64x133xf32, #tpu.memory_space<vmem>>
        tpu.vector_store_idx %scatter3A_951[%add3A_4, %add3A_942], %get3A_947 : memref<64x133xf32, #tpu.memory_space<vmem>>[vector<16xi32>, vector<16xi32>], vector<16xf32>,
        %get3A_952 = arith.constant 0 : i32
        %get3A_953 = arith.index_cast %get3A_952 : i32 to index
        %get3A_954 = arith.index_cast %add3A_940 : i32 to index
        %get3A_955 = arith.constant 16 : index
        %get3A_956 = tpu.vector_load %arg7[%get3A_953, %get3A_954, %get3A_955] {strides = array<i32>} : memref<2x128x64xf32, #tpu.memory_space<vmem>>, vector<16xf32>,
        %scatter3A_957 = arith.constant 0 : i32
        %scatter3A_958 = arith.constant 0 : i32
        %scatter3A_959 = tpu.memref_slice %arg8[%scan3A_419, %scan3A_420, %scatter3A_957, %scatter3A_958] : memref<2x1x64x133xf32, #tpu.memory_space<vmem>> -> memref<1x1x64x133xf32, #tpu.memory_space<vmem>>
        %scatter3A_960 = tpu.memref_squeeze %scatter3A_959 : memref<1x1x64x133xf32, #tpu.memory_space<vmem>> -> memref<64x133xf32, #tpu.memory_space<vmem>>
        tpu.vector_store_idx %scatter3A_960[%add3A_7, %add3A_942], %get3A_956 : memref<64x133xf32, #tpu.memory_space<vmem>>[vector<16xi32>, vector<16xi32>], vector<16xf32>,
        %get3A_961 = arith.constant 0 : i32
        %get3A_962 = arith.index_cast %get3A_961 : i32 to index
        %get3A_963 = arith.index_cast %add3A_940 : i32 to index
        %get3A_964 = arith.constant 32 : index
        %get3A_965 = tpu.vector_load %arg7[%get3A_962, %get3A_963, %get3A_964] {strides = array<i32>} : memref<2x128x64xf32, #tpu.memory_space<vmem>>, vector<16xf32>,
        %scatter3A_966 = arith.constant 0 : i32
        %scatter3A_967 = arith.constant 0 : i32
        %scatter3A_968 = tpu.memref_slice %arg8[%scan3A_419, %scan3A_420, %scatter3A_966, %scatter3A_967] : memref<2x1x64x133xf32, #tpu.memory_space<vmem>> -> memref<1x1x64x133xf32, #tpu.memory_space<vmem>>
        %scatter3A_969 = tpu.memref_squeeze %scatter3A_968 : memref<1x1x64x133xf32, #tpu.memory_space<vmem>> -> memref<64x133xf32, #tpu.memory_space<vmem>>
        tpu.vector_store_idx %scatter3A_969[%add3A_10, %add3A_942], %get3A_965 : memref<64x133xf32, #tpu.memory_space<vmem>>[vector<16xi32>, vector<16xi32>], vector<16xf32>,
        %get3A_970 = arith.constant 0 : i32
        %get3A_971 = arith.index_cast %get3A_970 : i32 to index
        %get3A_972 = arith.index_cast %add3A_940 : i32 to index
        %get3A_973 = arith.constant 48 : index
        %get3A_974 = tpu.vector_load %arg7[%get3A_971, %get3A_972, %get3A_973] {strides = array<i32>} : memref<2x128x64xf32, #tpu.memory_space<vmem>>, vector<16xf32>,
        %scatter3A_975 = arith.constant 0 : i32
        %scatter3A_976 = arith.constant 0 : i32
        %scatter3A_977 = tpu.memref_slice %arg8[%scan3A_419, %scan3A_420, %scatter3A_975, %scatter3A_976] : memref<2x1x64x133xf32, #tpu.memory_space<vmem>> -> memref<1x1x64x133xf32, #tpu.memory_space<vmem>>
        %scatter3A_978 = tpu.memref_squeeze %scatter3A_977 : memref<1x1x64x133xf32, #tpu.memory_space<vmem>> -> memref<64x133xf32, #tpu.memory_space<vmem>>
        tpu.vector_store_idx %scatter3A_978[%add3A_13, %add3A_942], %get3A_974 : memref<64x133xf32, #tpu.memory_space<vmem>>[vector<16xi32>, vector<16xi32>], vector<16xf32>,
        %scan3A_979 = arith.constant 5 : i32
        %scan3A_980 = arith.addi %scan3A_762, %scan3A_979 : i32
        %mul3A_981 = arith.constant 1 : i32
        %mul3A_982 = arith.muli %scan3A_980, %mul3A_981 : i32
        %add3A_983 = arith.constant 0 : i32
        %add3A_984 = arith.addi %add3A_983, %mul3A_982 : i32
        %add3A_985 = vector.broadcast %add3A_984 : i32 to vector<16xi32>
        %add3A_986 = arith.addi %broadcast_in_dim3A_1, %add3A_985 : vector<16xi32>
        %get3A_987 = arith.constant 0 : i32
        %get3A_988 = arith.index_cast %get3A_987 : i32 to index
        %get3A_989 = arith.index_cast %add3A_984 : i32 to index
        %get3A_990 = arith.constant 0 : index
        %get3A_991 = tpu.vector_load %arg7[%get3A_988, %get3A_989, %get3A_990] {strides = array<i32>} : memref<2x128x64xf32, #tpu.memory_space<vmem>>, vector<16xf32>,
        %scatter3A_992 = arith.constant 0 : i32
        %scatter3A_993 = arith.constant 0 : i32
        %scatter3A_994 = tpu.memref_slice %arg8[%scan3A_419, %scan3A_420, %scatter3A_992, %scatter3A_993] : memref<2x1x64x133xf32, #tpu.memory_space<vmem>> -> memref<1x1x64x133xf32, #tpu.memory_space<vmem>>
        %scatter3A_995 = tpu.memref_squeeze %scatter3A_994 : memref<1x1x64x133xf32, #tpu.memory_space<vmem>> -> memref<64x133xf32, #tpu.memory_space<vmem>>
        tpu.vector_store_idx %scatter3A_995[%add3A_4, %add3A_986], %get3A_991 : memref<64x133xf32, #tpu.memory_space<vmem>>[vector<16xi32>, vector<16xi32>], vector<16xf32>,
        %get3A_996 = arith.constant 0 : i32
        %get3A_997 = arith.index_cast %get3A_996 : i32 to index
        %get3A_998 = arith.index_cast %add3A_984 : i32 to index
        %get3A_999 = arith.constant 16 : index
        %get3A_1000 = tpu.vector_load %arg7[%get3A_997, %get3A_998, %get3A_999] {strides = array<i32>} : memref<2x128x64xf32, #tpu.memory_space<vmem>>, vector<16xf32>,
        %scatter3A_1001 = arith.constant 0 : i32
        %scatter3A_1002 = arith.constant 0 : i32
        %scatter3A_1003 = tpu.memref_slice %arg8[%scan3A_419, %scan3A_420, %scatter3A_1001, %scatter3A_1002] : memref<2x1x64x133xf32, #tpu.memory_space<vmem>> -> memref<1x1x64x133xf32, #tpu.memory_space<vmem>>
        %scatter3A_1004 = tpu.memref_squeeze %scatter3A_1003 : memref<1x1x64x133xf32, #tpu.memory_space<vmem>> -> memref<64x133xf32, #tpu.memory_space<vmem>>
        tpu.vector_store_idx %scatter3A_1004[%add3A_7, %add3A_986], %get3A_1000 : memref<64x133xf32, #tpu.memory_space<vmem>>[vector<16xi32>, vector<16xi32>], vector<16xf32>,
        %get3A_1005 = arith.constant 0 : i32
        %get3A_1006 = arith.index_cast %get3A_1005 : i32 to index
        %get3A_1007 = arith.index_cast %add3A_984 : i32 to index
        %get3A_1008 = arith.constant 32 : index
        %get3A_1009 = tpu.vector_load %arg7[%get3A_1006, %get3A_1007, %get3A_1008] {strides = array<i32>} : memref<2x128x64xf32, #tpu.memory_space<vmem>>, vector<16xf32>,
        %scatter3A_1010 = arith.constant 0 : i32
        %scatter3A_1011 = arith.constant 0 : i32
        %scatter3A_1012 = tpu.memref_slice %arg8[%scan3A_419, %scan3A_420, %scatter3A_1010, %scatter3A_1011] : memref<2x1x64x133xf32, #tpu.memory_space<vmem>> -> memref<1x1x64x133xf32, #tpu.memory_space<vmem>>
        %scatter3A_1013 = tpu.memref_squeeze %scatter3A_1012 : memref<1x1x64x133xf32, #tpu.memory_space<vmem>> -> memref<64x133xf32, #tpu.memory_space<vmem>>
        tpu.vector_store_idx %scatter3A_1013[%add3A_10, %add3A_986], %get3A_1009 : memref<64x133xf32, #tpu.memory_space<vmem>>[vector<16xi32>, vector<16xi32>], vector<16xf32>,
        %get3A_1014 = arith.constant 0 : i32
        %get3A_1015 = arith.index_cast %get3A_1014 : i32 to index
        %get3A_1016 = arith.index_cast %add3A_984 : i32 to index
        %get3A_1017 = arith.constant 48 : index
        %get3A_1018 = tpu.vector_load %arg7[%get3A_1015, %get3A_1016, %get3A_1017] {strides = array<i32>} : memref<2x128x64xf32, #tpu.memory_space<vmem>>, vector<16xf32>,
        %scatter3A_1019 = arith.constant 0 : i32
        %scatter3A_1020 = arith.constant 0 : i32
        %scatter3A_1021 = tpu.memref_slice %arg8[%scan3A_419, %scan3A_420, %scatter3A_1019, %scatter3A_1020] : memref<2x1x64x133xf32, #tpu.memory_space<vmem>> -> memref<1x1x64x133xf32, #tpu.memory_space<vmem>>
        %scatter3A_1022 = tpu.memref_squeeze %scatter3A_1021 : memref<1x1x64x133xf32, #tpu.memory_space<vmem>> -> memref<64x133xf32, #tpu.memory_space<vmem>>
        tpu.vector_store_idx %scatter3A_1022[%add3A_13, %add3A_986], %get3A_1018 : memref<64x133xf32, #tpu.memory_space<vmem>>[vector<16xi32>, vector<16xi32>], vector<16xf32>,
        %scan3A_1023 = arith.constant 6 : i32
        %scan3A_1024 = arith.addi %scan3A_762, %scan3A_1023 : i32
        %mul3A_1025 = arith.constant 1 : i32
        %mul3A_1026 = arith.muli %scan3A_1024, %mul3A_1025 : i32
        %add3A_1027 = arith.constant 0 : i32
        %add3A_1028 = arith.addi %add3A_1027, %mul3A_1026 : i32
        %add3A_1029 = vector.broadcast %add3A_1028 : i32 to vector<16xi32>
        %add3A_1030 = arith.addi %broadcast_in_dim3A_1, %add3A_1029 : vector<16xi32>
        %get3A_1031 = arith.constant 0 : i32
        %get3A_1032 = arith.index_cast %get3A_1031 : i32 to index
        %get3A_1033 = arith.index_cast %add3A_1028 : i32 to index
        %get3A_1034 = arith.constant 0 : index
        %get3A_1035 = tpu.vector_load %arg7[%get3A_1032, %get3A_1033, %get3A_1034] {strides = array<i32>} : memref<2x128x64xf32, #tpu.memory_space<vmem>>, vector<16xf32>,
        %scatter3A_1036 = arith.constant 0 : i32
        %scatter3A_1037 = arith.constant 0 : i32
        %scatter3A_1038 = tpu.memref_slice %arg8[%scan3A_419, %scan3A_420, %scatter3A_1036, %scatter3A_1037] : memref<2x1x64x133xf32, #tpu.memory_space<vmem>> -> memref<1x1x64x133xf32, #tpu.memory_space<vmem>>
        %scatter3A_1039 = tpu.memref_squeeze %scatter3A_1038 : memref<1x1x64x133xf32, #tpu.memory_space<vmem>> -> memref<64x133xf32, #tpu.memory_space<vmem>>
        tpu.vector_store_idx %scatter3A_1039[%add3A_4, %add3A_1030], %get3A_1035 : memref<64x133xf32, #tpu.memory_space<vmem>>[vector<16xi32>, vector<16xi32>], vector<16xf32>,
        %get3A_1040 = arith.constant 0 : i32
        %get3A_1041 = arith.index_cast %get3A_1040 : i32 to index
        %get3A_1042 = arith.index_cast %add3A_1028 : i32 to index
        %get3A_1043 = arith.constant 16 : index
        %get3A_1044 = tpu.vector_load %arg7[%get3A_1041, %get3A_1042, %get3A_1043] {strides = array<i32>} : memref<2x128x64xf32, #tpu.memory_space<vmem>>, vector<16xf32>,
        %scatter3A_1045 = arith.constant 0 : i32
        %scatter3A_1046 = arith.constant 0 : i32
        %scatter3A_1047 = tpu.memref_slice %arg8[%scan3A_419, %scan3A_420, %scatter3A_1045, %scatter3A_1046] : memref<2x1x64x133xf32, #tpu.memory_space<vmem>> -> memref<1x1x64x133xf32, #tpu.memory_space<vmem>>
        %scatter3A_1048 = tpu.memref_squeeze %scatter3A_1047 : memref<1x1x64x133xf32, #tpu.memory_space<vmem>> -> memref<64x133xf32, #tpu.memory_space<vmem>>
        tpu.vector_store_idx %scatter3A_1048[%add3A_7, %add3A_1030], %get3A_1044 : memref<64x133xf32, #tpu.memory_space<vmem>>[vector<16xi32>, vector<16xi32>], vector<16xf32>,
        %get3A_1049 = arith.constant 0 : i32
        %get3A_1050 = arith.index_cast %get3A_1049 : i32 to index
        %get3A_1051 = arith.index_cast %add3A_1028 : i32 to index
        %get3A_1052 = arith.constant 32 : index
        %get3A_1053 = tpu.vector_load %arg7[%get3A_1050, %get3A_1051, %get3A_1052] {strides = array<i32>} : memref<2x128x64xf32, #tpu.memory_space<vmem>>, vector<16xf32>,
        %scatter3A_1054 = arith.constant 0 : i32
        %scatter3A_1055 = arith.constant 0 : i32
        %scatter3A_1056 = tpu.memref_slice %arg8[%scan3A_419, %scan3A_420, %scatter3A_1054, %scatter3A_1055] : memref<2x1x64x133xf32, #tpu.memory_space<vmem>> -> memref<1x1x64x133xf32, #tpu.memory_space<vmem>>
        %scatter3A_1057 = tpu.memref_squeeze %scatter3A_1056 : memref<1x1x64x133xf32, #tpu.memory_space<vmem>> -> memref<64x133xf32, #tpu.memory_space<vmem>>
        tpu.vector_store_idx %scatter3A_1057[%add3A_10, %add3A_1030], %get3A_1053 : memref<64x133xf32, #tpu.memory_space<vmem>>[vector<16xi32>, vector<16xi32>], vector<16xf32>,
        %get3A_1058 = arith.constant 0 : i32
        %get3A_1059 = arith.index_cast %get3A_1058 : i32 to index
        %get3A_1060 = arith.index_cast %add3A_1028 : i32 to index
        %get3A_1061 = arith.constant 48 : index
        %get3A_1062 = tpu.vector_load %arg7[%get3A_1059, %get3A_1060, %get3A_1061] {strides = array<i32>} : memref<2x128x64xf32, #tpu.memory_space<vmem>>, vector<16xf32>,
        %scatter3A_1063 = arith.constant 0 : i32
        %scatter3A_1064 = arith.constant 0 : i32
        %scatter3A_1065 = tpu.memref_slice %arg8[%scan3A_419, %scan3A_420, %scatter3A_1063, %scatter3A_1064] : memref<2x1x64x133xf32, #tpu.memory_space<vmem>> -> memref<1x1x64x133xf32, #tpu.memory_space<vmem>>
        %scatter3A_1066 = tpu.memref_squeeze %scatter3A_1065 : memref<1x1x64x133xf32, #tpu.memory_space<vmem>> -> memref<64x133xf32, #tpu.memory_space<vmem>>
        tpu.vector_store_idx %scatter3A_1066[%add3A_13, %add3A_1030], %get3A_1062 : memref<64x133xf32, #tpu.memory_space<vmem>>[vector<16xi32>, vector<16xi32>], vector<16xf32>,
        %scan3A_1067 = arith.constant 7 : i32
        %scan3A_1068 = arith.addi %scan3A_762, %scan3A_1067 : i32
        %mul3A_1069 = arith.constant 1 : i32
        %mul3A_1070 = arith.muli %scan3A_1068, %mul3A_1069 : i32
        %add3A_1071 = arith.constant 0 : i32
        %add3A_1072 = arith.addi %add3A_1071, %mul3A_1070 : i32
        %add3A_1073 = vector.broadcast %add3A_1072 : i32 to vector<16xi32>
        %add3A_1074 = arith.addi %broadcast_in_dim3A_1, %add3A_1073 : vector<16xi32>
        %get3A_1075 = arith.constant 0 : i32
        %get3A_1076 = arith.index_cast %get3A_1075 : i32 to index
        %get3A_1077 = arith.index_cast %add3A_1072 : i32 to index
        %get3A_1078 = arith.constant 0 : index
        %get3A_1079 = tpu.vector_load %arg7[%get3A_1076, %get3A_1077, %get3A_1078] {strides = array<i32>} : memref<2x128x64xf32, #tpu.memory_space<vmem>>, vector<16xf32>,
        %scatter3A_1080 = arith.constant 0 : i32
        %scatter3A_1081 = arith.constant 0 : i32
        %scatter3A_1082 = tpu.memref_slice %arg8[%scan3A_419, %scan3A_420, %scatter3A_1080, %scatter3A_1081] : memref<2x1x64x133xf32, #tpu.memory_space<vmem>> -> memref<1x1x64x133xf32, #tpu.memory_space<vmem>>
        %scatter3A_1083 = tpu.memref_squeeze %scatter3A_1082 : memref<1x1x64x133xf32, #tpu.memory_space<vmem>> -> memref<64x133xf32, #tpu.memory_space<vmem>>
        tpu.vector_store_idx %scatter3A_1083[%add3A_4, %add3A_1074], %get3A_1079 : memref<64x133xf32, #tpu.memory_space<vmem>>[vector<16xi32>, vector<16xi32>], vector<16xf32>,
        %get3A_1084 = arith.constant 0 : i32
        %get3A_1085 = arith.index_cast %get3A_1084 : i32 to index
        %get3A_1086 = arith.index_cast %add3A_1072 : i32 to index
        %get3A_1087 = arith.constant 16 : index
        %get3A_1088 = tpu.vector_load %arg7[%get3A_1085, %get3A_1086, %get3A_1087] {strides = array<i32>} : memref<2x128x64xf32, #tpu.memory_space<vmem>>, vector<16xf32>,
        %scatter3A_1089 = arith.constant 0 : i32
        %scatter3A_1090 = arith.constant 0 : i32
        %scatter3A_1091 = tpu.memref_slice %arg8[%scan3A_419, %scan3A_420, %scatter3A_1089, %scatter3A_1090] : memref<2x1x64x133xf32, #tpu.memory_space<vmem>> -> memref<1x1x64x133xf32, #tpu.memory_space<vmem>>
        %scatter3A_1092 = tpu.memref_squeeze %scatter3A_1091 : memref<1x1x64x133xf32, #tpu.memory_space<vmem>> -> memref<64x133xf32, #tpu.memory_space<vmem>>
        tpu.vector_store_idx %scatter3A_1092[%add3A_7, %add3A_1074], %get3A_1088 : memref<64x133xf32, #tpu.memory_space<vmem>>[vector<16xi32>, vector<16xi32>], vector<16xf32>,
        %get3A_1093 = arith.constant 0 : i32
        %get3A_1094 = arith.index_cast %get3A_1093 : i32 to index
        %get3A_1095 = arith.index_cast %add3A_1072 : i32 to index
        %get3A_1096 = arith.constant 32 : index
        %get3A_1097 = tpu.vector_load %arg7[%get3A_1094, %get3A_1095, %get3A_1096] {strides = array<i32>} : memref<2x128x64xf32, #tpu.memory_space<vmem>>, vector<16xf32>,
        %scatter3A_1098 = arith.constant 0 : i32
        %scatter3A_1099 = arith.constant 0 : i32
        %scatter3A_1100 = tpu.memref_slice %arg8[%scan3A_419, %scan3A_420, %scatter3A_1098, %scatter3A_1099] : memref<2x1x64x133xf32, #tpu.memory_space<vmem>> -> memref<1x1x64x133xf32, #tpu.memory_space<vmem>>
        %scatter3A_1101 = tpu.memref_squeeze %scatter3A_1100 : memref<1x1x64x133xf32, #tpu.memory_space<vmem>> -> memref<64x133xf32, #tpu.memory_space<vmem>>
        tpu.vector_store_idx %scatter3A_1101[%add3A_10, %add3A_1074], %get3A_1097 : memref<64x133xf32, #tpu.memory_space<vmem>>[vector<16xi32>, vector<16xi32>], vector<16xf32>,
        %get3A_1102 = arith.constant 0 : i32
        %get3A_1103 = arith.index_cast %get3A_1102 : i32 to index
        %get3A_1104 = arith.index_cast %add3A_1072 : i32 to index
        %get3A_1105 = arith.constant 48 : index
        %get3A_1106 = tpu.vector_load %arg7[%get3A_1103, %get3A_1104, %get3A_1105] {strides = array<i32>} : memref<2x128x64xf32, #tpu.memory_space<vmem>>, vector<16xf32>,
        %scatter3A_1107 = arith.constant 0 : i32
        %scatter3A_1108 = arith.constant 0 : i32
        %scatter3A_1109 = tpu.memref_slice %arg8[%scan3A_419, %scan3A_420, %scatter3A_1107, %scatter3A_1108] : memref<2x1x64x133xf32, #tpu.memory_space<vmem>> -> memref<1x1x64x133xf32, #tpu.memory_space<vmem>>
        %scatter3A_1110 = tpu.memref_squeeze %scatter3A_1109 : memref<1x1x64x133xf32, #tpu.memory_space<vmem>> -> memref<64x133xf32, #tpu.memory_space<vmem>>
        tpu.vector_store_idx %scatter3A_1110[%add3A_13, %add3A_1074], %get3A_1106 : memref<64x133xf32, #tpu.memory_space<vmem>>[vector<16xi32>, vector<16xi32>], vector<16xf32>,
        %scan3A_1111 = arith.constant 8 : i32
        %scan3A_1112 = arith.addi %scan3A_762, %scan3A_1111 : i32
        %mul3A_1113 = arith.constant 1 : i32
        %mul3A_1114 = arith.muli %scan3A_1112, %mul3A_1113 : i32
        %add3A_1115 = arith.constant 0 : i32
        %add3A_1116 = arith.addi %add3A_1115, %mul3A_1114 : i32
        %add3A_1117 = vector.broadcast %add3A_1116 : i32 to vector<16xi32>
        %add3A_1118 = arith.addi %broadcast_in_dim3A_1, %add3A_1117 : vector<16xi32>
        %get3A_1119 = arith.constant 0 : i32
        %get3A_1120 = arith.index_cast %get3A_1119 : i32 to index
        %get3A_1121 = arith.index_cast %add3A_1116 : i32 to index
        %get3A_1122 = arith.constant 0 : index
        %get3A_1123 = tpu.vector_load %arg7[%get3A_1120, %get3A_1121, %get3A_1122] {strides = array<i32>} : memref<2x128x64xf32, #tpu.memory_space<vmem>>, vector<16xf32>,
        %scatter3A_1124 = arith.constant 0 : i32
        %scatter3A_1125 = arith.constant 0 : i32
        %scatter3A_1126 = tpu.memref_slice %arg8[%scan3A_419, %scan3A_420, %scatter3A_1124, %scatter3A_1125] : memref<2x1x64x133xf32, #tpu.memory_space<vmem>> -> memref<1x1x64x133xf32, #tpu.memory_space<vmem>>
        %scatter3A_1127 = tpu.memref_squeeze %scatter3A_1126 : memref<1x1x64x133xf32, #tpu.memory_space<vmem>> -> memref<64x133xf32, #tpu.memory_space<vmem>>
        tpu.vector_store_idx %scatter3A_1127[%add3A_4, %add3A_1118], %get3A_1123 : memref<64x133xf32, #tpu.memory_space<vmem>>[vector<16xi32>, vector<16xi32>], vector<16xf32>,
        %get3A_1128 = arith.constant 0 : i32
        %get3A_1129 = arith.index_cast %get3A_1128 : i32 to index
        %get3A_1130 = arith.index_cast %add3A_1116 : i32 to index
        %get3A_1131 = arith.constant 16 : index
        %get3A_1132 = tpu.vector_load %arg7[%get3A_1129, %get3A_1130, %get3A_1131] {strides = array<i32>} : memref<2x128x64xf32, #tpu.memory_space<vmem>>, vector<16xf32>,
        %scatter3A_1133 = arith.constant 0 : i32
        %scatter3A_1134 = arith.constant 0 : i32
        %scatter3A_1135 = tpu.memref_slice %arg8[%scan3A_419, %scan3A_420, %scatter3A_1133, %scatter3A_1134] : memref<2x1x64x133xf32, #tpu.memory_space<vmem>> -> memref<1x1x64x133xf32, #tpu.memory_space<vmem>>
        %scatter3A_1136 = tpu.memref_squeeze %scatter3A_1135 : memref<1x1x64x133xf32, #tpu.memory_space<vmem>> -> memref<64x133xf32, #tpu.memory_space<vmem>>
        tpu.vector_store_idx %scatter3A_1136[%add3A_7, %add3A_1118], %get3A_1132 : memref<64x133xf32, #tpu.memory_space<vmem>>[vector<16xi32>, vector<16xi32>], vector<16xf32>,
        %get3A_1137 = arith.constant 0 : i32
        %get3A_1138 = arith.index_cast %get3A_1137 : i32 to index
        %get3A_1139 = arith.index_cast %add3A_1116 : i32 to index
        %get3A_1140 = arith.constant 32 : index
        %get3A_1141 = tpu.vector_load %arg7[%get3A_1138, %get3A_1139, %get3A_1140] {strides = array<i32>} : memref<2x128x64xf32, #tpu.memory_space<vmem>>, vector<16xf32>,
        %scatter3A_1142 = arith.constant 0 : i32
        %scatter3A_1143 = arith.constant 0 : i32
        %scatter3A_1144 = tpu.memref_slice %arg8[%scan3A_419, %scan3A_420, %scatter3A_1142, %scatter3A_1143] : memref<2x1x64x133xf32, #tpu.memory_space<vmem>> -> memref<1x1x64x133xf32, #tpu.memory_space<vmem>>
        %scatter3A_1145 = tpu.memref_squeeze %scatter3A_1144 : memref<1x1x64x133xf32, #tpu.memory_space<vmem>> -> memref<64x133xf32, #tpu.memory_space<vmem>>
        tpu.vector_store_idx %scatter3A_1145[%add3A_10, %add3A_1118], %get3A_1141 : memref<64x133xf32, #tpu.memory_space<vmem>>[vector<16xi32>, vector<16xi32>], vector<16xf32>,
        %get3A_1146 = arith.constant 0 : i32
        %get3A_1147 = arith.index_cast %get3A_1146 : i32 to index
        %get3A_1148 = arith.index_cast %add3A_1116 : i32 to index
        %get3A_1149 = arith.constant 48 : index
        %get3A_1150 = tpu.vector_load %arg7[%get3A_1147, %get3A_1148, %get3A_1149] {strides = array<i32>} : memref<2x128x64xf32, #tpu.memory_space<vmem>>, vector<16xf32>,
        %scatter3A_1151 = arith.constant 0 : i32
        %scatter3A_1152 = arith.constant 0 : i32
        %scatter3A_1153 = tpu.memref_slice %arg8[%scan3A_419, %scan3A_420, %scatter3A_1151, %scatter3A_1152] : memref<2x1x64x133xf32, #tpu.memory_space<vmem>> -> memref<1x1x64x133xf32, #tpu.memory_space<vmem>>
        %scatter3A_1154 = tpu.memref_squeeze %scatter3A_1153 : memref<1x1x64x133xf32, #tpu.memory_space<vmem>> -> memref<64x133xf32, #tpu.memory_space<vmem>>
        tpu.vector_store_idx %scatter3A_1154[%add3A_13, %add3A_1118], %get3A_1150 : memref<64x133xf32, #tpu.memory_space<vmem>>[vector<16xi32>, vector<16xi32>], vector<16xf32>,
        %scan3A_1155 = arith.constant 9 : i32
        %scan3A_1156 = arith.addi %scan3A_762, %scan3A_1155 : i32
        %mul3A_1157 = arith.constant 1 : i32
        %mul3A_1158 = arith.muli %scan3A_1156, %mul3A_1157 : i32
        %add3A_1159 = arith.constant 0 : i32
        %add3A_1160 = arith.addi %add3A_1159, %mul3A_1158 : i32
        %add3A_1161 = vector.broadcast %add3A_1160 : i32 to vector<16xi32>
        %add3A_1162 = arith.addi %broadcast_in_dim3A_1, %add3A_1161 : vector<16xi32>
        %get3A_1163 = arith.constant 0 : i32
        %get3A_1164 = arith.index_cast %get3A_1163 : i32 to index
        %get3A_1165 = arith.index_cast %add3A_1160 : i32 to index
        %get3A_1166 = arith.constant 0 : index
        %get3A_1167 = tpu.vector_load %arg7[%get3A_1164, %get3A_1165, %get3A_1166] {strides = array<i32>} : memref<2x128x64xf32, #tpu.memory_space<vmem>>, vector<16xf32>,
        %scatter3A_1168 = arith.constant 0 : i32
        %scatter3A_1169 = arith.constant 0 : i32
        %scatter3A_1170 = tpu.memref_slice %arg8[%scan3A_419, %scan3A_420, %scatter3A_1168, %scatter3A_1169] : memref<2x1x64x133xf32, #tpu.memory_space<vmem>> -> memref<1x1x64x133xf32, #tpu.memory_space<vmem>>
        %scatter3A_1171 = tpu.memref_squeeze %scatter3A_1170 : memref<1x1x64x133xf32, #tpu.memory_space<vmem>> -> memref<64x133xf32, #tpu.memory_space<vmem>>
        tpu.vector_store_idx %scatter3A_1171[%add3A_4, %add3A_1162], %get3A_1167 : memref<64x133xf32, #tpu.memory_space<vmem>>[vector<16xi32>, vector<16xi32>], vector<16xf32>,
        %get3A_1172 = arith.constant 0 : i32
        %get3A_1173 = arith.index_cast %get3A_1172 : i32 to index
        %get3A_1174 = arith.index_cast %add3A_1160 : i32 to index
        %get3A_1175 = arith.constant 16 : index
        %get3A_1176 = tpu.vector_load %arg7[%get3A_1173, %get3A_1174, %get3A_1175] {strides = array<i32>} : memref<2x128x64xf32, #tpu.memory_space<vmem>>, vector<16xf32>,
        %scatter3A_1177 = arith.constant 0 : i32
        %scatter3A_1178 = arith.constant 0 : i32
        %scatter3A_1179 = tpu.memref_slice %arg8[%scan3A_419, %scan3A_420, %scatter3A_1177, %scatter3A_1178] : memref<2x1x64x133xf32, #tpu.memory_space<vmem>> -> memref<1x1x64x133xf32, #tpu.memory_space<vmem>>
        %scatter3A_1180 = tpu.memref_squeeze %scatter3A_1179 : memref<1x1x64x133xf32, #tpu.memory_space<vmem>> -> memref<64x133xf32, #tpu.memory_space<vmem>>
        tpu.vector_store_idx %scatter3A_1180[%add3A_7, %add3A_1162], %get3A_1176 : memref<64x133xf32, #tpu.memory_space<vmem>>[vector<16xi32>, vector<16xi32>], vector<16xf32>,
        %get3A_1181 = arith.constant 0 : i32
        %get3A_1182 = arith.index_cast %get3A_1181 : i32 to index
        %get3A_1183 = arith.index_cast %add3A_1160 : i32 to index
        %get3A_1184 = arith.constant 32 : index
        %get3A_1185 = tpu.vector_load %arg7[%get3A_1182, %get3A_1183, %get3A_1184] {strides = array<i32>} : memref<2x128x64xf32, #tpu.memory_space<vmem>>, vector<16xf32>,
        %scatter3A_1186 = arith.constant 0 : i32
        %scatter3A_1187 = arith.constant 0 : i32
        %scatter3A_1188 = tpu.memref_slice %arg8[%scan3A_419, %scan3A_420, %scatter3A_1186, %scatter3A_1187] : memref<2x1x64x133xf32, #tpu.memory_space<vmem>> -> memref<1x1x64x133xf32, #tpu.memory_space<vmem>>
        %scatter3A_1189 = tpu.memref_squeeze %scatter3A_1188 : memref<1x1x64x133xf32, #tpu.memory_space<vmem>> -> memref<64x133xf32, #tpu.memory_space<vmem>>
        tpu.vector_store_idx %scatter3A_1189[%add3A_10, %add3A_1162], %get3A_1185 : memref<64x133xf32, #tpu.memory_space<vmem>>[vector<16xi32>, vector<16xi32>], vector<16xf32>,
        %get3A_1190 = arith.constant 0 : i32
        %get3A_1191 = arith.index_cast %get3A_1190 : i32 to index
        %get3A_1192 = arith.index_cast %add3A_1160 : i32 to index
        %get3A_1193 = arith.constant 48 : index
        %get3A_1194 = tpu.vector_load %arg7[%get3A_1191, %get3A_1192, %get3A_1193] {strides = array<i32>} : memref<2x128x64xf32, #tpu.memory_space<vmem>>, vector<16xf32>,
        %scatter3A_1195 = arith.constant 0 : i32
        %scatter3A_1196 = arith.constant 0 : i32
        %scatter3A_1197 = tpu.memref_slice %arg8[%scan3A_419, %scan3A_420, %scatter3A_1195, %scatter3A_1196] : memref<2x1x64x133xf32, #tpu.memory_space<vmem>> -> memref<1x1x64x133xf32, #tpu.memory_space<vmem>>
        %scatter3A_1198 = tpu.memref_squeeze %scatter3A_1197 : memref<1x1x64x133xf32, #tpu.memory_space<vmem>> -> memref<64x133xf32, #tpu.memory_space<vmem>>
        tpu.vector_store_idx %scatter3A_1198[%add3A_13, %add3A_1162], %get3A_1194 : memref<64x133xf32, #tpu.memory_space<vmem>>[vector<16xi32>, vector<16xi32>], vector<16xf32>,
        %scan3A_1199 = arith.constant 10 : i32
        %scan3A_1200 = arith.addi %scan3A_762, %scan3A_1199 : i32
        %mul3A_1201 = arith.constant 1 : i32
        %mul3A_1202 = arith.muli %scan3A_1200, %mul3A_1201 : i32
        %add3A_1203 = arith.constant 0 : i32
        %add3A_1204 = arith.addi %add3A_1203, %mul3A_1202 : i32
        %add3A_1205 = vector.broadcast %add3A_1204 : i32 to vector<16xi32>
        %add3A_1206 = arith.addi %broadcast_in_dim3A_1, %add3A_1205 : vector<16xi32>
        %get3A_1207 = arith.constant 0 : i32
        %get3A_1208 = arith.index_cast %get3A_1207 : i32 to index
        %get3A_1209 = arith.index_cast %add3A_1204 : i32 to index
        %get3A_1210 = arith.constant 0 : index
        %get3A_1211 = tpu.vector_load %arg7[%get3A_1208, %get3A_1209, %get3A_1210] {strides = array<i32>} : memref<2x128x64xf32, #tpu.memory_space<vmem>>, vector<16xf32>,
        %scatter3A_1212 = arith.constant 0 : i32
        %scatter3A_1213 = arith.constant 0 : i32
        %scatter3A_1214 = tpu.memref_slice %arg8[%scan3A_419, %scan3A_420, %scatter3A_1212, %scatter3A_1213] : memref<2x1x64x133xf32, #tpu.memory_space<vmem>> -> memref<1x1x64x133xf32, #tpu.memory_space<vmem>>
        %scatter3A_1215 = tpu.memref_squeeze %scatter3A_1214 : memref<1x1x64x133xf32, #tpu.memory_space<vmem>> -> memref<64x133xf32, #tpu.memory_space<vmem>>
        tpu.vector_store_idx %scatter3A_1215[%add3A_4, %add3A_1206], %get3A_1211 : memref<64x133xf32, #tpu.memory_space<vmem>>[vector<16xi32>, vector<16xi32>], vector<16xf32>,
        %get3A_1216 = arith.constant 0 : i32
        %get3A_1217 = arith.index_cast %get3A_1216 : i32 to index
        %get3A_1218 = arith.index_cast %add3A_1204 : i32 to index
        %get3A_1219 = arith.constant 16 : index
        %get3A_1220 = tpu.vector_load %arg7[%get3A_1217, %get3A_1218, %get3A_1219] {strides = array<i32>} : memref<2x128x64xf32, #tpu.memory_space<vmem>>, vector<16xf32>,
        %scatter3A_1221 = arith.constant 0 : i32
        %scatter3A_1222 = arith.constant 0 : i32
        %scatter3A_1223 = tpu.memref_slice %arg8[%scan3A_419, %scan3A_420, %scatter3A_1221, %scatter3A_1222] : memref<2x1x64x133xf32, #tpu.memory_space<vmem>> -> memref<1x1x64x133xf32, #tpu.memory_space<vmem>>
        %scatter3A_1224 = tpu.memref_squeeze %scatter3A_1223 : memref<1x1x64x133xf32, #tpu.memory_space<vmem>> -> memref<64x133xf32, #tpu.memory_space<vmem>>
        tpu.vector_store_idx %scatter3A_1224[%add3A_7, %add3A_1206], %get3A_1220 : memref<64x133xf32, #tpu.memory_space<vmem>>[vector<16xi32>, vector<16xi32>], vector<16xf32>,
        %get3A_1225 = arith.constant 0 : i32
        %get3A_1226 = arith.index_cast %get3A_1225 : i32 to index
        %get3A_1227 = arith.index_cast %add3A_1204 : i32 to index
        %get3A_1228 = arith.constant 32 : index
        %get3A_1229 = tpu.vector_load %arg7[%get3A_1226, %get3A_1227, %get3A_1228] {strides = array<i32>} : memref<2x128x64xf32, #tpu.memory_space<vmem>>, vector<16xf32>,
        %scatter3A_1230 = arith.constant 0 : i32
        %scatter3A_1231 = arith.constant 0 : i32
        %scatter3A_1232 = tpu.memref_slice %arg8[%scan3A_419, %scan3A_420, %scatter3A_1230, %scatter3A_1231] : memref<2x1x64x133xf32, #tpu.memory_space<vmem>> -> memref<1x1x64x133xf32, #tpu.memory_space<vmem>>
        %scatter3A_1233 = tpu.memref_squeeze %scatter3A_1232 : memref<1x1x64x133xf32, #tpu.memory_space<vmem>> -> memref<64x133xf32, #tpu.memory_space<vmem>>
        tpu.vector_store_idx %scatter3A_1233[%add3A_10, %add3A_1206], %get3A_1229 : memref<64x133xf32, #tpu.memory_space<vmem>>[vector<16xi32>, vector<16xi32>], vector<16xf32>,
        %get3A_1234 = arith.constant 0 : i32
        %get3A_1235 = arith.index_cast %get3A_1234 : i32 to index
        %get3A_1236 = arith.index_cast %add3A_1204 : i32 to index
        %get3A_1237 = arith.constant 48 : index
        %get3A_1238 = tpu.vector_load %arg7[%get3A_1235, %get3A_1236, %get3A_1237] {strides = array<i32>} : memref<2x128x64xf32, #tpu.memory_space<vmem>>, vector<16xf32>,
        %scatter3A_1239 = arith.constant 0 : i32
        %scatter3A_1240 = arith.constant 0 : i32
        %scatter3A_1241 = tpu.memref_slice %arg8[%scan3A_419, %scan3A_420, %scatter3A_1239, %scatter3A_1240] : memref<2x1x64x133xf32, #tpu.memory_space<vmem>> -> memref<1x1x64x133xf32, #tpu.memory_space<vmem>>
        %scatter3A_1242 = tpu.memref_squeeze %scatter3A_1241 : memref<1x1x64x133xf32, #tpu.memory_space<vmem>> -> memref<64x133xf32, #tpu.memory_space<vmem>>
        tpu.vector_store_idx %scatter3A_1242[%add3A_13, %add3A_1206], %get3A_1238 : memref<64x133xf32, #tpu.memory_space<vmem>>[vector<16xi32>, vector<16xi32>], vector<16xf32>,
        %scan3A_1243 = arith.constant 11 : i32
        %scan3A_1244 = arith.addi %scan3A_762, %scan3A_1243 : i32
        %mul3A_1245 = arith.constant 1 : i32
        %mul3A_1246 = arith.muli %scan3A_1244, %mul3A_1245 : i32
        %add3A_1247 = arith.constant 0 : i32
        %add3A_1248 = arith.addi %add3A_1247, %mul3A_1246 : i32
        %add3A_1249 = vector.broadcast %add3A_1248 : i32 to vector<16xi32>
        %add3A_1250 = arith.addi %broadcast_in_dim3A_1, %add3A_1249 : vector<16xi32>
        %get3A_1251 = arith.constant 0 : i32
        %get3A_1252 = arith.index_cast %get3A_1251 : i32 to index
        %get3A_1253 = arith.index_cast %add3A_1248 : i32 to index
        %get3A_1254 = arith.constant 0 : index
        %get3A_1255 = tpu.vector_load %arg7[%get3A_1252, %get3A_1253, %get3A_1254] {strides = array<i32>} : memref<2x128x64xf32, #tpu.memory_space<vmem>>, vector<16xf32>,
        %scatter3A_1256 = arith.constant 0 : i32
        %scatter3A_1257 = arith.constant 0 : i32
        %scatter3A_1258 = tpu.memref_slice %arg8[%scan3A_419, %scan3A_420, %scatter3A_1256, %scatter3A_1257] : memref<2x1x64x133xf32, #tpu.memory_space<vmem>> -> memref<1x1x64x133xf32, #tpu.memory_space<vmem>>
        %scatter3A_1259 = tpu.memref_squeeze %scatter3A_1258 : memref<1x1x64x133xf32, #tpu.memory_space<vmem>> -> memref<64x133xf32, #tpu.memory_space<vmem>>
        tpu.vector_store_idx %scatter3A_1259[%add3A_4, %add3A_1250], %get3A_1255 : memref<64x133xf32, #tpu.memory_space<vmem>>[vector<16xi32>, vector<16xi32>], vector<16xf32>,
        %get3A_1260 = arith.constant 0 : i32
        %get3A_1261 = arith.index_cast %get3A_1260 : i32 to index
        %get3A_1262 = arith.index_cast %add3A_1248 : i32 to index
        %get3A_1263 = arith.constant 16 : index
        %get3A_1264 = tpu.vector_load %arg7[%get3A_1261, %get3A_1262, %get3A_1263] {strides = array<i32>} : memref<2x128x64xf32, #tpu.memory_space<vmem>>, vector<16xf32>,
        %scatter3A_1265 = arith.constant 0 : i32
        %scatter3A_1266 = arith.constant 0 : i32
        %scatter3A_1267 = tpu.memref_slice %arg8[%scan3A_419, %scan3A_420, %scatter3A_1265, %scatter3A_1266] : memref<2x1x64x133xf32, #tpu.memory_space<vmem>> -> memref<1x1x64x133xf32, #tpu.memory_space<vmem>>
        %scatter3A_1268 = tpu.memref_squeeze %scatter3A_1267 : memref<1x1x64x133xf32, #tpu.memory_space<vmem>> -> memref<64x133xf32, #tpu.memory_space<vmem>>
        tpu.vector_store_idx %scatter3A_1268[%add3A_7, %add3A_1250], %get3A_1264 : memref<64x133xf32, #tpu.memory_space<vmem>>[vector<16xi32>, vector<16xi32>], vector<16xf32>,
        %get3A_1269 = arith.constant 0 : i32
        %get3A_1270 = arith.index_cast %get3A_1269 : i32 to index
        %get3A_1271 = arith.index_cast %add3A_1248 : i32 to index
        %get3A_1272 = arith.constant 32 : index
        %get3A_1273 = tpu.vector_load %arg7[%get3A_1270, %get3A_1271, %get3A_1272] {strides = array<i32>} : memref<2x128x64xf32, #tpu.memory_space<vmem>>, vector<16xf32>,
        %scatter3A_1274 = arith.constant 0 : i32
        %scatter3A_1275 = arith.constant 0 : i32
        %scatter3A_1276 = tpu.memref_slice %arg8[%scan3A_419, %scan3A_420, %scatter3A_1274, %scatter3A_1275] : memref<2x1x64x133xf32, #tpu.memory_space<vmem>> -> memref<1x1x64x133xf32, #tpu.memory_space<vmem>>
        %scatter3A_1277 = tpu.memref_squeeze %scatter3A_1276 : memref<1x1x64x133xf32, #tpu.memory_space<vmem>> -> memref<64x133xf32, #tpu.memory_space<vmem>>
        tpu.vector_store_idx %scatter3A_1277[%add3A_10, %add3A_1250], %get3A_1273 : memref<64x133xf32, #tpu.memory_space<vmem>>[vector<16xi32>, vector<16xi32>], vector<16xf32>,
        %get3A_1278 = arith.constant 0 : i32
        %get3A_1279 = arith.index_cast %get3A_1278 : i32 to index
        %get3A_1280 = arith.index_cast %add3A_1248 : i32 to index
        %get3A_1281 = arith.constant 48 : index
        %get3A_1282 = tpu.vector_load %arg7[%get3A_1279, %get3A_1280, %get3A_1281] {strides = array<i32>} : memref<2x128x64xf32, #tpu.memory_space<vmem>>, vector<16xf32>,
        %scatter3A_1283 = arith.constant 0 : i32
        %scatter3A_1284 = arith.constant 0 : i32
        %scatter3A_1285 = tpu.memref_slice %arg8[%scan3A_419, %scan3A_420, %scatter3A_1283, %scatter3A_1284] : memref<2x1x64x133xf32, #tpu.memory_space<vmem>> -> memref<1x1x64x133xf32, #tpu.memory_space<vmem>>
        %scatter3A_1286 = tpu.memref_squeeze %scatter3A_1285 : memref<1x1x64x133xf32, #tpu.memory_space<vmem>> -> memref<64x133xf32, #tpu.memory_space<vmem>>
        tpu.vector_store_idx %scatter3A_1286[%add3A_13, %add3A_1250], %get3A_1282 : memref<64x133xf32, #tpu.memory_space<vmem>>[vector<16xi32>, vector<16xi32>], vector<16xf32>,
        %scan3A_1287 = arith.constant 12 : i32
        %scan3A_1288 = arith.addi %scan3A_762, %scan3A_1287 : i32
        %mul3A_1289 = arith.constant 1 : i32
        %mul3A_1290 = arith.muli %scan3A_1288, %mul3A_1289 : i32
        %add3A_1291 = arith.constant 0 : i32
        %add3A_1292 = arith.addi %add3A_1291, %mul3A_1290 : i32
        %add3A_1293 = vector.broadcast %add3A_1292 : i32 to vector<16xi32>
        %add3A_1294 = arith.addi %broadcast_in_dim3A_1, %add3A_1293 : vector<16xi32>
        %get3A_1295 = arith.constant 0 : i32
        %get3A_1296 = arith.index_cast %get3A_1295 : i32 to index
        %get3A_1297 = arith.index_cast %add3A_1292 : i32 to index
        %get3A_1298 = arith.constant 0 : index
        %get3A_1299 = tpu.vector_load %arg7[%get3A_1296, %get3A_1297, %get3A_1298] {strides = array<i32>} : memref<2x128x64xf32, #tpu.memory_space<vmem>>, vector<16xf32>,
        %scatter3A_1300 = arith.constant 0 : i32
        %scatter3A_1301 = arith.constant 0 : i32
        %scatter3A_1302 = tpu.memref_slice %arg8[%scan3A_419, %scan3A_420, %scatter3A_1300, %scatter3A_1301] : memref<2x1x64x133xf32, #tpu.memory_space<vmem>> -> memref<1x1x64x133xf32, #tpu.memory_space<vmem>>
        %scatter3A_1303 = tpu.memref_squeeze %scatter3A_1302 : memref<1x1x64x133xf32, #tpu.memory_space<vmem>> -> memref<64x133xf32, #tpu.memory_space<vmem>>
        tpu.vector_store_idx %scatter3A_1303[%add3A_4, %add3A_1294], %get3A_1299 : memref<64x133xf32, #tpu.memory_space<vmem>>[vector<16xi32>, vector<16xi32>], vector<16xf32>,
        %get3A_1304 = arith.constant 0 : i32
        %get3A_1305 = arith.index_cast %get3A_1304 : i32 to index
        %get3A_1306 = arith.index_cast %add3A_1292 : i32 to index
        %get3A_1307 = arith.constant 16 : index
        %get3A_1308 = tpu.vector_load %arg7[%get3A_1305, %get3A_1306, %get3A_1307] {strides = array<i32>} : memref<2x128x64xf32, #tpu.memory_space<vmem>>, vector<16xf32>,
        %scatter3A_1309 = arith.constant 0 : i32
        %scatter3A_1310 = arith.constant 0 : i32
        %scatter3A_1311 = tpu.memref_slice %arg8[%scan3A_419, %scan3A_420, %scatter3A_1309, %scatter3A_1310] : memref<2x1x64x133xf32, #tpu.memory_space<vmem>> -> memref<1x1x64x133xf32, #tpu.memory_space<vmem>>
        %scatter3A_1312 = tpu.memref_squeeze %scatter3A_1311 : memref<1x1x64x133xf32, #tpu.memory_space<vmem>> -> memref<64x133xf32, #tpu.memory_space<vmem>>
        tpu.vector_store_idx %scatter3A_1312[%add3A_7, %add3A_1294], %get3A_1308 : memref<64x133xf32, #tpu.memory_space<vmem>>[vector<16xi32>, vector<16xi32>], vector<16xf32>,
        %get3A_1313 = arith.constant 0 : i32
        %get3A_1314 = arith.index_cast %get3A_1313 : i32 to index
        %get3A_1315 = arith.index_cast %add3A_1292 : i32 to index
        %get3A_1316 = arith.constant 32 : index
        %get3A_1317 = tpu.vector_load %arg7[%get3A_1314, %get3A_1315, %get3A_1316] {strides = array<i32>} : memref<2x128x64xf32, #tpu.memory_space<vmem>>, vector<16xf32>,
        %scatter3A_1318 = arith.constant 0 : i32
        %scatter3A_1319 = arith.constant 0 : i32
        %scatter3A_1320 = tpu.memref_slice %arg8[%scan3A_419, %scan3A_420, %scatter3A_1318, %scatter3A_1319] : memref<2x1x64x133xf32, #tpu.memory_space<vmem>> -> memref<1x1x64x133xf32, #tpu.memory_space<vmem>>
        %scatter3A_1321 = tpu.memref_squeeze %scatter3A_1320 : memref<1x1x64x133xf32, #tpu.memory_space<vmem>> -> memref<64x133xf32, #tpu.memory_space<vmem>>
        tpu.vector_store_idx %scatter3A_1321[%add3A_10, %add3A_1294], %get3A_1317 : memref<64x133xf32, #tpu.memory_space<vmem>>[vector<16xi32>, vector<16xi32>], vector<16xf32>,
        %get3A_1322 = arith.constant 0 : i32
        %get3A_1323 = arith.index_cast %get3A_1322 : i32 to index
        %get3A_1324 = arith.index_cast %add3A_1292 : i32 to index
        %get3A_1325 = arith.constant 48 : index
        %get3A_1326 = tpu.vector_load %arg7[%get3A_1323, %get3A_1324, %get3A_1325] {strides = array<i32>} : memref<2x128x64xf32, #tpu.memory_space<vmem>>, vector<16xf32>,
        %scatter3A_1327 = arith.constant 0 : i32
        %scatter3A_1328 = arith.constant 0 : i32
        %scatter3A_1329 = tpu.memref_slice %arg8[%scan3A_419, %scan3A_420, %scatter3A_1327, %scatter3A_1328] : memref<2x1x64x133xf32, #tpu.memory_space<vmem>> -> memref<1x1x64x133xf32, #tpu.memory_space<vmem>>
        %scatter3A_1330 = tpu.memref_squeeze %scatter3A_1329 : memref<1x1x64x133xf32, #tpu.memory_space<vmem>> -> memref<64x133xf32, #tpu.memory_space<vmem>>
        tpu.vector_store_idx %scatter3A_1330[%add3A_13, %add3A_1294], %get3A_1326 : memref<64x133xf32, #tpu.memory_space<vmem>>[vector<16xi32>, vector<16xi32>], vector<16xf32>,
        %scan3A_1331 = arith.constant 13 : i32
        %scan3A_1332 = arith.addi %scan3A_762, %scan3A_1331 : i32
        %mul3A_1333 = arith.constant 1 : i32
        %mul3A_1334 = arith.muli %scan3A_1332, %mul3A_1333 : i32
        %add3A_1335 = arith.constant 0 : i32
        %add3A_1336 = arith.addi %add3A_1335, %mul3A_1334 : i32
        %add3A_1337 = vector.broadcast %add3A_1336 : i32 to vector<16xi32>
        %add3A_1338 = arith.addi %broadcast_in_dim3A_1, %add3A_1337 : vector<16xi32>
        %get3A_1339 = arith.constant 0 : i32
        %get3A_1340 = arith.index_cast %get3A_1339 : i32 to index
        %get3A_1341 = arith.index_cast %add3A_1336 : i32 to index
        %get3A_1342 = arith.constant 0 : index
        %get3A_1343 = tpu.vector_load %arg7[%get3A_1340, %get3A_1341, %get3A_1342] {strides = array<i32>} : memref<2x128x64xf32, #tpu.memory_space<vmem>>, vector<16xf32>,
        %scatter3A_1344 = arith.constant 0 : i32
        %scatter3A_1345 = arith.constant 0 : i32
        %scatter3A_1346 = tpu.memref_slice %arg8[%scan3A_419, %scan3A_420, %scatter3A_1344, %scatter3A_1345] : memref<2x1x64x133xf32, #tpu.memory_space<vmem>> -> memref<1x1x64x133xf32, #tpu.memory_space<vmem>>
        %scatter3A_1347 = tpu.memref_squeeze %scatter3A_1346 : memref<1x1x64x133xf32, #tpu.memory_space<vmem>> -> memref<64x133xf32, #tpu.memory_space<vmem>>
        tpu.vector_store_idx %scatter3A_1347[%add3A_4, %add3A_1338], %get3A_1343 : memref<64x133xf32, #tpu.memory_space<vmem>>[vector<16xi32>, vector<16xi32>], vector<16xf32>,
        %get3A_1348 = arith.constant 0 : i32
        %get3A_1349 = arith.index_cast %get3A_1348 : i32 to index
        %get3A_1350 = arith.index_cast %add3A_1336 : i32 to index
        %get3A_1351 = arith.constant 16 : index
        %get3A_1352 = tpu.vector_load %arg7[%get3A_1349, %get3A_1350, %get3A_1351] {strides = array<i32>} : memref<2x128x64xf32, #tpu.memory_space<vmem>>, vector<16xf32>,
        %scatter3A_1353 = arith.constant 0 : i32
        %scatter3A_1354 = arith.constant 0 : i32
        %scatter3A_1355 = tpu.memref_slice %arg8[%scan3A_419, %scan3A_420, %scatter3A_1353, %scatter3A_1354] : memref<2x1x64x133xf32, #tpu.memory_space<vmem>> -> memref<1x1x64x133xf32, #tpu.memory_space<vmem>>
        %scatter3A_1356 = tpu.memref_squeeze %scatter3A_1355 : memref<1x1x64x133xf32, #tpu.memory_space<vmem>> -> memref<64x133xf32, #tpu.memory_space<vmem>>
        tpu.vector_store_idx %scatter3A_1356[%add3A_7, %add3A_1338], %get3A_1352 : memref<64x133xf32, #tpu.memory_space<vmem>>[vector<16xi32>, vector<16xi32>], vector<16xf32>,
        %get3A_1357 = arith.constant 0 : i32
        %get3A_1358 = arith.index_cast %get3A_1357 : i32 to index
        %get3A_1359 = arith.index_cast %add3A_1336 : i32 to index
        %get3A_1360 = arith.constant 32 : index
        %get3A_1361 = tpu.vector_load %arg7[%get3A_1358, %get3A_1359, %get3A_1360] {strides = array<i32>} : memref<2x128x64xf32, #tpu.memory_space<vmem>>, vector<16xf32>,
        %scatter3A_1362 = arith.constant 0 : i32
        %scatter3A_1363 = arith.constant 0 : i32
        %scatter3A_1364 = tpu.memref_slice %arg8[%scan3A_419, %scan3A_420, %scatter3A_1362, %scatter3A_1363] : memref<2x1x64x133xf32, #tpu.memory_space<vmem>> -> memref<1x1x64x133xf32, #tpu.memory_space<vmem>>
        %scatter3A_1365 = tpu.memref_squeeze %scatter3A_1364 : memref<1x1x64x133xf32, #tpu.memory_space<vmem>> -> memref<64x133xf32, #tpu.memory_space<vmem>>
        tpu.vector_store_idx %scatter3A_1365[%add3A_10, %add3A_1338], %get3A_1361 : memref<64x133xf32, #tpu.memory_space<vmem>>[vector<16xi32>, vector<16xi32>], vector<16xf32>,
        %get3A_1366 = arith.constant 0 : i32
        %get3A_1367 = arith.index_cast %get3A_1366 : i32 to index
        %get3A_1368 = arith.index_cast %add3A_1336 : i32 to index
        %get3A_1369 = arith.constant 48 : index
        %get3A_1370 = tpu.vector_load %arg7[%get3A_1367, %get3A_1368, %get3A_1369] {strides = array<i32>} : memref<2x128x64xf32, #tpu.memory_space<vmem>>, vector<16xf32>,
        %scatter3A_1371 = arith.constant 0 : i32
        %scatter3A_1372 = arith.constant 0 : i32
        %scatter3A_1373 = tpu.memref_slice %arg8[%scan3A_419, %scan3A_420, %scatter3A_1371, %scatter3A_1372] : memref<2x1x64x133xf32, #tpu.memory_space<vmem>> -> memref<1x1x64x133xf32, #tpu.memory_space<vmem>>
        %scatter3A_1374 = tpu.memref_squeeze %scatter3A_1373 : memref<1x1x64x133xf32, #tpu.memory_space<vmem>> -> memref<64x133xf32, #tpu.memory_space<vmem>>
        tpu.vector_store_idx %scatter3A_1374[%add3A_13, %add3A_1338], %get3A_1370 : memref<64x133xf32, #tpu.memory_space<vmem>>[vector<16xi32>, vector<16xi32>], vector<16xf32>,
        %scan3A_1375 = arith.constant 14 : i32
        %scan3A_1376 = arith.addi %scan3A_762, %scan3A_1375 : i32
        %mul3A_1377 = arith.constant 1 : i32
        %mul3A_1378 = arith.muli %scan3A_1376, %mul3A_1377 : i32
        %add3A_1379 = arith.constant 0 : i32
        %add3A_1380 = arith.addi %add3A_1379, %mul3A_1378 : i32
        %add3A_1381 = vector.broadcast %add3A_1380 : i32 to vector<16xi32>
        %add3A_1382 = arith.addi %broadcast_in_dim3A_1, %add3A_1381 : vector<16xi32>
        %get3A_1383 = arith.constant 0 : i32
        %get3A_1384 = arith.index_cast %get3A_1383 : i32 to index
        %get3A_1385 = arith.index_cast %add3A_1380 : i32 to index
        %get3A_1386 = arith.constant 0 : index
        %get3A_1387 = tpu.vector_load %arg7[%get3A_1384, %get3A_1385, %get3A_1386] {strides = array<i32>} : memref<2x128x64xf32, #tpu.memory_space<vmem>>, vector<16xf32>,
        %scatter3A_1388 = arith.constant 0 : i32
        %scatter3A_1389 = arith.constant 0 : i32
        %scatter3A_1390 = tpu.memref_slice %arg8[%scan3A_419, %scan3A_420, %scatter3A_1388, %scatter3A_1389] : memref<2x1x64x133xf32, #tpu.memory_space<vmem>> -> memref<1x1x64x133xf32, #tpu.memory_space<vmem>>
        %scatter3A_1391 = tpu.memref_squeeze %scatter3A_1390 : memref<1x1x64x133xf32, #tpu.memory_space<vmem>> -> memref<64x133xf32, #tpu.memory_space<vmem>>
        tpu.vector_store_idx %scatter3A_1391[%add3A_4, %add3A_1382], %get3A_1387 : memref<64x133xf32, #tpu.memory_space<vmem>>[vector<16xi32>, vector<16xi32>], vector<16xf32>,
        %get3A_1392 = arith.constant 0 : i32
        %get3A_1393 = arith.index_cast %get3A_1392 : i32 to index
        %get3A_1394 = arith.index_cast %add3A_1380 : i32 to index
        %get3A_1395 = arith.constant 16 : index
        %get3A_1396 = tpu.vector_load %arg7[%get3A_1393, %get3A_1394, %get3A_1395] {strides = array<i32>} : memref<2x128x64xf32, #tpu.memory_space<vmem>>, vector<16xf32>,
        %scatter3A_1397 = arith.constant 0 : i32
        %scatter3A_1398 = arith.constant 0 : i32
        %scatter3A_1399 = tpu.memref_slice %arg8[%scan3A_419, %scan3A_420, %scatter3A_1397, %scatter3A_1398] : memref<2x1x64x133xf32, #tpu.memory_space<vmem>> -> memref<1x1x64x133xf32, #tpu.memory_space<vmem>>
        %scatter3A_1400 = tpu.memref_squeeze %scatter3A_1399 : memref<1x1x64x133xf32, #tpu.memory_space<vmem>> -> memref<64x133xf32, #tpu.memory_space<vmem>>
        tpu.vector_store_idx %scatter3A_1400[%add3A_7, %add3A_1382], %get3A_1396 : memref<64x133xf32, #tpu.memory_space<vmem>>[vector<16xi32>, vector<16xi32>], vector<16xf32>,
        %get3A_1401 = arith.constant 0 : i32
        %get3A_1402 = arith.index_cast %get3A_1401 : i32 to index
        %get3A_1403 = arith.index_cast %add3A_1380 : i32 to index
        %get3A_1404 = arith.constant 32 : index
        %get3A_1405 = tpu.vector_load %arg7[%get3A_1402, %get3A_1403, %get3A_1404] {strides = array<i32>} : memref<2x128x64xf32, #tpu.memory_space<vmem>>, vector<16xf32>,
        %scatter3A_1406 = arith.constant 0 : i32
        %scatter3A_1407 = arith.constant 0 : i32
        %scatter3A_1408 = tpu.memref_slice %arg8[%scan3A_419, %scan3A_420, %scatter3A_1406, %scatter3A_1407] : memref<2x1x64x133xf32, #tpu.memory_space<vmem>> -> memref<1x1x64x133xf32, #tpu.memory_space<vmem>>
        %scatter3A_1409 = tpu.memref_squeeze %scatter3A_1408 : memref<1x1x64x133xf32, #tpu.memory_space<vmem>> -> memref<64x133xf32, #tpu.memory_space<vmem>>
        tpu.vector_store_idx %scatter3A_1409[%add3A_10, %add3A_1382], %get3A_1405 : memref<64x133xf32, #tpu.memory_space<vmem>>[vector<16xi32>, vector<16xi32>], vector<16xf32>,
        %get3A_1410 = arith.constant 0 : i32
        %get3A_1411 = arith.index_cast %get3A_1410 : i32 to index
        %get3A_1412 = arith.index_cast %add3A_1380 : i32 to index
        %get3A_1413 = arith.constant 48 : index
        %get3A_1414 = tpu.vector_load %arg7[%get3A_1411, %get3A_1412, %get3A_1413] {strides = array<i32>} : memref<2x128x64xf32, #tpu.memory_space<vmem>>, vector<16xf32>,
        %scatter3A_1415 = arith.constant 0 : i32
        %scatter3A_1416 = arith.constant 0 : i32
        %scatter3A_1417 = tpu.memref_slice %arg8[%scan3A_419, %scan3A_420, %scatter3A_1415, %scatter3A_1416] : memref<2x1x64x133xf32, #tpu.memory_space<vmem>> -> memref<1x1x64x133xf32, #tpu.memory_space<vmem>>
        %scatter3A_1418 = tpu.memref_squeeze %scatter3A_1417 : memref<1x1x64x133xf32, #tpu.memory_space<vmem>> -> memref<64x133xf32, #tpu.memory_space<vmem>>
        tpu.vector_store_idx %scatter3A_1418[%add3A_13, %add3A_1382], %get3A_1414 : memref<64x133xf32, #tpu.memory_space<vmem>>[vector<16xi32>, vector<16xi32>], vector<16xf32>,
        %scan3A_1419 = arith.constant 15 : i32
        %scan3A_1420 = arith.addi %scan3A_762, %scan3A_1419 : i32
        %mul3A_1421 = arith.constant 1 : i32
        %mul3A_1422 = arith.muli %scan3A_1420, %mul3A_1421 : i32
        %add3A_1423 = arith.constant 0 : i32
        %add3A_1424 = arith.addi %add3A_1423, %mul3A_1422 : i32
        %add3A_1425 = vector.broadcast %add3A_1424 : i32 to vector<16xi32>
        %add3A_1426 = arith.addi %broadcast_in_dim3A_1, %add3A_1425 : vector<16xi32>
        %get3A_1427 = arith.constant 0 : i32
        %get3A_1428 = arith.index_cast %get3A_1427 : i32 to index
        %get3A_1429 = arith.index_cast %add3A_1424 : i32 to index
        %get3A_1430 = arith.constant 0 : index
        %get3A_1431 = tpu.vector_load %arg7[%get3A_1428, %get3A_1429, %get3A_1430] {strides = array<i32>} : memref<2x128x64xf32, #tpu.memory_space<vmem>>, vector<16xf32>,
        %scatter3A_1432 = arith.constant 0 : i32
        %scatter3A_1433 = arith.constant 0 : i32
        %scatter3A_1434 = tpu.memref_slice %arg8[%scan3A_419, %scan3A_420, %scatter3A_1432, %scatter3A_1433] : memref<2x1x64x133xf32, #tpu.memory_space<vmem>> -> memref<1x1x64x133xf32, #tpu.memory_space<vmem>>
        %scatter3A_1435 = tpu.memref_squeeze %scatter3A_1434 : memref<1x1x64x133xf32, #tpu.memory_space<vmem>> -> memref<64x133xf32, #tpu.memory_space<vmem>>
        tpu.vector_store_idx %scatter3A_1435[%add3A_4, %add3A_1426], %get3A_1431 : memref<64x133xf32, #tpu.memory_space<vmem>>[vector<16xi32>, vector<16xi32>], vector<16xf32>,
        %get3A_1436 = arith.constant 0 : i32
        %get3A_1437 = arith.index_cast %get3A_1436 : i32 to index
        %get3A_1438 = arith.index_cast %add3A_1424 : i32 to index
        %get3A_1439 = arith.constant 16 : index
        %get3A_1440 = tpu.vector_load %arg7[%get3A_1437, %get3A_1438, %get3A_1439] {strides = array<i32>} : memref<2x128x64xf32, #tpu.memory_space<vmem>>, vector<16xf32>,
        %scatter3A_1441 = arith.constant 0 : i32
        %scatter3A_1442 = arith.constant 0 : i32
        %scatter3A_1443 = tpu.memref_slice %arg8[%scan3A_419, %scan3A_420, %scatter3A_1441, %scatter3A_1442] : memref<2x1x64x133xf32, #tpu.memory_space<vmem>> -> memref<1x1x64x133xf32, #tpu.memory_space<vmem>>
        %scatter3A_1444 = tpu.memref_squeeze %scatter3A_1443 : memref<1x1x64x133xf32, #tpu.memory_space<vmem>> -> memref<64x133xf32, #tpu.memory_space<vmem>>
        tpu.vector_store_idx %scatter3A_1444[%add3A_7, %add3A_1426], %get3A_1440 : memref<64x133xf32, #tpu.memory_space<vmem>>[vector<16xi32>, vector<16xi32>], vector<16xf32>,
        %get3A_1445 = arith.constant 0 : i32
        %get3A_1446 = arith.index_cast %get3A_1445 : i32 to index
        %get3A_1447 = arith.index_cast %add3A_1424 : i32 to index
        %get3A_1448 = arith.constant 32 : index
        %get3A_1449 = tpu.vector_load %arg7[%get3A_1446, %get3A_1447, %get3A_1448] {strides = array<i32>} : memref<2x128x64xf32, #tpu.memory_space<vmem>>, vector<16xf32>,
        %scatter3A_1450 = arith.constant 0 : i32
        %scatter3A_1451 = arith.constant 0 : i32
        %scatter3A_1452 = tpu.memref_slice %arg8[%scan3A_419, %scan3A_420, %scatter3A_1450, %scatter3A_1451] : memref<2x1x64x133xf32, #tpu.memory_space<vmem>> -> memref<1x1x64x133xf32, #tpu.memory_space<vmem>>
        %scatter3A_1453 = tpu.memref_squeeze %scatter3A_1452 : memref<1x1x64x133xf32, #tpu.memory_space<vmem>> -> memref<64x133xf32, #tpu.memory_space<vmem>>
        tpu.vector_store_idx %scatter3A_1453[%add3A_10, %add3A_1426], %get3A_1449 : memref<64x133xf32, #tpu.memory_space<vmem>>[vector<16xi32>, vector<16xi32>], vector<16xf32>,
        %get3A_1454 = arith.constant 0 : i32
        %get3A_1455 = arith.index_cast %get3A_1454 : i32 to index
        %get3A_1456 = arith.index_cast %add3A_1424 : i32 to index
        %get3A_1457 = arith.constant 48 : index
        %get3A_1458 = tpu.vector_load %arg7[%get3A_1455, %get3A_1456, %get3A_1457] {strides = array<i32>} : memref<2x128x64xf32, #tpu.memory_space<vmem>>, vector<16xf32>,
        %scatter3A_1459 = arith.constant 0 : i32
        %scatter3A_1460 = arith.constant 0 : i32
        %scatter3A_1461 = tpu.memref_slice %arg8[%scan3A_419, %scan3A_420, %scatter3A_1459, %scatter3A_1460] : memref<2x1x64x133xf32, #tpu.memory_space<vmem>> -> memref<1x1x64x133xf32, #tpu.memory_space<vmem>>
        %scatter3A_1462 = tpu.memref_squeeze %scatter3A_1461 : memref<1x1x64x133xf32, #tpu.memory_space<vmem>> -> memref<64x133xf32, #tpu.memory_space<vmem>>
        tpu.vector_store_idx %scatter3A_1462[%add3A_13, %add3A_1426], %get3A_1458 : memref<64x133xf32, #tpu.memory_space<vmem>>[vector<16xi32>, vector<16xi32>], vector<16xf32>,
      }
      %scan3A_425 = arith.constant 128 : i32
      %mul3A_426 = arith.constant 8 : i32
      %mul3A_427 = arith.muli %add3A, %mul3A_426 : i32
      %add3A_428 = arith.constant 0 : i32
      %add3A_429 = arith.addi %add3A_428, %mul3A_427 : i32
      %dma_start3A_430 = arith.constant 0 : i32
      %dma_start3A_431 = arith.constant 0 : i32
      %dma_start3A_432 = arith.constant 0 : i32
      %dma_start3A_433 = arith.constant 0 : i32
      %dma_start3A_434 = tpu.memref_slice %arg8[%dma_start3A_430, %dma_start3A_431, %dma_start3A_432, %dma_start3A_433] : memref<2x1x64x133xf32, #tpu.memory_space<vmem>> -> memref<1x1x8x128xf32, #tpu.memory_space<vmem>>
      %dma_start3A_435 = tpu.memref_squeeze %dma_start3A_434 : memref<1x1x8x128xf32, #tpu.memory_space<vmem>> -> memref<1x8x128xf32, #tpu.memory_space<vmem>>
      %dma_start3A_436 = arith.constant 0 : i32
      %dma_start3A_437 = tpu.memref_slice %arg4[%add3A_399, %add3A_429, %dma_start3A_436] : memref<200x2048x128xf32, #tpu.memory_space<hbm>> -> memref<1x8x128xf32, #tpu.memory_space<hbm>>
      %dma_start3A_438 = arith.constant 0 : i32
      %dma_start3A_439 = tpu.memref_slice %arg4[%add3A_399, %add3A_429, %dma_start3A_438] : memref<200x2048x128xf32, #tpu.memory_space<hbm>> -> memref<1x8x128xf32, #tpu.memory_space<hbm>>
      %dma_start3A_440 = arith.constant 0 : i32
      %dma_start3A_441 = arith.constant 0 : i32
      %dma_start3A_442 = arith.constant 0 : i32
      %dma_start3A_443 = tpu.memref_slice %arg8[%dma_start3A_430, %dma_start3A_440, %dma_start3A_441, %dma_start3A_442] : memref<2x1x64x133xf32, #tpu.memory_space<vmem>> -> memref<1x1x8x128xf32, #tpu.memory_space<vmem>>
      %dma_start3A_444 = tpu.memref_squeeze %dma_start3A_443 : memref<1x1x8x128xf32, #tpu.memory_space<vmem>> -> memref<1x8x128xf32, #tpu.memory_space<vmem>>
      tpu.enqueue_dma source(%dma_start3A_444 : memref<1x8x128xf32, #tpu.memory_space<vmem>>) target(%dma_start3A_439 : memref<1x8x128xf32, #tpu.memory_space<hbm>>) target_semaphore(%arg11 : memref<!tpu.dma_semaphore, #tpu.memory_space<semaphore_mem>>)
      %mul3A_445 = arith.constant 8 : i32
      %mul3A_446 = arith.muli %add3A, %mul3A_445 : i32
      %add3A_447 = arith.constant 256 : i32
      %add3A_448 = arith.addi %add3A_447, %mul3A_446 : i32
      %dma_start3A_449 = arith.constant 0 : i32
      %dma_start3A_450 = arith.constant 0 : i32
      %dma_start3A_451 = arith.constant 8 : i32
      %dma_start3A_452 = arith.constant 0 : i32
      %dma_start3A_453 = tpu.memref_slice %arg8[%dma_start3A_449, %dma_start3A_450, %dma_start3A_451, %dma_start3A_452] : memref<2x1x64x133xf32, #tpu.memory_space<vmem>> -> memref<1x1x8x128xf32, #tpu.memory_space<vmem>>
      %dma_start3A_454 = tpu.memref_squeeze %dma_start3A_453 : memref<1x1x8x128xf32, #tpu.memory_space<vmem>> -> memref<1x8x128xf32, #tpu.memory_space<vmem>>
      %dma_start3A_455 = arith.constant 0 : i32
      %dma_start3A_456 = tpu.memref_slice %arg4[%add3A_399, %add3A_448, %dma_start3A_455] : memref<200x2048x128xf32, #tpu.memory_space<hbm>> -> memref<1x8x128xf32, #tpu.memory_space<hbm>>
      %dma_start3A_457 = arith.constant 0 : i32
      %dma_start3A_458 = tpu.memref_slice %arg4[%add3A_399, %add3A_448, %dma_start3A_457] : memref<200x2048x128xf32, #tpu.memory_space<hbm>> -> memref<1x8x128xf32, #tpu.memory_space<hbm>>
      %dma_start3A_459 = arith.constant 0 : i32
      %dma_start3A_460 = arith.constant 8 : i32
      %dma_start3A_461 = arith.constant 0 : i32
      %dma_start3A_462 = tpu.memref_slice %arg8[%dma_start3A_449, %dma_start3A_459, %dma_start3A_460, %dma_start3A_461] : memref<2x1x64x133xf32, #tpu.memory_space<vmem>> -> memref<1x1x8x128xf32, #tpu.memory_space<vmem>>
      %dma_start3A_463 = tpu.memref_squeeze %dma_start3A_462 : memref<1x1x8x128xf32, #tpu.memory_space<vmem>> -> memref<1x8x128xf32, #tpu.memory_space<vmem>>
      tpu.enqueue_dma source(%dma_start3A_463 : memref<1x8x128xf32, #tpu.memory_space<vmem>>) target(%dma_start3A_458 : memref<1x8x128xf32, #tpu.memory_space<hbm>>) target_semaphore(%arg11 : memref<!tpu.dma_semaphore, #tpu.memory_space<semaphore_mem>>)
      %mul3A_464 = arith.constant 8 : i32
      %mul3A_465 = arith.muli %add3A, %mul3A_464 : i32
      %add3A_466 = arith.constant 512 : i32
      %add3A_467 = arith.addi %add3A_466, %mul3A_465 : i32
      %dma_start3A_468 = arith.constant 0 : i32
      %dma_start3A_469 = arith.constant 0 : i32
      %dma_start3A_470 = arith.constant 16 : i32
      %dma_start3A_471 = arith.constant 0 : i32
      %dma_start3A_472 = tpu.memref_slice %arg8[%dma_start3A_468, %dma_start3A_469, %dma_start3A_470, %dma_start3A_471] : memref<2x1x64x133xf32, #tpu.memory_space<vmem>> -> memref<1x1x8x128xf32, #tpu.memory_space<vmem>>
      %dma_start3A_473 = tpu.memref_squeeze %dma_start3A_472 : memref<1x1x8x128xf32, #tpu.memory_space<vmem>> -> memref<1x8x128xf32, #tpu.memory_space<vmem>>
      %dma_start3A_474 = arith.constant 0 : i32
      %dma_start3A_475 = tpu.memref_slice %arg4[%add3A_399, %add3A_467, %dma_start3A_474] : memref<200x2048x128xf32, #tpu.memory_space<hbm>> -> memref<1x8x128xf32, #tpu.memory_space<hbm>>
      %dma_start3A_476 = arith.constant 0 : i32
      %dma_start3A_477 = tpu.memref_slice %arg4[%add3A_399, %add3A_467, %dma_start3A_476] : memref<200x2048x128xf32, #tpu.memory_space<hbm>> -> memref<1x8x128xf32, #tpu.memory_space<hbm>>
      %dma_start3A_478 = arith.constant 0 : i32
      %dma_start3A_479 = arith.constant 16 : i32
      %dma_start3A_480 = arith.constant 0 : i32
      %dma_start3A_481 = tpu.memref_slice %arg8[%dma_start3A_468, %dma_start3A_478, %dma_start3A_479, %dma_start3A_480] : memref<2x1x64x133xf32, #tpu.memory_space<vmem>> -> memref<1x1x8x128xf32, #tpu.memory_space<vmem>>
      %dma_start3A_482 = tpu.memref_squeeze %dma_start3A_481 : memref<1x1x8x128xf32, #tpu.memory_space<vmem>> -> memref<1x8x128xf32, #tpu.memory_space<vmem>>
      tpu.enqueue_dma source(%dma_start3A_482 : memref<1x8x128xf32, #tpu.memory_space<vmem>>) target(%dma_start3A_477 : memref<1x8x128xf32, #tpu.memory_space<hbm>>) target_semaphore(%arg11 : memref<!tpu.dma_semaphore, #tpu.memory_space<semaphore_mem>>)
      %mul3A_483 = arith.constant 8 : i32
      %mul3A_484 = arith.muli %add3A, %mul3A_483 : i32
      %add3A_485 = arith.constant 768 : i32
      %add3A_486 = arith.addi %add3A_485, %mul3A_484 : i32
      %dma_start3A_487 = arith.constant 0 : i32
      %dma_start3A_488 = arith.constant 0 : i32
      %dma_start3A_489 = arith.constant 24 : i32
      %dma_start3A_490 = arith.constant 0 : i32
      %dma_start3A_491 = tpu.memref_slice %arg8[%dma_start3A_487, %dma_start3A_488, %dma_start3A_489, %dma_start3A_490] : memref<2x1x64x133xf32, #tpu.memory_space<vmem>> -> memref<1x1x8x128xf32, #tpu.memory_space<vmem>>
      %dma_start3A_492 = tpu.memref_squeeze %dma_start3A_491 : memref<1x1x8x128xf32, #tpu.memory_space<vmem>> -> memref<1x8x128xf32, #tpu.memory_space<vmem>>
      %dma_start3A_493 = arith.constant 0 : i32
      %dma_start3A_494 = tpu.memref_slice %arg4[%add3A_399, %add3A_486, %dma_start3A_493] : memref<200x2048x128xf32, #tpu.memory_space<hbm>> -> memref<1x8x128xf32, #tpu.memory_space<hbm>>
      %dma_start3A_495 = arith.constant 0 : i32
      %dma_start3A_496 = tpu.memref_slice %arg4[%add3A_399, %add3A_486, %dma_start3A_495] : memref<200x2048x128xf32, #tpu.memory_space<hbm>> -> memref<1x8x128xf32, #tpu.memory_space<hbm>>
      %dma_start3A_497 = arith.constant 0 : i32
      %dma_start3A_498 = arith.constant 24 : i32
      %dma_start3A_499 = arith.constant 0 : i32
      %dma_start3A_500 = tpu.memref_slice %arg8[%dma_start3A_487, %dma_start3A_497, %dma_start3A_498, %dma_start3A_499] : memref<2x1x64x133xf32, #tpu.memory_space<vmem>> -> memref<1x1x8x128xf32, #tpu.memory_space<vmem>>
      %dma_start3A_501 = tpu.memref_squeeze %dma_start3A_500 : memref<1x1x8x128xf32, #tpu.memory_space<vmem>> -> memref<1x8x128xf32, #tpu.memory_space<vmem>>
      tpu.enqueue_dma source(%dma_start3A_501 : memref<1x8x128xf32, #tpu.memory_space<vmem>>) target(%dma_start3A_496 : memref<1x8x128xf32, #tpu.memory_space<hbm>>) target_semaphore(%arg11 : memref<!tpu.dma_semaphore, #tpu.memory_space<semaphore_mem>>)
      %mul3A_502 = arith.constant 8 : i32
      %mul3A_503 = arith.muli %add3A, %mul3A_502 : i32
      %add3A_504 = arith.constant 1024 : i32
      %add3A_505 = arith.addi %add3A_504, %mul3A_503 : i32
      %dma_start3A_506 = arith.constant 0 : i32
      %dma_start3A_507 = arith.constant 0 : i32
      %dma_start3A_508 = arith.constant 32 : i32
      %dma_start3A_509 = arith.constant 0 : i32
      %dma_start3A_510 = tpu.memref_slice %arg8[%dma_start3A_506, %dma_start3A_507, %dma_start3A_508, %dma_start3A_509] : memref<2x1x64x133xf32, #tpu.memory_space<vmem>> -> memref<1x1x8x128xf32, #tpu.memory_space<vmem>>
      %dma_start3A_511 = tpu.memref_squeeze %dma_start3A_510 : memref<1x1x8x128xf32, #tpu.memory_space<vmem>> -> memref<1x8x128xf32, #tpu.memory_space<vmem>>
      %dma_start3A_512 = arith.constant 0 : i32
      %dma_start3A_513 = tpu.memref_slice %arg4[%add3A_399, %add3A_505, %dma_start3A_512] : memref<200x2048x128xf32, #tpu.memory_space<hbm>> -> memref<1x8x128xf32, #tpu.memory_space<hbm>>
      %dma_start3A_514 = arith.constant 0 : i32
      %dma_start3A_515 = tpu.memref_slice %arg4[%add3A_399, %add3A_505, %dma_start3A_514] : memref<200x2048x128xf32, #tpu.memory_space<hbm>> -> memref<1x8x128xf32, #tpu.memory_space<hbm>>
      %dma_start3A_516 = arith.constant 0 : i32
      %dma_start3A_517 = arith.constant 32 : i32
      %dma_start3A_518 = arith.constant 0 : i32
      %dma_start3A_519 = tpu.memref_slice %arg8[%dma_start3A_506, %dma_start3A_516, %dma_start3A_517, %dma_start3A_518] : memref<2x1x64x133xf32, #tpu.memory_space<vmem>> -> memref<1x1x8x128xf32, #tpu.memory_space<vmem>>
      %dma_start3A_520 = tpu.memref_squeeze %dma_start3A_519 : memref<1x1x8x128xf32, #tpu.memory_space<vmem>> -> memref<1x8x128xf32, #tpu.memory_space<vmem>>
      tpu.enqueue_dma source(%dma_start3A_520 : memref<1x8x128xf32, #tpu.memory_space<vmem>>) target(%dma_start3A_515 : memref<1x8x128xf32, #tpu.memory_space<hbm>>) target_semaphore(%arg11 : memref<!tpu.dma_semaphore, #tpu.memory_space<semaphore_mem>>)
      %mul3A_521 = arith.constant 8 : i32
      %mul3A_522 = arith.muli %add3A, %mul3A_521 : i32
      %add3A_523 = arith.constant 1280 : i32
      %add3A_524 = arith.addi %add3A_523, %mul3A_522 : i32
      %dma_start3A_525 = arith.constant 0 : i32
      %dma_start3A_526 = arith.constant 0 : i32
      %dma_start3A_527 = arith.constant 40 : i32
      %dma_start3A_528 = arith.constant 0 : i32
      %dma_start3A_529 = tpu.memref_slice %arg8[%dma_start3A_525, %dma_start3A_526, %dma_start3A_527, %dma_start3A_528] : memref<2x1x64x133xf32, #tpu.memory_space<vmem>> -> memref<1x1x8x128xf32, #tpu.memory_space<vmem>>
      %dma_start3A_530 = tpu.memref_squeeze %dma_start3A_529 : memref<1x1x8x128xf32, #tpu.memory_space<vmem>> -> memref<1x8x128xf32, #tpu.memory_space<vmem>>
      %dma_start3A_531 = arith.constant 0 : i32
      %dma_start3A_532 = tpu.memref_slice %arg4[%add3A_399, %add3A_524, %dma_start3A_531] : memref<200x2048x128xf32, #tpu.memory_space<hbm>> -> memref<1x8x128xf32, #tpu.memory_space<hbm>>
      %dma_start3A_533 = arith.constant 0 : i32
      %dma_start3A_534 = tpu.memref_slice %arg4[%add3A_399, %add3A_524, %dma_start3A_533] : memref<200x2048x128xf32, #tpu.memory_space<hbm>> -> memref<1x8x128xf32, #tpu.memory_space<hbm>>
      %dma_start3A_535 = arith.constant 0 : i32
      %dma_start3A_536 = arith.constant 40 : i32
      %dma_start3A_537 = arith.constant 0 : i32
      %dma_start3A_538 = tpu.memref_slice %arg8[%dma_start3A_525, %dma_start3A_535, %dma_start3A_536, %dma_start3A_537] : memref<2x1x64x133xf32, #tpu.memory_space<vmem>> -> memref<1x1x8x128xf32, #tpu.memory_space<vmem>>
      %dma_start3A_539 = tpu.memref_squeeze %dma_start3A_538 : memref<1x1x8x128xf32, #tpu.memory_space<vmem>> -> memref<1x8x128xf32, #tpu.memory_space<vmem>>
      tpu.enqueue_dma source(%dma_start3A_539 : memref<1x8x128xf32, #tpu.memory_space<vmem>>) target(%dma_start3A_534 : memref<1x8x128xf32, #tpu.memory_space<hbm>>) target_semaphore(%arg11 : memref<!tpu.dma_semaphore, #tpu.memory_space<semaphore_mem>>)
      %mul3A_540 = arith.constant 8 : i32
      %mul3A_541 = arith.muli %add3A, %mul3A_540 : i32
      %add3A_542 = arith.constant 1536 : i32
      %add3A_543 = arith.addi %add3A_542, %mul3A_541 : i32
      %dma_start3A_544 = arith.constant 0 : i32
      %dma_start3A_545 = arith.constant 0 : i32
      %dma_start3A_546 = arith.constant 48 : i32
      %dma_start3A_547 = arith.constant 0 : i32
      %dma_start3A_548 = tpu.memref_slice %arg8[%dma_start3A_544, %dma_start3A_545, %dma_start3A_546, %dma_start3A_547] : memref<2x1x64x133xf32, #tpu.memory_space<vmem>> -> memref<1x1x8x128xf32, #tpu.memory_space<vmem>>
      %dma_start3A_549 = tpu.memref_squeeze %dma_start3A_548 : memref<1x1x8x128xf32, #tpu.memory_space<vmem>> -> memref<1x8x128xf32, #tpu.memory_space<vmem>>
      %dma_start3A_550 = arith.constant 0 : i32
      %dma_start3A_551 = tpu.memref_slice %arg4[%add3A_399, %add3A_543, %dma_start3A_550] : memref<200x2048x128xf32, #tpu.memory_space<hbm>> -> memref<1x8x128xf32, #tpu.memory_space<hbm>>
      %dma_start3A_552 = arith.constant 0 : i32
      %dma_start3A_553 = tpu.memref_slice %arg4[%add3A_399, %add3A_543, %dma_start3A_552] : memref<200x2048x128xf32, #tpu.memory_space<hbm>> -> memref<1x8x128xf32, #tpu.memory_space<hbm>>
      %dma_start3A_554 = arith.constant 0 : i32
      %dma_start3A_555 = arith.constant 48 : i32
      %dma_start3A_556 = arith.constant 0 : i32
      %dma_start3A_557 = tpu.memref_slice %arg8[%dma_start3A_544, %dma_start3A_554, %dma_start3A_555, %dma_start3A_556] : memref<2x1x64x133xf32, #tpu.memory_space<vmem>> -> memref<1x1x8x128xf32, #tpu.memory_space<vmem>>
      %dma_start3A_558 = tpu.memref_squeeze %dma_start3A_557 : memref<1x1x8x128xf32, #tpu.memory_space<vmem>> -> memref<1x8x128xf32, #tpu.memory_space<vmem>>
      tpu.enqueue_dma source(%dma_start3A_558 : memref<1x8x128xf32, #tpu.memory_space<vmem>>) target(%dma_start3A_553 : memref<1x8x128xf32, #tpu.memory_space<hbm>>) target_semaphore(%arg11 : memref<!tpu.dma_semaphore, #tpu.memory_space<semaphore_mem>>)
      %mul3A_559 = arith.constant 8 : i32
      %mul3A_560 = arith.muli %add3A, %mul3A_559 : i32
      %add3A_561 = arith.constant 1792 : i32
      %add3A_562 = arith.addi %add3A_561, %mul3A_560 : i32
      %dma_start3A_563 = arith.constant 0 : i32
      %dma_start3A_564 = arith.constant 0 : i32
      %dma_start3A_565 = arith.constant 56 : i32
      %dma_start3A_566 = arith.constant 0 : i32
      %dma_start3A_567 = tpu.memref_slice %arg8[%dma_start3A_563, %dma_start3A_564, %dma_start3A_565, %dma_start3A_566] : memref<2x1x64x133xf32, #tpu.memory_space<vmem>> -> memref<1x1x8x128xf32, #tpu.memory_space<vmem>>
      %dma_start3A_568 = tpu.memref_squeeze %dma_start3A_567 : memref<1x1x8x128xf32, #tpu.memory_space<vmem>> -> memref<1x8x128xf32, #tpu.memory_space<vmem>>
      %dma_start3A_569 = arith.constant 0 : i32
      %dma_start3A_570 = tpu.memref_slice %arg4[%add3A_399, %add3A_562, %dma_start3A_569] : memref<200x2048x128xf32, #tpu.memory_space<hbm>> -> memref<1x8x128xf32, #tpu.memory_space<hbm>>
      %dma_start3A_571 = arith.constant 0 : i32
      %dma_start3A_572 = tpu.memref_slice %arg4[%add3A_399, %add3A_562, %dma_start3A_571] : memref<200x2048x128xf32, #tpu.memory_space<hbm>> -> memref<1x8x128xf32, #tpu.memory_space<hbm>>
      %dma_start3A_573 = arith.constant 0 : i32
      %dma_start3A_574 = arith.constant 56 : i32
      %dma_start3A_575 = arith.constant 0 : i32
      %dma_start3A_576 = tpu.memref_slice %arg8[%dma_start3A_563, %dma_start3A_573, %dma_start3A_574, %dma_start3A_575] : memref<2x1x64x133xf32, #tpu.memory_space<vmem>> -> memref<1x1x8x128xf32, #tpu.memory_space<vmem>>
      %dma_start3A_577 = tpu.memref_squeeze %dma_start3A_576 : memref<1x1x8x128xf32, #tpu.memory_space<vmem>> -> memref<1x8x128xf32, #tpu.memory_space<vmem>>
      tpu.enqueue_dma source(%dma_start3A_577 : memref<1x8x128xf32, #tpu.memory_space<vmem>>) target(%dma_start3A_572 : memref<1x8x128xf32, #tpu.memory_space<hbm>>) target_semaphore(%arg11 : memref<!tpu.dma_semaphore, #tpu.memory_space<semaphore_mem>>)
      %add3A_578 = arith.constant 1 : i32
      %add3A_579 = arith.addi %add3A_397, %add3A_578 : i32
      %add3A_580 = arith.constant 1 : i32
      %add3A_581 = arith.addi %add3A_579, %add3A_580 : i32
      %lt3A_582 = arith.constant 200 : i32
      %lt3A_583 = arith.cmpi slt, %add3A_581, %lt3A_582 : i32
      %convert_element_type3A_584 = arith.extui %lt3A_583 : i1 to i32
      %cond3A_585 = arith.constant 0 : i32
      %cond3A_586 = arith.cmpi ne, %convert_element_type3A_584, %cond3A_585 : i32
      scf.if %cond3A_586 {
        %add3A_762 = arith.constant 1 : i32
        %add3A_763 = arith.addi %add3A_579, %add3A_762 : i32
        %dma_start3A_764 = arith.constant 0 : i32
        %dma_start3A_765 = arith.constant 0 : i32
        %dma_start3A_766 = arith.constant 0 : i32
        %dma_start3A_767 = tpu.memref_slice %arg7[%dma_start3A_764, %dma_start3A_765, %dma_start3A_766] : memref<2x128x64xf32, #tpu.memory_space<vmem>> -> memref<1x128x64xf32, #tpu.memory_space<vmem>>
        %dma_start3A_768 = tpu.memref_squeeze %dma_start3A_767 : memref<1x128x64xf32, #tpu.memory_space<vmem>> -> memref<128x64xf32, #tpu.memory_space<vmem>>
        %dma_start3A_769 = arith.constant 0 : i32
        %dma_start3A_770 = tpu.memref_slice %arg6[%add3A_763, %dma_start3A_769] : memref<200x128xi32, #tpu.memory_space<vmem>> -> memref<1x128xi32, #tpu.memory_space<vmem>>
        %dma_start3A_771 = tpu.memref_squeeze %dma_start3A_770 : memref<1x128xi32, #tpu.memory_space<vmem>> -> memref<128xi32, #tpu.memory_space<vmem>>
        %dma_start3A_772 = arith.constant 0 : i32
        %dma_start3A_773 = arith.constant 0 : i32
        %dma_start3A_774 = tpu.memref_slice %arg3[%dma_start3A_772, %dma_start3A_773] : memref<1000000x64xf32, #tpu.memory_space<hbm>> -> memref<1000000x64xf32, #tpu.memory_space<hbm>>
        tpu.enqueue_indirect_dma source(%dma_start3A_774 : memref<1000000x64xf32, #tpu.memory_space<hbm>>) target(%dma_start3A_768 : memref<128x64xf32, #tpu.memory_space<vmem>>) offsets(%dma_start3A_771 : memref<128xi32, #tpu.memory_space<vmem>>) semaphore(%arg9 : memref<!tpu.dma_semaphore, #tpu.memory_space<semaphore_mem>>)
      } else {
      }
      %dma_wait3A_587 = arith.constant 1 : i32
      %dma_wait3A_588 = arith.constant 0 : i32
      %dma_wait3A_589 = arith.constant 0 : i32
      %dma_wait3A_590 = tpu.memref_slice %arg7[%dma_wait3A_587, %dma_wait3A_588, %dma_wait3A_589] : memref<2x128x64xf32, #tpu.memory_space<vmem>> -> memref<1x128x64xf32, #tpu.memory_space<vmem>>
      %dma_wait3A_591 = tpu.memref_squeeze %dma_wait3A_590 : memref<1x128x64xf32, #tpu.memory_space<vmem>> -> memref<128x64xf32, #tpu.memory_space<vmem>>
      %dma_wait3A_592 = arith.constant 0 : i32
      %dma_wait3A_593 = tpu.memref_slice %arg6[%add3A_579, %dma_wait3A_592] : memref<200x128xi32, #tpu.memory_space<vmem>> -> memref<1x128xi32, #tpu.memory_space<vmem>>
      %dma_wait3A_594 = tpu.memref_squeeze %dma_wait3A_593 : memref<1x128xi32, #tpu.memory_space<vmem>> -> memref<128xi32, #tpu.memory_space<vmem>>
      %dma_wait3A_595 = arith.constant 0 : i32
      %dma_wait3A_596 = arith.constant 0 : i32
      %dma_wait3A_597 = tpu.memref_slice %arg3[%dma_wait3A_595, %dma_wait3A_596] : memref<1000000x64xf32, #tpu.memory_space<hbm>> -> memref<1000000x64xf32, #tpu.memory_space<hbm>>
      tpu.wait_indirect_dma semaphore(%arg10 : memref<!tpu.dma_semaphore, #tpu.memory_space<semaphore_mem>>) src(%dma_wait3A_597 : memref<1000000x64xf32, #tpu.memory_space<hbm>>) dst(%dma_wait3A_591 : memref<128x64xf32, #tpu.memory_space<vmem>>)
      %gt3A_598 = arith.constant 0 : i32
      %gt3A_599 = arith.cmpi sgt, %add3A_397, %gt3A_598 : i32
      %convert_element_type3A_600 = arith.extui %gt3A_599 : i1 to i32
      %cond3A_601 = arith.constant 0 : i32
      %cond3A_602 = arith.cmpi ne, %convert_element_type3A_600, %cond3A_601 : i32
      scf.if %cond3A_602 {
        %mul3A_762 = arith.constant 8 : i32
        %mul3A_763 = arith.muli %add3A, %mul3A_762 : i32
        %add3A_764 = arith.constant 0 : i32
        %add3A_765 = arith.addi %add3A_764, %mul3A_763 : i32
        %dma_wait3A_766 = arith.constant 1 : i32
        %dma_wait3A_767 = arith.constant 0 : i32
        %dma_wait3A_768 = arith.constant 0 : i32
        %dma_wait3A_769 = arith.constant 0 : i32
        %dma_wait3A_770 = tpu.memref_slice %arg8[%dma_wait3A_766, %dma_wait3A_767, %dma_wait3A_768, %dma_wait3A_769] : memref<2x1x64x133xf32, #tpu.memory_space<vmem>> -> memref<1x1x8x128xf32, #tpu.memory_space<vmem>>
        %dma_wait3A_771 = tpu.memref_squeeze %dma_wait3A_770 : memref<1x1x8x128xf32, #tpu.memory_space<vmem>> -> memref<1x8x128xf32, #tpu.memory_space<vmem>>
        %dma_wait3A_772 = arith.constant 0 : i32
        %dma_wait3A_773 = tpu.memref_slice %arg4[%add3A_579, %add3A_765, %dma_wait3A_772] : memref<200x2048x128xf32, #tpu.memory_space<hbm>> -> memref<1x8x128xf32, #tpu.memory_space<hbm>>
        %dma_wait3A_774 = arith.constant 0 : i32
        %dma_wait3A_775 = tpu.memref_slice %arg4[%add3A_579, %add3A_765, %dma_wait3A_774] : memref<200x2048x128xf32, #tpu.memory_space<hbm>> -> memref<1x8x128xf32, #tpu.memory_space<hbm>>
        %dma_wait3A_776 = arith.constant 0 : i32
        %dma_wait3A_777 = arith.constant 0 : i32
        %dma_wait3A_778 = arith.constant 0 : i32
        %dma_wait3A_779 = tpu.memref_slice %arg8[%dma_wait3A_766, %dma_wait3A_776, %dma_wait3A_777, %dma_wait3A_778] : memref<2x1x64x133xf32, #tpu.memory_space<vmem>> -> memref<1x1x8x128xf32, #tpu.memory_space<vmem>>
        %dma_wait3A_780 = tpu.memref_squeeze %dma_wait3A_779 : memref<1x1x8x128xf32, #tpu.memory_space<vmem>> -> memref<1x8x128xf32, #tpu.memory_space<vmem>>
        tpu.wait_dma2 semaphore(%arg12 : memref<!tpu.dma_semaphore, #tpu.memory_space<semaphore_mem>>) src(%dma_wait3A_780 : memref<1x8x128xf32, #tpu.memory_space<vmem>>) dst(%dma_wait3A_775 : memref<1x8x128xf32, #tpu.memory_space<hbm>>)
        %mul3A_781 = arith.constant 8 : i32
        %mul3A_782 = arith.muli %add3A, %mul3A_781 : i32
        %add3A_783 = arith.constant 256 : i32
        %add3A_784 = arith.addi %add3A_783, %mul3A_782 : i32
        %dma_wait3A_785 = arith.constant 1 : i32
        %dma_wait3A_786 = arith.constant 0 : i32
        %dma_wait3A_787 = arith.constant 8 : i32
        %dma_wait3A_788 = arith.constant 0 : i32
        %dma_wait3A_789 = tpu.memref_slice %arg8[%dma_wait3A_785, %dma_wait3A_786, %dma_wait3A_787, %dma_wait3A_788] : memref<2x1x64x133xf32, #tpu.memory_space<vmem>> -> memref<1x1x8x128xf32, #tpu.memory_space<vmem>>
        %dma_wait3A_790 = tpu.memref_squeeze %dma_wait3A_789 : memref<1x1x8x128xf32, #tpu.memory_space<vmem>> -> memref<1x8x128xf32, #tpu.memory_space<vmem>>
        %dma_wait3A_791 = arith.constant 0 : i32
        %dma_wait3A_792 = tpu.memref_slice %arg4[%add3A_579, %add3A_784, %dma_wait3A_791] : memref<200x2048x128xf32, #tpu.memory_space<hbm>> -> memref<1x8x128xf32, #tpu.memory_space<hbm>>
        %dma_wait3A_793 = arith.constant 0 : i32
        %dma_wait3A_794 = tpu.memref_slice %arg4[%add3A_579, %add3A_784, %dma_wait3A_793] : memref<200x2048x128xf32, #tpu.memory_space<hbm>> -> memref<1x8x128xf32, #tpu.memory_space<hbm>>
        %dma_wait3A_795 = arith.constant 0 : i32
        %dma_wait3A_796 = arith.constant 8 : i32
        %dma_wait3A_797 = arith.constant 0 : i32
        %dma_wait3A_798 = tpu.memref_slice %arg8[%dma_wait3A_785, %dma_wait3A_795, %dma_wait3A_796, %dma_wait3A_797] : memref<2x1x64x133xf32, #tpu.memory_space<vmem>> -> memref<1x1x8x128xf32, #tpu.memory_space<vmem>>
        %dma_wait3A_799 = tpu.memref_squeeze %dma_wait3A_798 : memref<1x1x8x128xf32, #tpu.memory_space<vmem>> -> memref<1x8x128xf32, #tpu.memory_space<vmem>>
        tpu.wait_dma2 semaphore(%arg12 : memref<!tpu.dma_semaphore, #tpu.memory_space<semaphore_mem>>) src(%dma_wait3A_799 : memref<1x8x128xf32, #tpu.memory_space<vmem>>) dst(%dma_wait3A_794 : memref<1x8x128xf32, #tpu.memory_space<hbm>>)
        %mul3A_800 = arith.constant 8 : i32
        %mul3A_801 = arith.muli %add3A, %mul3A_800 : i32
        %add3A_802 = arith.constant 512 : i32
        %add3A_803 = arith.addi %add3A_802, %mul3A_801 : i32
        %dma_wait3A_804 = arith.constant 1 : i32
        %dma_wait3A_805 = arith.constant 0 : i32
        %dma_wait3A_806 = arith.constant 16 : i32
        %dma_wait3A_807 = arith.constant 0 : i32
        %dma_wait3A_808 = tpu.memref_slice %arg8[%dma_wait3A_804, %dma_wait3A_805, %dma_wait3A_806, %dma_wait3A_807] : memref<2x1x64x133xf32, #tpu.memory_space<vmem>> -> memref<1x1x8x128xf32, #tpu.memory_space<vmem>>
        %dma_wait3A_809 = tpu.memref_squeeze %dma_wait3A_808 : memref<1x1x8x128xf32, #tpu.memory_space<vmem>> -> memref<1x8x128xf32, #tpu.memory_space<vmem>>
        %dma_wait3A_810 = arith.constant 0 : i32
        %dma_wait3A_811 = tpu.memref_slice %arg4[%add3A_579, %add3A_803, %dma_wait3A_810] : memref<200x2048x128xf32, #tpu.memory_space<hbm>> -> memref<1x8x128xf32, #tpu.memory_space<hbm>>
        %dma_wait3A_812 = arith.constant 0 : i32
        %dma_wait3A_813 = tpu.memref_slice %arg4[%add3A_579, %add3A_803, %dma_wait3A_812] : memref<200x2048x128xf32, #tpu.memory_space<hbm>> -> memref<1x8x128xf32, #tpu.memory_space<hbm>>
        %dma_wait3A_814 = arith.constant 0 : i32
        %dma_wait3A_815 = arith.constant 16 : i32
        %dma_wait3A_816 = arith.constant 0 : i32
        %dma_wait3A_817 = tpu.memref_slice %arg8[%dma_wait3A_804, %dma_wait3A_814, %dma_wait3A_815, %dma_wait3A_816] : memref<2x1x64x133xf32, #tpu.memory_space<vmem>> -> memref<1x1x8x128xf32, #tpu.memory_space<vmem>>
        %dma_wait3A_818 = tpu.memref_squeeze %dma_wait3A_817 : memref<1x1x8x128xf32, #tpu.memory_space<vmem>> -> memref<1x8x128xf32, #tpu.memory_space<vmem>>
        tpu.wait_dma2 semaphore(%arg12 : memref<!tpu.dma_semaphore, #tpu.memory_space<semaphore_mem>>) src(%dma_wait3A_818 : memref<1x8x128xf32, #tpu.memory_space<vmem>>) dst(%dma_wait3A_813 : memref<1x8x128xf32, #tpu.memory_space<hbm>>)
        %mul3A_819 = arith.constant 8 : i32
        %mul3A_820 = arith.muli %add3A, %mul3A_819 : i32
        %add3A_821 = arith.constant 768 : i32
        %add3A_822 = arith.addi %add3A_821, %mul3A_820 : i32
        %dma_wait3A_823 = arith.constant 1 : i32
        %dma_wait3A_824 = arith.constant 0 : i32
        %dma_wait3A_825 = arith.constant 24 : i32
        %dma_wait3A_826 = arith.constant 0 : i32
        %dma_wait3A_827 = tpu.memref_slice %arg8[%dma_wait3A_823, %dma_wait3A_824, %dma_wait3A_825, %dma_wait3A_826] : memref<2x1x64x133xf32, #tpu.memory_space<vmem>> -> memref<1x1x8x128xf32, #tpu.memory_space<vmem>>
        %dma_wait3A_828 = tpu.memref_squeeze %dma_wait3A_827 : memref<1x1x8x128xf32, #tpu.memory_space<vmem>> -> memref<1x8x128xf32, #tpu.memory_space<vmem>>
        %dma_wait3A_829 = arith.constant 0 : i32
        %dma_wait3A_830 = tpu.memref_slice %arg4[%add3A_579, %add3A_822, %dma_wait3A_829] : memref<200x2048x128xf32, #tpu.memory_space<hbm>> -> memref<1x8x128xf32, #tpu.memory_space<hbm>>
        %dma_wait3A_831 = arith.constant 0 : i32
        %dma_wait3A_832 = tpu.memref_slice %arg4[%add3A_579, %add3A_822, %dma_wait3A_831] : memref<200x2048x128xf32, #tpu.memory_space<hbm>> -> memref<1x8x128xf32, #tpu.memory_space<hbm>>
        %dma_wait3A_833 = arith.constant 0 : i32
        %dma_wait3A_834 = arith.constant 24 : i32
        %dma_wait3A_835 = arith.constant 0 : i32
        %dma_wait3A_836 = tpu.memref_slice %arg8[%dma_wait3A_823, %dma_wait3A_833, %dma_wait3A_834, %dma_wait3A_835] : memref<2x1x64x133xf32, #tpu.memory_space<vmem>> -> memref<1x1x8x128xf32, #tpu.memory_space<vmem>>
        %dma_wait3A_837 = tpu.memref_squeeze %dma_wait3A_836 : memref<1x1x8x128xf32, #tpu.memory_space<vmem>> -> memref<1x8x128xf32, #tpu.memory_space<vmem>>
        tpu.wait_dma2 semaphore(%arg12 : memref<!tpu.dma_semaphore, #tpu.memory_space<semaphore_mem>>) src(%dma_wait3A_837 : memref<1x8x128xf32, #tpu.memory_space<vmem>>) dst(%dma_wait3A_832 : memref<1x8x128xf32, #tpu.memory_space<hbm>>)
        %mul3A_838 = arith.constant 8 : i32
        %mul3A_839 = arith.muli %add3A, %mul3A_838 : i32
        %add3A_840 = arith.constant 1024 : i32
        %add3A_841 = arith.addi %add3A_840, %mul3A_839 : i32
        %dma_wait3A_842 = arith.constant 1 : i32
        %dma_wait3A_843 = arith.constant 0 : i32
        %dma_wait3A_844 = arith.constant 32 : i32
        %dma_wait3A_845 = arith.constant 0 : i32
        %dma_wait3A_846 = tpu.memref_slice %arg8[%dma_wait3A_842, %dma_wait3A_843, %dma_wait3A_844, %dma_wait3A_845] : memref<2x1x64x133xf32, #tpu.memory_space<vmem>> -> memref<1x1x8x128xf32, #tpu.memory_space<vmem>>
        %dma_wait3A_847 = tpu.memref_squeeze %dma_wait3A_846 : memref<1x1x8x128xf32, #tpu.memory_space<vmem>> -> memref<1x8x128xf32, #tpu.memory_space<vmem>>
        %dma_wait3A_848 = arith.constant 0 : i32
        %dma_wait3A_849 = tpu.memref_slice %arg4[%add3A_579, %add3A_841, %dma_wait3A_848] : memref<200x2048x128xf32, #tpu.memory_space<hbm>> -> memref<1x8x128xf32, #tpu.memory_space<hbm>>
        %dma_wait3A_850 = arith.constant 0 : i32
        %dma_wait3A_851 = tpu.memref_slice %arg4[%add3A_579, %add3A_841, %dma_wait3A_850] : memref<200x2048x128xf32, #tpu.memory_space<hbm>> -> memref<1x8x128xf32, #tpu.memory_space<hbm>>
        %dma_wait3A_852 = arith.constant 0 : i32
        %dma_wait3A_853 = arith.constant 32 : i32
        %dma_wait3A_854 = arith.constant 0 : i32
        %dma_wait3A_855 = tpu.memref_slice %arg8[%dma_wait3A_842, %dma_wait3A_852, %dma_wait3A_853, %dma_wait3A_854] : memref<2x1x64x133xf32, #tpu.memory_space<vmem>> -> memref<1x1x8x128xf32, #tpu.memory_space<vmem>>
        %dma_wait3A_856 = tpu.memref_squeeze %dma_wait3A_855 : memref<1x1x8x128xf32, #tpu.memory_space<vmem>> -> memref<1x8x128xf32, #tpu.memory_space<vmem>>
        tpu.wait_dma2 semaphore(%arg12 : memref<!tpu.dma_semaphore, #tpu.memory_space<semaphore_mem>>) src(%dma_wait3A_856 : memref<1x8x128xf32, #tpu.memory_space<vmem>>) dst(%dma_wait3A_851 : memref<1x8x128xf32, #tpu.memory_space<hbm>>)
        %mul3A_857 = arith.constant 8 : i32
        %mul3A_858 = arith.muli %add3A, %mul3A_857 : i32
        %add3A_859 = arith.constant 1280 : i32
        %add3A_860 = arith.addi %add3A_859, %mul3A_858 : i32
        %dma_wait3A_861 = arith.constant 1 : i32
        %dma_wait3A_862 = arith.constant 0 : i32
        %dma_wait3A_863 = arith.constant 40 : i32
        %dma_wait3A_864 = arith.constant 0 : i32
        %dma_wait3A_865 = tpu.memref_slice %arg8[%dma_wait3A_861, %dma_wait3A_862, %dma_wait3A_863, %dma_wait3A_864] : memref<2x1x64x133xf32, #tpu.memory_space<vmem>> -> memref<1x1x8x128xf32, #tpu.memory_space<vmem>>
        %dma_wait3A_866 = tpu.memref_squeeze %dma_wait3A_865 : memref<1x1x8x128xf32, #tpu.memory_space<vmem>> -> memref<1x8x128xf32, #tpu.memory_space<vmem>>
        %dma_wait3A_867 = arith.constant 0 : i32
        %dma_wait3A_868 = tpu.memref_slice %arg4[%add3A_579, %add3A_860, %dma_wait3A_867] : memref<200x2048x128xf32, #tpu.memory_space<hbm>> -> memref<1x8x128xf32, #tpu.memory_space<hbm>>
        %dma_wait3A_869 = arith.constant 0 : i32
        %dma_wait3A_870 = tpu.memref_slice %arg4[%add3A_579, %add3A_860, %dma_wait3A_869] : memref<200x2048x128xf32, #tpu.memory_space<hbm>> -> memref<1x8x128xf32, #tpu.memory_space<hbm>>
        %dma_wait3A_871 = arith.constant 0 : i32
        %dma_wait3A_872 = arith.constant 40 : i32
        %dma_wait3A_873 = arith.constant 0 : i32
        %dma_wait3A_874 = tpu.memref_slice %arg8[%dma_wait3A_861, %dma_wait3A_871, %dma_wait3A_872, %dma_wait3A_873] : memref<2x1x64x133xf32, #tpu.memory_space<vmem>> -> memref<1x1x8x128xf32, #tpu.memory_space<vmem>>
        %dma_wait3A_875 = tpu.memref_squeeze %dma_wait3A_874 : memref<1x1x8x128xf32, #tpu.memory_space<vmem>> -> memref<1x8x128xf32, #tpu.memory_space<vmem>>
        tpu.wait_dma2 semaphore(%arg12 : memref<!tpu.dma_semaphore, #tpu.memory_space<semaphore_mem>>) src(%dma_wait3A_875 : memref<1x8x128xf32, #tpu.memory_space<vmem>>) dst(%dma_wait3A_870 : memref<1x8x128xf32, #tpu.memory_space<hbm>>)
        %mul3A_876 = arith.constant 8 : i32
        %mul3A_877 = arith.muli %add3A, %mul3A_876 : i32
        %add3A_878 = arith.constant 1536 : i32
        %add3A_879 = arith.addi %add3A_878, %mul3A_877 : i32
        %dma_wait3A_880 = arith.constant 1 : i32
        %dma_wait3A_881 = arith.constant 0 : i32
        %dma_wait3A_882 = arith.constant 48 : i32
        %dma_wait3A_883 = arith.constant 0 : i32
        %dma_wait3A_884 = tpu.memref_slice %arg8[%dma_wait3A_880, %dma_wait3A_881, %dma_wait3A_882, %dma_wait3A_883] : memref<2x1x64x133xf32, #tpu.memory_space<vmem>> -> memref<1x1x8x128xf32, #tpu.memory_space<vmem>>
        %dma_wait3A_885 = tpu.memref_squeeze %dma_wait3A_884 : memref<1x1x8x128xf32, #tpu.memory_space<vmem>> -> memref<1x8x128xf32, #tpu.memory_space<vmem>>
        %dma_wait3A_886 = arith.constant 0 : i32
        %dma_wait3A_887 = tpu.memref_slice %arg4[%add3A_579, %add3A_879, %dma_wait3A_886] : memref<200x2048x128xf32, #tpu.memory_space<hbm>> -> memref<1x8x128xf32, #tpu.memory_space<hbm>>
        %dma_wait3A_888 = arith.constant 0 : i32
        %dma_wait3A_889 = tpu.memref_slice %arg4[%add3A_579, %add3A_879, %dma_wait3A_888] : memref<200x2048x128xf32, #tpu.memory_space<hbm>> -> memref<1x8x128xf32, #tpu.memory_space<hbm>>
        %dma_wait3A_890 = arith.constant 0 : i32
        %dma_wait3A_891 = arith.constant 48 : i32
        %dma_wait3A_892 = arith.constant 0 : i32
        %dma_wait3A_893 = tpu.memref_slice %arg8[%dma_wait3A_880, %dma_wait3A_890, %dma_wait3A_891, %dma_wait3A_892] : memref<2x1x64x133xf32, #tpu.memory_space<vmem>> -> memref<1x1x8x128xf32, #tpu.memory_space<vmem>>
        %dma_wait3A_894 = tpu.memref_squeeze %dma_wait3A_893 : memref<1x1x8x128xf32, #tpu.memory_space<vmem>> -> memref<1x8x128xf32, #tpu.memory_space<vmem>>
        tpu.wait_dma2 semaphore(%arg12 : memref<!tpu.dma_semaphore, #tpu.memory_space<semaphore_mem>>) src(%dma_wait3A_894 : memref<1x8x128xf32, #tpu.memory_space<vmem>>) dst(%dma_wait3A_889 : memref<1x8x128xf32, #tpu.memory_space<hbm>>)
        %mul3A_895 = arith.constant 8 : i32
        %mul3A_896 = arith.muli %add3A, %mul3A_895 : i32
        %add3A_897 = arith.constant 1792 : i32
        %add3A_898 = arith.addi %add3A_897, %mul3A_896 : i32
        %dma_wait3A_899 = arith.constant 1 : i32
        %dma_wait3A_900 = arith.constant 0 : i32
        %dma_wait3A_901 = arith.constant 56 : i32
        %dma_wait3A_902 = arith.constant 0 : i32
        %dma_wait3A_903 = tpu.memref_slice %arg8[%dma_wait3A_899, %dma_wait3A_900, %dma_wait3A_901, %dma_wait3A_902] : memref<2x1x64x133xf32, #tpu.memory_space<vmem>> -> memref<1x1x8x128xf32, #tpu.memory_space<vmem>>
        %dma_wait3A_904 = tpu.memref_squeeze %dma_wait3A_903 : memref<1x1x8x128xf32, #tpu.memory_space<vmem>> -> memref<1x8x128xf32, #tpu.memory_space<vmem>>
        %dma_wait3A_905 = arith.constant 0 : i32
        %dma_wait3A_906 = tpu.memref_slice %arg4[%add3A_579, %add3A_898, %dma_wait3A_905] : memref<200x2048x128xf32, #tpu.memory_space<hbm>> -> memref<1x8x128xf32, #tpu.memory_space<hbm>>
        %dma_wait3A_907 = arith.constant 0 : i32
        %dma_wait3A_908 = tpu.memref_slice %arg4[%add3A_579, %add3A_898, %dma_wait3A_907] : memref<200x2048x128xf32, #tpu.memory_space<hbm>> -> memref<1x8x128xf32, #tpu.memory_space<hbm>>
        %dma_wait3A_909 = arith.constant 0 : i32
        %dma_wait3A_910 = arith.constant 56 : i32
        %dma_wait3A_911 = arith.constant 0 : i32
        %dma_wait3A_912 = tpu.memref_slice %arg8[%dma_wait3A_899, %dma_wait3A_909, %dma_wait3A_910, %dma_wait3A_911] : memref<2x1x64x133xf32, #tpu.memory_space<vmem>> -> memref<1x1x8x128xf32, #tpu.memory_space<vmem>>
        %dma_wait3A_913 = tpu.memref_squeeze %dma_wait3A_912 : memref<1x1x8x128xf32, #tpu.memory_space<vmem>> -> memref<1x8x128xf32, #tpu.memory_space<vmem>>
        tpu.wait_dma2 semaphore(%arg12 : memref<!tpu.dma_semaphore, #tpu.memory_space<semaphore_mem>>) src(%dma_wait3A_913 : memref<1x8x128xf32, #tpu.memory_space<vmem>>) dst(%dma_wait3A_908 : memref<1x8x128xf32, #tpu.memory_space<hbm>>)
      } else {
      }
      %scan3A_603 = arith.constant 1 : i32
      %scan3A_604 = arith.constant 0 : i32
      %scan3A_605 = arith.constant 0 : i32
      %scan3A_606 = arith.constant 128 : i32
      %scan3A_607 = arith.addi %scan3A_605, %scan3A_606 : i32
      %scan3A_608 = arith.constant 16 : i32
      scf.for %scan3A_762 = %scan3A_605 to %scan3A_607 step %scan3A_608  : i32 {
        %mul3A_763 = arith.constant 1 : i32
        %mul3A_764 = arith.muli %scan3A_762, %mul3A_763 : i32
        %add3A_765 = arith.constant 0 : i32
        %add3A_766 = arith.addi %add3A_765, %mul3A_764 : i32
        %add3A_767 = vector.broadcast %add3A_766 : i32 to vector<16xi32>
        %add3A_768 = arith.addi %broadcast_in_dim3A_1, %add3A_767 : vector<16xi32>
        %get3A = arith.constant 1 : i32
        %get3A_769 = arith.index_cast %get3A : i32 to index
        %get3A_770 = arith.index_cast %add3A_766 : i32 to index
        %get3A_771 = arith.constant 0 : index
        %get3A_772 = tpu.vector_load %arg7[%get3A_769, %get3A_770, %get3A_771] {strides = array<i32>} : memref<2x128x64xf32, #tpu.memory_space<vmem>>, vector<16xf32>,
        %scatter3A = arith.constant 0 : i32
        %scatter3A_773 = arith.constant 0 : i32
        %scatter3A_774 = tpu.memref_slice %arg8[%scan3A_603, %scan3A_604, %scatter3A, %scatter3A_773] : memref<2x1x64x133xf32, #tpu.memory_space<vmem>> -> memref<1x1x64x133xf32, #tpu.memory_space<vmem>>
        %scatter3A_775 = tpu.memref_squeeze %scatter3A_774 : memref<1x1x64x133xf32, #tpu.memory_space<vmem>> -> memref<64x133xf32, #tpu.memory_space<vmem>>
        tpu.vector_store_idx %scatter3A_775[%add3A_4, %add3A_768], %get3A_772 : memref<64x133xf32, #tpu.memory_space<vmem>>[vector<16xi32>, vector<16xi32>], vector<16xf32>,
        %get3A_776 = arith.constant 1 : i32
        %get3A_777 = arith.index_cast %get3A_776 : i32 to index
        %get3A_778 = arith.index_cast %add3A_766 : i32 to index
        %get3A_779 = arith.constant 16 : index
        %get3A_780 = tpu.vector_load %arg7[%get3A_777, %get3A_778, %get3A_779] {strides = array<i32>} : memref<2x128x64xf32, #tpu.memory_space<vmem>>, vector<16xf32>,
        %scatter3A_781 = arith.constant 0 : i32
        %scatter3A_782 = arith.constant 0 : i32
        %scatter3A_783 = tpu.memref_slice %arg8[%scan3A_603, %scan3A_604, %scatter3A_781, %scatter3A_782] : memref<2x1x64x133xf32, #tpu.memory_space<vmem>> -> memref<1x1x64x133xf32, #tpu.memory_space<vmem>>
        %scatter3A_784 = tpu.memref_squeeze %scatter3A_783 : memref<1x1x64x133xf32, #tpu.memory_space<vmem>> -> memref<64x133xf32, #tpu.memory_space<vmem>>
        tpu.vector_store_idx %scatter3A_784[%add3A_7, %add3A_768], %get3A_780 : memref<64x133xf32, #tpu.memory_space<vmem>>[vector<16xi32>, vector<16xi32>], vector<16xf32>,
        %get3A_785 = arith.constant 1 : i32
        %get3A_786 = arith.index_cast %get3A_785 : i32 to index
        %get3A_787 = arith.index_cast %add3A_766 : i32 to index
        %get3A_788 = arith.constant 32 : index
        %get3A_789 = tpu.vector_load %arg7[%get3A_786, %get3A_787, %get3A_788] {strides = array<i32>} : memref<2x128x64xf32, #tpu.memory_space<vmem>>, vector<16xf32>,
        %scatter3A_790 = arith.constant 0 : i32
        %scatter3A_791 = arith.constant 0 : i32
        %scatter3A_792 = tpu.memref_slice %arg8[%scan3A_603, %scan3A_604, %scatter3A_790, %scatter3A_791] : memref<2x1x64x133xf32, #tpu.memory_space<vmem>> -> memref<1x1x64x133xf32, #tpu.memory_space<vmem>>
        %scatter3A_793 = tpu.memref_squeeze %scatter3A_792 : memref<1x1x64x133xf32, #tpu.memory_space<vmem>> -> memref<64x133xf32, #tpu.memory_space<vmem>>
        tpu.vector_store_idx %scatter3A_793[%add3A_10, %add3A_768], %get3A_789 : memref<64x133xf32, #tpu.memory_space<vmem>>[vector<16xi32>, vector<16xi32>], vector<16xf32>,
        %get3A_794 = arith.constant 1 : i32
        %get3A_795 = arith.index_cast %get3A_794 : i32 to index
        %get3A_796 = arith.index_cast %add3A_766 : i32 to index
        %get3A_797 = arith.constant 48 : index
        %get3A_798 = tpu.vector_load %arg7[%get3A_795, %get3A_796, %get3A_797] {strides = array<i32>} : memref<2x128x64xf32, #tpu.memory_space<vmem>>, vector<16xf32>,
        %scatter3A_799 = arith.constant 0 : i32
        %scatter3A_800 = arith.constant 0 : i32
        %scatter3A_801 = tpu.memref_slice %arg8[%scan3A_603, %scan3A_604, %scatter3A_799, %scatter3A_800] : memref<2x1x64x133xf32, #tpu.memory_space<vmem>> -> memref<1x1x64x133xf32, #tpu.memory_space<vmem>>
        %scatter3A_802 = tpu.memref_squeeze %scatter3A_801 : memref<1x1x64x133xf32, #tpu.memory_space<vmem>> -> memref<64x133xf32, #tpu.memory_space<vmem>>
        tpu.vector_store_idx %scatter3A_802[%add3A_13, %add3A_768], %get3A_798 : memref<64x133xf32, #tpu.memory_space<vmem>>[vector<16xi32>, vector<16xi32>], vector<16xf32>,
        %scan3A_803 = arith.constant 1 : i32
        %scan3A_804 = arith.addi %scan3A_762, %scan3A_803 : i32
        %mul3A_805 = arith.constant 1 : i32
        %mul3A_806 = arith.muli %scan3A_804, %mul3A_805 : i32
        %add3A_807 = arith.constant 0 : i32
        %add3A_808 = arith.addi %add3A_807, %mul3A_806 : i32
        %add3A_809 = vector.broadcast %add3A_808 : i32 to vector<16xi32>
        %add3A_810 = arith.addi %broadcast_in_dim3A_1, %add3A_809 : vector<16xi32>
        %get3A_811 = arith.constant 1 : i32
        %get3A_812 = arith.index_cast %get3A_811 : i32 to index
        %get3A_813 = arith.index_cast %add3A_808 : i32 to index
        %get3A_814 = arith.constant 0 : index
        %get3A_815 = tpu.vector_load %arg7[%get3A_812, %get3A_813, %get3A_814] {strides = array<i32>} : memref<2x128x64xf32, #tpu.memory_space<vmem>>, vector<16xf32>,
        %scatter3A_816 = arith.constant 0 : i32
        %scatter3A_817 = arith.constant 0 : i32
        %scatter3A_818 = tpu.memref_slice %arg8[%scan3A_603, %scan3A_604, %scatter3A_816, %scatter3A_817] : memref<2x1x64x133xf32, #tpu.memory_space<vmem>> -> memref<1x1x64x133xf32, #tpu.memory_space<vmem>>
        %scatter3A_819 = tpu.memref_squeeze %scatter3A_818 : memref<1x1x64x133xf32, #tpu.memory_space<vmem>> -> memref<64x133xf32, #tpu.memory_space<vmem>>
        tpu.vector_store_idx %scatter3A_819[%add3A_4, %add3A_810], %get3A_815 : memref<64x133xf32, #tpu.memory_space<vmem>>[vector<16xi32>, vector<16xi32>], vector<16xf32>,
        %get3A_820 = arith.constant 1 : i32
        %get3A_821 = arith.index_cast %get3A_820 : i32 to index
        %get3A_822 = arith.index_cast %add3A_808 : i32 to index
        %get3A_823 = arith.constant 16 : index
        %get3A_824 = tpu.vector_load %arg7[%get3A_821, %get3A_822, %get3A_823] {strides = array<i32>} : memref<2x128x64xf32, #tpu.memory_space<vmem>>, vector<16xf32>,
        %scatter3A_825 = arith.constant 0 : i32
        %scatter3A_826 = arith.constant 0 : i32
        %scatter3A_827 = tpu.memref_slice %arg8[%scan3A_603, %scan3A_604, %scatter3A_825, %scatter3A_826] : memref<2x1x64x133xf32, #tpu.memory_space<vmem>> -> memref<1x1x64x133xf32, #tpu.memory_space<vmem>>
        %scatter3A_828 = tpu.memref_squeeze %scatter3A_827 : memref<1x1x64x133xf32, #tpu.memory_space<vmem>> -> memref<64x133xf32, #tpu.memory_space<vmem>>
        tpu.vector_store_idx %scatter3A_828[%add3A_7, %add3A_810], %get3A_824 : memref<64x133xf32, #tpu.memory_space<vmem>>[vector<16xi32>, vector<16xi32>], vector<16xf32>,
        %get3A_829 = arith.constant 1 : i32
        %get3A_830 = arith.index_cast %get3A_829 : i32 to index
        %get3A_831 = arith.index_cast %add3A_808 : i32 to index
        %get3A_832 = arith.constant 32 : index
        %get3A_833 = tpu.vector_load %arg7[%get3A_830, %get3A_831, %get3A_832] {strides = array<i32>} : memref<2x128x64xf32, #tpu.memory_space<vmem>>, vector<16xf32>,
        %scatter3A_834 = arith.constant 0 : i32
        %scatter3A_835 = arith.constant 0 : i32
        %scatter3A_836 = tpu.memref_slice %arg8[%scan3A_603, %scan3A_604, %scatter3A_834, %scatter3A_835] : memref<2x1x64x133xf32, #tpu.memory_space<vmem>> -> memref<1x1x64x133xf32, #tpu.memory_space<vmem>>
        %scatter3A_837 = tpu.memref_squeeze %scatter3A_836 : memref<1x1x64x133xf32, #tpu.memory_space<vmem>> -> memref<64x133xf32, #tpu.memory_space<vmem>>
        tpu.vector_store_idx %scatter3A_837[%add3A_10, %add3A_810], %get3A_833 : memref<64x133xf32, #tpu.memory_space<vmem>>[vector<16xi32>, vector<16xi32>], vector<16xf32>,
        %get3A_838 = arith.constant 1 : i32
        %get3A_839 = arith.index_cast %get3A_838 : i32 to index
        %get3A_840 = arith.index_cast %add3A_808 : i32 to index
        %get3A_841 = arith.constant 48 : index
        %get3A_842 = tpu.vector_load %arg7[%get3A_839, %get3A_840, %get3A_841] {strides = array<i32>} : memref<2x128x64xf32, #tpu.memory_space<vmem>>, vector<16xf32>,
        %scatter3A_843 = arith.constant 0 : i32
        %scatter3A_844 = arith.constant 0 : i32
        %scatter3A_845 = tpu.memref_slice %arg8[%scan3A_603, %scan3A_604, %scatter3A_843, %scatter3A_844] : memref<2x1x64x133xf32, #tpu.memory_space<vmem>> -> memref<1x1x64x133xf32, #tpu.memory_space<vmem>>
        %scatter3A_846 = tpu.memref_squeeze %scatter3A_845 : memref<1x1x64x133xf32, #tpu.memory_space<vmem>> -> memref<64x133xf32, #tpu.memory_space<vmem>>
        tpu.vector_store_idx %scatter3A_846[%add3A_13, %add3A_810], %get3A_842 : memref<64x133xf32, #tpu.memory_space<vmem>>[vector<16xi32>, vector<16xi32>], vector<16xf32>,
        %scan3A_847 = arith.constant 2 : i32
        %scan3A_848 = arith.addi %scan3A_762, %scan3A_847 : i32
        %mul3A_849 = arith.constant 1 : i32
        %mul3A_850 = arith.muli %scan3A_848, %mul3A_849 : i32
        %add3A_851 = arith.constant 0 : i32
        %add3A_852 = arith.addi %add3A_851, %mul3A_850 : i32
        %add3A_853 = vector.broadcast %add3A_852 : i32 to vector<16xi32>
        %add3A_854 = arith.addi %broadcast_in_dim3A_1, %add3A_853 : vector<16xi32>
        %get3A_855 = arith.constant 1 : i32
        %get3A_856 = arith.index_cast %get3A_855 : i32 to index
        %get3A_857 = arith.index_cast %add3A_852 : i32 to index
        %get3A_858 = arith.constant 0 : index
        %get3A_859 = tpu.vector_load %arg7[%get3A_856, %get3A_857, %get3A_858] {strides = array<i32>} : memref<2x128x64xf32, #tpu.memory_space<vmem>>, vector<16xf32>,
        %scatter3A_860 = arith.constant 0 : i32
        %scatter3A_861 = arith.constant 0 : i32
        %scatter3A_862 = tpu.memref_slice %arg8[%scan3A_603, %scan3A_604, %scatter3A_860, %scatter3A_861] : memref<2x1x64x133xf32, #tpu.memory_space<vmem>> -> memref<1x1x64x133xf32, #tpu.memory_space<vmem>>
        %scatter3A_863 = tpu.memref_squeeze %scatter3A_862 : memref<1x1x64x133xf32, #tpu.memory_space<vmem>> -> memref<64x133xf32, #tpu.memory_space<vmem>>
        tpu.vector_store_idx %scatter3A_863[%add3A_4, %add3A_854], %get3A_859 : memref<64x133xf32, #tpu.memory_space<vmem>>[vector<16xi32>, vector<16xi32>], vector<16xf32>,
        %get3A_864 = arith.constant 1 : i32
        %get3A_865 = arith.index_cast %get3A_864 : i32 to index
        %get3A_866 = arith.index_cast %add3A_852 : i32 to index
        %get3A_867 = arith.constant 16 : index
        %get3A_868 = tpu.vector_load %arg7[%get3A_865, %get3A_866, %get3A_867] {strides = array<i32>} : memref<2x128x64xf32, #tpu.memory_space<vmem>>, vector<16xf32>,
        %scatter3A_869 = arith.constant 0 : i32
        %scatter3A_870 = arith.constant 0 : i32
        %scatter3A_871 = tpu.memref_slice %arg8[%scan3A_603, %scan3A_604, %scatter3A_869, %scatter3A_870] : memref<2x1x64x133xf32, #tpu.memory_space<vmem>> -> memref<1x1x64x133xf32, #tpu.memory_space<vmem>>
        %scatter3A_872 = tpu.memref_squeeze %scatter3A_871 : memref<1x1x64x133xf32, #tpu.memory_space<vmem>> -> memref<64x133xf32, #tpu.memory_space<vmem>>
        tpu.vector_store_idx %scatter3A_872[%add3A_7, %add3A_854], %get3A_868 : memref<64x133xf32, #tpu.memory_space<vmem>>[vector<16xi32>, vector<16xi32>], vector<16xf32>,
        %get3A_873 = arith.constant 1 : i32
        %get3A_874 = arith.index_cast %get3A_873 : i32 to index
        %get3A_875 = arith.index_cast %add3A_852 : i32 to index
        %get3A_876 = arith.constant 32 : index
        %get3A_877 = tpu.vector_load %arg7[%get3A_874, %get3A_875, %get3A_876] {strides = array<i32>} : memref<2x128x64xf32, #tpu.memory_space<vmem>>, vector<16xf32>,
        %scatter3A_878 = arith.constant 0 : i32
        %scatter3A_879 = arith.constant 0 : i32
        %scatter3A_880 = tpu.memref_slice %arg8[%scan3A_603, %scan3A_604, %scatter3A_878, %scatter3A_879] : memref<2x1x64x133xf32, #tpu.memory_space<vmem>> -> memref<1x1x64x133xf32, #tpu.memory_space<vmem>>
        %scatter3A_881 = tpu.memref_squeeze %scatter3A_880 : memref<1x1x64x133xf32, #tpu.memory_space<vmem>> -> memref<64x133xf32, #tpu.memory_space<vmem>>
        tpu.vector_store_idx %scatter3A_881[%add3A_10, %add3A_854], %get3A_877 : memref<64x133xf32, #tpu.memory_space<vmem>>[vector<16xi32>, vector<16xi32>], vector<16xf32>,
        %get3A_882 = arith.constant 1 : i32
        %get3A_883 = arith.index_cast %get3A_882 : i32 to index
        %get3A_884 = arith.index_cast %add3A_852 : i32 to index
        %get3A_885 = arith.constant 48 : index
        %get3A_886 = tpu.vector_load %arg7[%get3A_883, %get3A_884, %get3A_885] {strides = array<i32>} : memref<2x128x64xf32, #tpu.memory_space<vmem>>, vector<16xf32>,
        %scatter3A_887 = arith.constant 0 : i32
        %scatter3A_888 = arith.constant 0 : i32
        %scatter3A_889 = tpu.memref_slice %arg8[%scan3A_603, %scan3A_604, %scatter3A_887, %scatter3A_888] : memref<2x1x64x133xf32, #tpu.memory_space<vmem>> -> memref<1x1x64x133xf32, #tpu.memory_space<vmem>>
        %scatter3A_890 = tpu.memref_squeeze %scatter3A_889 : memref<1x1x64x133xf32, #tpu.memory_space<vmem>> -> memref<64x133xf32, #tpu.memory_space<vmem>>
        tpu.vector_store_idx %scatter3A_890[%add3A_13, %add3A_854], %get3A_886 : memref<64x133xf32, #tpu.memory_space<vmem>>[vector<16xi32>, vector<16xi32>], vector<16xf32>,
        %scan3A_891 = arith.constant 3 : i32
        %scan3A_892 = arith.addi %scan3A_762, %scan3A_891 : i32
        %mul3A_893 = arith.constant 1 : i32
        %mul3A_894 = arith.muli %scan3A_892, %mul3A_893 : i32
        %add3A_895 = arith.constant 0 : i32
        %add3A_896 = arith.addi %add3A_895, %mul3A_894 : i32
        %add3A_897 = vector.broadcast %add3A_896 : i32 to vector<16xi32>
        %add3A_898 = arith.addi %broadcast_in_dim3A_1, %add3A_897 : vector<16xi32>
        %get3A_899 = arith.constant 1 : i32
        %get3A_900 = arith.index_cast %get3A_899 : i32 to index
        %get3A_901 = arith.index_cast %add3A_896 : i32 to index
        %get3A_902 = arith.constant 0 : index
        %get3A_903 = tpu.vector_load %arg7[%get3A_900, %get3A_901, %get3A_902] {strides = array<i32>} : memref<2x128x64xf32, #tpu.memory_space<vmem>>, vector<16xf32>,
        %scatter3A_904 = arith.constant 0 : i32
        %scatter3A_905 = arith.constant 0 : i32
        %scatter3A_906 = tpu.memref_slice %arg8[%scan3A_603, %scan3A_604, %scatter3A_904, %scatter3A_905] : memref<2x1x64x133xf32, #tpu.memory_space<vmem>> -> memref<1x1x64x133xf32, #tpu.memory_space<vmem>>
        %scatter3A_907 = tpu.memref_squeeze %scatter3A_906 : memref<1x1x64x133xf32, #tpu.memory_space<vmem>> -> memref<64x133xf32, #tpu.memory_space<vmem>>
        tpu.vector_store_idx %scatter3A_907[%add3A_4, %add3A_898], %get3A_903 : memref<64x133xf32, #tpu.memory_space<vmem>>[vector<16xi32>, vector<16xi32>], vector<16xf32>,
        %get3A_908 = arith.constant 1 : i32
        %get3A_909 = arith.index_cast %get3A_908 : i32 to index
        %get3A_910 = arith.index_cast %add3A_896 : i32 to index
        %get3A_911 = arith.constant 16 : index
        %get3A_912 = tpu.vector_load %arg7[%get3A_909, %get3A_910, %get3A_911] {strides = array<i32>} : memref<2x128x64xf32, #tpu.memory_space<vmem>>, vector<16xf32>,
        %scatter3A_913 = arith.constant 0 : i32
        %scatter3A_914 = arith.constant 0 : i32
        %scatter3A_915 = tpu.memref_slice %arg8[%scan3A_603, %scan3A_604, %scatter3A_913, %scatter3A_914] : memref<2x1x64x133xf32, #tpu.memory_space<vmem>> -> memref<1x1x64x133xf32, #tpu.memory_space<vmem>>
        %scatter3A_916 = tpu.memref_squeeze %scatter3A_915 : memref<1x1x64x133xf32, #tpu.memory_space<vmem>> -> memref<64x133xf32, #tpu.memory_space<vmem>>
        tpu.vector_store_idx %scatter3A_916[%add3A_7, %add3A_898], %get3A_912 : memref<64x133xf32, #tpu.memory_space<vmem>>[vector<16xi32>, vector<16xi32>], vector<16xf32>,
        %get3A_917 = arith.constant 1 : i32
        %get3A_918 = arith.index_cast %get3A_917 : i32 to index
        %get3A_919 = arith.index_cast %add3A_896 : i32 to index
        %get3A_920 = arith.constant 32 : index
        %get3A_921 = tpu.vector_load %arg7[%get3A_918, %get3A_919, %get3A_920] {strides = array<i32>} : memref<2x128x64xf32, #tpu.memory_space<vmem>>, vector<16xf32>,
        %scatter3A_922 = arith.constant 0 : i32
        %scatter3A_923 = arith.constant 0 : i32
        %scatter3A_924 = tpu.memref_slice %arg8[%scan3A_603, %scan3A_604, %scatter3A_922, %scatter3A_923] : memref<2x1x64x133xf32, #tpu.memory_space<vmem>> -> memref<1x1x64x133xf32, #tpu.memory_space<vmem>>
        %scatter3A_925 = tpu.memref_squeeze %scatter3A_924 : memref<1x1x64x133xf32, #tpu.memory_space<vmem>> -> memref<64x133xf32, #tpu.memory_space<vmem>>
        tpu.vector_store_idx %scatter3A_925[%add3A_10, %add3A_898], %get3A_921 : memref<64x133xf32, #tpu.memory_space<vmem>>[vector<16xi32>, vector<16xi32>], vector<16xf32>,
        %get3A_926 = arith.constant 1 : i32
        %get3A_927 = arith.index_cast %get3A_926 : i32 to index
        %get3A_928 = arith.index_cast %add3A_896 : i32 to index
        %get3A_929 = arith.constant 48 : index
        %get3A_930 = tpu.vector_load %arg7[%get3A_927, %get3A_928, %get3A_929] {strides = array<i32>} : memref<2x128x64xf32, #tpu.memory_space<vmem>>, vector<16xf32>,
        %scatter3A_931 = arith.constant 0 : i32
        %scatter3A_932 = arith.constant 0 : i32
        %scatter3A_933 = tpu.memref_slice %arg8[%scan3A_603, %scan3A_604, %scatter3A_931, %scatter3A_932] : memref<2x1x64x133xf32, #tpu.memory_space<vmem>> -> memref<1x1x64x133xf32, #tpu.memory_space<vmem>>
        %scatter3A_934 = tpu.memref_squeeze %scatter3A_933 : memref<1x1x64x133xf32, #tpu.memory_space<vmem>> -> memref<64x133xf32, #tpu.memory_space<vmem>>
        tpu.vector_store_idx %scatter3A_934[%add3A_13, %add3A_898], %get3A_930 : memref<64x133xf32, #tpu.memory_space<vmem>>[vector<16xi32>, vector<16xi32>], vector<16xf32>,
        %scan3A_935 = arith.constant 4 : i32
        %scan3A_936 = arith.addi %scan3A_762, %scan3A_935 : i32
        %mul3A_937 = arith.constant 1 : i32
        %mul3A_938 = arith.muli %scan3A_936, %mul3A_937 : i32
        %add3A_939 = arith.constant 0 : i32
        %add3A_940 = arith.addi %add3A_939, %mul3A_938 : i32
        %add3A_941 = vector.broadcast %add3A_940 : i32 to vector<16xi32>
        %add3A_942 = arith.addi %broadcast_in_dim3A_1, %add3A_941 : vector<16xi32>
        %get3A_943 = arith.constant 1 : i32
        %get3A_944 = arith.index_cast %get3A_943 : i32 to index
        %get3A_945 = arith.index_cast %add3A_940 : i32 to index
        %get3A_946 = arith.constant 0 : index
        %get3A_947 = tpu.vector_load %arg7[%get3A_944, %get3A_945, %get3A_946] {strides = array<i32>} : memref<2x128x64xf32, #tpu.memory_space<vmem>>, vector<16xf32>,
        %scatter3A_948 = arith.constant 0 : i32
        %scatter3A_949 = arith.constant 0 : i32
        %scatter3A_950 = tpu.memref_slice %arg8[%scan3A_603, %scan3A_604, %scatter3A_948, %scatter3A_949] : memref<2x1x64x133xf32, #tpu.memory_space<vmem>> -> memref<1x1x64x133xf32, #tpu.memory_space<vmem>>
        %scatter3A_951 = tpu.memref_squeeze %scatter3A_950 : memref<1x1x64x133xf32, #tpu.memory_space<vmem>> -> memref<64x133xf32, #tpu.memory_space<vmem>>
        tpu.vector_store_idx %scatter3A_951[%add3A_4, %add3A_942], %get3A_947 : memref<64x133xf32, #tpu.memory_space<vmem>>[vector<16xi32>, vector<16xi32>], vector<16xf32>,
        %get3A_952 = arith.constant 1 : i32
        %get3A_953 = arith.index_cast %get3A_952 : i32 to index
        %get3A_954 = arith.index_cast %add3A_940 : i32 to index
        %get3A_955 = arith.constant 16 : index
        %get3A_956 = tpu.vector_load %arg7[%get3A_953, %get3A_954, %get3A_955] {strides = array<i32>} : memref<2x128x64xf32, #tpu.memory_space<vmem>>, vector<16xf32>,
        %scatter3A_957 = arith.constant 0 : i32
        %scatter3A_958 = arith.constant 0 : i32
        %scatter3A_959 = tpu.memref_slice %arg8[%scan3A_603, %scan3A_604, %scatter3A_957, %scatter3A_958] : memref<2x1x64x133xf32, #tpu.memory_space<vmem>> -> memref<1x1x64x133xf32, #tpu.memory_space<vmem>>
        %scatter3A_960 = tpu.memref_squeeze %scatter3A_959 : memref<1x1x64x133xf32, #tpu.memory_space<vmem>> -> memref<64x133xf32, #tpu.memory_space<vmem>>
        tpu.vector_store_idx %scatter3A_960[%add3A_7, %add3A_942], %get3A_956 : memref<64x133xf32, #tpu.memory_space<vmem>>[vector<16xi32>, vector<16xi32>], vector<16xf32>,
        %get3A_961 = arith.constant 1 : i32
        %get3A_962 = arith.index_cast %get3A_961 : i32 to index
        %get3A_963 = arith.index_cast %add3A_940 : i32 to index
        %get3A_964 = arith.constant 32 : index
        %get3A_965 = tpu.vector_load %arg7[%get3A_962, %get3A_963, %get3A_964] {strides = array<i32>} : memref<2x128x64xf32, #tpu.memory_space<vmem>>, vector<16xf32>,
        %scatter3A_966 = arith.constant 0 : i32
        %scatter3A_967 = arith.constant 0 : i32
        %scatter3A_968 = tpu.memref_slice %arg8[%scan3A_603, %scan3A_604, %scatter3A_966, %scatter3A_967] : memref<2x1x64x133xf32, #tpu.memory_space<vmem>> -> memref<1x1x64x133xf32, #tpu.memory_space<vmem>>
        %scatter3A_969 = tpu.memref_squeeze %scatter3A_968 : memref<1x1x64x133xf32, #tpu.memory_space<vmem>> -> memref<64x133xf32, #tpu.memory_space<vmem>>
        tpu.vector_store_idx %scatter3A_969[%add3A_10, %add3A_942], %get3A_965 : memref<64x133xf32, #tpu.memory_space<vmem>>[vector<16xi32>, vector<16xi32>], vector<16xf32>,
        %get3A_970 = arith.constant 1 : i32
        %get3A_971 = arith.index_cast %get3A_970 : i32 to index
        %get3A_972 = arith.index_cast %add3A_940 : i32 to index
        %get3A_973 = arith.constant 48 : index
        %get3A_974 = tpu.vector_load %arg7[%get3A_971, %get3A_972, %get3A_973] {strides = array<i32>} : memref<2x128x64xf32, #tpu.memory_space<vmem>>, vector<16xf32>,
        %scatter3A_975 = arith.constant 0 : i32
        %scatter3A_976 = arith.constant 0 : i32
        %scatter3A_977 = tpu.memref_slice %arg8[%scan3A_603, %scan3A_604, %scatter3A_975, %scatter3A_976] : memref<2x1x64x133xf32, #tpu.memory_space<vmem>> -> memref<1x1x64x133xf32, #tpu.memory_space<vmem>>
        %scatter3A_978 = tpu.memref_squeeze %scatter3A_977 : memref<1x1x64x133xf32, #tpu.memory_space<vmem>> -> memref<64x133xf32, #tpu.memory_space<vmem>>
        tpu.vector_store_idx %scatter3A_978[%add3A_13, %add3A_942], %get3A_974 : memref<64x133xf32, #tpu.memory_space<vmem>>[vector<16xi32>, vector<16xi32>], vector<16xf32>,
        %scan3A_979 = arith.constant 5 : i32
        %scan3A_980 = arith.addi %scan3A_762, %scan3A_979 : i32
        %mul3A_981 = arith.constant 1 : i32
        %mul3A_982 = arith.muli %scan3A_980, %mul3A_981 : i32
        %add3A_983 = arith.constant 0 : i32
        %add3A_984 = arith.addi %add3A_983, %mul3A_982 : i32
        %add3A_985 = vector.broadcast %add3A_984 : i32 to vector<16xi32>
        %add3A_986 = arith.addi %broadcast_in_dim3A_1, %add3A_985 : vector<16xi32>
        %get3A_987 = arith.constant 1 : i32
        %get3A_988 = arith.index_cast %get3A_987 : i32 to index
        %get3A_989 = arith.index_cast %add3A_984 : i32 to index
        %get3A_990 = arith.constant 0 : index
        %get3A_991 = tpu.vector_load %arg7[%get3A_988, %get3A_989, %get3A_990] {strides = array<i32>} : memref<2x128x64xf32, #tpu.memory_space<vmem>>, vector<16xf32>,
        %scatter3A_992 = arith.constant 0 : i32
        %scatter3A_993 = arith.constant 0 : i32
        %scatter3A_994 = tpu.memref_slice %arg8[%scan3A_603, %scan3A_604, %scatter3A_992, %scatter3A_993] : memref<2x1x64x133xf32, #tpu.memory_space<vmem>> -> memref<1x1x64x133xf32, #tpu.memory_space<vmem>>
        %scatter3A_995 = tpu.memref_squeeze %scatter3A_994 : memref<1x1x64x133xf32, #tpu.memory_space<vmem>> -> memref<64x133xf32, #tpu.memory_space<vmem>>
        tpu.vector_store_idx %scatter3A_995[%add3A_4, %add3A_986], %get3A_991 : memref<64x133xf32, #tpu.memory_space<vmem>>[vector<16xi32>, vector<16xi32>], vector<16xf32>,
        %get3A_996 = arith.constant 1 : i32
        %get3A_997 = arith.index_cast %get3A_996 : i32 to index
        %get3A_998 = arith.index_cast %add3A_984 : i32 to index
        %get3A_999 = arith.constant 16 : index
        %get3A_1000 = tpu.vector_load %arg7[%get3A_997, %get3A_998, %get3A_999] {strides = array<i32>} : memref<2x128x64xf32, #tpu.memory_space<vmem>>, vector<16xf32>,
        %scatter3A_1001 = arith.constant 0 : i32
        %scatter3A_1002 = arith.constant 0 : i32
        %scatter3A_1003 = tpu.memref_slice %arg8[%scan3A_603, %scan3A_604, %scatter3A_1001, %scatter3A_1002] : memref<2x1x64x133xf32, #tpu.memory_space<vmem>> -> memref<1x1x64x133xf32, #tpu.memory_space<vmem>>
        %scatter3A_1004 = tpu.memref_squeeze %scatter3A_1003 : memref<1x1x64x133xf32, #tpu.memory_space<vmem>> -> memref<64x133xf32, #tpu.memory_space<vmem>>
        tpu.vector_store_idx %scatter3A_1004[%add3A_7, %add3A_986], %get3A_1000 : memref<64x133xf32, #tpu.memory_space<vmem>>[vector<16xi32>, vector<16xi32>], vector<16xf32>,
        %get3A_1005 = arith.constant 1 : i32
        %get3A_1006 = arith.index_cast %get3A_1005 : i32 to index
        %get3A_1007 = arith.index_cast %add3A_984 : i32 to index
        %get3A_1008 = arith.constant 32 : index
        %get3A_1009 = tpu.vector_load %arg7[%get3A_1006, %get3A_1007, %get3A_1008] {strides = array<i32>} : memref<2x128x64xf32, #tpu.memory_space<vmem>>, vector<16xf32>,
        %scatter3A_1010 = arith.constant 0 : i32
        %scatter3A_1011 = arith.constant 0 : i32
        %scatter3A_1012 = tpu.memref_slice %arg8[%scan3A_603, %scan3A_604, %scatter3A_1010, %scatter3A_1011] : memref<2x1x64x133xf32, #tpu.memory_space<vmem>> -> memref<1x1x64x133xf32, #tpu.memory_space<vmem>>
        %scatter3A_1013 = tpu.memref_squeeze %scatter3A_1012 : memref<1x1x64x133xf32, #tpu.memory_space<vmem>> -> memref<64x133xf32, #tpu.memory_space<vmem>>
        tpu.vector_store_idx %scatter3A_1013[%add3A_10, %add3A_986], %get3A_1009 : memref<64x133xf32, #tpu.memory_space<vmem>>[vector<16xi32>, vector<16xi32>], vector<16xf32>,
        %get3A_1014 = arith.constant 1 : i32
        %get3A_1015 = arith.index_cast %get3A_1014 : i32 to index
        %get3A_1016 = arith.index_cast %add3A_984 : i32 to index
        %get3A_1017 = arith.constant 48 : index
        %get3A_1018 = tpu.vector_load %arg7[%get3A_1015, %get3A_1016, %get3A_1017] {strides = array<i32>} : memref<2x128x64xf32, #tpu.memory_space<vmem>>, vector<16xf32>,
        %scatter3A_1019 = arith.constant 0 : i32
        %scatter3A_1020 = arith.constant 0 : i32
        %scatter3A_1021 = tpu.memref_slice %arg8[%scan3A_603, %scan3A_604, %scatter3A_1019, %scatter3A_1020] : memref<2x1x64x133xf32, #tpu.memory_space<vmem>> -> memref<1x1x64x133xf32, #tpu.memory_space<vmem>>
        %scatter3A_1022 = tpu.memref_squeeze %scatter3A_1021 : memref<1x1x64x133xf32, #tpu.memory_space<vmem>> -> memref<64x133xf32, #tpu.memory_space<vmem>>
        tpu.vector_store_idx %scatter3A_1022[%add3A_13, %add3A_986], %get3A_1018 : memref<64x133xf32, #tpu.memory_space<vmem>>[vector<16xi32>, vector<16xi32>], vector<16xf32>,
        %scan3A_1023 = arith.constant 6 : i32
        %scan3A_1024 = arith.addi %scan3A_762, %scan3A_1023 : i32
        %mul3A_1025 = arith.constant 1 : i32
        %mul3A_1026 = arith.muli %scan3A_1024, %mul3A_1025 : i32
        %add3A_1027 = arith.constant 0 : i32
        %add3A_1028 = arith.addi %add3A_1027, %mul3A_1026 : i32
        %add3A_1029 = vector.broadcast %add3A_1028 : i32 to vector<16xi32>
        %add3A_1030 = arith.addi %broadcast_in_dim3A_1, %add3A_1029 : vector<16xi32>
        %get3A_1031 = arith.constant 1 : i32
        %get3A_1032 = arith.index_cast %get3A_1031 : i32 to index
        %get3A_1033 = arith.index_cast %add3A_1028 : i32 to index
        %get3A_1034 = arith.constant 0 : index
        %get3A_1035 = tpu.vector_load %arg7[%get3A_1032, %get3A_1033, %get3A_1034] {strides = array<i32>} : memref<2x128x64xf32, #tpu.memory_space<vmem>>, vector<16xf32>,
        %scatter3A_1036 = arith.constant 0 : i32
        %scatter3A_1037 = arith.constant 0 : i32
        %scatter3A_1038 = tpu.memref_slice %arg8[%scan3A_603, %scan3A_604, %scatter3A_1036, %scatter3A_1037] : memref<2x1x64x133xf32, #tpu.memory_space<vmem>> -> memref<1x1x64x133xf32, #tpu.memory_space<vmem>>
        %scatter3A_1039 = tpu.memref_squeeze %scatter3A_1038 : memref<1x1x64x133xf32, #tpu.memory_space<vmem>> -> memref<64x133xf32, #tpu.memory_space<vmem>>
        tpu.vector_store_idx %scatter3A_1039[%add3A_4, %add3A_1030], %get3A_1035 : memref<64x133xf32, #tpu.memory_space<vmem>>[vector<16xi32>, vector<16xi32>], vector<16xf32>,
        %get3A_1040 = arith.constant 1 : i32
        %get3A_1041 = arith.index_cast %get3A_1040 : i32 to index
        %get3A_1042 = arith.index_cast %add3A_1028 : i32 to index
        %get3A_1043 = arith.constant 16 : index
        %get3A_1044 = tpu.vector_load %arg7[%get3A_1041, %get3A_1042, %get3A_1043] {strides = array<i32>} : memref<2x128x64xf32, #tpu.memory_space<vmem>>, vector<16xf32>,
        %scatter3A_1045 = arith.constant 0 : i32
        %scatter3A_1046 = arith.constant 0 : i32
        %scatter3A_1047 = tpu.memref_slice %arg8[%scan3A_603, %scan3A_604, %scatter3A_1045, %scatter3A_1046] : memref<2x1x64x133xf32, #tpu.memory_space<vmem>> -> memref<1x1x64x133xf32, #tpu.memory_space<vmem>>
        %scatter3A_1048 = tpu.memref_squeeze %scatter3A_1047 : memref<1x1x64x133xf32, #tpu.memory_space<vmem>> -> memref<64x133xf32, #tpu.memory_space<vmem>>
        tpu.vector_store_idx %scatter3A_1048[%add3A_7, %add3A_1030], %get3A_1044 : memref<64x133xf32, #tpu.memory_space<vmem>>[vector<16xi32>, vector<16xi32>], vector<16xf32>,
        %get3A_1049 = arith.constant 1 : i32
        %get3A_1050 = arith.index_cast %get3A_1049 : i32 to index
        %get3A_1051 = arith.index_cast %add3A_1028 : i32 to index
        %get3A_1052 = arith.constant 32 : index
        %get3A_1053 = tpu.vector_load %arg7[%get3A_1050, %get3A_1051, %get3A_1052] {strides = array<i32>} : memref<2x128x64xf32, #tpu.memory_space<vmem>>, vector<16xf32>,
        %scatter3A_1054 = arith.constant 0 : i32
        %scatter3A_1055 = arith.constant 0 : i32
        %scatter3A_1056 = tpu.memref_slice %arg8[%scan3A_603, %scan3A_604, %scatter3A_1054, %scatter3A_1055] : memref<2x1x64x133xf32, #tpu.memory_space<vmem>> -> memref<1x1x64x133xf32, #tpu.memory_space<vmem>>
        %scatter3A_1057 = tpu.memref_squeeze %scatter3A_1056 : memref<1x1x64x133xf32, #tpu.memory_space<vmem>> -> memref<64x133xf32, #tpu.memory_space<vmem>>
        tpu.vector_store_idx %scatter3A_1057[%add3A_10, %add3A_1030], %get3A_1053 : memref<64x133xf32, #tpu.memory_space<vmem>>[vector<16xi32>, vector<16xi32>], vector<16xf32>,
        %get3A_1058 = arith.constant 1 : i32
        %get3A_1059 = arith.index_cast %get3A_1058 : i32 to index
        %get3A_1060 = arith.index_cast %add3A_1028 : i32 to index
        %get3A_1061 = arith.constant 48 : index
        %get3A_1062 = tpu.vector_load %arg7[%get3A_1059, %get3A_1060, %get3A_1061] {strides = array<i32>} : memref<2x128x64xf32, #tpu.memory_space<vmem>>, vector<16xf32>,
        %scatter3A_1063 = arith.constant 0 : i32
        %scatter3A_1064 = arith.constant 0 : i32
        %scatter3A_1065 = tpu.memref_slice %arg8[%scan3A_603, %scan3A_604, %scatter3A_1063, %scatter3A_1064] : memref<2x1x64x133xf32, #tpu.memory_space<vmem>> -> memref<1x1x64x133xf32, #tpu.memory_space<vmem>>
        %scatter3A_1066 = tpu.memref_squeeze %scatter3A_1065 : memref<1x1x64x133xf32, #tpu.memory_space<vmem>> -> memref<64x133xf32, #tpu.memory_space<vmem>>
        tpu.vector_store_idx %scatter3A_1066[%add3A_13, %add3A_1030], %get3A_1062 : memref<64x133xf32, #tpu.memory_space<vmem>>[vector<16xi32>, vector<16xi32>], vector<16xf32>,
        %scan3A_1067 = arith.constant 7 : i32
        %scan3A_1068 = arith.addi %scan3A_762, %scan3A_1067 : i32
        %mul3A_1069 = arith.constant 1 : i32
        %mul3A_1070 = arith.muli %scan3A_1068, %mul3A_1069 : i32
        %add3A_1071 = arith.constant 0 : i32
        %add3A_1072 = arith.addi %add3A_1071, %mul3A_1070 : i32
        %add3A_1073 = vector.broadcast %add3A_1072 : i32 to vector<16xi32>
        %add3A_1074 = arith.addi %broadcast_in_dim3A_1, %add3A_1073 : vector<16xi32>
        %get3A_1075 = arith.constant 1 : i32
        %get3A_1076 = arith.index_cast %get3A_1075 : i32 to index
        %get3A_1077 = arith.index_cast %add3A_1072 : i32 to index
        %get3A_1078 = arith.constant 0 : index
        %get3A_1079 = tpu.vector_load %arg7[%get3A_1076, %get3A_1077, %get3A_1078] {strides = array<i32>} : memref<2x128x64xf32, #tpu.memory_space<vmem>>, vector<16xf32>,
        %scatter3A_1080 = arith.constant 0 : i32
        %scatter3A_1081 = arith.constant 0 : i32
        %scatter3A_1082 = tpu.memref_slice %arg8[%scan3A_603, %scan3A_604, %scatter3A_1080, %scatter3A_1081] : memref<2x1x64x133xf32, #tpu.memory_space<vmem>> -> memref<1x1x64x133xf32, #tpu.memory_space<vmem>>
        %scatter3A_1083 = tpu.memref_squeeze %scatter3A_1082 : memref<1x1x64x133xf32, #tpu.memory_space<vmem>> -> memref<64x133xf32, #tpu.memory_space<vmem>>
        tpu.vector_store_idx %scatter3A_1083[%add3A_4, %add3A_1074], %get3A_1079 : memref<64x133xf32, #tpu.memory_space<vmem>>[vector<16xi32>, vector<16xi32>], vector<16xf32>,
        %get3A_1084 = arith.constant 1 : i32
        %get3A_1085 = arith.index_cast %get3A_1084 : i32 to index
        %get3A_1086 = arith.index_cast %add3A_1072 : i32 to index
        %get3A_1087 = arith.constant 16 : index
        %get3A_1088 = tpu.vector_load %arg7[%get3A_1085, %get3A_1086, %get3A_1087] {strides = array<i32>} : memref<2x128x64xf32, #tpu.memory_space<vmem>>, vector<16xf32>,
        %scatter3A_1089 = arith.constant 0 : i32
        %scatter3A_1090 = arith.constant 0 : i32
        %scatter3A_1091 = tpu.memref_slice %arg8[%scan3A_603, %scan3A_604, %scatter3A_1089, %scatter3A_1090] : memref<2x1x64x133xf32, #tpu.memory_space<vmem>> -> memref<1x1x64x133xf32, #tpu.memory_space<vmem>>
        %scatter3A_1092 = tpu.memref_squeeze %scatter3A_1091 : memref<1x1x64x133xf32, #tpu.memory_space<vmem>> -> memref<64x133xf32, #tpu.memory_space<vmem>>
        tpu.vector_store_idx %scatter3A_1092[%add3A_7, %add3A_1074], %get3A_1088 : memref<64x133xf32, #tpu.memory_space<vmem>>[vector<16xi32>, vector<16xi32>], vector<16xf32>,
        %get3A_1093 = arith.constant 1 : i32
        %get3A_1094 = arith.index_cast %get3A_1093 : i32 to index
        %get3A_1095 = arith.index_cast %add3A_1072 : i32 to index
        %get3A_1096 = arith.constant 32 : index
        %get3A_1097 = tpu.vector_load %arg7[%get3A_1094, %get3A_1095, %get3A_1096] {strides = array<i32>} : memref<2x128x64xf32, #tpu.memory_space<vmem>>, vector<16xf32>,
        %scatter3A_1098 = arith.constant 0 : i32
        %scatter3A_1099 = arith.constant 0 : i32
        %scatter3A_1100 = tpu.memref_slice %arg8[%scan3A_603, %scan3A_604, %scatter3A_1098, %scatter3A_1099] : memref<2x1x64x133xf32, #tpu.memory_space<vmem>> -> memref<1x1x64x133xf32, #tpu.memory_space<vmem>>
        %scatter3A_1101 = tpu.memref_squeeze %scatter3A_1100 : memref<1x1x64x133xf32, #tpu.memory_space<vmem>> -> memref<64x133xf32, #tpu.memory_space<vmem>>
        tpu.vector_store_idx %scatter3A_1101[%add3A_10, %add3A_1074], %get3A_1097 : memref<64x133xf32, #tpu.memory_space<vmem>>[vector<16xi32>, vector<16xi32>], vector<16xf32>,
        %get3A_1102 = arith.constant 1 : i32
        %get3A_1103 = arith.index_cast %get3A_1102 : i32 to index
        %get3A_1104 = arith.index_cast %add3A_1072 : i32 to index
        %get3A_1105 = arith.constant 48 : index
        %get3A_1106 = tpu.vector_load %arg7[%get3A_1103, %get3A_1104, %get3A_1105] {strides = array<i32>} : memref<2x128x64xf32, #tpu.memory_space<vmem>>, vector<16xf32>,
        %scatter3A_1107 = arith.constant 0 : i32
        %scatter3A_1108 = arith.constant 0 : i32
        %scatter3A_1109 = tpu.memref_slice %arg8[%scan3A_603, %scan3A_604, %scatter3A_1107, %scatter3A_1108] : memref<2x1x64x133xf32, #tpu.memory_space<vmem>> -> memref<1x1x64x133xf32, #tpu.memory_space<vmem>>
        %scatter3A_1110 = tpu.memref_squeeze %scatter3A_1109 : memref<1x1x64x133xf32, #tpu.memory_space<vmem>> -> memref<64x133xf32, #tpu.memory_space<vmem>>
        tpu.vector_store_idx %scatter3A_1110[%add3A_13, %add3A_1074], %get3A_1106 : memref<64x133xf32, #tpu.memory_space<vmem>>[vector<16xi32>, vector<16xi32>], vector<16xf32>,
        %scan3A_1111 = arith.constant 8 : i32
        %scan3A_1112 = arith.addi %scan3A_762, %scan3A_1111 : i32
        %mul3A_1113 = arith.constant 1 : i32
        %mul3A_1114 = arith.muli %scan3A_1112, %mul3A_1113 : i32
        %add3A_1115 = arith.constant 0 : i32
        %add3A_1116 = arith.addi %add3A_1115, %mul3A_1114 : i32
        %add3A_1117 = vector.broadcast %add3A_1116 : i32 to vector<16xi32>
        %add3A_1118 = arith.addi %broadcast_in_dim3A_1, %add3A_1117 : vector<16xi32>
        %get3A_1119 = arith.constant 1 : i32
        %get3A_1120 = arith.index_cast %get3A_1119 : i32 to index
        %get3A_1121 = arith.index_cast %add3A_1116 : i32 to index
        %get3A_1122 = arith.constant 0 : index
        %get3A_1123 = tpu.vector_load %arg7[%get3A_1120, %get3A_1121, %get3A_1122] {strides = array<i32>} : memref<2x128x64xf32, #tpu.memory_space<vmem>>, vector<16xf32>,
        %scatter3A_1124 = arith.constant 0 : i32
        %scatter3A_1125 = arith.constant 0 : i32
        %scatter3A_1126 = tpu.memref_slice %arg8[%scan3A_603, %scan3A_604, %scatter3A_1124, %scatter3A_1125] : memref<2x1x64x133xf32, #tpu.memory_space<vmem>> -> memref<1x1x64x133xf32, #tpu.memory_space<vmem>>
        %scatter3A_1127 = tpu.memref_squeeze %scatter3A_1126 : memref<1x1x64x133xf32, #tpu.memory_space<vmem>> -> memref<64x133xf32, #tpu.memory_space<vmem>>
        tpu.vector_store_idx %scatter3A_1127[%add3A_4, %add3A_1118], %get3A_1123 : memref<64x133xf32, #tpu.memory_space<vmem>>[vector<16xi32>, vector<16xi32>], vector<16xf32>,
        %get3A_1128 = arith.constant 1 : i32
        %get3A_1129 = arith.index_cast %get3A_1128 : i32 to index
        %get3A_1130 = arith.index_cast %add3A_1116 : i32 to index
        %get3A_1131 = arith.constant 16 : index
        %get3A_1132 = tpu.vector_load %arg7[%get3A_1129, %get3A_1130, %get3A_1131] {strides = array<i32>} : memref<2x128x64xf32, #tpu.memory_space<vmem>>, vector<16xf32>,
        %scatter3A_1133 = arith.constant 0 : i32
        %scatter3A_1134 = arith.constant 0 : i32
        %scatter3A_1135 = tpu.memref_slice %arg8[%scan3A_603, %scan3A_604, %scatter3A_1133, %scatter3A_1134] : memref<2x1x64x133xf32, #tpu.memory_space<vmem>> -> memref<1x1x64x133xf32, #tpu.memory_space<vmem>>
        %scatter3A_1136 = tpu.memref_squeeze %scatter3A_1135 : memref<1x1x64x133xf32, #tpu.memory_space<vmem>> -> memref<64x133xf32, #tpu.memory_space<vmem>>
        tpu.vector_store_idx %scatter3A_1136[%add3A_7, %add3A_1118], %get3A_1132 : memref<64x133xf32, #tpu.memory_space<vmem>>[vector<16xi32>, vector<16xi32>], vector<16xf32>,
        %get3A_1137 = arith.constant 1 : i32
        %get3A_1138 = arith.index_cast %get3A_1137 : i32 to index
        %get3A_1139 = arith.index_cast %add3A_1116 : i32 to index
        %get3A_1140 = arith.constant 32 : index
        %get3A_1141 = tpu.vector_load %arg7[%get3A_1138, %get3A_1139, %get3A_1140] {strides = array<i32>} : memref<2x128x64xf32, #tpu.memory_space<vmem>>, vector<16xf32>,
        %scatter3A_1142 = arith.constant 0 : i32
        %scatter3A_1143 = arith.constant 0 : i32
        %scatter3A_1144 = tpu.memref_slice %arg8[%scan3A_603, %scan3A_604, %scatter3A_1142, %scatter3A_1143] : memref<2x1x64x133xf32, #tpu.memory_space<vmem>> -> memref<1x1x64x133xf32, #tpu.memory_space<vmem>>
        %scatter3A_1145 = tpu.memref_squeeze %scatter3A_1144 : memref<1x1x64x133xf32, #tpu.memory_space<vmem>> -> memref<64x133xf32, #tpu.memory_space<vmem>>
        tpu.vector_store_idx %scatter3A_1145[%add3A_10, %add3A_1118], %get3A_1141 : memref<64x133xf32, #tpu.memory_space<vmem>>[vector<16xi32>, vector<16xi32>], vector<16xf32>,
        %get3A_1146 = arith.constant 1 : i32
        %get3A_1147 = arith.index_cast %get3A_1146 : i32 to index
        %get3A_1148 = arith.index_cast %add3A_1116 : i32 to index
        %get3A_1149 = arith.constant 48 : index
        %get3A_1150 = tpu.vector_load %arg7[%get3A_1147, %get3A_1148, %get3A_1149] {strides = array<i32>} : memref<2x128x64xf32, #tpu.memory_space<vmem>>, vector<16xf32>,
        %scatter3A_1151 = arith.constant 0 : i32
        %scatter3A_1152 = arith.constant 0 : i32
        %scatter3A_1153 = tpu.memref_slice %arg8[%scan3A_603, %scan3A_604, %scatter3A_1151, %scatter3A_1152] : memref<2x1x64x133xf32, #tpu.memory_space<vmem>> -> memref<1x1x64x133xf32, #tpu.memory_space<vmem>>
        %scatter3A_1154 = tpu.memref_squeeze %scatter3A_1153 : memref<1x1x64x133xf32, #tpu.memory_space<vmem>> -> memref<64x133xf32, #tpu.memory_space<vmem>>
        tpu.vector_store_idx %scatter3A_1154[%add3A_13, %add3A_1118], %get3A_1150 : memref<64x133xf32, #tpu.memory_space<vmem>>[vector<16xi32>, vector<16xi32>], vector<16xf32>,
        %scan3A_1155 = arith.constant 9 : i32
        %scan3A_1156 = arith.addi %scan3A_762, %scan3A_1155 : i32
        %mul3A_1157 = arith.constant 1 : i32
        %mul3A_1158 = arith.muli %scan3A_1156, %mul3A_1157 : i32
        %add3A_1159 = arith.constant 0 : i32
        %add3A_1160 = arith.addi %add3A_1159, %mul3A_1158 : i32
        %add3A_1161 = vector.broadcast %add3A_1160 : i32 to vector<16xi32>
        %add3A_1162 = arith.addi %broadcast_in_dim3A_1, %add3A_1161 : vector<16xi32>
        %get3A_1163 = arith.constant 1 : i32
        %get3A_1164 = arith.index_cast %get3A_1163 : i32 to index
        %get3A_1165 = arith.index_cast %add3A_1160 : i32 to index
        %get3A_1166 = arith.constant 0 : index
        %get3A_1167 = tpu.vector_load %arg7[%get3A_1164, %get3A_1165, %get3A_1166] {strides = array<i32>} : memref<2x128x64xf32, #tpu.memory_space<vmem>>, vector<16xf32>,
        %scatter3A_1168 = arith.constant 0 : i32
        %scatter3A_1169 = arith.constant 0 : i32
        %scatter3A_1170 = tpu.memref_slice %arg8[%scan3A_603, %scan3A_604, %scatter3A_1168, %scatter3A_1169] : memref<2x1x64x133xf32, #tpu.memory_space<vmem>> -> memref<1x1x64x133xf32, #tpu.memory_space<vmem>>
        %scatter3A_1171 = tpu.memref_squeeze %scatter3A_1170 : memref<1x1x64x133xf32, #tpu.memory_space<vmem>> -> memref<64x133xf32, #tpu.memory_space<vmem>>
        tpu.vector_store_idx %scatter3A_1171[%add3A_4, %add3A_1162], %get3A_1167 : memref<64x133xf32, #tpu.memory_space<vmem>>[vector<16xi32>, vector<16xi32>], vector<16xf32>,
        %get3A_1172 = arith.constant 1 : i32
        %get3A_1173 = arith.index_cast %get3A_1172 : i32 to index
        %get3A_1174 = arith.index_cast %add3A_1160 : i32 to index
        %get3A_1175 = arith.constant 16 : index
        %get3A_1176 = tpu.vector_load %arg7[%get3A_1173, %get3A_1174, %get3A_1175] {strides = array<i32>} : memref<2x128x64xf32, #tpu.memory_space<vmem>>, vector<16xf32>,
        %scatter3A_1177 = arith.constant 0 : i32
        %scatter3A_1178 = arith.constant 0 : i32
        %scatter3A_1179 = tpu.memref_slice %arg8[%scan3A_603, %scan3A_604, %scatter3A_1177, %scatter3A_1178] : memref<2x1x64x133xf32, #tpu.memory_space<vmem>> -> memref<1x1x64x133xf32, #tpu.memory_space<vmem>>
        %scatter3A_1180 = tpu.memref_squeeze %scatter3A_1179 : memref<1x1x64x133xf32, #tpu.memory_space<vmem>> -> memref<64x133xf32, #tpu.memory_space<vmem>>
        tpu.vector_store_idx %scatter3A_1180[%add3A_7, %add3A_1162], %get3A_1176 : memref<64x133xf32, #tpu.memory_space<vmem>>[vector<16xi32>, vector<16xi32>], vector<16xf32>,
        %get3A_1181 = arith.constant 1 : i32
        %get3A_1182 = arith.index_cast %get3A_1181 : i32 to index
        %get3A_1183 = arith.index_cast %add3A_1160 : i32 to index
        %get3A_1184 = arith.constant 32 : index
        %get3A_1185 = tpu.vector_load %arg7[%get3A_1182, %get3A_1183, %get3A_1184] {strides = array<i32>} : memref<2x128x64xf32, #tpu.memory_space<vmem>>, vector<16xf32>,
        %scatter3A_1186 = arith.constant 0 : i32
        %scatter3A_1187 = arith.constant 0 : i32
        %scatter3A_1188 = tpu.memref_slice %arg8[%scan3A_603, %scan3A_604, %scatter3A_1186, %scatter3A_1187] : memref<2x1x64x133xf32, #tpu.memory_space<vmem>> -> memref<1x1x64x133xf32, #tpu.memory_space<vmem>>
        %scatter3A_1189 = tpu.memref_squeeze %scatter3A_1188 : memref<1x1x64x133xf32, #tpu.memory_space<vmem>> -> memref<64x133xf32, #tpu.memory_space<vmem>>
        tpu.vector_store_idx %scatter3A_1189[%add3A_10, %add3A_1162], %get3A_1185 : memref<64x133xf32, #tpu.memory_space<vmem>>[vector<16xi32>, vector<16xi32>], vector<16xf32>,
        %get3A_1190 = arith.constant 1 : i32
        %get3A_1191 = arith.index_cast %get3A_1190 : i32 to index
        %get3A_1192 = arith.index_cast %add3A_1160 : i32 to index
        %get3A_1193 = arith.constant 48 : index
        %get3A_1194 = tpu.vector_load %arg7[%get3A_1191, %get3A_1192, %get3A_1193] {strides = array<i32>} : memref<2x128x64xf32, #tpu.memory_space<vmem>>, vector<16xf32>,
        %scatter3A_1195 = arith.constant 0 : i32
        %scatter3A_1196 = arith.constant 0 : i32
        %scatter3A_1197 = tpu.memref_slice %arg8[%scan3A_603, %scan3A_604, %scatter3A_1195, %scatter3A_1196] : memref<2x1x64x133xf32, #tpu.memory_space<vmem>> -> memref<1x1x64x133xf32, #tpu.memory_space<vmem>>
        %scatter3A_1198 = tpu.memref_squeeze %scatter3A_1197 : memref<1x1x64x133xf32, #tpu.memory_space<vmem>> -> memref<64x133xf32, #tpu.memory_space<vmem>>
        tpu.vector_store_idx %scatter3A_1198[%add3A_13, %add3A_1162], %get3A_1194 : memref<64x133xf32, #tpu.memory_space<vmem>>[vector<16xi32>, vector<16xi32>], vector<16xf32>,
        %scan3A_1199 = arith.constant 10 : i32
        %scan3A_1200 = arith.addi %scan3A_762, %scan3A_1199 : i32
        %mul3A_1201 = arith.constant 1 : i32
        %mul3A_1202 = arith.muli %scan3A_1200, %mul3A_1201 : i32
        %add3A_1203 = arith.constant 0 : i32
        %add3A_1204 = arith.addi %add3A_1203, %mul3A_1202 : i32
        %add3A_1205 = vector.broadcast %add3A_1204 : i32 to vector<16xi32>
        %add3A_1206 = arith.addi %broadcast_in_dim3A_1, %add3A_1205 : vector<16xi32>
        %get3A_1207 = arith.constant 1 : i32
        %get3A_1208 = arith.index_cast %get3A_1207 : i32 to index
        %get3A_1209 = arith.index_cast %add3A_1204 : i32 to index
        %get3A_1210 = arith.constant 0 : index
        %get3A_1211 = tpu.vector_load %arg7[%get3A_1208, %get3A_1209, %get3A_1210] {strides = array<i32>} : memref<2x128x64xf32, #tpu.memory_space<vmem>>, vector<16xf32>,
        %scatter3A_1212 = arith.constant 0 : i32
        %scatter3A_1213 = arith.constant 0 : i32
        %scatter3A_1214 = tpu.memref_slice %arg8[%scan3A_603, %scan3A_604, %scatter3A_1212, %scatter3A_1213] : memref<2x1x64x133xf32, #tpu.memory_space<vmem>> -> memref<1x1x64x133xf32, #tpu.memory_space<vmem>>
        %scatter3A_1215 = tpu.memref_squeeze %scatter3A_1214 : memref<1x1x64x133xf32, #tpu.memory_space<vmem>> -> memref<64x133xf32, #tpu.memory_space<vmem>>
        tpu.vector_store_idx %scatter3A_1215[%add3A_4, %add3A_1206], %get3A_1211 : memref<64x133xf32, #tpu.memory_space<vmem>>[vector<16xi32>, vector<16xi32>], vector<16xf32>,
        %get3A_1216 = arith.constant 1 : i32
        %get3A_1217 = arith.index_cast %get3A_1216 : i32 to index
        %get3A_1218 = arith.index_cast %add3A_1204 : i32 to index
        %get3A_1219 = arith.constant 16 : index
        %get3A_1220 = tpu.vector_load %arg7[%get3A_1217, %get3A_1218, %get3A_1219] {strides = array<i32>} : memref<2x128x64xf32, #tpu.memory_space<vmem>>, vector<16xf32>,
        %scatter3A_1221 = arith.constant 0 : i32
        %scatter3A_1222 = arith.constant 0 : i32
        %scatter3A_1223 = tpu.memref_slice %arg8[%scan3A_603, %scan3A_604, %scatter3A_1221, %scatter3A_1222] : memref<2x1x64x133xf32, #tpu.memory_space<vmem>> -> memref<1x1x64x133xf32, #tpu.memory_space<vmem>>
        %scatter3A_1224 = tpu.memref_squeeze %scatter3A_1223 : memref<1x1x64x133xf32, #tpu.memory_space<vmem>> -> memref<64x133xf32, #tpu.memory_space<vmem>>
        tpu.vector_store_idx %scatter3A_1224[%add3A_7, %add3A_1206], %get3A_1220 : memref<64x133xf32, #tpu.memory_space<vmem>>[vector<16xi32>, vector<16xi32>], vector<16xf32>,
        %get3A_1225 = arith.constant 1 : i32
        %get3A_1226 = arith.index_cast %get3A_1225 : i32 to index
        %get3A_1227 = arith.index_cast %add3A_1204 : i32 to index
        %get3A_1228 = arith.constant 32 : index
        %get3A_1229 = tpu.vector_load %arg7[%get3A_1226, %get3A_1227, %get3A_1228] {strides = array<i32>} : memref<2x128x64xf32, #tpu.memory_space<vmem>>, vector<16xf32>,
        %scatter3A_1230 = arith.constant 0 : i32
        %scatter3A_1231 = arith.constant 0 : i32
        %scatter3A_1232 = tpu.memref_slice %arg8[%scan3A_603, %scan3A_604, %scatter3A_1230, %scatter3A_1231] : memref<2x1x64x133xf32, #tpu.memory_space<vmem>> -> memref<1x1x64x133xf32, #tpu.memory_space<vmem>>
        %scatter3A_1233 = tpu.memref_squeeze %scatter3A_1232 : memref<1x1x64x133xf32, #tpu.memory_space<vmem>> -> memref<64x133xf32, #tpu.memory_space<vmem>>
        tpu.vector_store_idx %scatter3A_1233[%add3A_10, %add3A_1206], %get3A_1229 : memref<64x133xf32, #tpu.memory_space<vmem>>[vector<16xi32>, vector<16xi32>], vector<16xf32>,
        %get3A_1234 = arith.constant 1 : i32
        %get3A_1235 = arith.index_cast %get3A_1234 : i32 to index
        %get3A_1236 = arith.index_cast %add3A_1204 : i32 to index
        %get3A_1237 = arith.constant 48 : index
        %get3A_1238 = tpu.vector_load %arg7[%get3A_1235, %get3A_1236, %get3A_1237] {strides = array<i32>} : memref<2x128x64xf32, #tpu.memory_space<vmem>>, vector<16xf32>,
        %scatter3A_1239 = arith.constant 0 : i32
        %scatter3A_1240 = arith.constant 0 : i32
        %scatter3A_1241 = tpu.memref_slice %arg8[%scan3A_603, %scan3A_604, %scatter3A_1239, %scatter3A_1240] : memref<2x1x64x133xf32, #tpu.memory_space<vmem>> -> memref<1x1x64x133xf32, #tpu.memory_space<vmem>>
        %scatter3A_1242 = tpu.memref_squeeze %scatter3A_1241 : memref<1x1x64x133xf32, #tpu.memory_space<vmem>> -> memref<64x133xf32, #tpu.memory_space<vmem>>
        tpu.vector_store_idx %scatter3A_1242[%add3A_13, %add3A_1206], %get3A_1238 : memref<64x133xf32, #tpu.memory_space<vmem>>[vector<16xi32>, vector<16xi32>], vector<16xf32>,
        %scan3A_1243 = arith.constant 11 : i32
        %scan3A_1244 = arith.addi %scan3A_762, %scan3A_1243 : i32
        %mul3A_1245 = arith.constant 1 : i32
        %mul3A_1246 = arith.muli %scan3A_1244, %mul3A_1245 : i32
        %add3A_1247 = arith.constant 0 : i32
        %add3A_1248 = arith.addi %add3A_1247, %mul3A_1246 : i32
        %add3A_1249 = vector.broadcast %add3A_1248 : i32 to vector<16xi32>
        %add3A_1250 = arith.addi %broadcast_in_dim3A_1, %add3A_1249 : vector<16xi32>
        %get3A_1251 = arith.constant 1 : i32
        %get3A_1252 = arith.index_cast %get3A_1251 : i32 to index
        %get3A_1253 = arith.index_cast %add3A_1248 : i32 to index
        %get3A_1254 = arith.constant 0 : index
        %get3A_1255 = tpu.vector_load %arg7[%get3A_1252, %get3A_1253, %get3A_1254] {strides = array<i32>} : memref<2x128x64xf32, #tpu.memory_space<vmem>>, vector<16xf32>,
        %scatter3A_1256 = arith.constant 0 : i32
        %scatter3A_1257 = arith.constant 0 : i32
        %scatter3A_1258 = tpu.memref_slice %arg8[%scan3A_603, %scan3A_604, %scatter3A_1256, %scatter3A_1257] : memref<2x1x64x133xf32, #tpu.memory_space<vmem>> -> memref<1x1x64x133xf32, #tpu.memory_space<vmem>>
        %scatter3A_1259 = tpu.memref_squeeze %scatter3A_1258 : memref<1x1x64x133xf32, #tpu.memory_space<vmem>> -> memref<64x133xf32, #tpu.memory_space<vmem>>
        tpu.vector_store_idx %scatter3A_1259[%add3A_4, %add3A_1250], %get3A_1255 : memref<64x133xf32, #tpu.memory_space<vmem>>[vector<16xi32>, vector<16xi32>], vector<16xf32>,
        %get3A_1260 = arith.constant 1 : i32
        %get3A_1261 = arith.index_cast %get3A_1260 : i32 to index
        %get3A_1262 = arith.index_cast %add3A_1248 : i32 to index
        %get3A_1263 = arith.constant 16 : index
        %get3A_1264 = tpu.vector_load %arg7[%get3A_1261, %get3A_1262, %get3A_1263] {strides = array<i32>} : memref<2x128x64xf32, #tpu.memory_space<vmem>>, vector<16xf32>,
        %scatter3A_1265 = arith.constant 0 : i32
        %scatter3A_1266 = arith.constant 0 : i32
        %scatter3A_1267 = tpu.memref_slice %arg8[%scan3A_603, %scan3A_604, %scatter3A_1265, %scatter3A_1266] : memref<2x1x64x133xf32, #tpu.memory_space<vmem>> -> memref<1x1x64x133xf32, #tpu.memory_space<vmem>>
        %scatter3A_1268 = tpu.memref_squeeze %scatter3A_1267 : memref<1x1x64x133xf32, #tpu.memory_space<vmem>> -> memref<64x133xf32, #tpu.memory_space<vmem>>
        tpu.vector_store_idx %scatter3A_1268[%add3A_7, %add3A_1250], %get3A_1264 : memref<64x133xf32, #tpu.memory_space<vmem>>[vector<16xi32>, vector<16xi32>], vector<16xf32>,
        %get3A_1269 = arith.constant 1 : i32
        %get3A_1270 = arith.index_cast %get3A_1269 : i32 to index
        %get3A_1271 = arith.index_cast %add3A_1248 : i32 to index
        %get3A_1272 = arith.constant 32 : index
        %get3A_1273 = tpu.vector_load %arg7[%get3A_1270, %get3A_1271, %get3A_1272] {strides = array<i32>} : memref<2x128x64xf32, #tpu.memory_space<vmem>>, vector<16xf32>,
        %scatter3A_1274 = arith.constant 0 : i32
        %scatter3A_1275 = arith.constant 0 : i32
        %scatter3A_1276 = tpu.memref_slice %arg8[%scan3A_603, %scan3A_604, %scatter3A_1274, %scatter3A_1275] : memref<2x1x64x133xf32, #tpu.memory_space<vmem>> -> memref<1x1x64x133xf32, #tpu.memory_space<vmem>>
        %scatter3A_1277 = tpu.memref_squeeze %scatter3A_1276 : memref<1x1x64x133xf32, #tpu.memory_space<vmem>> -> memref<64x133xf32, #tpu.memory_space<vmem>>
        tpu.vector_store_idx %scatter3A_1277[%add3A_10, %add3A_1250], %get3A_1273 : memref<64x133xf32, #tpu.memory_space<vmem>>[vector<16xi32>, vector<16xi32>], vector<16xf32>,
        %get3A_1278 = arith.constant 1 : i32
        %get3A_1279 = arith.index_cast %get3A_1278 : i32 to index
        %get3A_1280 = arith.index_cast %add3A_1248 : i32 to index
        %get3A_1281 = arith.constant 48 : index
        %get3A_1282 = tpu.vector_load %arg7[%get3A_1279, %get3A_1280, %get3A_1281] {strides = array<i32>} : memref<2x128x64xf32, #tpu.memory_space<vmem>>, vector<16xf32>,
        %scatter3A_1283 = arith.constant 0 : i32
        %scatter3A_1284 = arith.constant 0 : i32
        %scatter3A_1285 = tpu.memref_slice %arg8[%scan3A_603, %scan3A_604, %scatter3A_1283, %scatter3A_1284] : memref<2x1x64x133xf32, #tpu.memory_space<vmem>> -> memref<1x1x64x133xf32, #tpu.memory_space<vmem>>
        %scatter3A_1286 = tpu.memref_squeeze %scatter3A_1285 : memref<1x1x64x133xf32, #tpu.memory_space<vmem>> -> memref<64x133xf32, #tpu.memory_space<vmem>>
        tpu.vector_store_idx %scatter3A_1286[%add3A_13, %add3A_1250], %get3A_1282 : memref<64x133xf32, #tpu.memory_space<vmem>>[vector<16xi32>, vector<16xi32>], vector<16xf32>,
        %scan3A_1287 = arith.constant 12 : i32
        %scan3A_1288 = arith.addi %scan3A_762, %scan3A_1287 : i32
        %mul3A_1289 = arith.constant 1 : i32
        %mul3A_1290 = arith.muli %scan3A_1288, %mul3A_1289 : i32
        %add3A_1291 = arith.constant 0 : i32
        %add3A_1292 = arith.addi %add3A_1291, %mul3A_1290 : i32
        %add3A_1293 = vector.broadcast %add3A_1292 : i32 to vector<16xi32>
        %add3A_1294 = arith.addi %broadcast_in_dim3A_1, %add3A_1293 : vector<16xi32>
        %get3A_1295 = arith.constant 1 : i32
        %get3A_1296 = arith.index_cast %get3A_1295 : i32 to index
        %get3A_1297 = arith.index_cast %add3A_1292 : i32 to index
        %get3A_1298 = arith.constant 0 : index
        %get3A_1299 = tpu.vector_load %arg7[%get3A_1296, %get3A_1297, %get3A_1298] {strides = array<i32>} : memref<2x128x64xf32, #tpu.memory_space<vmem>>, vector<16xf32>,
        %scatter3A_1300 = arith.constant 0 : i32
        %scatter3A_1301 = arith.constant 0 : i32
        %scatter3A_1302 = tpu.memref_slice %arg8[%scan3A_603, %scan3A_604, %scatter3A_1300, %scatter3A_1301] : memref<2x1x64x133xf32, #tpu.memory_space<vmem>> -> memref<1x1x64x133xf32, #tpu.memory_space<vmem>>
        %scatter3A_1303 = tpu.memref_squeeze %scatter3A_1302 : memref<1x1x64x133xf32, #tpu.memory_space<vmem>> -> memref<64x133xf32, #tpu.memory_space<vmem>>
        tpu.vector_store_idx %scatter3A_1303[%add3A_4, %add3A_1294], %get3A_1299 : memref<64x133xf32, #tpu.memory_space<vmem>>[vector<16xi32>, vector<16xi32>], vector<16xf32>,
        %get3A_1304 = arith.constant 1 : i32
        %get3A_1305 = arith.index_cast %get3A_1304 : i32 to index
        %get3A_1306 = arith.index_cast %add3A_1292 : i32 to index
        %get3A_1307 = arith.constant 16 : index
        %get3A_1308 = tpu.vector_load %arg7[%get3A_1305, %get3A_1306, %get3A_1307] {strides = array<i32>} : memref<2x128x64xf32, #tpu.memory_space<vmem>>, vector<16xf32>,
        %scatter3A_1309 = arith.constant 0 : i32
        %scatter3A_1310 = arith.constant 0 : i32
        %scatter3A_1311 = tpu.memref_slice %arg8[%scan3A_603, %scan3A_604, %scatter3A_1309, %scatter3A_1310] : memref<2x1x64x133xf32, #tpu.memory_space<vmem>> -> memref<1x1x64x133xf32, #tpu.memory_space<vmem>>
        %scatter3A_1312 = tpu.memref_squeeze %scatter3A_1311 : memref<1x1x64x133xf32, #tpu.memory_space<vmem>> -> memref<64x133xf32, #tpu.memory_space<vmem>>
        tpu.vector_store_idx %scatter3A_1312[%add3A_7, %add3A_1294], %get3A_1308 : memref<64x133xf32, #tpu.memory_space<vmem>>[vector<16xi32>, vector<16xi32>], vector<16xf32>,
        %get3A_1313 = arith.constant 1 : i32
        %get3A_1314 = arith.index_cast %get3A_1313 : i32 to index
        %get3A_1315 = arith.index_cast %add3A_1292 : i32 to index
        %get3A_1316 = arith.constant 32 : index
        %get3A_1317 = tpu.vector_load %arg7[%get3A_1314, %get3A_1315, %get3A_1316] {strides = array<i32>} : memref<2x128x64xf32, #tpu.memory_space<vmem>>, vector<16xf32>,
        %scatter3A_1318 = arith.constant 0 : i32
        %scatter3A_1319 = arith.constant 0 : i32
        %scatter3A_1320 = tpu.memref_slice %arg8[%scan3A_603, %scan3A_604, %scatter3A_1318, %scatter3A_1319] : memref<2x1x64x133xf32, #tpu.memory_space<vmem>> -> memref<1x1x64x133xf32, #tpu.memory_space<vmem>>
        %scatter3A_1321 = tpu.memref_squeeze %scatter3A_1320 : memref<1x1x64x133xf32, #tpu.memory_space<vmem>> -> memref<64x133xf32, #tpu.memory_space<vmem>>
        tpu.vector_store_idx %scatter3A_1321[%add3A_10, %add3A_1294], %get3A_1317 : memref<64x133xf32, #tpu.memory_space<vmem>>[vector<16xi32>, vector<16xi32>], vector<16xf32>,
        %get3A_1322 = arith.constant 1 : i32
        %get3A_1323 = arith.index_cast %get3A_1322 : i32 to index
        %get3A_1324 = arith.index_cast %add3A_1292 : i32 to index
        %get3A_1325 = arith.constant 48 : index
        %get3A_1326 = tpu.vector_load %arg7[%get3A_1323, %get3A_1324, %get3A_1325] {strides = array<i32>} : memref<2x128x64xf32, #tpu.memory_space<vmem>>, vector<16xf32>,
        %scatter3A_1327 = arith.constant 0 : i32
        %scatter3A_1328 = arith.constant 0 : i32
        %scatter3A_1329 = tpu.memref_slice %arg8[%scan3A_603, %scan3A_604, %scatter3A_1327, %scatter3A_1328] : memref<2x1x64x133xf32, #tpu.memory_space<vmem>> -> memref<1x1x64x133xf32, #tpu.memory_space<vmem>>
        %scatter3A_1330 = tpu.memref_squeeze %scatter3A_1329 : memref<1x1x64x133xf32, #tpu.memory_space<vmem>> -> memref<64x133xf32, #tpu.memory_space<vmem>>
        tpu.vector_store_idx %scatter3A_1330[%add3A_13, %add3A_1294], %get3A_1326 : memref<64x133xf32, #tpu.memory_space<vmem>>[vector<16xi32>, vector<16xi32>], vector<16xf32>,
        %scan3A_1331 = arith.constant 13 : i32
        %scan3A_1332 = arith.addi %scan3A_762, %scan3A_1331 : i32
        %mul3A_1333 = arith.constant 1 : i32
        %mul3A_1334 = arith.muli %scan3A_1332, %mul3A_1333 : i32
        %add3A_1335 = arith.constant 0 : i32
        %add3A_1336 = arith.addi %add3A_1335, %mul3A_1334 : i32
        %add3A_1337 = vector.broadcast %add3A_1336 : i32 to vector<16xi32>
        %add3A_1338 = arith.addi %broadcast_in_dim3A_1, %add3A_1337 : vector<16xi32>
        %get3A_1339 = arith.constant 1 : i32
        %get3A_1340 = arith.index_cast %get3A_1339 : i32 to index
        %get3A_1341 = arith.index_cast %add3A_1336 : i32 to index
        %get3A_1342 = arith.constant 0 : index
        %get3A_1343 = tpu.vector_load %arg7[%get3A_1340, %get3A_1341, %get3A_1342] {strides = array<i32>} : memref<2x128x64xf32, #tpu.memory_space<vmem>>, vector<16xf32>,
        %scatter3A_1344 = arith.constant 0 : i32
        %scatter3A_1345 = arith.constant 0 : i32
        %scatter3A_1346 = tpu.memref_slice %arg8[%scan3A_603, %scan3A_604, %scatter3A_1344, %scatter3A_1345] : memref<2x1x64x133xf32, #tpu.memory_space<vmem>> -> memref<1x1x64x133xf32, #tpu.memory_space<vmem>>
        %scatter3A_1347 = tpu.memref_squeeze %scatter3A_1346 : memref<1x1x64x133xf32, #tpu.memory_space<vmem>> -> memref<64x133xf32, #tpu.memory_space<vmem>>
        tpu.vector_store_idx %scatter3A_1347[%add3A_4, %add3A_1338], %get3A_1343 : memref<64x133xf32, #tpu.memory_space<vmem>>[vector<16xi32>, vector<16xi32>], vector<16xf32>,
        %get3A_1348 = arith.constant 1 : i32
        %get3A_1349 = arith.index_cast %get3A_1348 : i32 to index
        %get3A_1350 = arith.index_cast %add3A_1336 : i32 to index
        %get3A_1351 = arith.constant 16 : index
        %get3A_1352 = tpu.vector_load %arg7[%get3A_1349, %get3A_1350, %get3A_1351] {strides = array<i32>} : memref<2x128x64xf32, #tpu.memory_space<vmem>>, vector<16xf32>,
        %scatter3A_1353 = arith.constant 0 : i32
        %scatter3A_1354 = arith.constant 0 : i32
        %scatter3A_1355 = tpu.memref_slice %arg8[%scan3A_603, %scan3A_604, %scatter3A_1353, %scatter3A_1354] : memref<2x1x64x133xf32, #tpu.memory_space<vmem>> -> memref<1x1x64x133xf32, #tpu.memory_space<vmem>>
        %scatter3A_1356 = tpu.memref_squeeze %scatter3A_1355 : memref<1x1x64x133xf32, #tpu.memory_space<vmem>> -> memref<64x133xf32, #tpu.memory_space<vmem>>
        tpu.vector_store_idx %scatter3A_1356[%add3A_7, %add3A_1338], %get3A_1352 : memref<64x133xf32, #tpu.memory_space<vmem>>[vector<16xi32>, vector<16xi32>], vector<16xf32>,
        %get3A_1357 = arith.constant 1 : i32
        %get3A_1358 = arith.index_cast %get3A_1357 : i32 to index
        %get3A_1359 = arith.index_cast %add3A_1336 : i32 to index
        %get3A_1360 = arith.constant 32 : index
        %get3A_1361 = tpu.vector_load %arg7[%get3A_1358, %get3A_1359, %get3A_1360] {strides = array<i32>} : memref<2x128x64xf32, #tpu.memory_space<vmem>>, vector<16xf32>,
        %scatter3A_1362 = arith.constant 0 : i32
        %scatter3A_1363 = arith.constant 0 : i32
        %scatter3A_1364 = tpu.memref_slice %arg8[%scan3A_603, %scan3A_604, %scatter3A_1362, %scatter3A_1363] : memref<2x1x64x133xf32, #tpu.memory_space<vmem>> -> memref<1x1x64x133xf32, #tpu.memory_space<vmem>>
        %scatter3A_1365 = tpu.memref_squeeze %scatter3A_1364 : memref<1x1x64x133xf32, #tpu.memory_space<vmem>> -> memref<64x133xf32, #tpu.memory_space<vmem>>
        tpu.vector_store_idx %scatter3A_1365[%add3A_10, %add3A_1338], %get3A_1361 : memref<64x133xf32, #tpu.memory_space<vmem>>[vector<16xi32>, vector<16xi32>], vector<16xf32>,
        %get3A_1366 = arith.constant 1 : i32
        %get3A_1367 = arith.index_cast %get3A_1366 : i32 to index
        %get3A_1368 = arith.index_cast %add3A_1336 : i32 to index
        %get3A_1369 = arith.constant 48 : index
        %get3A_1370 = tpu.vector_load %arg7[%get3A_1367, %get3A_1368, %get3A_1369] {strides = array<i32>} : memref<2x128x64xf32, #tpu.memory_space<vmem>>, vector<16xf32>,
        %scatter3A_1371 = arith.constant 0 : i32
        %scatter3A_1372 = arith.constant 0 : i32
        %scatter3A_1373 = tpu.memref_slice %arg8[%scan3A_603, %scan3A_604, %scatter3A_1371, %scatter3A_1372] : memref<2x1x64x133xf32, #tpu.memory_space<vmem>> -> memref<1x1x64x133xf32, #tpu.memory_space<vmem>>
        %scatter3A_1374 = tpu.memref_squeeze %scatter3A_1373 : memref<1x1x64x133xf32, #tpu.memory_space<vmem>> -> memref<64x133xf32, #tpu.memory_space<vmem>>
        tpu.vector_store_idx %scatter3A_1374[%add3A_13, %add3A_1338], %get3A_1370 : memref<64x133xf32, #tpu.memory_space<vmem>>[vector<16xi32>, vector<16xi32>], vector<16xf32>,
        %scan3A_1375 = arith.constant 14 : i32
        %scan3A_1376 = arith.addi %scan3A_762, %scan3A_1375 : i32
        %mul3A_1377 = arith.constant 1 : i32
        %mul3A_1378 = arith.muli %scan3A_1376, %mul3A_1377 : i32
        %add3A_1379 = arith.constant 0 : i32
        %add3A_1380 = arith.addi %add3A_1379, %mul3A_1378 : i32
        %add3A_1381 = vector.broadcast %add3A_1380 : i32 to vector<16xi32>
        %add3A_1382 = arith.addi %broadcast_in_dim3A_1, %add3A_1381 : vector<16xi32>
        %get3A_1383 = arith.constant 1 : i32
        %get3A_1384 = arith.index_cast %get3A_1383 : i32 to index
        %get3A_1385 = arith.index_cast %add3A_1380 : i32 to index
        %get3A_1386 = arith.constant 0 : index
        %get3A_1387 = tpu.vector_load %arg7[%get3A_1384, %get3A_1385, %get3A_1386] {strides = array<i32>} : memref<2x128x64xf32, #tpu.memory_space<vmem>>, vector<16xf32>,
        %scatter3A_1388 = arith.constant 0 : i32
        %scatter3A_1389 = arith.constant 0 : i32
        %scatter3A_1390 = tpu.memref_slice %arg8[%scan3A_603, %scan3A_604, %scatter3A_1388, %scatter3A_1389] : memref<2x1x64x133xf32, #tpu.memory_space<vmem>> -> memref<1x1x64x133xf32, #tpu.memory_space<vmem>>
        %scatter3A_1391 = tpu.memref_squeeze %scatter3A_1390 : memref<1x1x64x133xf32, #tpu.memory_space<vmem>> -> memref<64x133xf32, #tpu.memory_space<vmem>>
        tpu.vector_store_idx %scatter3A_1391[%add3A_4, %add3A_1382], %get3A_1387 : memref<64x133xf32, #tpu.memory_space<vmem>>[vector<16xi32>, vector<16xi32>], vector<16xf32>,
        %get3A_1392 = arith.constant 1 : i32
        %get3A_1393 = arith.index_cast %get3A_1392 : i32 to index
        %get3A_1394 = arith.index_cast %add3A_1380 : i32 to index
        %get3A_1395 = arith.constant 16 : index
        %get3A_1396 = tpu.vector_load %arg7[%get3A_1393, %get3A_1394, %get3A_1395] {strides = array<i32>} : memref<2x128x64xf32, #tpu.memory_space<vmem>>, vector<16xf32>,
        %scatter3A_1397 = arith.constant 0 : i32
        %scatter3A_1398 = arith.constant 0 : i32
        %scatter3A_1399 = tpu.memref_slice %arg8[%scan3A_603, %scan3A_604, %scatter3A_1397, %scatter3A_1398] : memref<2x1x64x133xf32, #tpu.memory_space<vmem>> -> memref<1x1x64x133xf32, #tpu.memory_space<vmem>>
        %scatter3A_1400 = tpu.memref_squeeze %scatter3A_1399 : memref<1x1x64x133xf32, #tpu.memory_space<vmem>> -> memref<64x133xf32, #tpu.memory_space<vmem>>
        tpu.vector_store_idx %scatter3A_1400[%add3A_7, %add3A_1382], %get3A_1396 : memref<64x133xf32, #tpu.memory_space<vmem>>[vector<16xi32>, vector<16xi32>], vector<16xf32>,
        %get3A_1401 = arith.constant 1 : i32
        %get3A_1402 = arith.index_cast %get3A_1401 : i32 to index
        %get3A_1403 = arith.index_cast %add3A_1380 : i32 to index
        %get3A_1404 = arith.constant 32 : index
        %get3A_1405 = tpu.vector_load %arg7[%get3A_1402, %get3A_1403, %get3A_1404] {strides = array<i32>} : memref<2x128x64xf32, #tpu.memory_space<vmem>>, vector<16xf32>,
        %scatter3A_1406 = arith.constant 0 : i32
        %scatter3A_1407 = arith.constant 0 : i32
        %scatter3A_1408 = tpu.memref_slice %arg8[%scan3A_603, %scan3A_604, %scatter3A_1406, %scatter3A_1407] : memref<2x1x64x133xf32, #tpu.memory_space<vmem>> -> memref<1x1x64x133xf32, #tpu.memory_space<vmem>>
        %scatter3A_1409 = tpu.memref_squeeze %scatter3A_1408 : memref<1x1x64x133xf32, #tpu.memory_space<vmem>> -> memref<64x133xf32, #tpu.memory_space<vmem>>
        tpu.vector_store_idx %scatter3A_1409[%add3A_10, %add3A_1382], %get3A_1405 : memref<64x133xf32, #tpu.memory_space<vmem>>[vector<16xi32>, vector<16xi32>], vector<16xf32>,
        %get3A_1410 = arith.constant 1 : i32
        %get3A_1411 = arith.index_cast %get3A_1410 : i32 to index
        %get3A_1412 = arith.index_cast %add3A_1380 : i32 to index
        %get3A_1413 = arith.constant 48 : index
        %get3A_1414 = tpu.vector_load %arg7[%get3A_1411, %get3A_1412, %get3A_1413] {strides = array<i32>} : memref<2x128x64xf32, #tpu.memory_space<vmem>>, vector<16xf32>,
        %scatter3A_1415 = arith.constant 0 : i32
        %scatter3A_1416 = arith.constant 0 : i32
        %scatter3A_1417 = tpu.memref_slice %arg8[%scan3A_603, %scan3A_604, %scatter3A_1415, %scatter3A_1416] : memref<2x1x64x133xf32, #tpu.memory_space<vmem>> -> memref<1x1x64x133xf32, #tpu.memory_space<vmem>>
        %scatter3A_1418 = tpu.memref_squeeze %scatter3A_1417 : memref<1x1x64x133xf32, #tpu.memory_space<vmem>> -> memref<64x133xf32, #tpu.memory_space<vmem>>
        tpu.vector_store_idx %scatter3A_1418[%add3A_13, %add3A_1382], %get3A_1414 : memref<64x133xf32, #tpu.memory_space<vmem>>[vector<16xi32>, vector<16xi32>], vector<16xf32>,
        %scan3A_1419 = arith.constant 15 : i32
        %scan3A_1420 = arith.addi %scan3A_762, %scan3A_1419 : i32
        %mul3A_1421 = arith.constant 1 : i32
        %mul3A_1422 = arith.muli %scan3A_1420, %mul3A_1421 : i32
        %add3A_1423 = arith.constant 0 : i32
        %add3A_1424 = arith.addi %add3A_1423, %mul3A_1422 : i32
        %add3A_1425 = vector.broadcast %add3A_1424 : i32 to vector<16xi32>
        %add3A_1426 = arith.addi %broadcast_in_dim3A_1, %add3A_1425 : vector<16xi32>
        %get3A_1427 = arith.constant 1 : i32
        %get3A_1428 = arith.index_cast %get3A_1427 : i32 to index
        %get3A_1429 = arith.index_cast %add3A_1424 : i32 to index
        %get3A_1430 = arith.constant 0 : index
        %get3A_1431 = tpu.vector_load %arg7[%get3A_1428, %get3A_1429, %get3A_1430] {strides = array<i32>} : memref<2x128x64xf32, #tpu.memory_space<vmem>>, vector<16xf32>,
        %scatter3A_1432 = arith.constant 0 : i32
        %scatter3A_1433 = arith.constant 0 : i32
        %scatter3A_1434 = tpu.memref_slice %arg8[%scan3A_603, %scan3A_604, %scatter3A_1432, %scatter3A_1433] : memref<2x1x64x133xf32, #tpu.memory_space<vmem>> -> memref<1x1x64x133xf32, #tpu.memory_space<vmem>>
        %scatter3A_1435 = tpu.memref_squeeze %scatter3A_1434 : memref<1x1x64x133xf32, #tpu.memory_space<vmem>> -> memref<64x133xf32, #tpu.memory_space<vmem>>
        tpu.vector_store_idx %scatter3A_1435[%add3A_4, %add3A_1426], %get3A_1431 : memref<64x133xf32, #tpu.memory_space<vmem>>[vector<16xi32>, vector<16xi32>], vector<16xf32>,
        %get3A_1436 = arith.constant 1 : i32
        %get3A_1437 = arith.index_cast %get3A_1436 : i32 to index
        %get3A_1438 = arith.index_cast %add3A_1424 : i32 to index
        %get3A_1439 = arith.constant 16 : index
        %get3A_1440 = tpu.vector_load %arg7[%get3A_1437, %get3A_1438, %get3A_1439] {strides = array<i32>} : memref<2x128x64xf32, #tpu.memory_space<vmem>>, vector<16xf32>,
        %scatter3A_1441 = arith.constant 0 : i32
        %scatter3A_1442 = arith.constant 0 : i32
        %scatter3A_1443 = tpu.memref_slice %arg8[%scan3A_603, %scan3A_604, %scatter3A_1441, %scatter3A_1442] : memref<2x1x64x133xf32, #tpu.memory_space<vmem>> -> memref<1x1x64x133xf32, #tpu.memory_space<vmem>>
        %scatter3A_1444 = tpu.memref_squeeze %scatter3A_1443 : memref<1x1x64x133xf32, #tpu.memory_space<vmem>> -> memref<64x133xf32, #tpu.memory_space<vmem>>
        tpu.vector_store_idx %scatter3A_1444[%add3A_7, %add3A_1426], %get3A_1440 : memref<64x133xf32, #tpu.memory_space<vmem>>[vector<16xi32>, vector<16xi32>], vector<16xf32>,
        %get3A_1445 = arith.constant 1 : i32
        %get3A_1446 = arith.index_cast %get3A_1445 : i32 to index
        %get3A_1447 = arith.index_cast %add3A_1424 : i32 to index
        %get3A_1448 = arith.constant 32 : index
        %get3A_1449 = tpu.vector_load %arg7[%get3A_1446, %get3A_1447, %get3A_1448] {strides = array<i32>} : memref<2x128x64xf32, #tpu.memory_space<vmem>>, vector<16xf32>,
        %scatter3A_1450 = arith.constant 0 : i32
        %scatter3A_1451 = arith.constant 0 : i32
        %scatter3A_1452 = tpu.memref_slice %arg8[%scan3A_603, %scan3A_604, %scatter3A_1450, %scatter3A_1451] : memref<2x1x64x133xf32, #tpu.memory_space<vmem>> -> memref<1x1x64x133xf32, #tpu.memory_space<vmem>>
        %scatter3A_1453 = tpu.memref_squeeze %scatter3A_1452 : memref<1x1x64x133xf32, #tpu.memory_space<vmem>> -> memref<64x133xf32, #tpu.memory_space<vmem>>
        tpu.vector_store_idx %scatter3A_1453[%add3A_10, %add3A_1426], %get3A_1449 : memref<64x133xf32, #tpu.memory_space<vmem>>[vector<16xi32>, vector<16xi32>], vector<16xf32>,
        %get3A_1454 = arith.constant 1 : i32
        %get3A_1455 = arith.index_cast %get3A_1454 : i32 to index
        %get3A_1456 = arith.index_cast %add3A_1424 : i32 to index
        %get3A_1457 = arith.constant 48 : index
        %get3A_1458 = tpu.vector_load %arg7[%get3A_1455, %get3A_1456, %get3A_1457] {strides = array<i32>} : memref<2x128x64xf32, #tpu.memory_space<vmem>>, vector<16xf32>,
        %scatter3A_1459 = arith.constant 0 : i32
        %scatter3A_1460 = arith.constant 0 : i32
        %scatter3A_1461 = tpu.memref_slice %arg8[%scan3A_603, %scan3A_604, %scatter3A_1459, %scatter3A_1460] : memref<2x1x64x133xf32, #tpu.memory_space<vmem>> -> memref<1x1x64x133xf32, #tpu.memory_space<vmem>>
        %scatter3A_1462 = tpu.memref_squeeze %scatter3A_1461 : memref<1x1x64x133xf32, #tpu.memory_space<vmem>> -> memref<64x133xf32, #tpu.memory_space<vmem>>
        tpu.vector_store_idx %scatter3A_1462[%add3A_13, %add3A_1426], %get3A_1458 : memref<64x133xf32, #tpu.memory_space<vmem>>[vector<16xi32>, vector<16xi32>], vector<16xf32>,
      }
      %scan3A_609 = arith.constant 128 : i32
      %mul3A_610 = arith.constant 8 : i32
      %mul3A_611 = arith.muli %add3A, %mul3A_610 : i32
      %add3A_612 = arith.constant 0 : i32
      %add3A_613 = arith.addi %add3A_612, %mul3A_611 : i32
      %dma_start3A_614 = arith.constant 1 : i32
      %dma_start3A_615 = arith.constant 0 : i32
      %dma_start3A_616 = arith.constant 0 : i32
      %dma_start3A_617 = arith.constant 0 : i32
      %dma_start3A_618 = tpu.memref_slice %arg8[%dma_start3A_614, %dma_start3A_615, %dma_start3A_616, %dma_start3A_617] : memref<2x1x64x133xf32, #tpu.memory_space<vmem>> -> memref<1x1x8x128xf32, #tpu.memory_space<vmem>>
      %dma_start3A_619 = tpu.memref_squeeze %dma_start3A_618 : memref<1x1x8x128xf32, #tpu.memory_space<vmem>> -> memref<1x8x128xf32, #tpu.memory_space<vmem>>
      %dma_start3A_620 = arith.constant 0 : i32
      %dma_start3A_621 = tpu.memref_slice %arg4[%add3A_579, %add3A_613, %dma_start3A_620] : memref<200x2048x128xf32, #tpu.memory_space<hbm>> -> memref<1x8x128xf32, #tpu.memory_space<hbm>>
      %dma_start3A_622 = arith.constant 0 : i32
      %dma_start3A_623 = tpu.memref_slice %arg4[%add3A_579, %add3A_613, %dma_start3A_622] : memref<200x2048x128xf32, #tpu.memory_space<hbm>> -> memref<1x8x128xf32, #tpu.memory_space<hbm>>
      %dma_start3A_624 = arith.constant 0 : i32
      %dma_start3A_625 = arith.constant 0 : i32
      %dma_start3A_626 = arith.constant 0 : i32
      %dma_start3A_627 = tpu.memref_slice %arg8[%dma_start3A_614, %dma_start3A_624, %dma_start3A_625, %dma_start3A_626] : memref<2x1x64x133xf32, #tpu.memory_space<vmem>> -> memref<1x1x8x128xf32, #tpu.memory_space<vmem>>
      %dma_start3A_628 = tpu.memref_squeeze %dma_start3A_627 : memref<1x1x8x128xf32, #tpu.memory_space<vmem>> -> memref<1x8x128xf32, #tpu.memory_space<vmem>>
      tpu.enqueue_dma source(%dma_start3A_628 : memref<1x8x128xf32, #tpu.memory_space<vmem>>) target(%dma_start3A_623 : memref<1x8x128xf32, #tpu.memory_space<hbm>>) target_semaphore(%arg12 : memref<!tpu.dma_semaphore, #tpu.memory_space<semaphore_mem>>)
      %mul3A_629 = arith.constant 8 : i32
      %mul3A_630 = arith.muli %add3A, %mul3A_629 : i32
      %add3A_631 = arith.constant 256 : i32
      %add3A_632 = arith.addi %add3A_631, %mul3A_630 : i32
      %dma_start3A_633 = arith.constant 1 : i32
      %dma_start3A_634 = arith.constant 0 : i32
      %dma_start3A_635 = arith.constant 8 : i32
      %dma_start3A_636 = arith.constant 0 : i32
      %dma_start3A_637 = tpu.memref_slice %arg8[%dma_start3A_633, %dma_start3A_634, %dma_start3A_635, %dma_start3A_636] : memref<2x1x64x133xf32, #tpu.memory_space<vmem>> -> memref<1x1x8x128xf32, #tpu.memory_space<vmem>>
      %dma_start3A_638 = tpu.memref_squeeze %dma_start3A_637 : memref<1x1x8x128xf32, #tpu.memory_space<vmem>> -> memref<1x8x128xf32, #tpu.memory_space<vmem>>
      %dma_start3A_639 = arith.constant 0 : i32
      %dma_start3A_640 = tpu.memref_slice %arg4[%add3A_579, %add3A_632, %dma_start3A_639] : memref<200x2048x128xf32, #tpu.memory_space<hbm>> -> memref<1x8x128xf32, #tpu.memory_space<hbm>>
      %dma_start3A_641 = arith.constant 0 : i32
      %dma_start3A_642 = tpu.memref_slice %arg4[%add3A_579, %add3A_632, %dma_start3A_641] : memref<200x2048x128xf32, #tpu.memory_space<hbm>> -> memref<1x8x128xf32, #tpu.memory_space<hbm>>
      %dma_start3A_643 = arith.constant 0 : i32
      %dma_start3A_644 = arith.constant 8 : i32
      %dma_start3A_645 = arith.constant 0 : i32
      %dma_start3A_646 = tpu.memref_slice %arg8[%dma_start3A_633, %dma_start3A_643, %dma_start3A_644, %dma_start3A_645] : memref<2x1x64x133xf32, #tpu.memory_space<vmem>> -> memref<1x1x8x128xf32, #tpu.memory_space<vmem>>
      %dma_start3A_647 = tpu.memref_squeeze %dma_start3A_646 : memref<1x1x8x128xf32, #tpu.memory_space<vmem>> -> memref<1x8x128xf32, #tpu.memory_space<vmem>>
      tpu.enqueue_dma source(%dma_start3A_647 : memref<1x8x128xf32, #tpu.memory_space<vmem>>) target(%dma_start3A_642 : memref<1x8x128xf32, #tpu.memory_space<hbm>>) target_semaphore(%arg12 : memref<!tpu.dma_semaphore, #tpu.memory_space<semaphore_mem>>)
      %mul3A_648 = arith.constant 8 : i32
      %mul3A_649 = arith.muli %add3A, %mul3A_648 : i32
      %add3A_650 = arith.constant 512 : i32
      %add3A_651 = arith.addi %add3A_650, %mul3A_649 : i32
      %dma_start3A_652 = arith.constant 1 : i32
      %dma_start3A_653 = arith.constant 0 : i32
      %dma_start3A_654 = arith.constant 16 : i32
      %dma_start3A_655 = arith.constant 0 : i32
      %dma_start3A_656 = tpu.memref_slice %arg8[%dma_start3A_652, %dma_start3A_653, %dma_start3A_654, %dma_start3A_655] : memref<2x1x64x133xf32, #tpu.memory_space<vmem>> -> memref<1x1x8x128xf32, #tpu.memory_space<vmem>>
      %dma_start3A_657 = tpu.memref_squeeze %dma_start3A_656 : memref<1x1x8x128xf32, #tpu.memory_space<vmem>> -> memref<1x8x128xf32, #tpu.memory_space<vmem>>
      %dma_start3A_658 = arith.constant 0 : i32
      %dma_start3A_659 = tpu.memref_slice %arg4[%add3A_579, %add3A_651, %dma_start3A_658] : memref<200x2048x128xf32, #tpu.memory_space<hbm>> -> memref<1x8x128xf32, #tpu.memory_space<hbm>>
      %dma_start3A_660 = arith.constant 0 : i32
      %dma_start3A_661 = tpu.memref_slice %arg4[%add3A_579, %add3A_651, %dma_start3A_660] : memref<200x2048x128xf32, #tpu.memory_space<hbm>> -> memref<1x8x128xf32, #tpu.memory_space<hbm>>
      %dma_start3A_662 = arith.constant 0 : i32
      %dma_start3A_663 = arith.constant 16 : i32
      %dma_start3A_664 = arith.constant 0 : i32
      %dma_start3A_665 = tpu.memref_slice %arg8[%dma_start3A_652, %dma_start3A_662, %dma_start3A_663, %dma_start3A_664] : memref<2x1x64x133xf32, #tpu.memory_space<vmem>> -> memref<1x1x8x128xf32, #tpu.memory_space<vmem>>
      %dma_start3A_666 = tpu.memref_squeeze %dma_start3A_665 : memref<1x1x8x128xf32, #tpu.memory_space<vmem>> -> memref<1x8x128xf32, #tpu.memory_space<vmem>>
      tpu.enqueue_dma source(%dma_start3A_666 : memref<1x8x128xf32, #tpu.memory_space<vmem>>) target(%dma_start3A_661 : memref<1x8x128xf32, #tpu.memory_space<hbm>>) target_semaphore(%arg12 : memref<!tpu.dma_semaphore, #tpu.memory_space<semaphore_mem>>)
      %mul3A_667 = arith.constant 8 : i32
      %mul3A_668 = arith.muli %add3A, %mul3A_667 : i32
      %add3A_669 = arith.constant 768 : i32
      %add3A_670 = arith.addi %add3A_669, %mul3A_668 : i32
      %dma_start3A_671 = arith.constant 1 : i32
      %dma_start3A_672 = arith.constant 0 : i32
      %dma_start3A_673 = arith.constant 24 : i32
      %dma_start3A_674 = arith.constant 0 : i32
      %dma_start3A_675 = tpu.memref_slice %arg8[%dma_start3A_671, %dma_start3A_672, %dma_start3A_673, %dma_start3A_674] : memref<2x1x64x133xf32, #tpu.memory_space<vmem>> -> memref<1x1x8x128xf32, #tpu.memory_space<vmem>>
      %dma_start3A_676 = tpu.memref_squeeze %dma_start3A_675 : memref<1x1x8x128xf32, #tpu.memory_space<vmem>> -> memref<1x8x128xf32, #tpu.memory_space<vmem>>
      %dma_start3A_677 = arith.constant 0 : i32
      %dma_start3A_678 = tpu.memref_slice %arg4[%add3A_579, %add3A_670, %dma_start3A_677] : memref<200x2048x128xf32, #tpu.memory_space<hbm>> -> memref<1x8x128xf32, #tpu.memory_space<hbm>>
      %dma_start3A_679 = arith.constant 0 : i32
      %dma_start3A_680 = tpu.memref_slice %arg4[%add3A_579, %add3A_670, %dma_start3A_679] : memref<200x2048x128xf32, #tpu.memory_space<hbm>> -> memref<1x8x128xf32, #tpu.memory_space<hbm>>
      %dma_start3A_681 = arith.constant 0 : i32
      %dma_start3A_682 = arith.constant 24 : i32
      %dma_start3A_683 = arith.constant 0 : i32
      %dma_start3A_684 = tpu.memref_slice %arg8[%dma_start3A_671, %dma_start3A_681, %dma_start3A_682, %dma_start3A_683] : memref<2x1x64x133xf32, #tpu.memory_space<vmem>> -> memref<1x1x8x128xf32, #tpu.memory_space<vmem>>
      %dma_start3A_685 = tpu.memref_squeeze %dma_start3A_684 : memref<1x1x8x128xf32, #tpu.memory_space<vmem>> -> memref<1x8x128xf32, #tpu.memory_space<vmem>>
      tpu.enqueue_dma source(%dma_start3A_685 : memref<1x8x128xf32, #tpu.memory_space<vmem>>) target(%dma_start3A_680 : memref<1x8x128xf32, #tpu.memory_space<hbm>>) target_semaphore(%arg12 : memref<!tpu.dma_semaphore, #tpu.memory_space<semaphore_mem>>)
      %mul3A_686 = arith.constant 8 : i32
      %mul3A_687 = arith.muli %add3A, %mul3A_686 : i32
      %add3A_688 = arith.constant 1024 : i32
      %add3A_689 = arith.addi %add3A_688, %mul3A_687 : i32
      %dma_start3A_690 = arith.constant 1 : i32
      %dma_start3A_691 = arith.constant 0 : i32
      %dma_start3A_692 = arith.constant 32 : i32
      %dma_start3A_693 = arith.constant 0 : i32
      %dma_start3A_694 = tpu.memref_slice %arg8[%dma_start3A_690, %dma_start3A_691, %dma_start3A_692, %dma_start3A_693] : memref<2x1x64x133xf32, #tpu.memory_space<vmem>> -> memref<1x1x8x128xf32, #tpu.memory_space<vmem>>
      %dma_start3A_695 = tpu.memref_squeeze %dma_start3A_694 : memref<1x1x8x128xf32, #tpu.memory_space<vmem>> -> memref<1x8x128xf32, #tpu.memory_space<vmem>>
      %dma_start3A_696 = arith.constant 0 : i32
      %dma_start3A_697 = tpu.memref_slice %arg4[%add3A_579, %add3A_689, %dma_start3A_696] : memref<200x2048x128xf32, #tpu.memory_space<hbm>> -> memref<1x8x128xf32, #tpu.memory_space<hbm>>
      %dma_start3A_698 = arith.constant 0 : i32
      %dma_start3A_699 = tpu.memref_slice %arg4[%add3A_579, %add3A_689, %dma_start3A_698] : memref<200x2048x128xf32, #tpu.memory_space<hbm>> -> memref<1x8x128xf32, #tpu.memory_space<hbm>>
      %dma_start3A_700 = arith.constant 0 : i32
      %dma_start3A_701 = arith.constant 32 : i32
      %dma_start3A_702 = arith.constant 0 : i32
      %dma_start3A_703 = tpu.memref_slice %arg8[%dma_start3A_690, %dma_start3A_700, %dma_start3A_701, %dma_start3A_702] : memref<2x1x64x133xf32, #tpu.memory_space<vmem>> -> memref<1x1x8x128xf32, #tpu.memory_space<vmem>>
      %dma_start3A_704 = tpu.memref_squeeze %dma_start3A_703 : memref<1x1x8x128xf32, #tpu.memory_space<vmem>> -> memref<1x8x128xf32, #tpu.memory_space<vmem>>
      tpu.enqueue_dma source(%dma_start3A_704 : memref<1x8x128xf32, #tpu.memory_space<vmem>>) target(%dma_start3A_699 : memref<1x8x128xf32, #tpu.memory_space<hbm>>) target_semaphore(%arg12 : memref<!tpu.dma_semaphore, #tpu.memory_space<semaphore_mem>>)
      %mul3A_705 = arith.constant 8 : i32
      %mul3A_706 = arith.muli %add3A, %mul3A_705 : i32
      %add3A_707 = arith.constant 1280 : i32
      %add3A_708 = arith.addi %add3A_707, %mul3A_706 : i32
      %dma_start3A_709 = arith.constant 1 : i32
      %dma_start3A_710 = arith.constant 0 : i32
      %dma_start3A_711 = arith.constant 40 : i32
      %dma_start3A_712 = arith.constant 0 : i32
      %dma_start3A_713 = tpu.memref_slice %arg8[%dma_start3A_709, %dma_start3A_710, %dma_start3A_711, %dma_start3A_712] : memref<2x1x64x133xf32, #tpu.memory_space<vmem>> -> memref<1x1x8x128xf32, #tpu.memory_space<vmem>>
      %dma_start3A_714 = tpu.memref_squeeze %dma_start3A_713 : memref<1x1x8x128xf32, #tpu.memory_space<vmem>> -> memref<1x8x128xf32, #tpu.memory_space<vmem>>
      %dma_start3A_715 = arith.constant 0 : i32
      %dma_start3A_716 = tpu.memref_slice %arg4[%add3A_579, %add3A_708, %dma_start3A_715] : memref<200x2048x128xf32, #tpu.memory_space<hbm>> -> memref<1x8x128xf32, #tpu.memory_space<hbm>>
      %dma_start3A_717 = arith.constant 0 : i32
      %dma_start3A_718 = tpu.memref_slice %arg4[%add3A_579, %add3A_708, %dma_start3A_717] : memref<200x2048x128xf32, #tpu.memory_space<hbm>> -> memref<1x8x128xf32, #tpu.memory_space<hbm>>
      %dma_start3A_719 = arith.constant 0 : i32
      %dma_start3A_720 = arith.constant 40 : i32
      %dma_start3A_721 = arith.constant 0 : i32
      %dma_start3A_722 = tpu.memref_slice %arg8[%dma_start3A_709, %dma_start3A_719, %dma_start3A_720, %dma_start3A_721] : memref<2x1x64x133xf32, #tpu.memory_space<vmem>> -> memref<1x1x8x128xf32, #tpu.memory_space<vmem>>
      %dma_start3A_723 = tpu.memref_squeeze %dma_start3A_722 : memref<1x1x8x128xf32, #tpu.memory_space<vmem>> -> memref<1x8x128xf32, #tpu.memory_space<vmem>>
      tpu.enqueue_dma source(%dma_start3A_723 : memref<1x8x128xf32, #tpu.memory_space<vmem>>) target(%dma_start3A_718 : memref<1x8x128xf32, #tpu.memory_space<hbm>>) target_semaphore(%arg12 : memref<!tpu.dma_semaphore, #tpu.memory_space<semaphore_mem>>)
      %mul3A_724 = arith.constant 8 : i32
      %mul3A_725 = arith.muli %add3A, %mul3A_724 : i32
      %add3A_726 = arith.constant 1536 : i32
      %add3A_727 = arith.addi %add3A_726, %mul3A_725 : i32
      %dma_start3A_728 = arith.constant 1 : i32
      %dma_start3A_729 = arith.constant 0 : i32
      %dma_start3A_730 = arith.constant 48 : i32
      %dma_start3A_731 = arith.constant 0 : i32
      %dma_start3A_732 = tpu.memref_slice %arg8[%dma_start3A_728, %dma_start3A_729, %dma_start3A_730, %dma_start3A_731] : memref<2x1x64x133xf32, #tpu.memory_space<vmem>> -> memref<1x1x8x128xf32, #tpu.memory_space<vmem>>
      %dma_start3A_733 = tpu.memref_squeeze %dma_start3A_732 : memref<1x1x8x128xf32, #tpu.memory_space<vmem>> -> memref<1x8x128xf32, #tpu.memory_space<vmem>>
      %dma_start3A_734 = arith.constant 0 : i32
      %dma_start3A_735 = tpu.memref_slice %arg4[%add3A_579, %add3A_727, %dma_start3A_734] : memref<200x2048x128xf32, #tpu.memory_space<hbm>> -> memref<1x8x128xf32, #tpu.memory_space<hbm>>
      %dma_start3A_736 = arith.constant 0 : i32
      %dma_start3A_737 = tpu.memref_slice %arg4[%add3A_579, %add3A_727, %dma_start3A_736] : memref<200x2048x128xf32, #tpu.memory_space<hbm>> -> memref<1x8x128xf32, #tpu.memory_space<hbm>>
      %dma_start3A_738 = arith.constant 0 : i32
      %dma_start3A_739 = arith.constant 48 : i32
      %dma_start3A_740 = arith.constant 0 : i32
      %dma_start3A_741 = tpu.memref_slice %arg8[%dma_start3A_728, %dma_start3A_738, %dma_start3A_739, %dma_start3A_740] : memref<2x1x64x133xf32, #tpu.memory_space<vmem>> -> memref<1x1x8x128xf32, #tpu.memory_space<vmem>>
      %dma_start3A_742 = tpu.memref_squeeze %dma_start3A_741 : memref<1x1x8x128xf32, #tpu.memory_space<vmem>> -> memref<1x8x128xf32, #tpu.memory_space<vmem>>
      tpu.enqueue_dma source(%dma_start3A_742 : memref<1x8x128xf32, #tpu.memory_space<vmem>>) target(%dma_start3A_737 : memref<1x8x128xf32, #tpu.memory_space<hbm>>) target_semaphore(%arg12 : memref<!tpu.dma_semaphore, #tpu.memory_space<semaphore_mem>>)
      %mul3A_743 = arith.constant 8 : i32
      %mul3A_744 = arith.muli %add3A, %mul3A_743 : i32
      %add3A_745 = arith.constant 1792 : i32
      %add3A_746 = arith.addi %add3A_745, %mul3A_744 : i32
      %dma_start3A_747 = arith.constant 1 : i32
      %dma_start3A_748 = arith.constant 0 : i32
      %dma_start3A_749 = arith.constant 56 : i32
      %dma_start3A_750 = arith.constant 0 : i32
      %dma_start3A_751 = tpu.memref_slice %arg8[%dma_start3A_747, %dma_start3A_748, %dma_start3A_749, %dma_start3A_750] : memref<2x1x64x133xf32, #tpu.memory_space<vmem>> -> memref<1x1x8x128xf32, #tpu.memory_space<vmem>>
      %dma_start3A_752 = tpu.memref_squeeze %dma_start3A_751 : memref<1x1x8x128xf32, #tpu.memory_space<vmem>> -> memref<1x8x128xf32, #tpu.memory_space<vmem>>
      %dma_start3A_753 = arith.constant 0 : i32
      %dma_start3A_754 = tpu.memref_slice %arg4[%add3A_579, %add3A_746, %dma_start3A_753] : memref<200x2048x128xf32, #tpu.memory_space<hbm>> -> memref<1x8x128xf32, #tpu.memory_space<hbm>>
      %dma_start3A_755 = arith.constant 0 : i32
      %dma_start3A_756 = tpu.memref_slice %arg4[%add3A_579, %add3A_746, %dma_start3A_755] : memref<200x2048x128xf32, #tpu.memory_space<hbm>> -> memref<1x8x128xf32, #tpu.memory_space<hbm>>
      %dma_start3A_757 = arith.constant 0 : i32
      %dma_start3A_758 = arith.constant 56 : i32
      %dma_start3A_759 = arith.constant 0 : i32
      %dma_start3A_760 = tpu.memref_slice %arg8[%dma_start3A_747, %dma_start3A_757, %dma_start3A_758, %dma_start3A_759] : memref<2x1x64x133xf32, #tpu.memory_space<vmem>> -> memref<1x1x8x128xf32, #tpu.memory_space<vmem>>
      %dma_start3A_761 = tpu.memref_squeeze %dma_start3A_760 : memref<1x1x8x128xf32, #tpu.memory_space<vmem>> -> memref<1x8x128xf32, #tpu.memory_space<vmem>>
      tpu.enqueue_dma source(%dma_start3A_761 : memref<1x8x128xf32, #tpu.memory_space<vmem>>) target(%dma_start3A_756 : memref<1x8x128xf32, #tpu.memory_space<hbm>>) target_semaphore(%arg12 : memref<!tpu.dma_semaphore, #tpu.memory_space<semaphore_mem>>)
    }
    %scan3A_57 = arith.constant 100 : i32
    %mul3A_58 = arith.constant 8 : i32
    %mul3A_59 = arith.muli %add3A, %mul3A_58 : i32
    %add3A_60 = arith.constant 0 : i32
    %add3A_61 = arith.addi %add3A_60, %mul3A_59 : i32
    %dma_wait3A = arith.constant 0 : i32
    %dma_wait3A_62 = arith.constant 0 : i32
    %dma_wait3A_63 = arith.constant 0 : i32
    %dma_wait3A_64 = arith.constant 0 : i32
    %dma_wait3A_65 = tpu.memref_slice %arg8[%dma_wait3A, %dma_wait3A_62, %dma_wait3A_63, %dma_wait3A_64] : memref<2x1x64x133xf32, #tpu.memory_space<vmem>> -> memref<1x1x8x128xf32, #tpu.memory_space<vmem>>
    %dma_wait3A_66 = tpu.memref_squeeze %dma_wait3A_65 : memref<1x1x8x128xf32, #tpu.memory_space<vmem>> -> memref<1x8x128xf32, #tpu.memory_space<vmem>>
    %dma_wait3A_67 = arith.constant 198 : i32
    %dma_wait3A_68 = arith.constant 0 : i32
    %dma_wait3A_69 = tpu.memref_slice %arg4[%dma_wait3A_67, %add3A_61, %dma_wait3A_68] : memref<200x2048x128xf32, #tpu.memory_space<hbm>> -> memref<1x8x128xf32, #tpu.memory_space<hbm>>
    %dma_wait3A_70 = arith.constant 198 : i32
    %dma_wait3A_71 = arith.constant 0 : i32
    %dma_wait3A_72 = tpu.memref_slice %arg4[%dma_wait3A_70, %add3A_61, %dma_wait3A_71] : memref<200x2048x128xf32, #tpu.memory_space<hbm>> -> memref<1x8x128xf32, #tpu.memory_space<hbm>>
    %dma_wait3A_73 = arith.constant 0 : i32
    %dma_wait3A_74 = arith.constant 0 : i32
    %dma_wait3A_75 = arith.constant 0 : i32
    %dma_wait3A_76 = tpu.memref_slice %arg8[%dma_wait3A, %dma_wait3A_73, %dma_wait3A_74, %dma_wait3A_75] : memref<2x1x64x133xf32, #tpu.memory_space<vmem>> -> memref<1x1x8x128xf32, #tpu.memory_space<vmem>>
    %dma_wait3A_77 = tpu.memref_squeeze %dma_wait3A_76 : memref<1x1x8x128xf32, #tpu.memory_space<vmem>> -> memref<1x8x128xf32, #tpu.memory_space<vmem>>
    tpu.wait_dma2 semaphore(%arg11 : memref<!tpu.dma_semaphore, #tpu.memory_space<semaphore_mem>>) src(%dma_wait3A_77 : memref<1x8x128xf32, #tpu.memory_space<vmem>>) dst(%dma_wait3A_72 : memref<1x8x128xf32, #tpu.memory_space<hbm>>)
    %mul3A_78 = arith.constant 8 : i32
    %mul3A_79 = arith.muli %add3A, %mul3A_78 : i32
    %add3A_80 = arith.constant 256 : i32
    %add3A_81 = arith.addi %add3A_80, %mul3A_79 : i32
    %dma_wait3A_82 = arith.constant 0 : i32
    %dma_wait3A_83 = arith.constant 0 : i32
    %dma_wait3A_84 = arith.constant 8 : i32
    %dma_wait3A_85 = arith.constant 0 : i32
    %dma_wait3A_86 = tpu.memref_slice %arg8[%dma_wait3A_82, %dma_wait3A_83, %dma_wait3A_84, %dma_wait3A_85] : memref<2x1x64x133xf32, #tpu.memory_space<vmem>> -> memref<1x1x8x128xf32, #tpu.memory_space<vmem>>
    %dma_wait3A_87 = tpu.memref_squeeze %dma_wait3A_86 : memref<1x1x8x128xf32, #tpu.memory_space<vmem>> -> memref<1x8x128xf32, #tpu.memory_space<vmem>>
    %dma_wait3A_88 = arith.constant 198 : i32
    %dma_wait3A_89 = arith.constant 0 : i32
    %dma_wait3A_90 = tpu.memref_slice %arg4[%dma_wait3A_88, %add3A_81, %dma_wait3A_89] : memref<200x2048x128xf32, #tpu.memory_space<hbm>> -> memref<1x8x128xf32, #tpu.memory_space<hbm>>
    %dma_wait3A_91 = arith.constant 198 : i32
    %dma_wait3A_92 = arith.constant 0 : i32
    %dma_wait3A_93 = tpu.memref_slice %arg4[%dma_wait3A_91, %add3A_81, %dma_wait3A_92] : memref<200x2048x128xf32, #tpu.memory_space<hbm>> -> memref<1x8x128xf32, #tpu.memory_space<hbm>>
    %dma_wait3A_94 = arith.constant 0 : i32
    %dma_wait3A_95 = arith.constant 8 : i32
    %dma_wait3A_96 = arith.constant 0 : i32
    %dma_wait3A_97 = tpu.memref_slice %arg8[%dma_wait3A_82, %dma_wait3A_94, %dma_wait3A_95, %dma_wait3A_96] : memref<2x1x64x133xf32, #tpu.memory_space<vmem>> -> memref<1x1x8x128xf32, #tpu.memory_space<vmem>>
    %dma_wait3A_98 = tpu.memref_squeeze %dma_wait3A_97 : memref<1x1x8x128xf32, #tpu.memory_space<vmem>> -> memref<1x8x128xf32, #tpu.memory_space<vmem>>
    tpu.wait_dma2 semaphore(%arg11 : memref<!tpu.dma_semaphore, #tpu.memory_space<semaphore_mem>>) src(%dma_wait3A_98 : memref<1x8x128xf32, #tpu.memory_space<vmem>>) dst(%dma_wait3A_93 : memref<1x8x128xf32, #tpu.memory_space<hbm>>)
    %mul3A_99 = arith.constant 8 : i32
    %mul3A_100 = arith.muli %add3A, %mul3A_99 : i32
    %add3A_101 = arith.constant 512 : i32
    %add3A_102 = arith.addi %add3A_101, %mul3A_100 : i32
    %dma_wait3A_103 = arith.constant 0 : i32
    %dma_wait3A_104 = arith.constant 0 : i32
    %dma_wait3A_105 = arith.constant 16 : i32
    %dma_wait3A_106 = arith.constant 0 : i32
    %dma_wait3A_107 = tpu.memref_slice %arg8[%dma_wait3A_103, %dma_wait3A_104, %dma_wait3A_105, %dma_wait3A_106] : memref<2x1x64x133xf32, #tpu.memory_space<vmem>> -> memref<1x1x8x128xf32, #tpu.memory_space<vmem>>
    %dma_wait3A_108 = tpu.memref_squeeze %dma_wait3A_107 : memref<1x1x8x128xf32, #tpu.memory_space<vmem>> -> memref<1x8x128xf32, #tpu.memory_space<vmem>>
    %dma_wait3A_109 = arith.constant 198 : i32
    %dma_wait3A_110 = arith.constant 0 : i32
    %dma_wait3A_111 = tpu.memref_slice %arg4[%dma_wait3A_109, %add3A_102, %dma_wait3A_110] : memref<200x2048x128xf32, #tpu.memory_space<hbm>> -> memref<1x8x128xf32, #tpu.memory_space<hbm>>
    %dma_wait3A_112 = arith.constant 198 : i32
    %dma_wait3A_113 = arith.constant 0 : i32
    %dma_wait3A_114 = tpu.memref_slice %arg4[%dma_wait3A_112, %add3A_102, %dma_wait3A_113] : memref<200x2048x128xf32, #tpu.memory_space<hbm>> -> memref<1x8x128xf32, #tpu.memory_space<hbm>>
    %dma_wait3A_115 = arith.constant 0 : i32
    %dma_wait3A_116 = arith.constant 16 : i32
    %dma_wait3A_117 = arith.constant 0 : i32
    %dma_wait3A_118 = tpu.memref_slice %arg8[%dma_wait3A_103, %dma_wait3A_115, %dma_wait3A_116, %dma_wait3A_117] : memref<2x1x64x133xf32, #tpu.memory_space<vmem>> -> memref<1x1x8x128xf32, #tpu.memory_space<vmem>>
    %dma_wait3A_119 = tpu.memref_squeeze %dma_wait3A_118 : memref<1x1x8x128xf32, #tpu.memory_space<vmem>> -> memref<1x8x128xf32, #tpu.memory_space<vmem>>
    tpu.wait_dma2 semaphore(%arg11 : memref<!tpu.dma_semaphore, #tpu.memory_space<semaphore_mem>>) src(%dma_wait3A_119 : memref<1x8x128xf32, #tpu.memory_space<vmem>>) dst(%dma_wait3A_114 : memref<1x8x128xf32, #tpu.memory_space<hbm>>)
    %mul3A_120 = arith.constant 8 : i32
    %mul3A_121 = arith.muli %add3A, %mul3A_120 : i32
    %add3A_122 = arith.constant 768 : i32
    %add3A_123 = arith.addi %add3A_122, %mul3A_121 : i32
    %dma_wait3A_124 = arith.constant 0 : i32
    %dma_wait3A_125 = arith.constant 0 : i32
    %dma_wait3A_126 = arith.constant 24 : i32
    %dma_wait3A_127 = arith.constant 0 : i32
    %dma_wait3A_128 = tpu.memref_slice %arg8[%dma_wait3A_124, %dma_wait3A_125, %dma_wait3A_126, %dma_wait3A_127] : memref<2x1x64x133xf32, #tpu.memory_space<vmem>> -> memref<1x1x8x128xf32, #tpu.memory_space<vmem>>
    %dma_wait3A_129 = tpu.memref_squeeze %dma_wait3A_128 : memref<1x1x8x128xf32, #tpu.memory_space<vmem>> -> memref<1x8x128xf32, #tpu.memory_space<vmem>>
    %dma_wait3A_130 = arith.constant 198 : i32
    %dma_wait3A_131 = arith.constant 0 : i32
    %dma_wait3A_132 = tpu.memref_slice %arg4[%dma_wait3A_130, %add3A_123, %dma_wait3A_131] : memref<200x2048x128xf32, #tpu.memory_space<hbm>> -> memref<1x8x128xf32, #tpu.memory_space<hbm>>
    %dma_wait3A_133 = arith.constant 198 : i32
    %dma_wait3A_134 = arith.constant 0 : i32
    %dma_wait3A_135 = tpu.memref_slice %arg4[%dma_wait3A_133, %add3A_123, %dma_wait3A_134] : memref<200x2048x128xf32, #tpu.memory_space<hbm>> -> memref<1x8x128xf32, #tpu.memory_space<hbm>>
    %dma_wait3A_136 = arith.constant 0 : i32
    %dma_wait3A_137 = arith.constant 24 : i32
    %dma_wait3A_138 = arith.constant 0 : i32
    %dma_wait3A_139 = tpu.memref_slice %arg8[%dma_wait3A_124, %dma_wait3A_136, %dma_wait3A_137, %dma_wait3A_138] : memref<2x1x64x133xf32, #tpu.memory_space<vmem>> -> memref<1x1x8x128xf32, #tpu.memory_space<vmem>>
    %dma_wait3A_140 = tpu.memref_squeeze %dma_wait3A_139 : memref<1x1x8x128xf32, #tpu.memory_space<vmem>> -> memref<1x8x128xf32, #tpu.memory_space<vmem>>
    tpu.wait_dma2 semaphore(%arg11 : memref<!tpu.dma_semaphore, #tpu.memory_space<semaphore_mem>>) src(%dma_wait3A_140 : memref<1x8x128xf32, #tpu.memory_space<vmem>>) dst(%dma_wait3A_135 : memref<1x8x128xf32, #tpu.memory_space<hbm>>)
    %mul3A_141 = arith.constant 8 : i32
    %mul3A_142 = arith.muli %add3A, %mul3A_141 : i32
    %add3A_143 = arith.constant 1024 : i32
    %add3A_144 = arith.addi %add3A_143, %mul3A_142 : i32
    %dma_wait3A_145 = arith.constant 0 : i32
    %dma_wait3A_146 = arith.constant 0 : i32
    %dma_wait3A_147 = arith.constant 32 : i32
    %dma_wait3A_148 = arith.constant 0 : i32
    %dma_wait3A_149 = tpu.memref_slice %arg8[%dma_wait3A_145, %dma_wait3A_146, %dma_wait3A_147, %dma_wait3A_148] : memref<2x1x64x133xf32, #tpu.memory_space<vmem>> -> memref<1x1x8x128xf32, #tpu.memory_space<vmem>>
    %dma_wait3A_150 = tpu.memref_squeeze %dma_wait3A_149 : memref<1x1x8x128xf32, #tpu.memory_space<vmem>> -> memref<1x8x128xf32, #tpu.memory_space<vmem>>
    %dma_wait3A_151 = arith.constant 198 : i32
    %dma_wait3A_152 = arith.constant 0 : i32
    %dma_wait3A_153 = tpu.memref_slice %arg4[%dma_wait3A_151, %add3A_144, %dma_wait3A_152] : memref<200x2048x128xf32, #tpu.memory_space<hbm>> -> memref<1x8x128xf32, #tpu.memory_space<hbm>>
    %dma_wait3A_154 = arith.constant 198 : i32
    %dma_wait3A_155 = arith.constant 0 : i32
    %dma_wait3A_156 = tpu.memref_slice %arg4[%dma_wait3A_154, %add3A_144, %dma_wait3A_155] : memref<200x2048x128xf32, #tpu.memory_space<hbm>> -> memref<1x8x128xf32, #tpu.memory_space<hbm>>
    %dma_wait3A_157 = arith.constant 0 : i32
    %dma_wait3A_158 = arith.constant 32 : i32
    %dma_wait3A_159 = arith.constant 0 : i32
    %dma_wait3A_160 = tpu.memref_slice %arg8[%dma_wait3A_145, %dma_wait3A_157, %dma_wait3A_158, %dma_wait3A_159] : memref<2x1x64x133xf32, #tpu.memory_space<vmem>> -> memref<1x1x8x128xf32, #tpu.memory_space<vmem>>
    %dma_wait3A_161 = tpu.memref_squeeze %dma_wait3A_160 : memref<1x1x8x128xf32, #tpu.memory_space<vmem>> -> memref<1x8x128xf32, #tpu.memory_space<vmem>>
    tpu.wait_dma2 semaphore(%arg11 : memref<!tpu.dma_semaphore, #tpu.memory_space<semaphore_mem>>) src(%dma_wait3A_161 : memref<1x8x128xf32, #tpu.memory_space<vmem>>) dst(%dma_wait3A_156 : memref<1x8x128xf32, #tpu.memory_space<hbm>>)
    %mul3A_162 = arith.constant 8 : i32
    %mul3A_163 = arith.muli %add3A, %mul3A_162 : i32
    %add3A_164 = arith.constant 1280 : i32
    %add3A_165 = arith.addi %add3A_164, %mul3A_163 : i32
    %dma_wait3A_166 = arith.constant 0 : i32
    %dma_wait3A_167 = arith.constant 0 : i32
    %dma_wait3A_168 = arith.constant 40 : i32
    %dma_wait3A_169 = arith.constant 0 : i32
    %dma_wait3A_170 = tpu.memref_slice %arg8[%dma_wait3A_166, %dma_wait3A_167, %dma_wait3A_168, %dma_wait3A_169] : memref<2x1x64x133xf32, #tpu.memory_space<vmem>> -> memref<1x1x8x128xf32, #tpu.memory_space<vmem>>
    %dma_wait3A_171 = tpu.memref_squeeze %dma_wait3A_170 : memref<1x1x8x128xf32, #tpu.memory_space<vmem>> -> memref<1x8x128xf32, #tpu.memory_space<vmem>>
    %dma_wait3A_172 = arith.constant 198 : i32
    %dma_wait3A_173 = arith.constant 0 : i32
    %dma_wait3A_174 = tpu.memref_slice %arg4[%dma_wait3A_172, %add3A_165, %dma_wait3A_173] : memref<200x2048x128xf32, #tpu.memory_space<hbm>> -> memref<1x8x128xf32, #tpu.memory_space<hbm>>
    %dma_wait3A_175 = arith.constant 198 : i32
    %dma_wait3A_176 = arith.constant 0 : i32
    %dma_wait3A_177 = tpu.memref_slice %arg4[%dma_wait3A_175, %add3A_165, %dma_wait3A_176] : memref<200x2048x128xf32, #tpu.memory_space<hbm>> -> memref<1x8x128xf32, #tpu.memory_space<hbm>>
    %dma_wait3A_178 = arith.constant 0 : i32
    %dma_wait3A_179 = arith.constant 40 : i32
    %dma_wait3A_180 = arith.constant 0 : i32
    %dma_wait3A_181 = tpu.memref_slice %arg8[%dma_wait3A_166, %dma_wait3A_178, %dma_wait3A_179, %dma_wait3A_180] : memref<2x1x64x133xf32, #tpu.memory_space<vmem>> -> memref<1x1x8x128xf32, #tpu.memory_space<vmem>>
    %dma_wait3A_182 = tpu.memref_squeeze %dma_wait3A_181 : memref<1x1x8x128xf32, #tpu.memory_space<vmem>> -> memref<1x8x128xf32, #tpu.memory_space<vmem>>
    tpu.wait_dma2 semaphore(%arg11 : memref<!tpu.dma_semaphore, #tpu.memory_space<semaphore_mem>>) src(%dma_wait3A_182 : memref<1x8x128xf32, #tpu.memory_space<vmem>>) dst(%dma_wait3A_177 : memref<1x8x128xf32, #tpu.memory_space<hbm>>)
    %mul3A_183 = arith.constant 8 : i32
    %mul3A_184 = arith.muli %add3A, %mul3A_183 : i32
    %add3A_185 = arith.constant 1536 : i32
    %add3A_186 = arith.addi %add3A_185, %mul3A_184 : i32
    %dma_wait3A_187 = arith.constant 0 : i32
    %dma_wait3A_188 = arith.constant 0 : i32
    %dma_wait3A_189 = arith.constant 48 : i32
    %dma_wait3A_190 = arith.constant 0 : i32
    %dma_wait3A_191 = tpu.memref_slice %arg8[%dma_wait3A_187, %dma_wait3A_188, %dma_wait3A_189, %dma_wait3A_190] : memref<2x1x64x133xf32, #tpu.memory_space<vmem>> -> memref<1x1x8x128xf32, #tpu.memory_space<vmem>>
    %dma_wait3A_192 = tpu.memref_squeeze %dma_wait3A_191 : memref<1x1x8x128xf32, #tpu.memory_space<vmem>> -> memref<1x8x128xf32, #tpu.memory_space<vmem>>
    %dma_wait3A_193 = arith.constant 198 : i32
    %dma_wait3A_194 = arith.constant 0 : i32
    %dma_wait3A_195 = tpu.memref_slice %arg4[%dma_wait3A_193, %add3A_186, %dma_wait3A_194] : memref<200x2048x128xf32, #tpu.memory_space<hbm>> -> memref<1x8x128xf32, #tpu.memory_space<hbm>>
    %dma_wait3A_196 = arith.constant 198 : i32
    %dma_wait3A_197 = arith.constant 0 : i32
    %dma_wait3A_198 = tpu.memref_slice %arg4[%dma_wait3A_196, %add3A_186, %dma_wait3A_197] : memref<200x2048x128xf32, #tpu.memory_space<hbm>> -> memref<1x8x128xf32, #tpu.memory_space<hbm>>
    %dma_wait3A_199 = arith.constant 0 : i32
    %dma_wait3A_200 = arith.constant 48 : i32
    %dma_wait3A_201 = arith.constant 0 : i32
    %dma_wait3A_202 = tpu.memref_slice %arg8[%dma_wait3A_187, %dma_wait3A_199, %dma_wait3A_200, %dma_wait3A_201] : memref<2x1x64x133xf32, #tpu.memory_space<vmem>> -> memref<1x1x8x128xf32, #tpu.memory_space<vmem>>
    %dma_wait3A_203 = tpu.memref_squeeze %dma_wait3A_202 : memref<1x1x8x128xf32, #tpu.memory_space<vmem>> -> memref<1x8x128xf32, #tpu.memory_space<vmem>>
    tpu.wait_dma2 semaphore(%arg11 : memref<!tpu.dma_semaphore, #tpu.memory_space<semaphore_mem>>) src(%dma_wait3A_203 : memref<1x8x128xf32, #tpu.memory_space<vmem>>) dst(%dma_wait3A_198 : memref<1x8x128xf32, #tpu.memory_space<hbm>>)
    %mul3A_204 = arith.constant 8 : i32
    %mul3A_205 = arith.muli %add3A, %mul3A_204 : i32
    %add3A_206 = arith.constant 1792 : i32
    %add3A_207 = arith.addi %add3A_206, %mul3A_205 : i32
    %dma_wait3A_208 = arith.constant 0 : i32
    %dma_wait3A_209 = arith.constant 0 : i32
    %dma_wait3A_210 = arith.constant 56 : i32
    %dma_wait3A_211 = arith.constant 0 : i32
    %dma_wait3A_212 = tpu.memref_slice %arg8[%dma_wait3A_208, %dma_wait3A_209, %dma_wait3A_210, %dma_wait3A_211] : memref<2x1x64x133xf32, #tpu.memory_space<vmem>> -> memref<1x1x8x128xf32, #tpu.memory_space<vmem>>
    %dma_wait3A_213 = tpu.memref_squeeze %dma_wait3A_212 : memref<1x1x8x128xf32, #tpu.memory_space<vmem>> -> memref<1x8x128xf32, #tpu.memory_space<vmem>>
    %dma_wait3A_214 = arith.constant 198 : i32
    %dma_wait3A_215 = arith.constant 0 : i32
    %dma_wait3A_216 = tpu.memref_slice %arg4[%dma_wait3A_214, %add3A_207, %dma_wait3A_215] : memref<200x2048x128xf32, #tpu.memory_space<hbm>> -> memref<1x8x128xf32, #tpu.memory_space<hbm>>
    %dma_wait3A_217 = arith.constant 198 : i32
    %dma_wait3A_218 = arith.constant 0 : i32
    %dma_wait3A_219 = tpu.memref_slice %arg4[%dma_wait3A_217, %add3A_207, %dma_wait3A_218] : memref<200x2048x128xf32, #tpu.memory_space<hbm>> -> memref<1x8x128xf32, #tpu.memory_space<hbm>>
    %dma_wait3A_220 = arith.constant 0 : i32
    %dma_wait3A_221 = arith.constant 56 : i32
    %dma_wait3A_222 = arith.constant 0 : i32
    %dma_wait3A_223 = tpu.memref_slice %arg8[%dma_wait3A_208, %dma_wait3A_220, %dma_wait3A_221, %dma_wait3A_222] : memref<2x1x64x133xf32, #tpu.memory_space<vmem>> -> memref<1x1x8x128xf32, #tpu.memory_space<vmem>>
    %dma_wait3A_224 = tpu.memref_squeeze %dma_wait3A_223 : memref<1x1x8x128xf32, #tpu.memory_space<vmem>> -> memref<1x8x128xf32, #tpu.memory_space<vmem>>
    tpu.wait_dma2 semaphore(%arg11 : memref<!tpu.dma_semaphore, #tpu.memory_space<semaphore_mem>>) src(%dma_wait3A_224 : memref<1x8x128xf32, #tpu.memory_space<vmem>>) dst(%dma_wait3A_219 : memref<1x8x128xf32, #tpu.memory_space<hbm>>)
    %mul3A_225 = arith.constant 8 : i32
    %mul3A_226 = arith.muli %add3A, %mul3A_225 : i32
    %add3A_227 = arith.constant 0 : i32
    %add3A_228 = arith.addi %add3A_227, %mul3A_226 : i32
    %dma_wait3A_229 = arith.constant 1 : i32
    %dma_wait3A_230 = arith.constant 0 : i32
    %dma_wait3A_231 = arith.constant 0 : i32
    %dma_wait3A_232 = arith.constant 0 : i32
    %dma_wait3A_233 = tpu.memref_slice %arg8[%dma_wait3A_229, %dma_wait3A_230, %dma_wait3A_231, %dma_wait3A_232] : memref<2x1x64x133xf32, #tpu.memory_space<vmem>> -> memref<1x1x8x128xf32, #tpu.memory_space<vmem>>
    %dma_wait3A_234 = tpu.memref_squeeze %dma_wait3A_233 : memref<1x1x8x128xf32, #tpu.memory_space<vmem>> -> memref<1x8x128xf32, #tpu.memory_space<vmem>>
    %dma_wait3A_235 = arith.constant 199 : i32
    %dma_wait3A_236 = arith.constant 0 : i32
    %dma_wait3A_237 = tpu.memref_slice %arg4[%dma_wait3A_235, %add3A_228, %dma_wait3A_236] : memref<200x2048x128xf32, #tpu.memory_space<hbm>> -> memref<1x8x128xf32, #tpu.memory_space<hbm>>
    %dma_wait3A_238 = arith.constant 199 : i32
    %dma_wait3A_239 = arith.constant 0 : i32
    %dma_wait3A_240 = tpu.memref_slice %arg4[%dma_wait3A_238, %add3A_228, %dma_wait3A_239] : memref<200x2048x128xf32, #tpu.memory_space<hbm>> -> memref<1x8x128xf32, #tpu.memory_space<hbm>>
    %dma_wait3A_241 = arith.constant 0 : i32
    %dma_wait3A_242 = arith.constant 0 : i32
    %dma_wait3A_243 = arith.constant 0 : i32
    %dma_wait3A_244 = tpu.memref_slice %arg8[%dma_wait3A_229, %dma_wait3A_241, %dma_wait3A_242, %dma_wait3A_243] : memref<2x1x64x133xf32, #tpu.memory_space<vmem>> -> memref<1x1x8x128xf32, #tpu.memory_space<vmem>>
    %dma_wait3A_245 = tpu.memref_squeeze %dma_wait3A_244 : memref<1x1x8x128xf32, #tpu.memory_space<vmem>> -> memref<1x8x128xf32, #tpu.memory_space<vmem>>
    tpu.wait_dma2 semaphore(%arg12 : memref<!tpu.dma_semaphore, #tpu.memory_space<semaphore_mem>>) src(%dma_wait3A_245 : memref<1x8x128xf32, #tpu.memory_space<vmem>>) dst(%dma_wait3A_240 : memref<1x8x128xf32, #tpu.memory_space<hbm>>)
    %mul3A_246 = arith.constant 8 : i32
    %mul3A_247 = arith.muli %add3A, %mul3A_246 : i32
    %add3A_248 = arith.constant 256 : i32
    %add3A_249 = arith.addi %add3A_248, %mul3A_247 : i32
    %dma_wait3A_250 = arith.constant 1 : i32
    %dma_wait3A_251 = arith.constant 0 : i32
    %dma_wait3A_252 = arith.constant 8 : i32
    %dma_wait3A_253 = arith.constant 0 : i32
    %dma_wait3A_254 = tpu.memref_slice %arg8[%dma_wait3A_250, %dma_wait3A_251, %dma_wait3A_252, %dma_wait3A_253] : memref<2x1x64x133xf32, #tpu.memory_space<vmem>> -> memref<1x1x8x128xf32, #tpu.memory_space<vmem>>
    %dma_wait3A_255 = tpu.memref_squeeze %dma_wait3A_254 : memref<1x1x8x128xf32, #tpu.memory_space<vmem>> -> memref<1x8x128xf32, #tpu.memory_space<vmem>>
    %dma_wait3A_256 = arith.constant 199 : i32
    %dma_wait3A_257 = arith.constant 0 : i32
    %dma_wait3A_258 = tpu.memref_slice %arg4[%dma_wait3A_256, %add3A_249, %dma_wait3A_257] : memref<200x2048x128xf32, #tpu.memory_space<hbm>> -> memref<1x8x128xf32, #tpu.memory_space<hbm>>
    %dma_wait3A_259 = arith.constant 199 : i32
    %dma_wait3A_260 = arith.constant 0 : i32
    %dma_wait3A_261 = tpu.memref_slice %arg4[%dma_wait3A_259, %add3A_249, %dma_wait3A_260] : memref<200x2048x128xf32, #tpu.memory_space<hbm>> -> memref<1x8x128xf32, #tpu.memory_space<hbm>>
    %dma_wait3A_262 = arith.constant 0 : i32
    %dma_wait3A_263 = arith.constant 8 : i32
    %dma_wait3A_264 = arith.constant 0 : i32
    %dma_wait3A_265 = tpu.memref_slice %arg8[%dma_wait3A_250, %dma_wait3A_262, %dma_wait3A_263, %dma_wait3A_264] : memref<2x1x64x133xf32, #tpu.memory_space<vmem>> -> memref<1x1x8x128xf32, #tpu.memory_space<vmem>>
    %dma_wait3A_266 = tpu.memref_squeeze %dma_wait3A_265 : memref<1x1x8x128xf32, #tpu.memory_space<vmem>> -> memref<1x8x128xf32, #tpu.memory_space<vmem>>
    tpu.wait_dma2 semaphore(%arg12 : memref<!tpu.dma_semaphore, #tpu.memory_space<semaphore_mem>>) src(%dma_wait3A_266 : memref<1x8x128xf32, #tpu.memory_space<vmem>>) dst(%dma_wait3A_261 : memref<1x8x128xf32, #tpu.memory_space<hbm>>)
    %mul3A_267 = arith.constant 8 : i32
    %mul3A_268 = arith.muli %add3A, %mul3A_267 : i32
    %add3A_269 = arith.constant 512 : i32
    %add3A_270 = arith.addi %add3A_269, %mul3A_268 : i32
    %dma_wait3A_271 = arith.constant 1 : i32
    %dma_wait3A_272 = arith.constant 0 : i32
    %dma_wait3A_273 = arith.constant 16 : i32
    %dma_wait3A_274 = arith.constant 0 : i32
    %dma_wait3A_275 = tpu.memref_slice %arg8[%dma_wait3A_271, %dma_wait3A_272, %dma_wait3A_273, %dma_wait3A_274] : memref<2x1x64x133xf32, #tpu.memory_space<vmem>> -> memref<1x1x8x128xf32, #tpu.memory_space<vmem>>
    %dma_wait3A_276 = tpu.memref_squeeze %dma_wait3A_275 : memref<1x1x8x128xf32, #tpu.memory_space<vmem>> -> memref<1x8x128xf32, #tpu.memory_space<vmem>>
    %dma_wait3A_277 = arith.constant 199 : i32
    %dma_wait3A_278 = arith.constant 0 : i32
    %dma_wait3A_279 = tpu.memref_slice %arg4[%dma_wait3A_277, %add3A_270, %dma_wait3A_278] : memref<200x2048x128xf32, #tpu.memory_space<hbm>> -> memref<1x8x128xf32, #tpu.memory_space<hbm>>
    %dma_wait3A_280 = arith.constant 199 : i32
    %dma_wait3A_281 = arith.constant 0 : i32
    %dma_wait3A_282 = tpu.memref_slice %arg4[%dma_wait3A_280, %add3A_270, %dma_wait3A_281] : memref<200x2048x128xf32, #tpu.memory_space<hbm>> -> memref<1x8x128xf32, #tpu.memory_space<hbm>>
    %dma_wait3A_283 = arith.constant 0 : i32
    %dma_wait3A_284 = arith.constant 16 : i32
    %dma_wait3A_285 = arith.constant 0 : i32
    %dma_wait3A_286 = tpu.memref_slice %arg8[%dma_wait3A_271, %dma_wait3A_283, %dma_wait3A_284, %dma_wait3A_285] : memref<2x1x64x133xf32, #tpu.memory_space<vmem>> -> memref<1x1x8x128xf32, #tpu.memory_space<vmem>>
    %dma_wait3A_287 = tpu.memref_squeeze %dma_wait3A_286 : memref<1x1x8x128xf32, #tpu.memory_space<vmem>> -> memref<1x8x128xf32, #tpu.memory_space<vmem>>
    tpu.wait_dma2 semaphore(%arg12 : memref<!tpu.dma_semaphore, #tpu.memory_space<semaphore_mem>>) src(%dma_wait3A_287 : memref<1x8x128xf32, #tpu.memory_space<vmem>>) dst(%dma_wait3A_282 : memref<1x8x128xf32, #tpu.memory_space<hbm>>)
    %mul3A_288 = arith.constant 8 : i32
    %mul3A_289 = arith.muli %add3A, %mul3A_288 : i32
    %add3A_290 = arith.constant 768 : i32
    %add3A_291 = arith.addi %add3A_290, %mul3A_289 : i32
    %dma_wait3A_292 = arith.constant 1 : i32
    %dma_wait3A_293 = arith.constant 0 : i32
    %dma_wait3A_294 = arith.constant 24 : i32
    %dma_wait3A_295 = arith.constant 0 : i32
    %dma_wait3A_296 = tpu.memref_slice %arg8[%dma_wait3A_292, %dma_wait3A_293, %dma_wait3A_294, %dma_wait3A_295] : memref<2x1x64x133xf32, #tpu.memory_space<vmem>> -> memref<1x1x8x128xf32, #tpu.memory_space<vmem>>
    %dma_wait3A_297 = tpu.memref_squeeze %dma_wait3A_296 : memref<1x1x8x128xf32, #tpu.memory_space<vmem>> -> memref<1x8x128xf32, #tpu.memory_space<vmem>>
    %dma_wait3A_298 = arith.constant 199 : i32
    %dma_wait3A_299 = arith.constant 0 : i32
    %dma_wait3A_300 = tpu.memref_slice %arg4[%dma_wait3A_298, %add3A_291, %dma_wait3A_299] : memref<200x2048x128xf32, #tpu.memory_space<hbm>> -> memref<1x8x128xf32, #tpu.memory_space<hbm>>
    %dma_wait3A_301 = arith.constant 199 : i32
    %dma_wait3A_302 = arith.constant 0 : i32
    %dma_wait3A_303 = tpu.memref_slice %arg4[%dma_wait3A_301, %add3A_291, %dma_wait3A_302] : memref<200x2048x128xf32, #tpu.memory_space<hbm>> -> memref<1x8x128xf32, #tpu.memory_space<hbm>>
    %dma_wait3A_304 = arith.constant 0 : i32
    %dma_wait3A_305 = arith.constant 24 : i32
    %dma_wait3A_306 = arith.constant 0 : i32
    %dma_wait3A_307 = tpu.memref_slice %arg8[%dma_wait3A_292, %dma_wait3A_304, %dma_wait3A_305, %dma_wait3A_306] : memref<2x1x64x133xf32, #tpu.memory_space<vmem>> -> memref<1x1x8x128xf32, #tpu.memory_space<vmem>>
    %dma_wait3A_308 = tpu.memref_squeeze %dma_wait3A_307 : memref<1x1x8x128xf32, #tpu.memory_space<vmem>> -> memref<1x8x128xf32, #tpu.memory_space<vmem>>
    tpu.wait_dma2 semaphore(%arg12 : memref<!tpu.dma_semaphore, #tpu.memory_space<semaphore_mem>>) src(%dma_wait3A_308 : memref<1x8x128xf32, #tpu.memory_space<vmem>>) dst(%dma_wait3A_303 : memref<1x8x128xf32, #tpu.memory_space<hbm>>)
    %mul3A_309 = arith.constant 8 : i32
    %mul3A_310 = arith.muli %add3A, %mul3A_309 : i32
    %add3A_311 = arith.constant 1024 : i32
    %add3A_312 = arith.addi %add3A_311, %mul3A_310 : i32
    %dma_wait3A_313 = arith.constant 1 : i32
    %dma_wait3A_314 = arith.constant 0 : i32
    %dma_wait3A_315 = arith.constant 32 : i32
    %dma_wait3A_316 = arith.constant 0 : i32
    %dma_wait3A_317 = tpu.memref_slice %arg8[%dma_wait3A_313, %dma_wait3A_314, %dma_wait3A_315, %dma_wait3A_316] : memref<2x1x64x133xf32, #tpu.memory_space<vmem>> -> memref<1x1x8x128xf32, #tpu.memory_space<vmem>>
    %dma_wait3A_318 = tpu.memref_squeeze %dma_wait3A_317 : memref<1x1x8x128xf32, #tpu.memory_space<vmem>> -> memref<1x8x128xf32, #tpu.memory_space<vmem>>
    %dma_wait3A_319 = arith.constant 199 : i32
    %dma_wait3A_320 = arith.constant 0 : i32
    %dma_wait3A_321 = tpu.memref_slice %arg4[%dma_wait3A_319, %add3A_312, %dma_wait3A_320] : memref<200x2048x128xf32, #tpu.memory_space<hbm>> -> memref<1x8x128xf32, #tpu.memory_space<hbm>>
    %dma_wait3A_322 = arith.constant 199 : i32
    %dma_wait3A_323 = arith.constant 0 : i32
    %dma_wait3A_324 = tpu.memref_slice %arg4[%dma_wait3A_322, %add3A_312, %dma_wait3A_323] : memref<200x2048x128xf32, #tpu.memory_space<hbm>> -> memref<1x8x128xf32, #tpu.memory_space<hbm>>
    %dma_wait3A_325 = arith.constant 0 : i32
    %dma_wait3A_326 = arith.constant 32 : i32
    %dma_wait3A_327 = arith.constant 0 : i32
    %dma_wait3A_328 = tpu.memref_slice %arg8[%dma_wait3A_313, %dma_wait3A_325, %dma_wait3A_326, %dma_wait3A_327] : memref<2x1x64x133xf32, #tpu.memory_space<vmem>> -> memref<1x1x8x128xf32, #tpu.memory_space<vmem>>
    %dma_wait3A_329 = tpu.memref_squeeze %dma_wait3A_328 : memref<1x1x8x128xf32, #tpu.memory_space<vmem>> -> memref<1x8x128xf32, #tpu.memory_space<vmem>>
    tpu.wait_dma2 semaphore(%arg12 : memref<!tpu.dma_semaphore, #tpu.memory_space<semaphore_mem>>) src(%dma_wait3A_329 : memref<1x8x128xf32, #tpu.memory_space<vmem>>) dst(%dma_wait3A_324 : memref<1x8x128xf32, #tpu.memory_space<hbm>>)
    %mul3A_330 = arith.constant 8 : i32
    %mul3A_331 = arith.muli %add3A, %mul3A_330 : i32
    %add3A_332 = arith.constant 1280 : i32
    %add3A_333 = arith.addi %add3A_332, %mul3A_331 : i32
    %dma_wait3A_334 = arith.constant 1 : i32
    %dma_wait3A_335 = arith.constant 0 : i32
    %dma_wait3A_336 = arith.constant 40 : i32
    %dma_wait3A_337 = arith.constant 0 : i32
    %dma_wait3A_338 = tpu.memref_slice %arg8[%dma_wait3A_334, %dma_wait3A_335, %dma_wait3A_336, %dma_wait3A_337] : memref<2x1x64x133xf32, #tpu.memory_space<vmem>> -> memref<1x1x8x128xf32, #tpu.memory_space<vmem>>
    %dma_wait3A_339 = tpu.memref_squeeze %dma_wait3A_338 : memref<1x1x8x128xf32, #tpu.memory_space<vmem>> -> memref<1x8x128xf32, #tpu.memory_space<vmem>>
    %dma_wait3A_340 = arith.constant 199 : i32
    %dma_wait3A_341 = arith.constant 0 : i32
    %dma_wait3A_342 = tpu.memref_slice %arg4[%dma_wait3A_340, %add3A_333, %dma_wait3A_341] : memref<200x2048x128xf32, #tpu.memory_space<hbm>> -> memref<1x8x128xf32, #tpu.memory_space<hbm>>
    %dma_wait3A_343 = arith.constant 199 : i32
    %dma_wait3A_344 = arith.constant 0 : i32
    %dma_wait3A_345 = tpu.memref_slice %arg4[%dma_wait3A_343, %add3A_333, %dma_wait3A_344] : memref<200x2048x128xf32, #tpu.memory_space<hbm>> -> memref<1x8x128xf32, #tpu.memory_space<hbm>>
    %dma_wait3A_346 = arith.constant 0 : i32
    %dma_wait3A_347 = arith.constant 40 : i32
    %dma_wait3A_348 = arith.constant 0 : i32
    %dma_wait3A_349 = tpu.memref_slice %arg8[%dma_wait3A_334, %dma_wait3A_346, %dma_wait3A_347, %dma_wait3A_348] : memref<2x1x64x133xf32, #tpu.memory_space<vmem>> -> memref<1x1x8x128xf32, #tpu.memory_space<vmem>>
    %dma_wait3A_350 = tpu.memref_squeeze %dma_wait3A_349 : memref<1x1x8x128xf32, #tpu.memory_space<vmem>> -> memref<1x8x128xf32, #tpu.memory_space<vmem>>
    tpu.wait_dma2 semaphore(%arg12 : memref<!tpu.dma_semaphore, #tpu.memory_space<semaphore_mem>>) src(%dma_wait3A_350 : memref<1x8x128xf32, #tpu.memory_space<vmem>>) dst(%dma_wait3A_345 : memref<1x8x128xf32, #tpu.memory_space<hbm>>)
    %mul3A_351 = arith.constant 8 : i32
    %mul3A_352 = arith.muli %add3A, %mul3A_351 : i32
    %add3A_353 = arith.constant 1536 : i32
    %add3A_354 = arith.addi %add3A_353, %mul3A_352 : i32
    %dma_wait3A_355 = arith.constant 1 : i32
    %dma_wait3A_356 = arith.constant 0 : i32
    %dma_wait3A_357 = arith.constant 48 : i32
    %dma_wait3A_358 = arith.constant 0 : i32
    %dma_wait3A_359 = tpu.memref_slice %arg8[%dma_wait3A_355, %dma_wait3A_356, %dma_wait3A_357, %dma_wait3A_358] : memref<2x1x64x133xf32, #tpu.memory_space<vmem>> -> memref<1x1x8x128xf32, #tpu.memory_space<vmem>>
    %dma_wait3A_360 = tpu.memref_squeeze %dma_wait3A_359 : memref<1x1x8x128xf32, #tpu.memory_space<vmem>> -> memref<1x8x128xf32, #tpu.memory_space<vmem>>
    %dma_wait3A_361 = arith.constant 199 : i32
    %dma_wait3A_362 = arith.constant 0 : i32
    %dma_wait3A_363 = tpu.memref_slice %arg4[%dma_wait3A_361, %add3A_354, %dma_wait3A_362] : memref<200x2048x128xf32, #tpu.memory_space<hbm>> -> memref<1x8x128xf32, #tpu.memory_space<hbm>>
    %dma_wait3A_364 = arith.constant 199 : i32
    %dma_wait3A_365 = arith.constant 0 : i32
    %dma_wait3A_366 = tpu.memref_slice %arg4[%dma_wait3A_364, %add3A_354, %dma_wait3A_365] : memref<200x2048x128xf32, #tpu.memory_space<hbm>> -> memref<1x8x128xf32, #tpu.memory_space<hbm>>
    %dma_wait3A_367 = arith.constant 0 : i32
    %dma_wait3A_368 = arith.constant 48 : i32
    %dma_wait3A_369 = arith.constant 0 : i32
    %dma_wait3A_370 = tpu.memref_slice %arg8[%dma_wait3A_355, %dma_wait3A_367, %dma_wait3A_368, %dma_wait3A_369] : memref<2x1x64x133xf32, #tpu.memory_space<vmem>> -> memref<1x1x8x128xf32, #tpu.memory_space<vmem>>
    %dma_wait3A_371 = tpu.memref_squeeze %dma_wait3A_370 : memref<1x1x8x128xf32, #tpu.memory_space<vmem>> -> memref<1x8x128xf32, #tpu.memory_space<vmem>>
    tpu.wait_dma2 semaphore(%arg12 : memref<!tpu.dma_semaphore, #tpu.memory_space<semaphore_mem>>) src(%dma_wait3A_371 : memref<1x8x128xf32, #tpu.memory_space<vmem>>) dst(%dma_wait3A_366 : memref<1x8x128xf32, #tpu.memory_space<hbm>>)
    %mul3A_372 = arith.constant 8 : i32
    %mul3A_373 = arith.muli %add3A, %mul3A_372 : i32
    %add3A_374 = arith.constant 1792 : i32
    %add3A_375 = arith.addi %add3A_374, %mul3A_373 : i32
    %dma_wait3A_376 = arith.constant 1 : i32
    %dma_wait3A_377 = arith.constant 0 : i32
    %dma_wait3A_378 = arith.constant 56 : i32
    %dma_wait3A_379 = arith.constant 0 : i32
    %dma_wait3A_380 = tpu.memref_slice %arg8[%dma_wait3A_376, %dma_wait3A_377, %dma_wait3A_378, %dma_wait3A_379] : memref<2x1x64x133xf32, #tpu.memory_space<vmem>> -> memref<1x1x8x128xf32, #tpu.memory_space<vmem>>
    %dma_wait3A_381 = tpu.memref_squeeze %dma_wait3A_380 : memref<1x1x8x128xf32, #tpu.memory_space<vmem>> -> memref<1x8x128xf32, #tpu.memory_space<vmem>>
    %dma_wait3A_382 = arith.constant 199 : i32
    %dma_wait3A_383 = arith.constant 0 : i32
    %dma_wait3A_384 = tpu.memref_slice %arg4[%dma_wait3A_382, %add3A_375, %dma_wait3A_383] : memref<200x2048x128xf32, #tpu.memory_space<hbm>> -> memref<1x8x128xf32, #tpu.memory_space<hbm>>
    %dma_wait3A_385 = arith.constant 199 : i32
    %dma_wait3A_386 = arith.constant 0 : i32
    %dma_wait3A_387 = tpu.memref_slice %arg4[%dma_wait3A_385, %add3A_375, %dma_wait3A_386] : memref<200x2048x128xf32, #tpu.memory_space<hbm>> -> memref<1x8x128xf32, #tpu.memory_space<hbm>>
    %dma_wait3A_388 = arith.constant 0 : i32
    %dma_wait3A_389 = arith.constant 56 : i32
    %dma_wait3A_390 = arith.constant 0 : i32
    %dma_wait3A_391 = tpu.memref_slice %arg8[%dma_wait3A_376, %dma_wait3A_388, %dma_wait3A_389, %dma_wait3A_390] : memref<2x1x64x133xf32, #tpu.memory_space<vmem>> -> memref<1x1x8x128xf32, #tpu.memory_space<vmem>>
    %dma_wait3A_392 = tpu.memref_squeeze %dma_wait3A_391 : memref<1x1x8x128xf32, #tpu.memory_space<vmem>> -> memref<1x8x128xf32, #tpu.memory_space<vmem>>
    tpu.wait_dma2 semaphore(%arg12 : memref<!tpu.dma_semaphore, #tpu.memory_space<semaphore_mem>>) src(%dma_wait3A_392 : memref<1x8x128xf32, #tpu.memory_space<vmem>>) dst(%dma_wait3A_387 : memref<1x8x128xf32, #tpu.memory_space<hbm>>)
    return
  }
}

</mosaic_0001>

<sc_bundles>
// kernel: kernel.3.cloned.1.call-start
scs
__scs_entry_jumppad:
0x0: {  	(pc) =	sbr.rel $0x88, $3  }
0x1: {  	(tag) =	ssettag $0x0;
	lr =	simm.s32 $0x1  }
0x2: {  	[smem:$0x3F9F] =	sst lr;
	_ =	strace $0xD0000000  }
0x3: {  	_ = 	snop  }
0x4: {  	_ = 	snop  }
0x5: {  	_ = 	snop  }
0x6: {  	_ = 	snop  }
0x7: {  	_ = 	snop  }
__scs_overlays_trampoline_lowered:
0x8: {  	[smem:$0x3FAE] =	sst s0  }
0x9: {  	[smem:$0x3FAF] =	sst s1  }
0xa: {  	[smem:$0x3FB0] =	sst s2  }
0xb: {  	[smem:$0x3FB1] =	sst s3  }
0xc: {  	[smem:$0x3FB2] =	sst s4  }
0xd: {  	[smem:$0x3FB3] =	sst s5  }
0xe: {  	[smem:$0x3FB4] =	sst s6  }
0xf: {  	[smem:$0x3FB5] =	sst s7  }
0x10: {  	[smem:$0x3FB6] =	sst s8  }
0x11: {  	[smem:$0x3FB7] =	sst s9;
	s0 =	simm.s32 @!p0 $0x0  }
0x12: {  	s1 =	sld [smem:$0x3F9D];
	s0 =	simm.s32 @p0 $0x1  }
0x13: {  	[smem:$0x3FB8] =	sst s0;
	s0 =	simm.s32 @!p1 $0x0  }
0x14: {  	s2 =	sld [smem:$0x3F9C];
	s0 =	simm.s32 @p1 $0x1  }
0x15: {  	[smem:$0x3FB9] =	sst s0;
	s0 =	simm.s32 @!p2 $0x0  }
0x16: {  	s3 =	sld [smem:$0x3FDB];
	s0 =	simm.s32 @p2 $0x1  }
0x17: {  	s4 =	simm.s32 $0x1BF5;
	[smem:$0x3FBB] =	sst s0  }
0x18: {  	s0 =	sld [smem:$0x3F9E];
	_ =	swait.ge [sflag:s4], $0x0  }
0x19: {  	s7 =	sld [smem:$0x3F9F]  }
0x1a: {  	s8 =	sadd.s32 $0xFFFFE003, lr  }
0x1b: {  	s9 =	sadd.s32 $0xFFFFFEF7, lr;
	s5 =	simm.s32 $0xFFFFFFFF;
	p2 =	slt.u32 s8, $0xFFFFF086  }
0x1c: {  	p1 =	slt.u32 s9, $0xF7A;
	s5 =	simm.s32 @!p2 $0x0  }
0x1d: {  	s5 =	simm.s32 @p1 $0x1;
	p0 =	seq.s32 s7, s2  }
0x1e: {  	s7 =	smul.u32 @!p0 $0xF7A, s2;
	p2 =	seq.s32 @!p0 s5, $0x0  }
0x1f: {  	s9 =	smul.u32 $0xF7A, s1;
	s8 =	simm.s32 @!p0 $0x1BF5;
	p2 =	por !p2, p0  }
0x20: {  	[sflag:s8] =	ssyncset.s32 @!p0 $0xFFFFF086;
	s6 =	sadd.s32 @!p0 s3, s7;
	s7 =	simm.s32 @!p0 $0x108  }
0x21: {  	s3 =	sadd.s32 s3, s9;
	s6 =	sadd.s32 @!p0 $0x88, s6;
	s7 =	simm.s32 @p2 $0x1082  }
0x22: {  	[simem:s7], [sflag:s8] =	dma.local @!p0 [hbm:s6], $0xF7A  }
0x23: {  	s9 =	sor.u32 $0xD0000000, s2;
	s6 =	simm.s32 $0x108;
	_ =	swait.ge @!p0 [sflag:s8], $0x0  }
0x24: {  	s3 =	sadd.s32 $0x88, s3;
	s6 =	simm.s32 @!p1 $0x1082;
	[sflag:s4] =	ssyncset.s32 $0xFFFFF086  }
0x25: {  	[simem:s6], [sflag:s4] =	dma.local [hbm:s3], $0xF7A  }
0x26: {  	[smem:$0x3F9F] =	sst s1;
	(tag) =	ssettag s2;
	_ =	strace s9  }
0x27: {  	s1 =	sld [smem:$0x3FAF]  }
0x28: {  	s2 =	sld [smem:$0x3FB0]  }
0x29: {  	s4 =	sld [smem:$0x3FB2]  }
0x2a: {  	p0 =	seq.s32 s5, $0x0;
	s5 =	sld [smem:$0x3FB3]  }
0x2b: {  	s6 =	sld [smem:$0x3FB4]  }
0x2c: {  	s7 =	sld [smem:$0x3FB5]  }
0x2d: {  	s3 =	simm.s32 $0x108;
	s8 =	sld [smem:$0x3FB6]  }
0x2e: {  	s3 =	simm.s32 @!p0 $0x1082;
	s9 =	sld [smem:$0x3FB7]  }
0x2f: {  	lr =	sadd.s32 s0, s3;
	s0 =	sld [smem:$0x3FAE]  }
0x30: {  	s3 =	sld [smem:$0x3FB1]  }
0x31: {  	[smem:$0x3FBA] =	sst s10  }
0x32: {  	s10 =	sld [smem:$0x3FB8];
	_ =	sdelay $0x3  }
0x33: {  	p0 =	seq.s32 s10, $0x1;
	s10 =	sld [smem:$0x3FBA];
	_ =	sdelay $0x3  }
0x34: {  	[smem:$0x3FBA] =	sst s10  }
0x35: {  	s10 =	sld [smem:$0x3FB9];
	_ =	sdelay $0x3  }
0x36: {  	p1 =	seq.s32 s10, $0x1;
	s10 =	sld [smem:$0x3FBA];
	_ =	sdelay $0x3  }
0x37: {  	[smem:$0x3FBA] =	sst s10  }
0x38: {  	s10 =	sld [smem:$0x3FBB]  }
0x39: {  	_ = 	snop;
	(pc) =	sbr.ind lr, $3  }
0x3a: {  	_ = 	snop  }
0x3b: {  	_ = 	snop  }
0x3c: {  	p2 =	seq.s32 s10, $0x1;
	s10 =	sld [smem:$0x3FBA]  }
0x3d: {  	_ =	shalt  }
0x3e: {  	_ =	shalt  }
0x3f: {  	_ =	shalt  }
0x40: {  	_ =	shalt  }
0x41: {  	_ =	shalt  }
0x42: {  	_ =	shalt  }
0x43: {  	_ =	shalt  }
0x44: {  	_ =	shalt  }
0x45: {  	_ =	shalt  }
0x46: {  	_ =	shalt  }
0x47: {  	_ =	shalt  }
0x48: {  	_ =	shalt  }
0x49: {  	_ =	shalt  }
0x4a: {  	_ =	shalt  }
0x4b: {  	_ =	shalt  }
0x4c: {  	_ =	shalt  }
0x4d: {  	_ =	shalt  }
0x4e: {  	_ =	shalt  }
0x4f: {  	_ =	shalt  }
0x50: {  	_ =	shalt  }
0x51: {  	_ =	shalt  }
0x52: {  	_ =	shalt  }
0x53: {  	_ =	shalt  }
0x54: {  	_ =	shalt  }
0x55: {  	_ =	shalt  }
0x56: {  	_ =	shalt  }
0x57: {  	_ =	shalt  }
0x58: {  	_ =	shalt  }
0x59: {  	_ =	shalt  }
0x5a: {  	_ =	shalt  }
0x5b: {  	_ =	shalt  }
0x5c: {  	_ =	shalt  }
0x5d: {  	_ =	shalt  }
0x5e: {  	_ =	shalt  }
0x5f: {  	_ =	shalt  }
0x60: {  	_ =	shalt  }
0x61: {  	_ =	shalt  }
0x62: {  	_ =	shalt  }
0x63: {  	_ =	shalt  }
0x64: {  	_ =	shalt  }
0x65: {  	_ =	shalt  }
0x66: {  	_ =	shalt  }
0x67: {  	_ =	shalt  }
0x68: {  	_ =	shalt  }
0x69: {  	_ =	shalt  }
0x6a: {  	_ =	shalt  }
0x6b: {  	_ =	shalt  }
0x6c: {  	_ =	shalt  }
0x6d: {  	_ =	shalt  }
0x6e: {  	_ =	shalt  }
0x6f: {  	_ =	shalt  }
0x70: {  	_ =	shalt  }
0x71: {  	_ =	shalt  }
0x72: {  	_ =	shalt  }
0x73: {  	_ =	shalt  }
0x74: {  	_ =	shalt  }
0x75: {  	_ =	shalt  }
0x76: {  	_ =	shalt  }
0x77: {  	_ =	shalt  }
0x78: {  	_ =	shalt  }
0x79: {  	_ =	shalt  }
0x7a: {  	_ =	shalt  }
0x7b: {  	_ =	shalt  }
0x7c: {  	_ =	shalt  }
0x7d: {  	_ =	shalt  }
0x7e: {  	_ =	shalt  }
0x7f: {  	_ =	shalt  }
0x80: {  	_ =	shalt  }
0x81: {  	_ =	shalt  }
0x82: {  	_ =	shalt  }
0x83: {  	_ =	shalt  }
0x84: {  	_ =	shalt  }
0x85: {  	_ =	shalt  }
0x86: {  	_ =	shalt  }
0x87: {  	_ =	shalt  }
.Lfunc_end0:
.L_simem_size_0:
called_computation_lowered:
.L_overlay_start_0:
0x88: {  	s2 =	sld [smem:$0x3FD9]  }
0x89: {  	s3 =	sld [smem:$0x3FFE];
	_ =	sdelay $0x1  }
0x8a: {  	s1 =	srdreg.scid  }
0x8b: {  	s0 =	sand.u32 $0x1, s1  }
0x8c: {  	s17 =	sshll.u32 s0, $0xA;
	s2 =	sadd.s32 s3, s2  }
0x8d: {  	s2 =	sadd.s32 s2, s17  }
0x8e: {  	[smem:$0x3FC6] =	sst s2  }
0x8f: {  	_ = 	snop  }
0x90: {  	s2 =	sld [smem:$0x3FD0];
	(tm) =	ssettm $0x1  }
0x91: {  	s18 =	sld [smem:$0x3FFB];
	_ =	sdelay $0x3  }
0x92: {  	_ =	strace s18  }
0x93: {  	s3 =	sld [smem:$0x3FFC];
	_ =	sdelay $0x3  }
0x94: {  	_ =	strace s3  }
0x95: {  	s3 =	sld [smem:$0x3FFD];
	_ =	sdelay $0x3  }
0x96: {  	_ =	strace s3  }
0x97: {  	_ =	strace $0x8FFFFFFF  }
0x98: {  	s19 =	sld [smem:$0x3FDB];
	_ =	sdelay $0x1  }
0x99: {  	s4 =	simm.s32 $_scs_section_size  }
0x9a: {  	s5 =	simm.s32 $_size__tile_overlayer_lowered;
	s6 =	simm.s32 $_tile_overlayer_lowered  }
0x9b: {  	s22 =	simm.s32 $0x1BFF;
	s21 =	sshll.u32 s6, $0x1;
	s3 =	sadd.s32 s4, s19  }
0x9c: {  	s7 =	simm.s32 $0x0;
	s20 =	sshll.u32 s5, $0x1;
	s5 =	sadd.s32 s21, s3  }
0x9d: {  	[timem:s7], [sflag:s22] =	dma.local [hbm:s5], s20  }
0x9e: {  	_ =	swait.ge [sflag:s22], s20  }
0x9f: {  	s4 =	ssub.s32 $0x0, s20;
	[sflag:s22] =	ssyncset.done $0x0  }
0xa0: {  	[sflag:s22] =	ssyncadd.s32 s4;
	_ =	sdelay $0x1  }
0xa1: {  	s23 =	simm.s32 $0x1B8B  }
0xa2: {  	_ =	swait.ge [sflag:s23], $0x1  }
0xa3: {  	[sflag:s23] =	ssyncset.done $0x0  }
0xa4: {  	s25 =	simm.s32 $0x1B8E;
	s24 =	sld [smem:$0x3FFE];
	[sflag:s23] =	ssyncadd.s32 $0xFFFFFFFF  }
0xa5: {  	s26 =	simm.s32 $execute0_lowered;
	[smem:$0x3FD2] =	sst s25  }
0xa6: {  	s5 =	sshll.u32 s26, $0x1;
	_ =	strace $0x80000046;
	[dreg:$0x1] =	wrdreg $0xFFFFFFFF  }
0xa7: {  	s28 =	simm.s32 $_size_execute0_lowered;
	s3 =	sadd.s32 s3, s5;
	[dreg:$0x0] =	wrdreg $0x0  }
0xa8: {  	s5 =	sshll.u32 s28, $0x1;
	[dreg:$0x2] =	wrdreg s3  }
0xa9: {  	[dreg:$0x3] =	wrdreg s5  }
0xaa: {  	[dreg:$0x4] =	wrdreg $0xC0  }
0xab: {  	_ =	task [dreg:s7], $0x5FFFF  }
0xac: {  	[dreg:$0x1] =	wrdreg $0xFFFFFFFF  }
0xad: {  	[dreg:$0x0] =	wrdreg $0x60  }
0xae: {  	[dreg:$0x2] =	wrdreg s24  }
0xaf: {  	[dreg:$0x3] =	wrdreg s2  }
0xb0: {  	[dreg:$0x4] =	wrdreg $0x9  }
0xb1: {  	_ =	task.clear_ibuf [dreg:s7], $0x5FFFF;
	_ =	strace $0x90000046  }
0xb2: {  	s29 =	simm.s32 $0x9;
	_ =	strace $0x80000048  }
0xb3: {  	_ =	swait.ge [sflag:s29], $0x1  }
0xb4: {  	[sflag:s29] =	ssyncadd.s32 $0xFFFFFFFF  }
0xb5: {  	_ =	strace $0x90000048  }
0xb6: {  	_ =	sfence  }
0xb7: {  	s30 =	sld [smem:$0x0];
	_ =	sdelay $0x2  }
0xb8: {  	s31 =	sshll.u32 s1, $0xD;
	s1 =	sshrl.u32 s1, $0x2  }
0xb9: {  	s3 =	sand.u32 $0x4000, s31;
	s1 =	sadd.s32 s1, s30  }
0xba: {  	s0 =	sor.u32 s3, s0;
	s1 =	sshll.u32 s1, $0x11  }
0xbb: {  	s0 =	sor.u32 s1, s0  }
0xbc: {  	s0 =	sadd.s32 $0x8F2B, s0  }
0xbd: {  	[sflag:s0] =	ssyncadd.remote.s32 $0x1  }
0xbe: {  	_ =	sfence.sel $0xFFFF  }
0xbf: {  	[dreg:$0x0] =	wrdreg $0xFFFFFFFF;
	(pc) =	sbr.abs _section_cstart, $3  }
0xc0: {  	[dreg:$0x1] =	wrdreg $0xFFFFFFFF  }
0xc1: {  	_ =	task.clear_ibuf [dreg:s7], $0x2FFFF;
	_ =	strace $0x9FFFFFFF  }
0xc2: {  	(tm) =	ssettm $0x7FFFFFFF  }
0xc3: {  	_ =	shalt  }
tec
execute0_lowered:
.L_overlay_start_1:
0x0: {  	(tag) =	ssettag $0x1  }
0x1: {  	v6 =	vlaneseq.u32  }
0x2: {  	s0 =	srdreg.scid;
	v0 =	vmul.u32 $0xC8, v6  }
0x3: {  	s2 =	stileid.u32;
	s1 =	rddreg [dreg:$0x0];
	v9 =	vimm.s32 $0x0;
	vm0 =	vcmask $0x300;
	v6 =	vmul.u32 $0x88, v6  }
0x4: {  	s16 =	simm.s32 $0x80;
	s20 =	simm.s32 $0x1;
	s21 =	simm.s32 $0x10800;
	v9 =	vsel vm0, $0x3, v9;
	v1 =	vadd.s32 $0xC80, v0;
	v2 =	vadd.s32 $0x1900, v0  }
0x5: {  	s14 =	simm.s32 $0x4;
	s15 =	simm.s32 $0x12A00;
	s18 =	simm.s32 $0x14848;
	v3 =	vadd.s32 $0x2580, v0;
	v4 =	vadd.s32 $0x3200, v0;
	v5 =	vadd.s32 $0x3E80, v0  }
0x6: {  	s19 =	simm.s32 $0x148D0;
	s22 =	simm.s32 $0x14958;
	s23 =	simm.s32 $0x149E0;
	v7 =	vadd.s32 $0x4B00, v0;
	v8 =	vadd.s32 $0x5780, v0;
	v10 =	vadd.s32 $0x880, v6  }
0x7: {  	s24 =	simm.s32 $0x14A68;
	s25 =	simm.s32 $0x14AF0;
	s26 =	simm.s32 $0x14B78;
	v11 =	vadd.s32 $0x1100, v6;
	v12 =	vadd.s32 $0x1980, v6;
	v13 =	vor.u32 $0x1, v6  }
0x8: {  	s0 =	sand.u32 $0x1, s0;
	s3 =	sshll.u32 s2, $0x1;
	s2 =	rddreg [dreg:$0x1];
	v14 =	vadd.s32 $0x881, v6;
	v15 =	vadd.s32 $0x1101, v6;
	v16 =	vadd.s32 $0x1981, v6  }
0x9: {  	s5 =	sor.u32 s0, s3;
	s3 =	simm.s32 $0x0;
	s0 =	ssub.s32 $0x2, s0;
	v17 =	vor.u32 $0x2, v6;
	v18 =	vadd.s32 $0x882, v6;
	v19 =	vadd.s32 $0x1102, v6  }
0xa: {  	s4 =	smul.u32 $0xC80, s5;
	[smem:$0x7FF] =	sst s3;
	s7 =	sshrl.u32 s0, $0x1;
	v20 =	vadd.s32 $0x1982, v6;
	v21 =	vor.u32 $0x3, v6;
	v22 =	vadd.s32 $0x883, v6  }
0xb: {  	s5 =	sshll.u32 s5, $0xA;
	v23 =	vadd.s32 $0x1103, v6;
	v24 =	vadd.s32 $0x1983, v6;
	v25 =	vor.u32 $0x4, v6;
	_ =	strace $0x80000047;
	s0 =	ssub.s32 s0, s7  }
0xc: {  	v26 =	vadd.s32 $0x884, v6;
	v27 =	vadd.s32 $0x1104, v6;
	v28 =	vadd.s32 $0x1984, v6;
	s7 =	sor.u32 $0x8000, s5;
	s8 =	sor.u32 $0x10000, s5;
	s9 =	sor.u32 $0x18000, s5  }
0xd: {  	v29 =	vor.u32 $0x5, v6;
	v30 =	vadd.s32 $0x885, v6;
	v31 =	vadd.s32 $0x1105, v6;
	s10 =	sor.u32 $0x20000, s5;
	s11 =	sor.u32 $0x28000, s5;
	s12 =	sor.u32 $0x30000, s5  }
0xe: {  	v32 =	vadd.s32 $0x1985, v6;
	v33 =	vor.u32 $0x6, v6;
	v34 =	vadd.s32 $0x886, v6;
	s13 =	sor.u32 $0x38000, s5;
	s6 =	sadd.s32 s4, s1;
	s0 =	smax.u32 s0, $0x1  }
0xf: {  	v35 =	vadd.s32 $0x1106, v6;
	v36 =	vadd.s32 $0x1986, v6;
	v37 =	vor.u32 $0x7, v6;
	s4 =	sadd.s32 $0xF42A00, s1;
	s31 =	sadd.s32 $0x600, s6;
	[dreg:$0x4] =	wrdreg s0  }
0x10: {  	v38 =	vadd.s32 $0x887, v6;
	v39 =	vadd.s32 $0x1107, v6;
	v40 =	vadd.s32 $0x1987, v6;
	s1 =	simm.s32 $0x0;
	s6 =	simm.s32 $0x2;
	[dreg:$0x3] =	wrdreg s31  }
.LBB2_1:
0x11: {  	[dreg:$0x5] =	wrdreg s1  }
0x12: {  	v41 =	vadd.s32 s3, v0;
	s0 =	rddreg [dreg:$0x3];
	s31 =	simm.s32 $0x5  }
0x13: {  	[tilespmem:s3], [sflag:$0x5] =	stream.linear.gather [hbm4b:s0+s3], $0x6400, $0x38;
	[tilespmem:$0x14C00] =	vst v63  }
0x14: {  	_ =	swait.ge [sflag:s31], $0x6400  }
0x15: {  	[sflag:s31] =	ssyncset.done $0x0  }
0x16: {  	[sflag:s31] =	ssyncadd.s32 $0xFFFF9C00  }
0x17: {  	v41 =	vld.idx.msk [tilespmem:v41+s3+$0x0], $0xffff  }
0x18: {  	v42 =	vadd.s32 s3, v1;
	_ =	sdelay $0x2  }
0x19: {  	s0 =	simm.s32 $0x6440  }
0x1a: {  	[tilespmem:s0+$0xFFFFFFC0] =	vst v41  }
0x1b: {  	v41 =	vld.idx.msk [tilespmem:v42+s3+$0x0], $0xffff  }
0x1c: {  	v58 =	vadd.s32 s3, v2;
	_ =	sdelay $0x3  }
0x1d: {  	[tilespmem:s0+$0xFFFFFFD0] =	vst v41  }
0x1e: {  	v41 =	vld.idx.msk [tilespmem:v58+s3+$0x0], $0xffff  }
0x1f: {  	v59 =	vadd.s32 s3, v3;
	_ =	sdelay $0x3  }
0x20: {  	[tilespmem:s0+$0xFFFFFFE0] =	vst v41  }
0x21: {  	v41 =	vld.idx.msk [tilespmem:v59+s3+$0x0], $0xffff  }
0x22: {  	v60 =	vadd.s32 s3, v4;
	_ =	sdelay $0x3  }
0x23: {  	[tilespmem:s0+$0xFFFFFFF0] =	vst v41  }
0x24: {  	v41 =	vld.idx.msk [tilespmem:v60+s3+$0x0], $0xffff  }
0x25: {  	v61 =	vadd.s32 s3, v5;
	_ =	sdelay $0x3  }
0x26: {  	[tilespmem:s0+$0x0] =	vst v41  }
0x27: {  	v41 =	vld.idx.msk [tilespmem:v61+s3+$0x0], $0xffff  }
0x28: {  	v62 =	vadd.s32 s3, v7;
	_ =	sdelay $0x3  }
0x29: {  	[tilespmem:s0+$0x10] =	vst v41  }
0x2a: {  	v41 =	vld.idx.msk [tilespmem:v62+s3+$0x0], $0xffff  }
0x2b: {  	v63 =	vadd.s32 s3, v8;
	_ =	sdelay $0x3  }
0x2c: {  	[tilespmem:s0+$0x20] =	vst v41  }
0x2d: {  	s1 =	simm.s32 $0x1;
	v41 =	vld.idx.msk [tilespmem:v63+s3+$0x0], $0xffff  }
0x2e: {  	s28 =	simm.s32 $0x2;
	v42 =	vadd.s32 s1, v0  }
.LBB2_2:
0x2f: {  	p0 =	sne.s32 s28, $0xC7;
	_ =	sdelay $0x2  }
0x30: {  	[tilespmem:s0+$0x30] =	vst v41  }
0x31: {  	v41 =	vld.idx.msk [tilespmem:v42+s3+$0x0], $0xffff;
	_ =	sdelay $0x1  }
0x32: {  	v42 =	vadd.s32 s1, v1;
	_ =	sdelay $0x2  }
0x33: {  	s0 =	sadd.s32 $0x80, s0  }
0x34: {  	[tilespmem:s0+$0xFFFFFFC0] =	vst v41  }
0x35: {  	v41 =	vld.idx.msk [tilespmem:v42+s3+$0x0], $0xffff;
	_ =	sdelay $0x1  }
0x36: {  	v42 =	vadd.s32 s1, v2;
	_ =	sdelay $0x3  }
0x37: {  	[tilespmem:s0+$0xFFFFFFD0] =	vst v41  }
0x38: {  	v41 =	vld.idx.msk [tilespmem:v42+s3+$0x0], $0xffff;
	_ =	sdelay $0x1  }
0x39: {  	v42 =	vadd.s32 s1, v3;
	_ =	sdelay $0x3  }
0x3a: {  	[tilespmem:s0+$0xFFFFFFE0] =	vst v41  }
0x3b: {  	v41 =	vld.idx.msk [tilespmem:v42+s3+$0x0], $0xffff;
	_ =	sdelay $0x1  }
0x3c: {  	v42 =	vadd.s32 s1, v4;
	_ =	sdelay $0x3  }
0x3d: {  	[tilespmem:s0+$0xFFFFFFF0] =	vst v41  }
0x3e: {  	v41 =	vld.idx.msk [tilespmem:v42+s3+$0x0], $0xffff;
	_ =	sdelay $0x1  }
0x3f: {  	v42 =	vadd.s32 s1, v5;
	_ =	sdelay $0x3  }
0x40: {  	[tilespmem:s0+$0x0] =	vst v41  }
0x41: {  	v41 =	vld.idx.msk [tilespmem:v42+s3+$0x0], $0xffff;
	_ =	sdelay $0x1  }
0x42: {  	v42 =	vadd.s32 s1, v7;
	_ =	sdelay $0x3  }
0x43: {  	[tilespmem:s0+$0x10] =	vst v41  }
0x44: {  	v41 =	vld.idx.msk [tilespmem:v42+s3+$0x0], $0xffff;
	_ =	sdelay $0x1  }
0x45: {  	v42 =	vadd.s32 s1, v8;
	s1 =	smov.u32 s28;
	_ =	sdelay $0x2  }
.Ltmp0:
0x46: {  	(pc) =	sbr.rel @p0 .LBB2_2-.Ltmp0, $3  }
0x47: {  	[tilespmem:s0+$0x20] =	vst v41  }
0x48: {  	v41 =	vld.idx.msk [tilespmem:v42+s3+$0x0], $0xffff;
	_ =	sdelay $0x1  }
0x49: {  	s28 =	sadd.s32 $0x1, s28;
	v42 =	vadd.s32 s1, v0  }
0x4a: {  	_ =	sdelay $0x2  }
0x4b: {  	[tilespmem:s0+$0x30] =	vst v41  }
0x4c: {  	v41 =	vld.idx.msk [tilespmem:v42+s3+$0x0], $0xffff  }
0x4d: {  	v57 =	vadd.s32 s1, v1;
	_ =	sdelay $0x2  }
0x4e: {  	s17 =	sadd.s32 $0x80, s0  }
0x4f: {  	[tilespmem:s17+$0xFFFFFFC0] =	vst v41  }
0x50: {  	v41 =	vld.idx.msk [tilespmem:v57+s3+$0x0], $0xffff  }
0x51: {  	v58 =	vadd.s32 s1, v2;
	_ =	sdelay $0x3  }
0x52: {  	[tilespmem:s17+$0xFFFFFFD0] =	vst v41  }
0x53: {  	v41 =	vld.idx.msk [tilespmem:v58+s3+$0x0], $0xffff  }
0x54: {  	v59 =	vadd.s32 s1, v3;
	_ =	sdelay $0x3  }
0x55: {  	[tilespmem:s17+$0xFFFFFFE0] =	vst v41  }
0x56: {  	v41 =	vld.idx.msk [tilespmem:v59+s3+$0x0], $0xffff  }
0x57: {  	v60 =	vadd.s32 s1, v4;
	_ =	sdelay $0x3  }
0x58: {  	[tilespmem:s17+$0xFFFFFFF0] =	vst v41  }
0x59: {  	v41 =	vld.idx.msk [tilespmem:v60+s3+$0x0], $0xffff  }
0x5a: {  	v61 =	vadd.s32 s1, v5;
	_ =	sdelay $0x3  }
0x5b: {  	[tilespmem:s17+$0x0] =	vst v41  }
0x5c: {  	v41 =	vld.idx.msk [tilespmem:v61+s3+$0x0], $0xffff  }
0x5d: {  	v62 =	vadd.s32 s1, v7;
	_ =	sdelay $0x3  }
0x5e: {  	[tilespmem:s17+$0x10] =	vst v41  }
0x5f: {  	v41 =	vld.idx.msk [tilespmem:v62+s3+$0x0], $0xffff  }
0x60: {  	v63 =	vadd.s32 s1, v8;
	_ =	sdelay $0x3  }
0x61: {  	[tilespmem:s17+$0x20] =	vst v41  }
0x62: {  	v41 =	vld.idx.msk [tilespmem:v63+s3+$0x0], $0xffff;
	_ =	sdelay $0x3  }
0x63: {  	s30 =	simm.s32 $0x6400  }
0x64: {  	s31 =	simm.s32 $0xC800;
	s28 =	simm.s32 $0x0;
	s29 =	simm.s32 $0x0;
	[tilespmem:s17+$0x30] =	vst v41  }
0x65: {  	[tilespmem:s31], [sflag:$0x1] =	stream.indirect.gather [hbm4b:s4+s16], $0x40, s30, s16, $0xb8;
	[tilespmem:$0x14C00] =	vst v63  }
.LBB2_4:
0x66: {  	s30 =	sshllo.u32 s29, $0x1  }
0x67: {  	s0 =	sshll.u32 s30, $0x7  }
0x68: {  	s0 =	sand.u32 $0x3FFFFF80, s0  }
0x69: {  	s1 =	simm.s32 $0xE800;
	s0 =	sadd.s32 $0x6400, s0  }
0x6a: {  	[tilespmem:s1], [sflag:$0x2] =	stream.indirect.gather [hbm4b:s4+s16], $0x40, s0, s16, $0xb8;
	[tilespmem:$0x14C00] =	vst v63  }
0x6b: {  	_ =	swait.ge [sflag:s20], $0x2000  }
0x6c: {  	p0 =	seq.s32 s29, $0x0;
	[sflag:s20] =	ssyncset.done $0x0  }
0x6d: {  	s0 =	simm.s32 @!p0 $0x3;
	[sflag:s20] =	ssyncadd.s32 $0xFFFFE000  }
0x6e: {  	_ =	swait.ge @!p0 [sflag:s0], $0x400  }
0x6f: {  	[sflag:s0] =	ssyncset.done @!p0 $0x0  }
0x70: {  	[sflag:s0] =	ssyncadd.s32 @!p0 $0xFFFFFC00  }
0x71: {  	_ =	swait.ge @!p0 [sflag:s0], $0x400  }
0x72: {  	[sflag:s0] =	ssyncset.done @!p0 $0x0  }
0x73: {  	[sflag:s0] =	ssyncadd.s32 @!p0 $0xFFFFFC00  }
0x74: {  	_ =	swait.ge @!p0 [sflag:s0], $0x400  }
0x75: {  	[sflag:s0] =	ssyncset.done @!p0 $0x0  }
0x76: {  	[sflag:s0] =	ssyncadd.s32 @!p0 $0xFFFFFC00  }
0x77: {  	_ =	swait.ge @!p0 [sflag:s0], $0x400  }
0x78: {  	[sflag:s0] =	ssyncset.done @!p0 $0x0  }
0x79: {  	[sflag:s0] =	ssyncadd.s32 @!p0 $0xFFFFFC00  }
0x7a: {  	_ =	swait.ge @!p0 [sflag:s0], $0x400  }
0x7b: {  	[sflag:s0] =	ssyncset.done @!p0 $0x0  }
0x7c: {  	[sflag:s0] =	ssyncadd.s32 @!p0 $0xFFFFFC00  }
0x7d: {  	_ =	swait.ge @!p0 [sflag:s0], $0x400  }
0x7e: {  	[sflag:s0] =	ssyncset.done @!p0 $0x0  }
0x7f: {  	[sflag:s0] =	ssyncadd.s32 @!p0 $0xFFFFFC00  }
0x80: {  	_ =	swait.ge @!p0 [sflag:s0], $0x400  }
0x81: {  	v41 =	vmov s28;
	[sflag:s0] =	ssyncset.done @!p0 $0x0  }
0x82: {  	v41 =	vshrl.u32 v41, $0x3;
	[sflag:s0] =	ssyncadd.s32 @!p0 $0xFFFFFC00  }
0x83: {  	v41 =	vshll.u32 v41, v9;
	_ =	swait.ge @!p0 [sflag:s0], $0x400  }
0x84: {  	v41 =	vbroadcast v41, $0x0;
	[sflag:s0] =	ssyncset.done @!p0 $0x0  }
0x85: {  	s31 =	simm.s32 $0xCA00;
	[sflag:s0] =	ssyncadd.s32 @!p0 $0xFFFFFC00  }
0x86: {  	v43 =	vadd.s32 v6, v41;
	v42 =	vld [tilespmem:s31+$0xFFFFFE00];
	_ =	sdelay $0x4  }
0x87: {  	[tilespmem:v43+s21+$0x0] =	vst.idx.msk $0xffff, v42  }
0x88: {  	v45 =	vadd.s32 v10, v41;
	v42 =	vld [tilespmem:s31+$0xFFFFFE10];
	_ =	sdelay $0x4  }
0x89: {  	[tilespmem:v45+s21+$0x0] =	vst.idx.msk $0xffff, v42  }
0x8a: {  	v46 =	vadd.s32 v11, v41;
	v42 =	vld [tilespmem:s31+$0xFFFFFE20];
	_ =	sdelay $0x4  }
0x8b: {  	[tilespmem:v46+s21+$0x0] =	vst.idx.msk $0xffff, v42  }
0x8c: {  	s17 =	simm.s32 $0x1;
	v41 =	vadd.s32 v12, v41;
	v42 =	vld [tilespmem:s31+$0xFFFFFE30]  }
0x8d: {  	v47 =	vmov s17  }
0x8e: {  	v43 =	vshrl.u32 v47, $0x3  }
0x8f: {  	v43 =	vshll.u32 v43, v9  }
0x90: {  	v43 =	vbroadcast v43, $0x0  }
0x91: {  	[tilespmem:v41+s21+$0x0] =	vst.idx.msk $0xffff, v42  }
0x92: {  	v48 =	vadd.s32 v13, v43;
	v41 =	vld [tilespmem:s31+$0xFFFFFE40];
	_ =	sdelay $0x4  }
0x93: {  	[tilespmem:v48+s21+$0x0] =	vst.idx.msk $0xffff, v41  }
0x94: {  	v49 =	vadd.s32 v14, v43;
	v41 =	vld [tilespmem:s31+$0xFFFFFE50];
	_ =	sdelay $0x4  }
0x95: {  	[tilespmem:v49+s21+$0x0] =	vst.idx.msk $0xffff, v41  }
0x96: {  	v50 =	vadd.s32 v15, v43;
	v41 =	vld [tilespmem:s31+$0xFFFFFE60];
	_ =	sdelay $0x4  }
0x97: {  	[tilespmem:v50+s21+$0x0] =	vst.idx.msk $0xffff, v41  }
0x98: {  	s1 =	simm.s32 $0x2;
	v51 =	vadd.s32 v16, v43;
	v41 =	vld [tilespmem:s31+$0xFFFFFE70]  }
0x99: {  	v52 =	vmov s1  }
0x9a: {  	v43 =	vshrl.u32 v52, $0x3  }
0x9b: {  	v43 =	vshll.u32 v43, v9  }
0x9c: {  	v43 =	vbroadcast v43, $0x0  }
0x9d: {  	[tilespmem:v51+s21+$0x0] =	vst.idx.msk $0xffff, v41  }
0x9e: {  	v53 =	vadd.s32 v17, v43;
	v41 =	vld [tilespmem:s31+$0xFFFFFE80];
	_ =	sdelay $0x4  }
0x9f: {  	[tilespmem:v53+s21+$0x0] =	vst.idx.msk $0xffff, v41  }
0xa0: {  	v54 =	vadd.s32 v18, v43;
	v41 =	vld [tilespmem:s31+$0xFFFFFE90];
	_ =	sdelay $0x4  }
0xa1: {  	[tilespmem:v54+s21+$0x0] =	vst.idx.msk $0xffff, v41  }
0xa2: {  	v55 =	vadd.s32 v19, v43;
	v41 =	vld [tilespmem:s31+$0xFFFFFEA0];
	_ =	sdelay $0x4  }
0xa3: {  	[tilespmem:v55+s21+$0x0] =	vst.idx.msk $0xffff, v41  }
0xa4: {  	s17 =	simm.s32 $0x3;
	v56 =	vadd.s32 v20, v43;
	v41 =	vld [tilespmem:s31+$0xFFFFFEB0]  }
0xa5: {  	v57 =	vmov s17  }
0xa6: {  	v43 =	vshrl.u32 v57, $0x3  }
0xa7: {  	v43 =	vshll.u32 v43, v9  }
0xa8: {  	v43 =	vbroadcast v43, $0x0  }
0xa9: {  	[tilespmem:v56+s21+$0x0] =	vst.idx.msk $0xffff, v41  }
0xaa: {  	v58 =	vadd.s32 v21, v43;
	v41 =	vld [tilespmem:s31+$0xFFFFFEC0];
	_ =	sdelay $0x4  }
0xab: {  	[tilespmem:v58+s21+$0x0] =	vst.idx.msk $0xffff, v41  }
0xac: {  	v59 =	vadd.s32 v22, v43;
	v41 =	vld [tilespmem:s31+$0xFFFFFED0];
	_ =	sdelay $0x4  }
0xad: {  	[tilespmem:v59+s21+$0x0] =	vst.idx.msk $0xffff, v41  }
0xae: {  	v60 =	vadd.s32 v23, v43;
	v41 =	vld [tilespmem:s31+$0xFFFFFEE0];
	_ =	sdelay $0x4  }
0xaf: {  	[tilespmem:v60+s21+$0x0] =	vst.idx.msk $0xffff, v41  }
0xb0: {  	s1 =	simm.s32 $0x4;
	v61 =	vadd.s32 v24, v43;
	v41 =	vld [tilespmem:s31+$0xFFFFFEF0]  }
0xb1: {  	v62 =	vmov s1  }
0xb2: {  	v43 =	vshrl.u32 v62, $0x3  }
0xb3: {  	v43 =	vshll.u32 v43, v9  }
0xb4: {  	v43 =	vbroadcast v43, $0x0  }
0xb5: {  	[tilespmem:v61+s21+$0x0] =	vst.idx.msk $0xffff, v41  }
0xb6: {  	v63 =	vadd.s32 v25, v43;
	v41 =	vld [tilespmem:s31+$0xFFFFFF00];
	_ =	sdelay $0x4  }
0xb7: {  	[tilespmem:v63+s21+$0x0] =	vst.idx.msk $0xffff, v41  }
0xb8: {  	v45 =	vadd.s32 v26, v43;
	v41 =	vld [tilespmem:s31+$0xFFFFFF10];
	_ =	sdelay $0x4  }
0xb9: {  	[tilespmem:v45+s21+$0x0] =	vst.idx.msk $0xffff, v41  }
0xba: {  	v46 =	vadd.s32 v27, v43;
	v41 =	vld [tilespmem:s31+$0xFFFFFF20];
	_ =	sdelay $0x4  }
0xbb: {  	[tilespmem:v46+s21+$0x0] =	vst.idx.msk $0xffff, v41  }
0xbc: {  	s17 =	simm.s32 $0x5;
	v47 =	vadd.s32 v28, v43;
	v41 =	vld [tilespmem:s31+$0xFFFFFF30]  }
0xbd: {  	v48 =	vmov s17  }
0xbe: {  	v43 =	vshrl.u32 v48, $0x3  }
0xbf: {  	v43 =	vshll.u32 v43, v9  }
0xc0: {  	v43 =	vbroadcast v43, $0x0  }
0xc1: {  	[tilespmem:v47+s21+$0x0] =	vst.idx.msk $0xffff, v41  }
0xc2: {  	v49 =	vadd.s32 v29, v43;
	v41 =	vld [tilespmem:s31+$0xFFFFFF40];
	_ =	sdelay $0x4  }
0xc3: {  	[tilespmem:v49+s21+$0x0] =	vst.idx.msk $0xffff, v41  }
0xc4: {  	v50 =	vadd.s32 v30, v43;
	v41 =	vld [tilespmem:s31+$0xFFFFFF50];
	_ =	sdelay $0x4  }
0xc5: {  	[tilespmem:v50+s21+$0x0] =	vst.idx.msk $0xffff, v41  }
0xc6: {  	v51 =	vadd.s32 v31, v43;
	v41 =	vld [tilespmem:s31+$0xFFFFFF60];
	_ =	sdelay $0x4  }
0xc7: {  	[tilespmem:v51+s21+$0x0] =	vst.idx.msk $0xffff, v41  }
0xc8: {  	s1 =	simm.s32 $0x6;
	v52 =	vadd.s32 v32, v43;
	v41 =	vld [tilespmem:s31+$0xFFFFFF70]  }
0xc9: {  	v53 =	vmov s1  }
0xca: {  	v43 =	vshrl.u32 v53, $0x3  }
0xcb: {  	v43 =	vshll.u32 v43, v9  }
0xcc: {  	v43 =	vbroadcast v43, $0x0  }
0xcd: {  	[tilespmem:v52+s21+$0x0] =	vst.idx.msk $0xffff, v41  }
0xce: {  	v54 =	vadd.s32 v33, v43;
	v41 =	vld [tilespmem:s31+$0xFFFFFF80];
	_ =	sdelay $0x4  }
0xcf: {  	[tilespmem:v54+s21+$0x0] =	vst.idx.msk $0xffff, v41  }
0xd0: {  	v55 =	vadd.s32 v34, v43;
	v41 =	vld [tilespmem:s31+$0xFFFFFF90];
	_ =	sdelay $0x4  }
0xd1: {  	[tilespmem:v55+s21+$0x0] =	vst.idx.msk $0xffff, v41  }
0xd2: {  	v56 =	vadd.s32 v35, v43;
	v41 =	vld [tilespmem:s31+$0xFFFFFFA0];
	_ =	sdelay $0x4  }
0xd3: {  	[tilespmem:v56+s21+$0x0] =	vst.idx.msk $0xffff, v41  }
0xd4: {  	s17 =	simm.s32 $0x7;
	v57 =	vadd.s32 v36, v43;
	v41 =	vld [tilespmem:s31+$0xFFFFFFB0]  }
0xd5: {  	v58 =	vmov s17  }
0xd6: {  	v43 =	vshrl.u32 v58, $0x3  }
0xd7: {  	v43 =	vshll.u32 v43, v9  }
0xd8: {  	v43 =	vbroadcast v43, $0x0  }
0xd9: {  	[tilespmem:v57+s21+$0x0] =	vst.idx.msk $0xffff, v41  }
0xda: {  	v59 =	vadd.s32 v37, v43;
	v41 =	vld [tilespmem:s31+$0xFFFFFFC0];
	_ =	sdelay $0x4  }
0xdb: {  	[tilespmem:v59+s21+$0x0] =	vst.idx.msk $0xffff, v41  }
0xdc: {  	v60 =	vadd.s32 v38, v43;
	v41 =	vld [tilespmem:s31+$0xFFFFFFD0];
	_ =	sdelay $0x4  }
0xdd: {  	[tilespmem:v60+s21+$0x0] =	vst.idx.msk $0xffff, v41  }
0xde: {  	v61 =	vadd.s32 v39, v43;
	v41 =	vld [tilespmem:s31+$0xFFFFFFE0];
	_ =	sdelay $0x4  }
0xdf: {  	[tilespmem:v61+s21+$0x0] =	vst.idx.msk $0xffff, v41  }
0xe0: {  	s1 =	simm.s32 $0x8;
	v62 =	vadd.s32 v40, v43;
	v41 =	vld [tilespmem:s31+$0xFFFFFFF0]  }
0xe1: {  	v63 =	vmov s1  }
0xe2: {  	v43 =	vshrl.u32 v63, $0x3  }
0xe3: {  	v43 =	vshll.u32 v43, v9  }
0xe4: {  	v43 =	vbroadcast v43, $0x0  }
0xe5: {  	[tilespmem:v62+s21+$0x0] =	vst.idx.msk $0xffff, v41  }
0xe6: {  	v45 =	vadd.s32 v6, v43;
	v41 =	vld [tilespmem:s31+$0x0];
	_ =	sdelay $0x4  }
0xe7: {  	[tilespmem:v45+s21+$0x0] =	vst.idx.msk $0xffff, v41  }
0xe8: {  	v46 =	vadd.s32 v10, v43;
	v41 =	vld [tilespmem:s31+$0x10];
	_ =	sdelay $0x4  }
0xe9: {  	[tilespmem:v46+s21+$0x0] =	vst.idx.msk $0xffff, v41  }
0xea: {  	v47 =	vadd.s32 v11, v43;
	v41 =	vld [tilespmem:s31+$0x20];
	_ =	sdelay $0x4  }
0xeb: {  	[tilespmem:v47+s21+$0x0] =	vst.idx.msk $0xffff, v41  }
0xec: {  	s17 =	simm.s32 $0x9;
	v48 =	vadd.s32 v12, v43;
	v41 =	vld [tilespmem:s31+$0x30]  }
0xed: {  	v49 =	vmov s17  }
0xee: {  	v43 =	vshrl.u32 v49, $0x3  }
0xef: {  	v43 =	vshll.u32 v43, v9  }
0xf0: {  	v43 =	vbroadcast v43, $0x0  }
0xf1: {  	[tilespmem:v48+s21+$0x0] =	vst.idx.msk $0xffff, v41  }
0xf2: {  	v50 =	vadd.s32 v13, v43;
	v41 =	vld [tilespmem:s31+$0x40];
	_ =	sdelay $0x4  }
0xf3: {  	[tilespmem:v50+s21+$0x0] =	vst.idx.msk $0xffff, v41  }
0xf4: {  	v51 =	vadd.s32 v14, v43;
	v41 =	vld [tilespmem:s31+$0x50];
	_ =	sdelay $0x4  }
0xf5: {  	[tilespmem:v51+s21+$0x0] =	vst.idx.msk $0xffff, v41  }
0xf6: {  	v52 =	vadd.s32 v15, v43;
	v41 =	vld [tilespmem:s31+$0x60];
	_ =	sdelay $0x4  }
0xf7: {  	[tilespmem:v52+s21+$0x0] =	vst.idx.msk $0xffff, v41  }
0xf8: {  	s1 =	simm.s32 $0xA;
	v53 =	vadd.s32 v16, v43;
	v41 =	vld [tilespmem:s31+$0x70]  }
0xf9: {  	v54 =	vmov s1  }
0xfa: {  	v43 =	vshrl.u32 v54, $0x3  }
0xfb: {  	v43 =	vshll.u32 v43, v9  }
0xfc: {  	v43 =	vbroadcast v43, $0x0  }
0xfd: {  	[tilespmem:v53+s21+$0x0] =	vst.idx.msk $0xffff, v41  }
0xfe: {  	v55 =	vadd.s32 v17, v43;
	v41 =	vld [tilespmem:s31+$0x80];
	_ =	sdelay $0x4  }
0xff: {  	[tilespmem:v55+s21+$0x0] =	vst.idx.msk $0xffff, v41  }
0x100: {  	v56 =	vadd.s32 v18, v43;
	v41 =	vld [tilespmem:s31+$0x90];
	_ =	sdelay $0x4  }
0x101: {  	[tilespmem:v56+s21+$0x0] =	vst.idx.msk $0xffff, v41  }
0x102: {  	v57 =	vadd.s32 v19, v43;
	v41 =	vld [tilespmem:s31+$0xA0];
	_ =	sdelay $0x4  }
0x103: {  	[tilespmem:v57+s21+$0x0] =	vst.idx.msk $0xffff, v41  }
0x104: {  	s17 =	simm.s32 $0xB;
	v58 =	vadd.s32 v20, v43;
	v41 =	vld [tilespmem:s31+$0xB0]  }
0x105: {  	v59 =	vmov s17  }
0x106: {  	v43 =	vshrl.u32 v59, $0x3  }
0x107: {  	v43 =	vshll.u32 v43, v9  }
0x108: {  	v43 =	vbroadcast v43, $0x0  }
0x109: {  	[tilespmem:v58+s21+$0x0] =	vst.idx.msk $0xffff, v41  }
0x10a: {  	v60 =	vadd.s32 v21, v43;
	v41 =	vld [tilespmem:s31+$0xC0];
	_ =	sdelay $0x4  }
0x10b: {  	[tilespmem:v60+s21+$0x0] =	vst.idx.msk $0xffff, v41  }
0x10c: {  	v61 =	vadd.s32 v22, v43;
	v41 =	vld [tilespmem:s31+$0xD0];
	_ =	sdelay $0x4  }
0x10d: {  	[tilespmem:v61+s21+$0x0] =	vst.idx.msk $0xffff, v41  }
0x10e: {  	v62 =	vadd.s32 v23, v43;
	v41 =	vld [tilespmem:s31+$0xE0];
	_ =	sdelay $0x4  }
0x10f: {  	[tilespmem:v62+s21+$0x0] =	vst.idx.msk $0xffff, v41  }
0x110: {  	s1 =	simm.s32 $0xC;
	v63 =	vadd.s32 v24, v43;
	v41 =	vld [tilespmem:s31+$0xF0]  }
0x111: {  	v45 =	vmov s1  }
0x112: {  	v43 =	vshrl.u32 v45, $0x3  }
0x113: {  	v43 =	vshll.u32 v43, v9  }
0x114: {  	v43 =	vbroadcast v43, $0x0  }
0x115: {  	[tilespmem:v63+s21+$0x0] =	vst.idx.msk $0xffff, v41  }
0x116: {  	v46 =	vadd.s32 v25, v43;
	v41 =	vld [tilespmem:s31+$0x100];
	_ =	sdelay $0x4  }
0x117: {  	[tilespmem:v46+s21+$0x0] =	vst.idx.msk $0xffff, v41  }
0x118: {  	v47 =	vadd.s32 v26, v43;
	v41 =	vld [tilespmem:s31+$0x110];
	_ =	sdelay $0x4  }
0x119: {  	[tilespmem:v47+s21+$0x0] =	vst.idx.msk $0xffff, v41  }
0x11a: {  	v48 =	vadd.s32 v27, v43;
	v41 =	vld [tilespmem:s31+$0x120];
	_ =	sdelay $0x4  }
0x11b: {  	[tilespmem:v48+s21+$0x0] =	vst.idx.msk $0xffff, v41  }
0x11c: {  	s17 =	simm.s32 $0xD;
	v49 =	vadd.s32 v28, v43;
	v41 =	vld [tilespmem:s31+$0x130]  }
0x11d: {  	v50 =	vmov s17  }
0x11e: {  	v43 =	vshrl.u32 v50, $0x3  }
0x11f: {  	v43 =	vshll.u32 v43, v9  }
0x120: {  	v43 =	vbroadcast v43, $0x0  }
0x121: {  	[tilespmem:v49+s21+$0x0] =	vst.idx.msk $0xffff, v41  }
0x122: {  	v51 =	vadd.s32 v29, v43;
	v41 =	vld [tilespmem:s31+$0x140];
	_ =	sdelay $0x4  }
0x123: {  	[tilespmem:v51+s21+$0x0] =	vst.idx.msk $0xffff, v41  }
0x124: {  	v52 =	vadd.s32 v30, v43;
	v41 =	vld [tilespmem:s31+$0x150];
	_ =	sdelay $0x4  }
0x125: {  	[tilespmem:v52+s21+$0x0] =	vst.idx.msk $0xffff, v41  }
0x126: {  	v53 =	vadd.s32 v31, v43;
	v41 =	vld [tilespmem:s31+$0x160];
	_ =	sdelay $0x4  }
0x127: {  	[tilespmem:v53+s21+$0x0] =	vst.idx.msk $0xffff, v41  }
0x128: {  	s1 =	simm.s32 $0xE;
	v54 =	vadd.s32 v32, v43;
	v41 =	vld [tilespmem:s31+$0x170]  }
0x129: {  	v55 =	vmov s1  }
0x12a: {  	v43 =	vshrl.u32 v55, $0x3  }
0x12b: {  	v43 =	vshll.u32 v43, v9  }
0x12c: {  	v43 =	vbroadcast v43, $0x0  }
0x12d: {  	[tilespmem:v54+s21+$0x0] =	vst.idx.msk $0xffff, v41  }
0x12e: {  	v56 =	vadd.s32 v33, v43;
	v41 =	vld [tilespmem:s31+$0x180];
	_ =	sdelay $0x4  }
0x12f: {  	[tilespmem:v56+s21+$0x0] =	vst.idx.msk $0xffff, v41  }
0x130: {  	v57 =	vadd.s32 v34, v43;
	v41 =	vld [tilespmem:s31+$0x190];
	_ =	sdelay $0x4  }
0x131: {  	[tilespmem:v57+s21+$0x0] =	vst.idx.msk $0xffff, v41  }
0x132: {  	v58 =	vadd.s32 v35, v43;
	v41 =	vld [tilespmem:s31+$0x1A0];
	_ =	sdelay $0x4  }
0x133: {  	[tilespmem:v58+s21+$0x0] =	vst.idx.msk $0xffff, v41  }
0x134: {  	s17 =	simm.s32 $0xF;
	v59 =	vadd.s32 v36, v43;
	v41 =	vld [tilespmem:s31+$0x1B0]  }
0x135: {  	v60 =	vmov s17  }
0x136: {  	v43 =	vshrl.u32 v60, $0x3  }
0x137: {  	v43 =	vshll.u32 v43, v9  }
0x138: {  	v43 =	vbroadcast v43, $0x0  }
0x139: {  	[tilespmem:v59+s21+$0x0] =	vst.idx.msk $0xffff, v41  }
0x13a: {  	v61 =	vadd.s32 v37, v43;
	v41 =	vld [tilespmem:s31+$0x1C0];
	_ =	sdelay $0x4  }
0x13b: {  	[tilespmem:v61+s21+$0x0] =	vst.idx.msk $0xffff, v41  }
0x13c: {  	v62 =	vadd.s32 v38, v43;
	v41 =	vld [tilespmem:s31+$0x1D0];
	_ =	sdelay $0x4  }
0x13d: {  	[tilespmem:v62+s21+$0x0] =	vst.idx.msk $0xffff, v41  }
0x13e: {  	v63 =	vadd.s32 v39, v43;
	v41 =	vld [tilespmem:s31+$0x1E0];
	_ =	sdelay $0x4  }
0x13f: {  	[tilespmem:v63+s21+$0x0] =	vst.idx.msk $0xffff, v41  }
0x140: {  	s1 =	simm.s32 $0x10;
	v42 =	vadd.s32 v40, v43;
	v41 =	vld [tilespmem:s31+$0x1F0]  }
0x141: {  	s0 =	simm.s32 $0x20;
	v43 =	vmov s1  }
.LBB2_5:
0x142: {  	p1 =	slt.u32 s0, $0x70;
	v43 =	vshrl.u32 v43, $0x3  }
0x143: {  	v43 =	vshll.u32 v43, v9  }
0x144: {  	v43 =	vbroadcast v43, $0x0  }
0x145: {  	s31 =	sadd.s32 $0x400, s31;
	[tilespmem:v42+s21+$0x0] =	vst.idx.msk $0xffff, v41  }
0x146: {  	v41 =	vld [tilespmem:s31+$0xFFFFFE00];
	v42 =	vadd.s32 v6, v43;
	_ =	sdelay $0x4  }
0x147: {  	[tilespmem:v42+s21+$0x0] =	vst.idx.msk $0xffff, v41  }
0x148: {  	v42 =	vadd.s32 v10, v43;
	v41 =	vld [tilespmem:s31+$0xFFFFFE10];
	_ =	sdelay $0x4  }
0x149: {  	[tilespmem:v42+s21+$0x0] =	vst.idx.msk $0xffff, v41  }
0x14a: {  	v42 =	vadd.s32 v11, v43;
	v41 =	vld [tilespmem:s31+$0xFFFFFE20];
	_ =	sdelay $0x4  }
0x14b: {  	[tilespmem:v42+s21+$0x0] =	vst.idx.msk $0xffff, v41  }
0x14c: {  	s17 =	sadd.s32 $0x1, s1;
	v42 =	vadd.s32 v12, v43;
	v41 =	vld [tilespmem:s31+$0xFFFFFE30]  }
0x14d: {  	v43 =	vmov s17  }
0x14e: {  	v43 =	vshrl.u32 v43, $0x3  }
0x14f: {  	v43 =	vshll.u32 v43, v9  }
0x150: {  	v43 =	vbroadcast v43, $0x0  }
0x151: {  	[tilespmem:v42+s21+$0x0] =	vst.idx.msk $0xffff, v41  }
0x152: {  	v42 =	vadd.s32 v13, v43;
	v41 =	vld [tilespmem:s31+$0xFFFFFE40];
	_ =	sdelay $0x4  }
0x153: {  	[tilespmem:v42+s21+$0x0] =	vst.idx.msk $0xffff, v41  }
0x154: {  	v42 =	vadd.s32 v14, v43;
	v41 =	vld [tilespmem:s31+$0xFFFFFE50];
	_ =	sdelay $0x4  }
0x155: {  	[tilespmem:v42+s21+$0x0] =	vst.idx.msk $0xffff, v41  }
0x156: {  	v42 =	vadd.s32 v15, v43;
	v41 =	vld [tilespmem:s31+$0xFFFFFE60];
	_ =	sdelay $0x4  }
0x157: {  	[tilespmem:v42+s21+$0x0] =	vst.idx.msk $0xffff, v41  }
0x158: {  	s17 =	sadd.s32 $0x2, s1;
	v42 =	vadd.s32 v16, v43;
	v41 =	vld [tilespmem:s31+$0xFFFFFE70]  }
0x159: {  	v43 =	vmov s17  }
0x15a: {  	v43 =	vshrl.u32 v43, $0x3  }
0x15b: {  	v43 =	vshll.u32 v43, v9  }
0x15c: {  	v43 =	vbroadcast v43, $0x0  }
0x15d: {  	[tilespmem:v42+s21+$0x0] =	vst.idx.msk $0xffff, v41  }
0x15e: {  	v42 =	vadd.s32 v17, v43;
	v41 =	vld [tilespmem:s31+$0xFFFFFE80];
	_ =	sdelay $0x4  }
0x15f: {  	[tilespmem:v42+s21+$0x0] =	vst.idx.msk $0xffff, v41  }
0x160: {  	v42 =	vadd.s32 v18, v43;
	v41 =	vld [tilespmem:s31+$0xFFFFFE90];
	_ =	sdelay $0x4  }
0x161: {  	[tilespmem:v42+s21+$0x0] =	vst.idx.msk $0xffff, v41  }
0x162: {  	v42 =	vadd.s32 v19, v43;
	v41 =	vld [tilespmem:s31+$0xFFFFFEA0];
	_ =	sdelay $0x4  }
0x163: {  	[tilespmem:v42+s21+$0x0] =	vst.idx.msk $0xffff, v41  }
0x164: {  	s17 =	sadd.s32 $0x3, s1;
	v42 =	vadd.s32 v20, v43;
	v41 =	vld [tilespmem:s31+$0xFFFFFEB0]  }
0x165: {  	v43 =	vmov s17  }
0x166: {  	v43 =	vshrl.u32 v43, $0x3  }
0x167: {  	v43 =	vshll.u32 v43, v9  }
0x168: {  	v43 =	vbroadcast v43, $0x0  }
0x169: {  	[tilespmem:v42+s21+$0x0] =	vst.idx.msk $0xffff, v41  }
0x16a: {  	v42 =	vadd.s32 v21, v43;
	v41 =	vld [tilespmem:s31+$0xFFFFFEC0];
	_ =	sdelay $0x4  }
0x16b: {  	[tilespmem:v42+s21+$0x0] =	vst.idx.msk $0xffff, v41  }
0x16c: {  	v42 =	vadd.s32 v22, v43;
	v41 =	vld [tilespmem:s31+$0xFFFFFED0];
	_ =	sdelay $0x4  }
0x16d: {  	[tilespmem:v42+s21+$0x0] =	vst.idx.msk $0xffff, v41  }
0x16e: {  	v42 =	vadd.s32 v23, v43;
	v41 =	vld [tilespmem:s31+$0xFFFFFEE0];
	_ =	sdelay $0x4  }
0x16f: {  	[tilespmem:v42+s21+$0x0] =	vst.idx.msk $0xffff, v41  }
0x170: {  	s17 =	sadd.s32 $0x4, s1;
	v42 =	vadd.s32 v24, v43;
	v41 =	vld [tilespmem:s31+$0xFFFFFEF0]  }
0x171: {  	v43 =	vmov s17  }
0x172: {  	v43 =	vshrl.u32 v43, $0x3  }
0x173: {  	v43 =	vshll.u32 v43, v9  }
0x174: {  	v43 =	vbroadcast v43, $0x0  }
0x175: {  	[tilespmem:v42+s21+$0x0] =	vst.idx.msk $0xffff, v41  }
0x176: {  	v42 =	vadd.s32 v25, v43;
	v41 =	vld [tilespmem:s31+$0xFFFFFF00];
	_ =	sdelay $0x4  }
0x177: {  	[tilespmem:v42+s21+$0x0] =	vst.idx.msk $0xffff, v41  }
0x178: {  	v42 =	vadd.s32 v26, v43;
	v41 =	vld [tilespmem:s31+$0xFFFFFF10];
	_ =	sdelay $0x4  }
0x179: {  	[tilespmem:v42+s21+$0x0] =	vst.idx.msk $0xffff, v41  }
0x17a: {  	v42 =	vadd.s32 v27, v43;
	v41 =	vld [tilespmem:s31+$0xFFFFFF20];
	_ =	sdelay $0x4  }
0x17b: {  	[tilespmem:v42+s21+$0x0] =	vst.idx.msk $0xffff, v41  }
0x17c: {  	s17 =	sadd.s32 $0x5, s1;
	v42 =	vadd.s32 v28, v43;
	v41 =	vld [tilespmem:s31+$0xFFFFFF30]  }
0x17d: {  	v43 =	vmov s17  }
0x17e: {  	v43 =	vshrl.u32 v43, $0x3  }
0x17f: {  	v43 =	vshll.u32 v43, v9  }
0x180: {  	v43 =	vbroadcast v43, $0x0  }
0x181: {  	[tilespmem:v42+s21+$0x0] =	vst.idx.msk $0xffff, v41  }
0x182: {  	v42 =	vadd.s32 v29, v43;
	v41 =	vld [tilespmem:s31+$0xFFFFFF40];
	_ =	sdelay $0x4  }
0x183: {  	[tilespmem:v42+s21+$0x0] =	vst.idx.msk $0xffff, v41  }
0x184: {  	v42 =	vadd.s32 v30, v43;
	v41 =	vld [tilespmem:s31+$0xFFFFFF50];
	_ =	sdelay $0x4  }
0x185: {  	[tilespmem:v42+s21+$0x0] =	vst.idx.msk $0xffff, v41  }
0x186: {  	v42 =	vadd.s32 v31, v43;
	v41 =	vld [tilespmem:s31+$0xFFFFFF60];
	_ =	sdelay $0x4  }
0x187: {  	[tilespmem:v42+s21+$0x0] =	vst.idx.msk $0xffff, v41  }
0x188: {  	s17 =	sadd.s32 $0x6, s1;
	v42 =	vadd.s32 v32, v43;
	v41 =	vld [tilespmem:s31+$0xFFFFFF70]  }
0x189: {  	v43 =	vmov s17  }
0x18a: {  	v43 =	vshrl.u32 v43, $0x3  }
0x18b: {  	v43 =	vshll.u32 v43, v9  }
0x18c: {  	v43 =	vbroadcast v43, $0x0  }
0x18d: {  	[tilespmem:v42+s21+$0x0] =	vst.idx.msk $0xffff, v41  }
0x18e: {  	v42 =	vadd.s32 v33, v43;
	v41 =	vld [tilespmem:s31+$0xFFFFFF80];
	_ =	sdelay $0x4  }
0x18f: {  	[tilespmem:v42+s21+$0x0] =	vst.idx.msk $0xffff, v41  }
0x190: {  	v42 =	vadd.s32 v34, v43;
	v41 =	vld [tilespmem:s31+$0xFFFFFF90];
	_ =	sdelay $0x4  }
0x191: {  	[tilespmem:v42+s21+$0x0] =	vst.idx.msk $0xffff, v41  }
0x192: {  	v42 =	vadd.s32 v35, v43;
	v41 =	vld [tilespmem:s31+$0xFFFFFFA0];
	_ =	sdelay $0x4  }
0x193: {  	[tilespmem:v42+s21+$0x0] =	vst.idx.msk $0xffff, v41  }
0x194: {  	s17 =	sadd.s32 $0x7, s1;
	v42 =	vadd.s32 v36, v43;
	v41 =	vld [tilespmem:s31+$0xFFFFFFB0]  }
0x195: {  	v43 =	vmov s17  }
0x196: {  	v43 =	vshrl.u32 v43, $0x3  }
0x197: {  	v43 =	vshll.u32 v43, v9  }
0x198: {  	v43 =	vbroadcast v43, $0x0  }
0x199: {  	[tilespmem:v42+s21+$0x0] =	vst.idx.msk $0xffff, v41  }
0x19a: {  	v42 =	vadd.s32 v37, v43;
	v41 =	vld [tilespmem:s31+$0xFFFFFFC0];
	_ =	sdelay $0x4  }
0x19b: {  	[tilespmem:v42+s21+$0x0] =	vst.idx.msk $0xffff, v41  }
0x19c: {  	v42 =	vadd.s32 v38, v43;
	v41 =	vld [tilespmem:s31+$0xFFFFFFD0];
	_ =	sdelay $0x4  }
0x19d: {  	[tilespmem:v42+s21+$0x0] =	vst.idx.msk $0xffff, v41  }
0x19e: {  	v42 =	vadd.s32 v39, v43;
	v41 =	vld [tilespmem:s31+$0xFFFFFFE0];
	_ =	sdelay $0x4  }
0x19f: {  	[tilespmem:v42+s21+$0x0] =	vst.idx.msk $0xffff, v41  }
0x1a0: {  	s17 =	sadd.s32 $0x8, s1;
	v42 =	vadd.s32 v40, v43;
	v41 =	vld [tilespmem:s31+$0xFFFFFFF0]  }
0x1a1: {  	v43 =	vmov s17  }
0x1a2: {  	v43 =	vshrl.u32 v43, $0x3  }
0x1a3: {  	v43 =	vshll.u32 v43, v9  }
0x1a4: {  	v43 =	vbroadcast v43, $0x0  }
0x1a5: {  	[tilespmem:v42+s21+$0x0] =	vst.idx.msk $0xffff, v41  }
0x1a6: {  	v42 =	vadd.s32 v6, v43;
	v41 =	vld [tilespmem:s31+$0x0];
	_ =	sdelay $0x4  }
0x1a7: {  	[tilespmem:v42+s21+$0x0] =	vst.idx.msk $0xffff, v41  }
0x1a8: {  	v42 =	vadd.s32 v10, v43;
	v41 =	vld [tilespmem:s31+$0x10];
	_ =	sdelay $0x4  }
0x1a9: {  	[tilespmem:v42+s21+$0x0] =	vst.idx.msk $0xffff, v41  }
0x1aa: {  	v42 =	vadd.s32 v11, v43;
	v41 =	vld [tilespmem:s31+$0x20];
	_ =	sdelay $0x4  }
0x1ab: {  	[tilespmem:v42+s21+$0x0] =	vst.idx.msk $0xffff, v41  }
0x1ac: {  	s17 =	sadd.s32 $0x9, s1;
	v42 =	vadd.s32 v12, v43;
	v41 =	vld [tilespmem:s31+$0x30]  }
0x1ad: {  	v43 =	vmov s17  }
0x1ae: {  	v43 =	vshrl.u32 v43, $0x3  }
0x1af: {  	v43 =	vshll.u32 v43, v9  }
0x1b0: {  	v43 =	vbroadcast v43, $0x0  }
0x1b1: {  	[tilespmem:v42+s21+$0x0] =	vst.idx.msk $0xffff, v41  }
0x1b2: {  	v42 =	vadd.s32 v13, v43;
	v41 =	vld [tilespmem:s31+$0x40];
	_ =	sdelay $0x4  }
0x1b3: {  	[tilespmem:v42+s21+$0x0] =	vst.idx.msk $0xffff, v41  }
0x1b4: {  	v42 =	vadd.s32 v14, v43;
	v41 =	vld [tilespmem:s31+$0x50];
	_ =	sdelay $0x4  }
0x1b5: {  	[tilespmem:v42+s21+$0x0] =	vst.idx.msk $0xffff, v41  }
0x1b6: {  	v42 =	vadd.s32 v15, v43;
	v41 =	vld [tilespmem:s31+$0x60];
	_ =	sdelay $0x4  }
0x1b7: {  	[tilespmem:v42+s21+$0x0] =	vst.idx.msk $0xffff, v41  }
0x1b8: {  	s17 =	sadd.s32 $0xA, s1;
	v42 =	vadd.s32 v16, v43;
	v41 =	vld [tilespmem:s31+$0x70]  }
0x1b9: {  	v43 =	vmov s17  }
0x1ba: {  	v43 =	vshrl.u32 v43, $0x3  }
0x1bb: {  	v43 =	vshll.u32 v43, v9  }
0x1bc: {  	v43 =	vbroadcast v43, $0x0  }
0x1bd: {  	[tilespmem:v42+s21+$0x0] =	vst.idx.msk $0xffff, v41  }
0x1be: {  	v42 =	vadd.s32 v17, v43;
	v41 =	vld [tilespmem:s31+$0x80];
	_ =	sdelay $0x4  }
0x1bf: {  	[tilespmem:v42+s21+$0x0] =	vst.idx.msk $0xffff, v41  }
0x1c0: {  	v42 =	vadd.s32 v18, v43;
	v41 =	vld [tilespmem:s31+$0x90];
	_ =	sdelay $0x4  }
0x1c1: {  	[tilespmem:v42+s21+$0x0] =	vst.idx.msk $0xffff, v41  }
0x1c2: {  	v42 =	vadd.s32 v19, v43;
	v41 =	vld [tilespmem:s31+$0xA0];
	_ =	sdelay $0x4  }
0x1c3: {  	[tilespmem:v42+s21+$0x0] =	vst.idx.msk $0xffff, v41  }
0x1c4: {  	s17 =	sadd.s32 $0xB, s1;
	v42 =	vadd.s32 v20, v43;
	v41 =	vld [tilespmem:s31+$0xB0]  }
0x1c5: {  	v43 =	vmov s17  }
0x1c6: {  	v43 =	vshrl.u32 v43, $0x3  }
0x1c7: {  	v43 =	vshll.u32 v43, v9  }
0x1c8: {  	v43 =	vbroadcast v43, $0x0  }
0x1c9: {  	[tilespmem:v42+s21+$0x0] =	vst.idx.msk $0xffff, v41  }
0x1ca: {  	v42 =	vadd.s32 v21, v43;
	v41 =	vld [tilespmem:s31+$0xC0];
	_ =	sdelay $0x4  }
0x1cb: {  	[tilespmem:v42+s21+$0x0] =	vst.idx.msk $0xffff, v41  }
0x1cc: {  	v42 =	vadd.s32 v22, v43;
	v41 =	vld [tilespmem:s31+$0xD0];
	_ =	sdelay $0x4  }
0x1cd: {  	[tilespmem:v42+s21+$0x0] =	vst.idx.msk $0xffff, v41  }
0x1ce: {  	v42 =	vadd.s32 v23, v43;
	v41 =	vld [tilespmem:s31+$0xE0];
	_ =	sdelay $0x4  }
0x1cf: {  	[tilespmem:v42+s21+$0x0] =	vst.idx.msk $0xffff, v41  }
0x1d0: {  	s17 =	sadd.s32 $0xC, s1;
	v42 =	vadd.s32 v24, v43;
	v41 =	vld [tilespmem:s31+$0xF0]  }
0x1d1: {  	v43 =	vmov s17  }
0x1d2: {  	v43 =	vshrl.u32 v43, $0x3  }
0x1d3: {  	v43 =	vshll.u32 v43, v9  }
0x1d4: {  	v43 =	vbroadcast v43, $0x0  }
0x1d5: {  	[tilespmem:v42+s21+$0x0] =	vst.idx.msk $0xffff, v41  }
0x1d6: {  	v42 =	vadd.s32 v25, v43;
	v41 =	vld [tilespmem:s31+$0x100];
	_ =	sdelay $0x4  }
0x1d7: {  	[tilespmem:v42+s21+$0x0] =	vst.idx.msk $0xffff, v41  }
0x1d8: {  	v42 =	vadd.s32 v26, v43;
	v41 =	vld [tilespmem:s31+$0x110];
	_ =	sdelay $0x4  }
0x1d9: {  	[tilespmem:v42+s21+$0x0] =	vst.idx.msk $0xffff, v41  }
0x1da: {  	v42 =	vadd.s32 v27, v43;
	v41 =	vld [tilespmem:s31+$0x120];
	_ =	sdelay $0x4  }
0x1db: {  	[tilespmem:v42+s21+$0x0] =	vst.idx.msk $0xffff, v41  }
0x1dc: {  	s17 =	sadd.s32 $0xD, s1;
	v42 =	vadd.s32 v28, v43;
	v41 =	vld [tilespmem:s31+$0x130]  }
0x1dd: {  	v43 =	vmov s17  }
0x1de: {  	v43 =	vshrl.u32 v43, $0x3  }
0x1df: {  	v43 =	vshll.u32 v43, v9  }
0x1e0: {  	v43 =	vbroadcast v43, $0x0  }
0x1e1: {  	[tilespmem:v42+s21+$0x0] =	vst.idx.msk $0xffff, v41  }
0x1e2: {  	v42 =	vadd.s32 v29, v43;
	v41 =	vld [tilespmem:s31+$0x140];
	_ =	sdelay $0x4  }
0x1e3: {  	[tilespmem:v42+s21+$0x0] =	vst.idx.msk $0xffff, v41  }
0x1e4: {  	v42 =	vadd.s32 v30, v43;
	v41 =	vld [tilespmem:s31+$0x150];
	_ =	sdelay $0x4  }
0x1e5: {  	[tilespmem:v42+s21+$0x0] =	vst.idx.msk $0xffff, v41  }
0x1e6: {  	v42 =	vadd.s32 v31, v43;
	v41 =	vld [tilespmem:s31+$0x160];
	_ =	sdelay $0x4  }
0x1e7: {  	[tilespmem:v42+s21+$0x0] =	vst.idx.msk $0xffff, v41  }
0x1e8: {  	s17 =	sadd.s32 $0xE, s1;
	v42 =	vadd.s32 v32, v43;
	v41 =	vld [tilespmem:s31+$0x170]  }
0x1e9: {  	v43 =	vmov s17  }
0x1ea: {  	v43 =	vshrl.u32 v43, $0x3  }
0x1eb: {  	v43 =	vshll.u32 v43, v9  }
0x1ec: {  	v43 =	vbroadcast v43, $0x0  }
0x1ed: {  	[tilespmem:v42+s21+$0x0] =	vst.idx.msk $0xffff, v41  }
0x1ee: {  	v42 =	vadd.s32 v33, v43;
	v41 =	vld [tilespmem:s31+$0x180];
	_ =	sdelay $0x4  }
0x1ef: {  	[tilespmem:v42+s21+$0x0] =	vst.idx.msk $0xffff, v41  }
0x1f0: {  	v42 =	vadd.s32 v34, v43;
	v41 =	vld [tilespmem:s31+$0x190];
	_ =	sdelay $0x4  }
0x1f1: {  	[tilespmem:v42+s21+$0x0] =	vst.idx.msk $0xffff, v41  }
0x1f2: {  	v42 =	vadd.s32 v35, v43;
	v41 =	vld [tilespmem:s31+$0x1A0];
	_ =	sdelay $0x4  }
0x1f3: {  	[tilespmem:v42+s21+$0x0] =	vst.idx.msk $0xffff, v41  }
0x1f4: {  	s17 =	sadd.s32 $0xF, s1;
	s1 =	smov.u32 s0;
	v42 =	vadd.s32 v36, v43;
	v41 =	vld [tilespmem:s31+$0x1B0]  }
0x1f5: {  	v43 =	vmov s17  }
0x1f6: {  	v43 =	vshrl.u32 v43, $0x3  }
0x1f7: {  	v43 =	vshll.u32 v43, v9  }
0x1f8: {  	v43 =	vbroadcast v43, $0x0  }
0x1f9: {  	[tilespmem:v42+s21+$0x0] =	vst.idx.msk $0xffff, v41  }
0x1fa: {  	v42 =	vadd.s32 v37, v43;
	v41 =	vld [tilespmem:s31+$0x1C0];
	_ =	sdelay $0x4  }
0x1fb: {  	[tilespmem:v42+s21+$0x0] =	vst.idx.msk $0xffff, v41  }
0x1fc: {  	v42 =	vadd.s32 v38, v43;
	v41 =	vld [tilespmem:s31+$0x1D0];
	_ =	sdelay $0x4  }
0x1fd: {  	[tilespmem:v42+s21+$0x0] =	vst.idx.msk $0xffff, v41  }
0x1fe: {  	v42 =	vadd.s32 v39, v43;
	v41 =	vld [tilespmem:s31+$0x1E0];
	_ =	sdelay $0x2  }
.Ltmp1:
0x1ff: {  	(pc) =	sbr.rel @p1 .LBB2_5-.Ltmp1, $4  }
0x200: {  	_ = 	snop  }
0x201: {  	[tilespmem:v42+s21+$0x0] =	vst.idx.msk $0xffff, v41  }
0x202: {  	v42 =	vadd.s32 v40, v43;
	v41 =	vld [tilespmem:s31+$0x1F0]  }
0x203: {  	s0 =	sadd.s32 $0x10, s0;
	v43 =	vmov s1  }
0x204: {  	_ = 	snop  }
0x205: {  	v43 =	vshrl.u32 v43, $0x3  }
0x206: {  	v43 =	vshll.u32 v43, v9  }
0x207: {  	v43 =	vbroadcast v43, $0x0  }
0x208: {  	s0 =	sadd.s32 $0x400, s31;
	[tilespmem:v42+s21+$0x0] =	vst.idx.msk $0xffff, v41  }
0x209: {  	v41 =	vld [tilespmem:s0+$0xFFFFFE00];
	v61 =	vadd.s32 v6, v43;
	_ =	sdelay $0x4  }
0x20a: {  	[tilespmem:v61+s21+$0x0] =	vst.idx.msk $0xffff, v41  }
0x20b: {  	v62 =	vadd.s32 v10, v43;
	v41 =	vld [tilespmem:s0+$0xFFFFFE10];
	_ =	sdelay $0x4  }
0x20c: {  	[tilespmem:v62+s21+$0x0] =	vst.idx.msk $0xffff, v41  }
0x20d: {  	v63 =	vadd.s32 v11, v43;
	v41 =	vld [tilespmem:s0+$0xFFFFFE20];
	_ =	sdelay $0x4  }
0x20e: {  	[tilespmem:v63+s21+$0x0] =	vst.idx.msk $0xffff, v41  }
0x20f: {  	s17 =	sadd.s32 $0x1, s1;
	v45 =	vadd.s32 v12, v43;
	v41 =	vld [tilespmem:s0+$0xFFFFFE30]  }
0x210: {  	v46 =	vmov s17  }
0x211: {  	v43 =	vshrl.u32 v46, $0x3  }
0x212: {  	v43 =	vshll.u32 v43, v9  }
0x213: {  	v43 =	vbroadcast v43, $0x0  }
0x214: {  	[tilespmem:v45+s21+$0x0] =	vst.idx.msk $0xffff, v41  }
0x215: {  	v47 =	vadd.s32 v13, v43;
	v41 =	vld [tilespmem:s0+$0xFFFFFE40];
	_ =	sdelay $0x4  }
0x216: {  	[tilespmem:v47+s21+$0x0] =	vst.idx.msk $0xffff, v41  }
0x217: {  	v48 =	vadd.s32 v14, v43;
	v41 =	vld [tilespmem:s0+$0xFFFFFE50];
	_ =	sdelay $0x4  }
0x218: {  	[tilespmem:v48+s21+$0x0] =	vst.idx.msk $0xffff, v41  }
0x219: {  	v49 =	vadd.s32 v15, v43;
	v41 =	vld [tilespmem:s0+$0xFFFFFE60];
	_ =	sdelay $0x4  }
0x21a: {  	[tilespmem:v49+s21+$0x0] =	vst.idx.msk $0xffff, v41  }
0x21b: {  	s31 =	sadd.s32 $0x2, s1;
	v50 =	vadd.s32 v16, v43;
	v41 =	vld [tilespmem:s0+$0xFFFFFE70]  }
0x21c: {  	v51 =	vmov s31  }
0x21d: {  	v43 =	vshrl.u32 v51, $0x3  }
0x21e: {  	v43 =	vshll.u32 v43, v9  }
0x21f: {  	v43 =	vbroadcast v43, $0x0  }
0x220: {  	[tilespmem:v50+s21+$0x0] =	vst.idx.msk $0xffff, v41  }
0x221: {  	v52 =	vadd.s32 v17, v43;
	v41 =	vld [tilespmem:s0+$0xFFFFFE80];
	_ =	sdelay $0x4  }
0x222: {  	[tilespmem:v52+s21+$0x0] =	vst.idx.msk $0xffff, v41  }
0x223: {  	v53 =	vadd.s32 v18, v43;
	v41 =	vld [tilespmem:s0+$0xFFFFFE90];
	_ =	sdelay $0x4  }
0x224: {  	[tilespmem:v53+s21+$0x0] =	vst.idx.msk $0xffff, v41  }
0x225: {  	v54 =	vadd.s32 v19, v43;
	v41 =	vld [tilespmem:s0+$0xFFFFFEA0];
	_ =	sdelay $0x4  }
0x226: {  	[tilespmem:v54+s21+$0x0] =	vst.idx.msk $0xffff, v41  }
0x227: {  	s31 =	sadd.s32 $0x3, s1;
	v55 =	vadd.s32 v20, v43;
	v41 =	vld [tilespmem:s0+$0xFFFFFEB0]  }
0x228: {  	v56 =	vmov s31  }
0x229: {  	v43 =	vshrl.u32 v56, $0x3  }
0x22a: {  	v43 =	vshll.u32 v43, v9  }
0x22b: {  	v43 =	vbroadcast v43, $0x0  }
0x22c: {  	[tilespmem:v55+s21+$0x0] =	vst.idx.msk $0xffff, v41  }
0x22d: {  	v57 =	vadd.s32 v21, v43;
	v41 =	vld [tilespmem:s0+$0xFFFFFEC0];
	_ =	sdelay $0x4  }
0x22e: {  	[tilespmem:v57+s21+$0x0] =	vst.idx.msk $0xffff, v41  }
0x22f: {  	v58 =	vadd.s32 v22, v43;
	v41 =	vld [tilespmem:s0+$0xFFFFFED0];
	_ =	sdelay $0x4  }
0x230: {  	[tilespmem:v58+s21+$0x0] =	vst.idx.msk $0xffff, v41  }
0x231: {  	v59 =	vadd.s32 v23, v43;
	v41 =	vld [tilespmem:s0+$0xFFFFFEE0];
	_ =	sdelay $0x4  }
0x232: {  	[tilespmem:v59+s21+$0x0] =	vst.idx.msk $0xffff, v41  }
0x233: {  	s31 =	sadd.s32 $0x4, s1;
	v60 =	vadd.s32 v24, v43;
	v41 =	vld [tilespmem:s0+$0xFFFFFEF0]  }
0x234: {  	v61 =	vmov s31  }
0x235: {  	v43 =	vshrl.u32 v61, $0x3  }
0x236: {  	v43 =	vshll.u32 v43, v9  }
0x237: {  	v43 =	vbroadcast v43, $0x0  }
0x238: {  	[tilespmem:v60+s21+$0x0] =	vst.idx.msk $0xffff, v41  }
0x239: {  	v62 =	vadd.s32 v25, v43;
	v41 =	vld [tilespmem:s0+$0xFFFFFF00];
	_ =	sdelay $0x4  }
0x23a: {  	[tilespmem:v62+s21+$0x0] =	vst.idx.msk $0xffff, v41  }
0x23b: {  	v63 =	vadd.s32 v26, v43;
	v41 =	vld [tilespmem:s0+$0xFFFFFF10];
	_ =	sdelay $0x4  }
0x23c: {  	[tilespmem:v63+s21+$0x0] =	vst.idx.msk $0xffff, v41  }
0x23d: {  	v45 =	vadd.s32 v27, v43;
	v41 =	vld [tilespmem:s0+$0xFFFFFF20];
	_ =	sdelay $0x4  }
0x23e: {  	[tilespmem:v45+s21+$0x0] =	vst.idx.msk $0xffff, v41  }
0x23f: {  	s31 =	sadd.s32 $0x5, s1;
	v46 =	vadd.s32 v28, v43;
	v41 =	vld [tilespmem:s0+$0xFFFFFF30]  }
0x240: {  	v47 =	vmov s31  }
0x241: {  	v43 =	vshrl.u32 v47, $0x3  }
0x242: {  	v43 =	vshll.u32 v43, v9  }
0x243: {  	v43 =	vbroadcast v43, $0x0  }
0x244: {  	[tilespmem:v46+s21+$0x0] =	vst.idx.msk $0xffff, v41  }
0x245: {  	v48 =	vadd.s32 v29, v43;
	v41 =	vld [tilespmem:s0+$0xFFFFFF40];
	_ =	sdelay $0x4  }
0x246: {  	[tilespmem:v48+s21+$0x0] =	vst.idx.msk $0xffff, v41  }
0x247: {  	v49 =	vadd.s32 v30, v43;
	v41 =	vld [tilespmem:s0+$0xFFFFFF50];
	_ =	sdelay $0x4  }
0x248: {  	[tilespmem:v49+s21+$0x0] =	vst.idx.msk $0xffff, v41  }
0x249: {  	v50 =	vadd.s32 v31, v43;
	v41 =	vld [tilespmem:s0+$0xFFFFFF60];
	_ =	sdelay $0x4  }
0x24a: {  	[tilespmem:v50+s21+$0x0] =	vst.idx.msk $0xffff, v41  }
0x24b: {  	s31 =	sadd.s32 $0x6, s1;
	v51 =	vadd.s32 v32, v43;
	v41 =	vld [tilespmem:s0+$0xFFFFFF70]  }
0x24c: {  	v52 =	vmov s31  }
0x24d: {  	v43 =	vshrl.u32 v52, $0x3  }
0x24e: {  	v43 =	vshll.u32 v43, v9  }
0x24f: {  	v43 =	vbroadcast v43, $0x0  }
0x250: {  	[tilespmem:v51+s21+$0x0] =	vst.idx.msk $0xffff, v41  }
0x251: {  	v53 =	vadd.s32 v33, v43;
	v41 =	vld [tilespmem:s0+$0xFFFFFF80];
	_ =	sdelay $0x4  }
0x252: {  	[tilespmem:v53+s21+$0x0] =	vst.idx.msk $0xffff, v41  }
0x253: {  	v54 =	vadd.s32 v34, v43;
	v41 =	vld [tilespmem:s0+$0xFFFFFF90];
	_ =	sdelay $0x4  }
0x254: {  	[tilespmem:v54+s21+$0x0] =	vst.idx.msk $0xffff, v41  }
0x255: {  	v55 =	vadd.s32 v35, v43;
	v41 =	vld [tilespmem:s0+$0xFFFFFFA0];
	_ =	sdelay $0x4  }
0x256: {  	[tilespmem:v55+s21+$0x0] =	vst.idx.msk $0xffff, v41  }
0x257: {  	s31 =	sadd.s32 $0x7, s1;
	v56 =	vadd.s32 v36, v43;
	v41 =	vld [tilespmem:s0+$0xFFFFFFB0]  }
0x258: {  	v57 =	vmov s31  }
0x259: {  	v43 =	vshrl.u32 v57, $0x3  }
0x25a: {  	v43 =	vshll.u32 v43, v9  }
0x25b: {  	v43 =	vbroadcast v43, $0x0  }
0x25c: {  	[tilespmem:v56+s21+$0x0] =	vst.idx.msk $0xffff, v41  }
0x25d: {  	v58 =	vadd.s32 v37, v43;
	v41 =	vld [tilespmem:s0+$0xFFFFFFC0];
	_ =	sdelay $0x4  }
0x25e: {  	[tilespmem:v58+s21+$0x0] =	vst.idx.msk $0xffff, v41  }
0x25f: {  	v59 =	vadd.s32 v38, v43;
	v41 =	vld [tilespmem:s0+$0xFFFFFFD0];
	_ =	sdelay $0x4  }
0x260: {  	[tilespmem:v59+s21+$0x0] =	vst.idx.msk $0xffff, v41  }
0x261: {  	v60 =	vadd.s32 v39, v43;
	v41 =	vld [tilespmem:s0+$0xFFFFFFE0];
	_ =	sdelay $0x4  }
0x262: {  	[tilespmem:v60+s21+$0x0] =	vst.idx.msk $0xffff, v41  }
0x263: {  	s31 =	sadd.s32 $0x8, s1;
	v61 =	vadd.s32 v40, v43;
	v41 =	vld [tilespmem:s0+$0xFFFFFFF0]  }
0x264: {  	v62 =	vmov s31  }
0x265: {  	v43 =	vshrl.u32 v62, $0x3  }
0x266: {  	v43 =	vshll.u32 v43, v9  }
0x267: {  	v43 =	vbroadcast v43, $0x0  }
0x268: {  	[tilespmem:v61+s21+$0x0] =	vst.idx.msk $0xffff, v41  }
0x269: {  	v63 =	vadd.s32 v6, v43;
	v41 =	vld [tilespmem:s0+$0x0];
	_ =	sdelay $0x4  }
0x26a: {  	[tilespmem:v63+s21+$0x0] =	vst.idx.msk $0xffff, v41  }
0x26b: {  	v45 =	vadd.s32 v10, v43;
	v41 =	vld [tilespmem:s0+$0x10];
	_ =	sdelay $0x4  }
0x26c: {  	[tilespmem:v45+s21+$0x0] =	vst.idx.msk $0xffff, v41  }
0x26d: {  	v46 =	vadd.s32 v11, v43;
	v41 =	vld [tilespmem:s0+$0x20];
	_ =	sdelay $0x4  }
0x26e: {  	[tilespmem:v46+s21+$0x0] =	vst.idx.msk $0xffff, v41  }
0x26f: {  	s31 =	sadd.s32 $0x9, s1;
	v47 =	vadd.s32 v12, v43;
	v41 =	vld [tilespmem:s0+$0x30]  }
0x270: {  	v48 =	vmov s31  }
0x271: {  	v43 =	vshrl.u32 v48, $0x3  }
0x272: {  	v43 =	vshll.u32 v43, v9  }
0x273: {  	v43 =	vbroadcast v43, $0x0  }
0x274: {  	[tilespmem:v47+s21+$0x0] =	vst.idx.msk $0xffff, v41  }
0x275: {  	v49 =	vadd.s32 v13, v43;
	v41 =	vld [tilespmem:s0+$0x40];
	_ =	sdelay $0x4  }
0x276: {  	[tilespmem:v49+s21+$0x0] =	vst.idx.msk $0xffff, v41  }
0x277: {  	v50 =	vadd.s32 v14, v43;
	v41 =	vld [tilespmem:s0+$0x50];
	_ =	sdelay $0x4  }
0x278: {  	[tilespmem:v50+s21+$0x0] =	vst.idx.msk $0xffff, v41  }
0x279: {  	v51 =	vadd.s32 v15, v43;
	v41 =	vld [tilespmem:s0+$0x60];
	_ =	sdelay $0x4  }
0x27a: {  	[tilespmem:v51+s21+$0x0] =	vst.idx.msk $0xffff, v41  }
0x27b: {  	s31 =	sadd.s32 $0xA, s1;
	v52 =	vadd.s32 v16, v43;
	v41 =	vld [tilespmem:s0+$0x70]  }
0x27c: {  	v53 =	vmov s31  }
0x27d: {  	v43 =	vshrl.u32 v53, $0x3  }
0x27e: {  	v43 =	vshll.u32 v43, v9  }
0x27f: {  	v43 =	vbroadcast v43, $0x0  }
0x280: {  	[tilespmem:v52+s21+$0x0] =	vst.idx.msk $0xffff, v41  }
0x281: {  	v54 =	vadd.s32 v17, v43;
	v41 =	vld [tilespmem:s0+$0x80];
	_ =	sdelay $0x4  }
0x282: {  	[tilespmem:v54+s21+$0x0] =	vst.idx.msk $0xffff, v41  }
0x283: {  	v55 =	vadd.s32 v18, v43;
	v41 =	vld [tilespmem:s0+$0x90];
	_ =	sdelay $0x4  }
0x284: {  	[tilespmem:v55+s21+$0x0] =	vst.idx.msk $0xffff, v41  }
0x285: {  	v56 =	vadd.s32 v19, v43;
	v41 =	vld [tilespmem:s0+$0xA0];
	_ =	sdelay $0x4  }
0x286: {  	[tilespmem:v56+s21+$0x0] =	vst.idx.msk $0xffff, v41  }
0x287: {  	s31 =	sadd.s32 $0xB, s1;
	v57 =	vadd.s32 v20, v43;
	v41 =	vld [tilespmem:s0+$0xB0]  }
0x288: {  	v58 =	vmov s31  }
0x289: {  	v43 =	vshrl.u32 v58, $0x3  }
0x28a: {  	v43 =	vshll.u32 v43, v9  }
0x28b: {  	v43 =	vbroadcast v43, $0x0  }
0x28c: {  	[tilespmem:v57+s21+$0x0] =	vst.idx.msk $0xffff, v41  }
0x28d: {  	v59 =	vadd.s32 v21, v43;
	v41 =	vld [tilespmem:s0+$0xC0];
	_ =	sdelay $0x4  }
0x28e: {  	[tilespmem:v59+s21+$0x0] =	vst.idx.msk $0xffff, v41  }
0x28f: {  	v60 =	vadd.s32 v22, v43;
	v41 =	vld [tilespmem:s0+$0xD0];
	_ =	sdelay $0x4  }
0x290: {  	[tilespmem:v60+s21+$0x0] =	vst.idx.msk $0xffff, v41  }
0x291: {  	v61 =	vadd.s32 v23, v43;
	v41 =	vld [tilespmem:s0+$0xE0];
	_ =	sdelay $0x4  }
0x292: {  	[tilespmem:v61+s21+$0x0] =	vst.idx.msk $0xffff, v41  }
0x293: {  	s31 =	sadd.s32 $0xC, s1;
	v62 =	vadd.s32 v24, v43;
	v41 =	vld [tilespmem:s0+$0xF0]  }
0x294: {  	v63 =	vmov s31  }
0x295: {  	v43 =	vshrl.u32 v63, $0x3  }
0x296: {  	v43 =	vshll.u32 v43, v9  }
0x297: {  	v43 =	vbroadcast v43, $0x0  }
0x298: {  	[tilespmem:v62+s21+$0x0] =	vst.idx.msk $0xffff, v41  }
0x299: {  	v45 =	vadd.s32 v25, v43;
	v41 =	vld [tilespmem:s0+$0x100];
	_ =	sdelay $0x4  }
0x29a: {  	[tilespmem:v45+s21+$0x0] =	vst.idx.msk $0xffff, v41  }
0x29b: {  	v46 =	vadd.s32 v26, v43;
	v41 =	vld [tilespmem:s0+$0x110];
	_ =	sdelay $0x4  }
0x29c: {  	[tilespmem:v46+s21+$0x0] =	vst.idx.msk $0xffff, v41  }
0x29d: {  	v47 =	vadd.s32 v27, v43;
	v41 =	vld [tilespmem:s0+$0x120];
	_ =	sdelay $0x4  }
0x29e: {  	[tilespmem:v47+s21+$0x0] =	vst.idx.msk $0xffff, v41  }
0x29f: {  	s31 =	sadd.s32 $0xD, s1;
	v48 =	vadd.s32 v28, v43;
	v41 =	vld [tilespmem:s0+$0x130]  }
0x2a0: {  	v49 =	vmov s31  }
0x2a1: {  	v43 =	vshrl.u32 v49, $0x3  }
0x2a2: {  	v43 =	vshll.u32 v43, v9  }
0x2a3: {  	v43 =	vbroadcast v43, $0x0  }
0x2a4: {  	[tilespmem:v48+s21+$0x0] =	vst.idx.msk $0xffff, v41  }
0x2a5: {  	v50 =	vadd.s32 v29, v43;
	v41 =	vld [tilespmem:s0+$0x140];
	_ =	sdelay $0x4  }
0x2a6: {  	[tilespmem:v50+s21+$0x0] =	vst.idx.msk $0xffff, v41  }
0x2a7: {  	v51 =	vadd.s32 v30, v43;
	v41 =	vld [tilespmem:s0+$0x150];
	_ =	sdelay $0x4  }
0x2a8: {  	[tilespmem:v51+s21+$0x0] =	vst.idx.msk $0xffff, v41  }
0x2a9: {  	v52 =	vadd.s32 v31, v43;
	v41 =	vld [tilespmem:s0+$0x160];
	_ =	sdelay $0x4  }
0x2aa: {  	[tilespmem:v52+s21+$0x0] =	vst.idx.msk $0xffff, v41  }
0x2ab: {  	s31 =	sadd.s32 $0xE, s1;
	v53 =	vadd.s32 v32, v43;
	v41 =	vld [tilespmem:s0+$0x170]  }
0x2ac: {  	v54 =	vmov s31  }
0x2ad: {  	v43 =	vshrl.u32 v54, $0x3  }
0x2ae: {  	v43 =	vshll.u32 v43, v9  }
0x2af: {  	v43 =	vbroadcast v43, $0x0  }
0x2b0: {  	[tilespmem:v53+s21+$0x0] =	vst.idx.msk $0xffff, v41  }
0x2b1: {  	v55 =	vadd.s32 v33, v43;
	v41 =	vld [tilespmem:s0+$0x180];
	_ =	sdelay $0x4  }
0x2b2: {  	[tilespmem:v55+s21+$0x0] =	vst.idx.msk $0xffff, v41  }
0x2b3: {  	v56 =	vadd.s32 v34, v43;
	v41 =	vld [tilespmem:s0+$0x190];
	_ =	sdelay $0x4  }
0x2b4: {  	[tilespmem:v56+s21+$0x0] =	vst.idx.msk $0xffff, v41  }
0x2b5: {  	v57 =	vadd.s32 v35, v43;
	v41 =	vld [tilespmem:s0+$0x1A0];
	_ =	sdelay $0x4  }
0x2b6: {  	[tilespmem:v57+s21+$0x0] =	vst.idx.msk $0xffff, v41  }
0x2b7: {  	s31 =	sadd.s32 $0xF, s1;
	v58 =	vadd.s32 v36, v43;
	v41 =	vld [tilespmem:s0+$0x1B0]  }
0x2b8: {  	v59 =	vmov s31  }
0x2b9: {  	v43 =	vshrl.u32 v59, $0x3  }
0x2ba: {  	v43 =	vshll.u32 v43, v9  }
0x2bb: {  	v43 =	vbroadcast v43, $0x0  }
0x2bc: {  	[tilespmem:v58+s21+$0x0] =	vst.idx.msk $0xffff, v41  }
0x2bd: {  	v60 =	vadd.s32 v37, v43;
	v41 =	vld [tilespmem:s0+$0x1C0];
	_ =	sdelay $0x4  }
0x2be: {  	[tilespmem:v60+s21+$0x0] =	vst.idx.msk $0xffff, v41  }
0x2bf: {  	v61 =	vadd.s32 v38, v43;
	v41 =	vld [tilespmem:s0+$0x1D0];
	_ =	sdelay $0x4  }
0x2c0: {  	[tilespmem:v61+s21+$0x0] =	vst.idx.msk $0xffff, v41  }
0x2c1: {  	v62 =	vadd.s32 v39, v43;
	v41 =	vld [tilespmem:s0+$0x1E0];
	_ =	sdelay $0x4  }
0x2c2: {  	[tilespmem:v62+s21+$0x0] =	vst.idx.msk $0xffff, v41  }
0x2c3: {  	v63 =	vadd.s32 v40, v43;
	v41 =	vld [tilespmem:s0+$0x1F0];
	_ =	sdelay $0x1  }
0x2c4: {  	s0 =	sshll.u32 s29, $0x13  }
0x2c5: {  	s17 =	sor.u32 s5, s0  }
0x2c6: {  	s1 =	sshrl.u32 s17, $0x3  }
0x2c7: {  	s1 =	sadd.s32 s2, s1;
	[tilespmem:v63+s21+$0x0] =	vst.idx.msk $0xffff, v41  }
0x2c8: {  	[hbm4b:s1+s3] =	stream.linear.scatter [tilespmem:s21], [sflag:$0x3], $0x80, $0x38;
	[tilespmem:$0x14C00] =	vst v63  }
0x2c9: {  	s31 =	simm.s32 $0x10888;
	s17 =	sadd.s32 $0x10, s1  }
0x2ca: {  	[hbm4b:s17+s3] =	stream.linear.scatter [tilespmem:s31], [sflag:$0x3], $0x80, $0x38;
	[tilespmem:$0x14C00] =	vst v63  }
0x2cb: {  	s17 =	sadd.s32 $0x20, s1;
	s31 =	simm.s32 $0x10910  }
0x2cc: {  	[hbm4b:s17+s3] =	stream.linear.scatter [tilespmem:s31], [sflag:$0x3], $0x80, $0x38;
	[tilespmem:$0x14C00] =	vst v63  }
0x2cd: {  	s17 =	sadd.s32 $0x30, s1;
	s31 =	simm.s32 $0x10998  }
0x2ce: {  	[hbm4b:s17+s3] =	stream.linear.scatter [tilespmem:s31], [sflag:$0x3], $0x80, $0x38;
	[tilespmem:$0x14C00] =	vst v63  }
0x2cf: {  	s17 =	sadd.s32 $0x40, s1;
	s31 =	simm.s32 $0x10A20  }
0x2d0: {  	[hbm4b:s17+s3] =	stream.linear.scatter [tilespmem:s31], [sflag:$0x3], $0x80, $0x38;
	[tilespmem:$0x14C00] =	vst v63  }
0x2d1: {  	s17 =	sadd.s32 $0x50, s1;
	s31 =	simm.s32 $0x10AA8  }
0x2d2: {  	[hbm4b:s17+s3] =	stream.linear.scatter [tilespmem:s31], [sflag:$0x3], $0x80, $0x38;
	[tilespmem:$0x14C00] =	vst v63  }
0x2d3: {  	s17 =	sadd.s32 $0x60, s1;
	s31 =	simm.s32 $0x10B30  }
0x2d4: {  	[hbm4b:s17+s3] =	stream.linear.scatter [tilespmem:s31], [sflag:$0x3], $0x80, $0x38;
	[tilespmem:$0x14C00] =	vst v63  }
0x2d5: {  	s1 =	sadd.s32 $0x70, s1;
	s31 =	simm.s32 $0x10BB8;
	s17 =	sor.u32 s7, s0  }
0x2d6: {  	[hbm4b:s1+s3] =	stream.linear.scatter [tilespmem:s31], [sflag:$0x3], $0x80, $0x38;
	[tilespmem:$0x14C00] =	vst v63  }
0x2d7: {  	s1 =	sshrl.u32 s17, $0x3  }
0x2d8: {  	s31 =	simm.s32 $0x10C40;
	s1 =	sadd.s32 s2, s1  }
0x2d9: {  	[hbm4b:s1+s3] =	stream.linear.scatter [tilespmem:s31], [sflag:$0x3], $0x80, $0x38;
	[tilespmem:$0x14C00] =	vst v63  }
0x2da: {  	s17 =	sadd.s32 $0x10, s1;
	s31 =	simm.s32 $0x10CC8  }
0x2db: {  	[hbm4b:s17+s3] =	stream.linear.scatter [tilespmem:s31], [sflag:$0x3], $0x80, $0x38;
	[tilespmem:$0x14C00] =	vst v63  }
0x2dc: {  	s17 =	sadd.s32 $0x20, s1;
	s31 =	simm.s32 $0x10D50  }
0x2dd: {  	[hbm4b:s17+s3] =	stream.linear.scatter [tilespmem:s31], [sflag:$0x3], $0x80, $0x38;
	[tilespmem:$0x14C00] =	vst v63  }
0x2de: {  	s17 =	sadd.s32 $0x30, s1;
	s31 =	simm.s32 $0x10DD8  }
0x2df: {  	[hbm4b:s17+s3] =	stream.linear.scatter [tilespmem:s31], [sflag:$0x3], $0x80, $0x38;
	[tilespmem:$0x14C00] =	vst v63  }
0x2e0: {  	s17 =	sadd.s32 $0x40, s1;
	s31 =	simm.s32 $0x10E60  }
0x2e1: {  	[hbm4b:s17+s3] =	stream.linear.scatter [tilespmem:s31], [sflag:$0x3], $0x80, $0x38;
	[tilespmem:$0x14C00] =	vst v63  }
0x2e2: {  	s17 =	sadd.s32 $0x50, s1;
	s31 =	simm.s32 $0x10EE8  }
0x2e3: {  	[hbm4b:s17+s3] =	stream.linear.scatter [tilespmem:s31], [sflag:$0x3], $0x80, $0x38;
	[tilespmem:$0x14C00] =	vst v63  }
0x2e4: {  	s17 =	sadd.s32 $0x60, s1;
	s31 =	simm.s32 $0x10F70  }
0x2e5: {  	[hbm4b:s17+s3] =	stream.linear.scatter [tilespmem:s31], [sflag:$0x3], $0x80, $0x38;
	[tilespmem:$0x14C00] =	vst v63  }
0x2e6: {  	s1 =	sadd.s32 $0x70, s1;
	s31 =	simm.s32 $0x10FF8;
	s17 =	sor.u32 s8, s0  }
0x2e7: {  	[hbm4b:s1+s3] =	stream.linear.scatter [tilespmem:s31], [sflag:$0x3], $0x80, $0x38;
	[tilespmem:$0x14C00] =	vst v63  }
0x2e8: {  	s1 =	sshrl.u32 s17, $0x3  }
0x2e9: {  	s31 =	simm.s32 $0x11080;
	s1 =	sadd.s32 s2, s1  }
0x2ea: {  	[hbm4b:s1+s3] =	stream.linear.scatter [tilespmem:s31], [sflag:$0x3], $0x80, $0x38;
	[tilespmem:$0x14C00] =	vst v63  }
0x2eb: {  	s17 =	sadd.s32 $0x10, s1;
	s31 =	simm.s32 $0x11108  }
0x2ec: {  	[hbm4b:s17+s3] =	stream.linear.scatter [tilespmem:s31], [sflag:$0x3], $0x80, $0x38;
	[tilespmem:$0x14C00] =	vst v63  }
0x2ed: {  	s17 =	sadd.s32 $0x20, s1;
	s31 =	simm.s32 $0x11190  }
0x2ee: {  	[hbm4b:s17+s3] =	stream.linear.scatter [tilespmem:s31], [sflag:$0x3], $0x80, $0x38;
	[tilespmem:$0x14C00] =	vst v63  }
0x2ef: {  	s17 =	sadd.s32 $0x30, s1;
	s31 =	simm.s32 $0x11218  }
0x2f0: {  	[hbm4b:s17+s3] =	stream.linear.scatter [tilespmem:s31], [sflag:$0x3], $0x80, $0x38;
	[tilespmem:$0x14C00] =	vst v63  }
0x2f1: {  	s17 =	sadd.s32 $0x40, s1;
	s31 =	simm.s32 $0x112A0  }
0x2f2: {  	[hbm4b:s17+s3] =	stream.linear.scatter [tilespmem:s31], [sflag:$0x3], $0x80, $0x38;
	[tilespmem:$0x14C00] =	vst v63  }
0x2f3: {  	s17 =	sadd.s32 $0x50, s1;
	s31 =	simm.s32 $0x11328  }
0x2f4: {  	[hbm4b:s17+s3] =	stream.linear.scatter [tilespmem:s31], [sflag:$0x3], $0x80, $0x38;
	[tilespmem:$0x14C00] =	vst v63  }
0x2f5: {  	s17 =	sadd.s32 $0x60, s1;
	s31 =	simm.s32 $0x113B0  }
0x2f6: {  	[hbm4b:s17+s3] =	stream.linear.scatter [tilespmem:s31], [sflag:$0x3], $0x80, $0x38;
	[tilespmem:$0x14C00] =	vst v63  }
0x2f7: {  	s1 =	sadd.s32 $0x70, s1;
	s31 =	simm.s32 $0x11438;
	s17 =	sor.u32 s9, s0  }
0x2f8: {  	[hbm4b:s1+s3] =	stream.linear.scatter [tilespmem:s31], [sflag:$0x3], $0x80, $0x38;
	[tilespmem:$0x14C00] =	vst v63  }
0x2f9: {  	s1 =	sshrl.u32 s17, $0x3  }
0x2fa: {  	s31 =	simm.s32 $0x114C0;
	s1 =	sadd.s32 s2, s1  }
0x2fb: {  	[hbm4b:s1+s3] =	stream.linear.scatter [tilespmem:s31], [sflag:$0x3], $0x80, $0x38;
	[tilespmem:$0x14C00] =	vst v63  }
0x2fc: {  	s17 =	sadd.s32 $0x10, s1;
	s31 =	simm.s32 $0x11548  }
0x2fd: {  	[hbm4b:s17+s3] =	stream.linear.scatter [tilespmem:s31], [sflag:$0x3], $0x80, $0x38;
	[tilespmem:$0x14C00] =	vst v63  }
0x2fe: {  	s17 =	sadd.s32 $0x20, s1;
	s31 =	simm.s32 $0x115D0  }
0x2ff: {  	[hbm4b:s17+s3] =	stream.linear.scatter [tilespmem:s31], [sflag:$0x3], $0x80, $0x38;
	[tilespmem:$0x14C00] =	vst v63  }
0x300: {  	s17 =	sadd.s32 $0x30, s1;
	s31 =	simm.s32 $0x11658  }
0x301: {  	[hbm4b:s17+s3] =	stream.linear.scatter [tilespmem:s31], [sflag:$0x3], $0x80, $0x38;
	[tilespmem:$0x14C00] =	vst v63  }
0x302: {  	s17 =	sadd.s32 $0x40, s1;
	s31 =	simm.s32 $0x116E0  }
0x303: {  	[hbm4b:s17+s3] =	stream.linear.scatter [tilespmem:s31], [sflag:$0x3], $0x80, $0x38;
	[tilespmem:$0x14C00] =	vst v63  }
0x304: {  	s17 =	sadd.s32 $0x50, s1;
	s31 =	simm.s32 $0x11768  }
0x305: {  	[hbm4b:s17+s3] =	stream.linear.scatter [tilespmem:s31], [sflag:$0x3], $0x80, $0x38;
	[tilespmem:$0x14C00] =	vst v63  }
0x306: {  	s17 =	sadd.s32 $0x60, s1;
	s31 =	simm.s32 $0x117F0  }
0x307: {  	[hbm4b:s17+s3] =	stream.linear.scatter [tilespmem:s31], [sflag:$0x3], $0x80, $0x38;
	[tilespmem:$0x14C00] =	vst v63  }
0x308: {  	s1 =	sadd.s32 $0x70, s1;
	s31 =	simm.s32 $0x11878;
	s17 =	sor.u32 s10, s0  }
0x309: {  	[hbm4b:s1+s3] =	stream.linear.scatter [tilespmem:s31], [sflag:$0x3], $0x80, $0x38;
	[tilespmem:$0x14C00] =	vst v63  }
0x30a: {  	s1 =	sshrl.u32 s17, $0x3  }
0x30b: {  	s31 =	simm.s32 $0x11900;
	s1 =	sadd.s32 s2, s1  }
0x30c: {  	[hbm4b:s1+s3] =	stream.linear.scatter [tilespmem:s31], [sflag:$0x3], $0x80, $0x38;
	[tilespmem:$0x14C00] =	vst v63  }
0x30d: {  	s17 =	sadd.s32 $0x10, s1;
	s31 =	simm.s32 $0x11988  }
0x30e: {  	[hbm4b:s17+s3] =	stream.linear.scatter [tilespmem:s31], [sflag:$0x3], $0x80, $0x38;
	[tilespmem:$0x14C00] =	vst v63  }
0x30f: {  	s17 =	sadd.s32 $0x20, s1;
	s31 =	simm.s32 $0x11A10  }
0x310: {  	[hbm4b:s17+s3] =	stream.linear.scatter [tilespmem:s31], [sflag:$0x3], $0x80, $0x38;
	[tilespmem:$0x14C00] =	vst v63  }
0x311: {  	s17 =	sadd.s32 $0x30, s1;
	s31 =	simm.s32 $0x11A98  }
0x312: {  	[hbm4b:s17+s3] =	stream.linear.scatter [tilespmem:s31], [sflag:$0x3], $0x80, $0x38;
	[tilespmem:$0x14C00] =	vst v63  }
0x313: {  	s17 =	sadd.s32 $0x40, s1;
	s31 =	simm.s32 $0x11B20  }
0x314: {  	[hbm4b:s17+s3] =	stream.linear.scatter [tilespmem:s31], [sflag:$0x3], $0x80, $0x38;
	[tilespmem:$0x14C00] =	vst v63  }
0x315: {  	s17 =	sadd.s32 $0x50, s1;
	s31 =	simm.s32 $0x11BA8  }
0x316: {  	[hbm4b:s17+s3] =	stream.linear.scatter [tilespmem:s31], [sflag:$0x3], $0x80, $0x38;
	[tilespmem:$0x14C00] =	vst v63  }
0x317: {  	s17 =	sadd.s32 $0x60, s1;
	s31 =	simm.s32 $0x11C30  }
0x318: {  	[hbm4b:s17+s3] =	stream.linear.scatter [tilespmem:s31], [sflag:$0x3], $0x80, $0x38;
	[tilespmem:$0x14C00] =	vst v63  }
0x319: {  	s1 =	sadd.s32 $0x70, s1;
	s31 =	simm.s32 $0x11CB8;
	s17 =	sor.u32 s11, s0  }
0x31a: {  	[hbm4b:s1+s3] =	stream.linear.scatter [tilespmem:s31], [sflag:$0x3], $0x80, $0x38;
	[tilespmem:$0x14C00] =	vst v63  }
0x31b: {  	s1 =	sshrl.u32 s17, $0x3  }
0x31c: {  	s31 =	simm.s32 $0x11D40;
	s1 =	sadd.s32 s2, s1  }
0x31d: {  	[hbm4b:s1+s3] =	stream.linear.scatter [tilespmem:s31], [sflag:$0x3], $0x80, $0x38;
	[tilespmem:$0x14C00] =	vst v63  }
0x31e: {  	s17 =	sadd.s32 $0x10, s1;
	s31 =	simm.s32 $0x11DC8  }
0x31f: {  	[hbm4b:s17+s3] =	stream.linear.scatter [tilespmem:s31], [sflag:$0x3], $0x80, $0x38;
	[tilespmem:$0x14C00] =	vst v63  }
0x320: {  	s17 =	sadd.s32 $0x20, s1;
	s31 =	simm.s32 $0x11E50  }
0x321: {  	[hbm4b:s17+s3] =	stream.linear.scatter [tilespmem:s31], [sflag:$0x3], $0x80, $0x38;
	[tilespmem:$0x14C00] =	vst v63  }
0x322: {  	s17 =	sadd.s32 $0x30, s1;
	s31 =	simm.s32 $0x11ED8  }
0x323: {  	[hbm4b:s17+s3] =	stream.linear.scatter [tilespmem:s31], [sflag:$0x3], $0x80, $0x38;
	[tilespmem:$0x14C00] =	vst v63  }
0x324: {  	s17 =	sadd.s32 $0x40, s1;
	s31 =	simm.s32 $0x11F60  }
0x325: {  	[hbm4b:s17+s3] =	stream.linear.scatter [tilespmem:s31], [sflag:$0x3], $0x80, $0x38;
	[tilespmem:$0x14C00] =	vst v63  }
0x326: {  	s17 =	sadd.s32 $0x50, s1;
	s31 =	simm.s32 $0x11FE8  }
0x327: {  	[hbm4b:s17+s3] =	stream.linear.scatter [tilespmem:s31], [sflag:$0x3], $0x80, $0x38;
	[tilespmem:$0x14C00] =	vst v63  }
0x328: {  	s17 =	sadd.s32 $0x60, s1;
	s31 =	simm.s32 $0x12070  }
0x329: {  	[hbm4b:s17+s3] =	stream.linear.scatter [tilespmem:s31], [sflag:$0x3], $0x80, $0x38;
	[tilespmem:$0x14C00] =	vst v63  }
0x32a: {  	s1 =	sadd.s32 $0x70, s1;
	s31 =	simm.s32 $0x120F8;
	s17 =	sor.u32 s12, s0  }
0x32b: {  	[hbm4b:s1+s3] =	stream.linear.scatter [tilespmem:s31], [sflag:$0x3], $0x80, $0x38;
	[tilespmem:$0x14C00] =	vst v63  }
0x32c: {  	s1 =	sshrl.u32 s17, $0x3  }
0x32d: {  	s31 =	simm.s32 $0x12180;
	s1 =	sadd.s32 s2, s1  }
0x32e: {  	[hbm4b:s1+s3] =	stream.linear.scatter [tilespmem:s31], [sflag:$0x3], $0x80, $0x38;
	[tilespmem:$0x14C00] =	vst v63  }
0x32f: {  	s17 =	sadd.s32 $0x10, s1;
	s31 =	simm.s32 $0x12208  }
0x330: {  	[hbm4b:s17+s3] =	stream.linear.scatter [tilespmem:s31], [sflag:$0x3], $0x80, $0x38;
	[tilespmem:$0x14C00] =	vst v63  }
0x331: {  	s17 =	sadd.s32 $0x20, s1;
	s31 =	simm.s32 $0x12290  }
0x332: {  	[hbm4b:s17+s3] =	stream.linear.scatter [tilespmem:s31], [sflag:$0x3], $0x80, $0x38;
	[tilespmem:$0x14C00] =	vst v63  }
0x333: {  	s17 =	sadd.s32 $0x30, s1;
	s31 =	simm.s32 $0x12318  }
0x334: {  	[hbm4b:s17+s3] =	stream.linear.scatter [tilespmem:s31], [sflag:$0x3], $0x80, $0x38;
	[tilespmem:$0x14C00] =	vst v63  }
0x335: {  	s17 =	sadd.s32 $0x40, s1;
	s31 =	simm.s32 $0x123A0  }
0x336: {  	[hbm4b:s17+s3] =	stream.linear.scatter [tilespmem:s31], [sflag:$0x3], $0x80, $0x38;
	[tilespmem:$0x14C00] =	vst v63  }
0x337: {  	s17 =	sadd.s32 $0x50, s1;
	s31 =	simm.s32 $0x12428  }
0x338: {  	[hbm4b:s17+s3] =	stream.linear.scatter [tilespmem:s31], [sflag:$0x3], $0x80, $0x38;
	[tilespmem:$0x14C00] =	vst v63  }
0x339: {  	s0 =	sor.u32 s13, s0;
	s17 =	sadd.s32 $0x60, s1;
	s31 =	simm.s32 $0x124B0  }
0x33a: {  	[hbm4b:s17+s3] =	stream.linear.scatter [tilespmem:s31], [sflag:$0x3], $0x80, $0x38;
	[tilespmem:$0x14C00] =	vst v63  }
0x33b: {  	s0 =	sshrl.u32 s0, $0x3;
	s1 =	sadd.s32 $0x70, s1;
	s31 =	simm.s32 $0x12538  }
0x33c: {  	[hbm4b:s1+s3] =	stream.linear.scatter [tilespmem:s31], [sflag:$0x3], $0x80, $0x38;
	[tilespmem:$0x14C00] =	vst v63  }
0x33d: {  	s0 =	sadd.s32 s2, s0;
	s31 =	simm.s32 $0x125C0  }
0x33e: {  	[hbm4b:s0+s3] =	stream.linear.scatter [tilespmem:s31], [sflag:$0x3], $0x80, $0x38;
	[tilespmem:$0x14C00] =	vst v63  }
0x33f: {  	s17 =	sadd.s32 $0x10, s0;
	s31 =	simm.s32 $0x12648  }
0x340: {  	[hbm4b:s17+s3] =	stream.linear.scatter [tilespmem:s31], [sflag:$0x3], $0x80, $0x38;
	[tilespmem:$0x14C00] =	vst v63  }
0x341: {  	s17 =	sadd.s32 $0x20, s0;
	s31 =	simm.s32 $0x126D0  }
0x342: {  	[hbm4b:s17+s3] =	stream.linear.scatter [tilespmem:s31], [sflag:$0x3], $0x80, $0x38;
	[tilespmem:$0x14C00] =	vst v63  }
0x343: {  	s17 =	sadd.s32 $0x30, s0;
	s31 =	simm.s32 $0x12758  }
0x344: {  	[hbm4b:s17+s3] =	stream.linear.scatter [tilespmem:s31], [sflag:$0x3], $0x80, $0x38;
	[tilespmem:$0x14C00] =	vst v63  }
0x345: {  	s17 =	sadd.s32 $0x40, s0;
	s31 =	simm.s32 $0x127E0  }
0x346: {  	[hbm4b:s17+s3] =	stream.linear.scatter [tilespmem:s31], [sflag:$0x3], $0x80, $0x38;
	[tilespmem:$0x14C00] =	vst v63  }
0x347: {  	p1 =	sne.s32 s29, $0x63;
	s17 =	sadd.s32 $0x50, s0;
	s31 =	simm.s32 $0x12868  }
0x348: {  	[hbm4b:s17+s3] =	stream.linear.scatter [tilespmem:s31], [sflag:$0x3], $0x80, $0x38;
	[tilespmem:$0x14C00] =	vst v63  }
.Ltmp2:
0x349: {  	_ = 	snop;
	(pc) =	sbr.rel @p1 .LBB2_8-.Ltmp2, $4  }
0x34a: {  	s17 =	sadd.s32 $0x60, s0;
	s31 =	simm.s32 $0x128F0  }
0x34b: {  	[hbm4b:s17+s3] =	stream.linear.scatter [tilespmem:s31], [sflag:$0x3], $0x80, $0x38;
	[tilespmem:$0x14C00] =	vst v63  }
0x34c: {  	s0 =	sadd.s32 $0x70, s0;
	s31 =	simm.s32 $0x12978  }
0x34d: {  	[hbm4b:s0+s3] =	stream.linear.scatter [tilespmem:s31], [sflag:$0x3], $0x80, $0x38;
	[tilespmem:$0x14C00] =	vst v63  }
.Ltmp3:
0x34e: {  	(pc) =	sbr.rel .LBB2_9-.Ltmp3, $4  }
0x34f: {  	_ = 	snop  }
0x350: {  	_ =	swait.ge [sflag:s6], $0x2000  }
0x351: {  	[sflag:s6] =	ssyncset.done $0x0  }
0x352: {  	[sflag:s6] =	ssyncadd.s32 $0xFFFFE000  }
.LBB2_8:
0x353: {  	s0 =	sshll.u32 s29, $0x8  }
0x354: {  	s0 =	sand.u32 $0x3FFFFF00, s0  }
.Ltmp4:
0x355: {  	s1 =	simm.s32 $0xC800;
	s0 =	sadd.s32 $0x6500, s0;
	(pc) =	sbr.rel @p0 .LBB2_10-.Ltmp4, $4  }
0x356: {  	[tilespmem:s1], [sflag:$0x1] =	stream.indirect.gather [hbm4b:s4+s16], $0x40, s0, s16, $0xb8;
	[tilespmem:$0x14C00] =	vst v63  }
0x357: {  	_ =	swait.ge [sflag:s6], $0x2000  }
0x358: {  	[sflag:s6] =	ssyncset.done $0x0  }
0x359: {  	[sflag:s6] =	ssyncadd.s32 $0xFFFFE000  }
.LBB2_9:
0x35a: {  	_ =	swait.ge [sflag:s14], $0x400  }
0x35b: {  	[sflag:s14] =	ssyncset.done $0x0  }
0x35c: {  	[sflag:s14] =	ssyncadd.s32 $0xFFFFFC00  }
0x35d: {  	_ =	swait.ge [sflag:s14], $0x400  }
0x35e: {  	[sflag:s14] =	ssyncset.done $0x0  }
0x35f: {  	[sflag:s14] =	ssyncadd.s32 $0xFFFFFC00  }
0x360: {  	_ =	swait.ge [sflag:s14], $0x400  }
0x361: {  	[sflag:s14] =	ssyncset.done $0x0  }
0x362: {  	[sflag:s14] =	ssyncadd.s32 $0xFFFFFC00  }
0x363: {  	_ =	swait.ge [sflag:s14], $0x400  }
0x364: {  	[sflag:s14] =	ssyncset.done $0x0  }
0x365: {  	[sflag:s14] =	ssyncadd.s32 $0xFFFFFC00  }
0x366: {  	_ =	swait.ge [sflag:s14], $0x400  }
0x367: {  	[sflag:s14] =	ssyncset.done $0x0  }
0x368: {  	[sflag:s14] =	ssyncadd.s32 $0xFFFFFC00  }
0x369: {  	_ =	swait.ge [sflag:s14], $0x400  }
0x36a: {  	[sflag:s14] =	ssyncset.done $0x0  }
0x36b: {  	[sflag:s14] =	ssyncadd.s32 $0xFFFFFC00  }
0x36c: {  	_ =	swait.ge [sflag:s14], $0x400  }
0x36d: {  	[sflag:s14] =	ssyncset.done $0x0  }
0x36e: {  	[sflag:s14] =	ssyncadd.s32 $0xFFFFFC00  }
0x36f: {  	_ =	swait.ge [sflag:s14], $0x400  }
0x370: {  	[sflag:s14] =	ssyncset.done $0x0  }
0x371: {  	[sflag:s14] =	ssyncadd.s32 $0xFFFFFC00  }
.LBB2_10:
0x372: {  	s0 =	simm.s32 $0x0  }
0x373: {  	v41 =	vmov s0  }
0x374: {  	v41 =	vshrl.u32 v41, $0x3  }
0x375: {  	v41 =	vshll.u32 v41, v9  }
0x376: {  	v41 =	vbroadcast v41, $0x0  }
0x377: {  	s31 =	simm.s32 $0xEBF0  }
0x378: {  	v42 =	vld [tilespmem:s31+$0xFFFFFC10];
	v43 =	vadd.s32 v6, v41;
	_ =	sdelay $0x4  }
0x379: {  	[tilespmem:v43+s15+$0x0] =	vst.idx.msk $0xffff, v42  }
0x37a: {  	v45 =	vadd.s32 v10, v41;
	v42 =	vld [tilespmem:s31+$0xFFFFFC20];
	_ =	sdelay $0x4  }
0x37b: {  	[tilespmem:v45+s15+$0x0] =	vst.idx.msk $0xffff, v42  }
0x37c: {  	v46 =	vadd.s32 v11, v41;
	v42 =	vld [tilespmem:s31+$0xFFFFFC30];
	_ =	sdelay $0x4  }
0x37d: {  	[tilespmem:v46+s15+$0x0] =	vst.idx.msk $0xffff, v42  }
0x37e: {  	s17 =	simm.s32 $0x1;
	v41 =	vadd.s32 v12, v41;
	v42 =	vld [tilespmem:s31+$0xFFFFFC40]  }
0x37f: {  	v47 =	vmov s17  }
0x380: {  	v43 =	vshrl.u32 v47, $0x3  }
0x381: {  	v43 =	vshll.u32 v43, v9  }
0x382: {  	v43 =	vbroadcast v43, $0x0  }
0x383: {  	[tilespmem:v41+s15+$0x0] =	vst.idx.msk $0xffff, v42  }
0x384: {  	v48 =	vadd.s32 v13, v43;
	v41 =	vld [tilespmem:s31+$0xFFFFFC50];
	_ =	sdelay $0x4  }
0x385: {  	[tilespmem:v48+s15+$0x0] =	vst.idx.msk $0xffff, v41  }
0x386: {  	v49 =	vadd.s32 v14, v43;
	v41 =	vld [tilespmem:s31+$0xFFFFFC60];
	_ =	sdelay $0x4  }
0x387: {  	[tilespmem:v49+s15+$0x0] =	vst.idx.msk $0xffff, v41  }
0x388: {  	v50 =	vadd.s32 v15, v43;
	v41 =	vld [tilespmem:s31+$0xFFFFFC70];
	_ =	sdelay $0x4  }
0x389: {  	[tilespmem:v50+s15+$0x0] =	vst.idx.msk $0xffff, v41  }
0x38a: {  	s1 =	simm.s32 $0x2;
	v51 =	vadd.s32 v16, v43;
	v41 =	vld [tilespmem:s31+$0xFFFFFC80]  }
0x38b: {  	v52 =	vmov s1  }
0x38c: {  	v43 =	vshrl.u32 v52, $0x3  }
0x38d: {  	v43 =	vshll.u32 v43, v9  }
0x38e: {  	v43 =	vbroadcast v43, $0x0  }
0x38f: {  	[tilespmem:v51+s15+$0x0] =	vst.idx.msk $0xffff, v41  }
0x390: {  	v53 =	vadd.s32 v17, v43;
	v41 =	vld [tilespmem:s31+$0xFFFFFC90];
	_ =	sdelay $0x4  }
0x391: {  	[tilespmem:v53+s15+$0x0] =	vst.idx.msk $0xffff, v41  }
0x392: {  	v54 =	vadd.s32 v18, v43;
	v41 =	vld [tilespmem:s31+$0xFFFFFCA0];
	_ =	sdelay $0x4  }
0x393: {  	[tilespmem:v54+s15+$0x0] =	vst.idx.msk $0xffff, v41  }
0x394: {  	v55 =	vadd.s32 v19, v43;
	v41 =	vld [tilespmem:s31+$0xFFFFFCB0];
	_ =	sdelay $0x4  }
0x395: {  	[tilespmem:v55+s15+$0x0] =	vst.idx.msk $0xffff, v41  }
0x396: {  	s17 =	simm.s32 $0x3;
	v56 =	vadd.s32 v20, v43;
	v41 =	vld [tilespmem:s31+$0xFFFFFCC0]  }
0x397: {  	v57 =	vmov s17  }
0x398: {  	v43 =	vshrl.u32 v57, $0x3  }
0x399: {  	v43 =	vshll.u32 v43, v9  }
0x39a: {  	v43 =	vbroadcast v43, $0x0  }
0x39b: {  	[tilespmem:v56+s15+$0x0] =	vst.idx.msk $0xffff, v41  }
0x39c: {  	v58 =	vadd.s32 v21, v43;
	v41 =	vld [tilespmem:s31+$0xFFFFFCD0];
	_ =	sdelay $0x4  }
0x39d: {  	[tilespmem:v58+s15+$0x0] =	vst.idx.msk $0xffff, v41  }
0x39e: {  	v59 =	vadd.s32 v22, v43;
	v41 =	vld [tilespmem:s31+$0xFFFFFCE0];
	_ =	sdelay $0x4  }
0x39f: {  	[tilespmem:v59+s15+$0x0] =	vst.idx.msk $0xffff, v41  }
0x3a0: {  	v60 =	vadd.s32 v23, v43;
	v41 =	vld [tilespmem:s31+$0xFFFFFCF0];
	_ =	sdelay $0x4  }
0x3a1: {  	[tilespmem:v60+s15+$0x0] =	vst.idx.msk $0xffff, v41  }
0x3a2: {  	s1 =	simm.s32 $0x4;
	v61 =	vadd.s32 v24, v43;
	v41 =	vld [tilespmem:s31+$0xFFFFFD00]  }
0x3a3: {  	v62 =	vmov s1  }
0x3a4: {  	v43 =	vshrl.u32 v62, $0x3  }
0x3a5: {  	v43 =	vshll.u32 v43, v9  }
0x3a6: {  	v43 =	vbroadcast v43, $0x0  }
0x3a7: {  	[tilespmem:v61+s15+$0x0] =	vst.idx.msk $0xffff, v41  }
0x3a8: {  	v63 =	vadd.s32 v25, v43;
	v41 =	vld [tilespmem:s31+$0xFFFFFD10];
	_ =	sdelay $0x4  }
0x3a9: {  	[tilespmem:v63+s15+$0x0] =	vst.idx.msk $0xffff, v41  }
0x3aa: {  	v45 =	vadd.s32 v26, v43;
	v41 =	vld [tilespmem:s31+$0xFFFFFD20];
	_ =	sdelay $0x4  }
0x3ab: {  	[tilespmem:v45+s15+$0x0] =	vst.idx.msk $0xffff, v41  }
0x3ac: {  	v46 =	vadd.s32 v27, v43;
	v41 =	vld [tilespmem:s31+$0xFFFFFD30];
	_ =	sdelay $0x4  }
0x3ad: {  	[tilespmem:v46+s15+$0x0] =	vst.idx.msk $0xffff, v41  }
0x3ae: {  	s17 =	simm.s32 $0x5;
	v47 =	vadd.s32 v28, v43;
	v41 =	vld [tilespmem:s31+$0xFFFFFD40]  }
0x3af: {  	v48 =	vmov s17  }
0x3b0: {  	v43 =	vshrl.u32 v48, $0x3  }
0x3b1: {  	v43 =	vshll.u32 v43, v9  }
0x3b2: {  	v43 =	vbroadcast v43, $0x0  }
0x3b3: {  	[tilespmem:v47+s15+$0x0] =	vst.idx.msk $0xffff, v41  }
0x3b4: {  	v49 =	vadd.s32 v29, v43;
	v41 =	vld [tilespmem:s31+$0xFFFFFD50];
	_ =	sdelay $0x4  }
0x3b5: {  	[tilespmem:v49+s15+$0x0] =	vst.idx.msk $0xffff, v41  }
0x3b6: {  	v50 =	vadd.s32 v30, v43;
	v41 =	vld [tilespmem:s31+$0xFFFFFD60];
	_ =	sdelay $0x4  }
0x3b7: {  	[tilespmem:v50+s15+$0x0] =	vst.idx.msk $0xffff, v41  }
0x3b8: {  	v51 =	vadd.s32 v31, v43;
	v41 =	vld [tilespmem:s31+$0xFFFFFD70];
	_ =	sdelay $0x4  }
0x3b9: {  	[tilespmem:v51+s15+$0x0] =	vst.idx.msk $0xffff, v41  }
0x3ba: {  	s1 =	simm.s32 $0x6;
	v52 =	vadd.s32 v32, v43;
	v41 =	vld [tilespmem:s31+$0xFFFFFD80]  }
0x3bb: {  	v53 =	vmov s1  }
0x3bc: {  	v43 =	vshrl.u32 v53, $0x3  }
0x3bd: {  	v43 =	vshll.u32 v43, v9  }
0x3be: {  	v43 =	vbroadcast v43, $0x0  }
0x3bf: {  	[tilespmem:v52+s15+$0x0] =	vst.idx.msk $0xffff, v41  }
0x3c0: {  	v54 =	vadd.s32 v33, v43;
	v41 =	vld [tilespmem:s31+$0xFFFFFD90];
	_ =	sdelay $0x4  }
0x3c1: {  	[tilespmem:v54+s15+$0x0] =	vst.idx.msk $0xffff, v41  }
0x3c2: {  	v55 =	vadd.s32 v34, v43;
	v41 =	vld [tilespmem:s31+$0xFFFFFDA0];
	_ =	sdelay $0x4  }
0x3c3: {  	[tilespmem:v55+s15+$0x0] =	vst.idx.msk $0xffff, v41  }
0x3c4: {  	v56 =	vadd.s32 v35, v43;
	v41 =	vld [tilespmem:s31+$0xFFFFFDB0];
	_ =	sdelay $0x4  }
0x3c5: {  	[tilespmem:v56+s15+$0x0] =	vst.idx.msk $0xffff, v41  }
0x3c6: {  	s17 =	simm.s32 $0x7;
	v57 =	vadd.s32 v36, v43;
	v41 =	vld [tilespmem:s31+$0xFFFFFDC0]  }
0x3c7: {  	v58 =	vmov s17  }
0x3c8: {  	v43 =	vshrl.u32 v58, $0x3  }
0x3c9: {  	v43 =	vshll.u32 v43, v9  }
0x3ca: {  	v43 =	vbroadcast v43, $0x0  }
0x3cb: {  	[tilespmem:v57+s15+$0x0] =	vst.idx.msk $0xffff, v41  }
0x3cc: {  	v59 =	vadd.s32 v37, v43;
	v41 =	vld [tilespmem:s31+$0xFFFFFDD0];
	_ =	sdelay $0x4  }
0x3cd: {  	[tilespmem:v59+s15+$0x0] =	vst.idx.msk $0xffff, v41  }
0x3ce: {  	v60 =	vadd.s32 v38, v43;
	v41 =	vld [tilespmem:s31+$0xFFFFFDE0];
	_ =	sdelay $0x4  }
0x3cf: {  	[tilespmem:v60+s15+$0x0] =	vst.idx.msk $0xffff, v41  }
0x3d0: {  	v61 =	vadd.s32 v39, v43;
	v41 =	vld [tilespmem:s31+$0xFFFFFDF0];
	_ =	sdelay $0x4  }
0x3d1: {  	[tilespmem:v61+s15+$0x0] =	vst.idx.msk $0xffff, v41  }
0x3d2: {  	s1 =	simm.s32 $0x8;
	v62 =	vadd.s32 v40, v43;
	v41 =	vld [tilespmem:s31+$0xFFFFFE00]  }
0x3d3: {  	v63 =	vmov s1  }
0x3d4: {  	v43 =	vshrl.u32 v63, $0x3  }
0x3d5: {  	v43 =	vshll.u32 v43, v9  }
0x3d6: {  	v43 =	vbroadcast v43, $0x0  }
0x3d7: {  	[tilespmem:v62+s15+$0x0] =	vst.idx.msk $0xffff, v41  }
0x3d8: {  	v45 =	vadd.s32 v6, v43;
	v41 =	vld [tilespmem:s31+$0xFFFFFE10];
	_ =	sdelay $0x4  }
0x3d9: {  	[tilespmem:v45+s15+$0x0] =	vst.idx.msk $0xffff, v41  }
0x3da: {  	v46 =	vadd.s32 v10, v43;
	v41 =	vld [tilespmem:s31+$0xFFFFFE20];
	_ =	sdelay $0x4  }
0x3db: {  	[tilespmem:v46+s15+$0x0] =	vst.idx.msk $0xffff, v41  }
0x3dc: {  	v47 =	vadd.s32 v11, v43;
	v41 =	vld [tilespmem:s31+$0xFFFFFE30];
	_ =	sdelay $0x4  }
0x3dd: {  	[tilespmem:v47+s15+$0x0] =	vst.idx.msk $0xffff, v41  }
0x3de: {  	s17 =	simm.s32 $0x9;
	v48 =	vadd.s32 v12, v43;
	v41 =	vld [tilespmem:s31+$0xFFFFFE40]  }
0x3df: {  	v49 =	vmov s17  }
0x3e0: {  	v43 =	vshrl.u32 v49, $0x3  }
0x3e1: {  	v43 =	vshll.u32 v43, v9  }
0x3e2: {  	v43 =	vbroadcast v43, $0x0  }
0x3e3: {  	[tilespmem:v48+s15+$0x0] =	vst.idx.msk $0xffff, v41  }
0x3e4: {  	v50 =	vadd.s32 v13, v43;
	v41 =	vld [tilespmem:s31+$0xFFFFFE50];
	_ =	sdelay $0x4  }
0x3e5: {  	[tilespmem:v50+s15+$0x0] =	vst.idx.msk $0xffff, v41  }
0x3e6: {  	v51 =	vadd.s32 v14, v43;
	v41 =	vld [tilespmem:s31+$0xFFFFFE60];
	_ =	sdelay $0x4  }
0x3e7: {  	[tilespmem:v51+s15+$0x0] =	vst.idx.msk $0xffff, v41  }
0x3e8: {  	v52 =	vadd.s32 v15, v43;
	v41 =	vld [tilespmem:s31+$0xFFFFFE70];
	_ =	sdelay $0x4  }
0x3e9: {  	[tilespmem:v52+s15+$0x0] =	vst.idx.msk $0xffff, v41  }
0x3ea: {  	s1 =	simm.s32 $0xA;
	v53 =	vadd.s32 v16, v43;
	v41 =	vld [tilespmem:s31+$0xFFFFFE80]  }
0x3eb: {  	v54 =	vmov s1  }
0x3ec: {  	v43 =	vshrl.u32 v54, $0x3  }
0x3ed: {  	v43 =	vshll.u32 v43, v9  }
0x3ee: {  	v43 =	vbroadcast v43, $0x0  }
0x3ef: {  	[tilespmem:v53+s15+$0x0] =	vst.idx.msk $0xffff, v41  }
0x3f0: {  	v55 =	vadd.s32 v17, v43;
	v41 =	vld [tilespmem:s31+$0xFFFFFE90];
	_ =	sdelay $0x4  }
0x3f1: {  	[tilespmem:v55+s15+$0x0] =	vst.idx.msk $0xffff, v41  }
0x3f2: {  	v56 =	vadd.s32 v18, v43;
	v41 =	vld [tilespmem:s31+$0xFFFFFEA0];
	_ =	sdelay $0x4  }
0x3f3: {  	[tilespmem:v56+s15+$0x0] =	vst.idx.msk $0xffff, v41  }
0x3f4: {  	v57 =	vadd.s32 v19, v43;
	v41 =	vld [tilespmem:s31+$0xFFFFFEB0];
	_ =	sdelay $0x4  }
0x3f5: {  	[tilespmem:v57+s15+$0x0] =	vst.idx.msk $0xffff, v41  }
0x3f6: {  	s17 =	simm.s32 $0xB;
	v58 =	vadd.s32 v20, v43;
	v41 =	vld [tilespmem:s31+$0xFFFFFEC0]  }
0x3f7: {  	v59 =	vmov s17  }
0x3f8: {  	v43 =	vshrl.u32 v59, $0x3  }
0x3f9: {  	v43 =	vshll.u32 v43, v9  }
0x3fa: {  	v43 =	vbroadcast v43, $0x0  }
0x3fb: {  	[tilespmem:v58+s15+$0x0] =	vst.idx.msk $0xffff, v41  }
0x3fc: {  	v60 =	vadd.s32 v21, v43;
	v41 =	vld [tilespmem:s31+$0xFFFFFED0];
	_ =	sdelay $0x4  }
0x3fd: {  	[tilespmem:v60+s15+$0x0] =	vst.idx.msk $0xffff, v41  }
0x3fe: {  	v61 =	vadd.s32 v22, v43;
	v41 =	vld [tilespmem:s31+$0xFFFFFEE0];
	_ =	sdelay $0x4  }
0x3ff: {  	[tilespmem:v61+s15+$0x0] =	vst.idx.msk $0xffff, v41  }
0x400: {  	v62 =	vadd.s32 v23, v43;
	v41 =	vld [tilespmem:s31+$0xFFFFFEF0];
	_ =	sdelay $0x4  }
0x401: {  	[tilespmem:v62+s15+$0x0] =	vst.idx.msk $0xffff, v41  }
0x402: {  	s1 =	simm.s32 $0xC;
	v63 =	vadd.s32 v24, v43;
	v41 =	vld [tilespmem:s31+$0xFFFFFF00]  }
0x403: {  	v45 =	vmov s1  }
0x404: {  	v43 =	vshrl.u32 v45, $0x3  }
0x405: {  	v43 =	vshll.u32 v43, v9  }
0x406: {  	v43 =	vbroadcast v43, $0x0  }
0x407: {  	[tilespmem:v63+s15+$0x0] =	vst.idx.msk $0xffff, v41  }
0x408: {  	v46 =	vadd.s32 v25, v43;
	v41 =	vld [tilespmem:s31+$0xFFFFFF10];
	_ =	sdelay $0x4  }
0x409: {  	[tilespmem:v46+s15+$0x0] =	vst.idx.msk $0xffff, v41  }
0x40a: {  	v47 =	vadd.s32 v26, v43;
	v41 =	vld [tilespmem:s31+$0xFFFFFF20];
	_ =	sdelay $0x4  }
0x40b: {  	[tilespmem:v47+s15+$0x0] =	vst.idx.msk $0xffff, v41  }
0x40c: {  	v48 =	vadd.s32 v27, v43;
	v41 =	vld [tilespmem:s31+$0xFFFFFF30];
	_ =	sdelay $0x4  }
0x40d: {  	[tilespmem:v48+s15+$0x0] =	vst.idx.msk $0xffff, v41  }
0x40e: {  	s17 =	simm.s32 $0xD;
	v49 =	vadd.s32 v28, v43;
	v41 =	vld [tilespmem:s31+$0xFFFFFF40]  }
0x40f: {  	v50 =	vmov s17  }
0x410: {  	v43 =	vshrl.u32 v50, $0x3  }
0x411: {  	v43 =	vshll.u32 v43, v9  }
0x412: {  	v43 =	vbroadcast v43, $0x0  }
0x413: {  	[tilespmem:v49+s15+$0x0] =	vst.idx.msk $0xffff, v41  }
0x414: {  	v51 =	vadd.s32 v29, v43;
	v41 =	vld [tilespmem:s31+$0xFFFFFF50];
	_ =	sdelay $0x4  }
0x415: {  	[tilespmem:v51+s15+$0x0] =	vst.idx.msk $0xffff, v41  }
0x416: {  	v52 =	vadd.s32 v30, v43;
	v41 =	vld [tilespmem:s31+$0xFFFFFF60];
	_ =	sdelay $0x4  }
0x417: {  	[tilespmem:v52+s15+$0x0] =	vst.idx.msk $0xffff, v41  }
0x418: {  	v53 =	vadd.s32 v31, v43;
	v41 =	vld [tilespmem:s31+$0xFFFFFF70];
	_ =	sdelay $0x4  }
0x419: {  	[tilespmem:v53+s15+$0x0] =	vst.idx.msk $0xffff, v41  }
0x41a: {  	s1 =	simm.s32 $0xE;
	v54 =	vadd.s32 v32, v43;
	v41 =	vld [tilespmem:s31+$0xFFFFFF80]  }
0x41b: {  	v55 =	vmov s1  }
0x41c: {  	v43 =	vshrl.u32 v55, $0x3  }
0x41d: {  	v43 =	vshll.u32 v43, v9  }
0x41e: {  	v43 =	vbroadcast v43, $0x0  }
0x41f: {  	[tilespmem:v54+s15+$0x0] =	vst.idx.msk $0xffff, v41  }
0x420: {  	v56 =	vadd.s32 v33, v43;
	v41 =	vld [tilespmem:s31+$0xFFFFFF90];
	_ =	sdelay $0x4  }
0x421: {  	[tilespmem:v56+s15+$0x0] =	vst.idx.msk $0xffff, v41  }
0x422: {  	v57 =	vadd.s32 v34, v43;
	v41 =	vld [tilespmem:s31+$0xFFFFFFA0];
	_ =	sdelay $0x4  }
0x423: {  	[tilespmem:v57+s15+$0x0] =	vst.idx.msk $0xffff, v41  }
0x424: {  	v58 =	vadd.s32 v35, v43;
	v41 =	vld [tilespmem:s31+$0xFFFFFFB0];
	_ =	sdelay $0x4  }
0x425: {  	[tilespmem:v58+s15+$0x0] =	vst.idx.msk $0xffff, v41  }
0x426: {  	s17 =	simm.s32 $0xF;
	v59 =	vadd.s32 v36, v43;
	v41 =	vld [tilespmem:s31+$0xFFFFFFC0]  }
0x427: {  	v60 =	vmov s17  }
0x428: {  	v43 =	vshrl.u32 v60, $0x3  }
0x429: {  	v43 =	vshll.u32 v43, v9  }
0x42a: {  	v43 =	vbroadcast v43, $0x0  }
0x42b: {  	[tilespmem:v59+s15+$0x0] =	vst.idx.msk $0xffff, v41  }
0x42c: {  	v61 =	vadd.s32 v37, v43;
	v41 =	vld [tilespmem:s31+$0xFFFFFFD0];
	_ =	sdelay $0x4  }
0x42d: {  	[tilespmem:v61+s15+$0x0] =	vst.idx.msk $0xffff, v41  }
0x42e: {  	v62 =	vadd.s32 v38, v43;
	v41 =	vld [tilespmem:s31+$0xFFFFFFE0];
	_ =	sdelay $0x4  }
0x42f: {  	[tilespmem:v62+s15+$0x0] =	vst.idx.msk $0xffff, v41  }
0x430: {  	v63 =	vadd.s32 v39, v43;
	v41 =	vld [tilespmem:s31+$0xFFFFFFF0];
	_ =	sdelay $0x4  }
0x431: {  	[tilespmem:v63+s15+$0x0] =	vst.idx.msk $0xffff, v41  }
0x432: {  	s1 =	simm.s32 $0x10;
	v42 =	vadd.s32 v40, v43;
	v41 =	vld [tilespmem:s31+$0x0]  }
0x433: {  	s0 =	simm.s32 $0x20;
	v43 =	vmov s1  }
.LBB2_11:
0x434: {  	p0 =	slt.u32 s0, $0x70;
	v43 =	vshrl.u32 v43, $0x3  }
0x435: {  	v43 =	vshll.u32 v43, v9  }
0x436: {  	v43 =	vbroadcast v43, $0x0  }
0x437: {  	s31 =	sadd.s32 $0x400, s31;
	[tilespmem:v42+s15+$0x0] =	vst.idx.msk $0xffff, v41  }
0x438: {  	v41 =	vld [tilespmem:s31+$0xFFFFFC10];
	v42 =	vadd.s32 v6, v43;
	_ =	sdelay $0x4  }
0x439: {  	[tilespmem:v42+s15+$0x0] =	vst.idx.msk $0xffff, v41  }
0x43a: {  	v42 =	vadd.s32 v10, v43;
	v41 =	vld [tilespmem:s31+$0xFFFFFC20];
	_ =	sdelay $0x4  }
0x43b: {  	[tilespmem:v42+s15+$0x0] =	vst.idx.msk $0xffff, v41  }
0x43c: {  	v42 =	vadd.s32 v11, v43;
	v41 =	vld [tilespmem:s31+$0xFFFFFC30];
	_ =	sdelay $0x4  }
0x43d: {  	[tilespmem:v42+s15+$0x0] =	vst.idx.msk $0xffff, v41  }
0x43e: {  	s17 =	sadd.s32 $0x1, s1;
	v42 =	vadd.s32 v12, v43;
	v41 =	vld [tilespmem:s31+$0xFFFFFC40]  }
0x43f: {  	v43 =	vmov s17  }
0x440: {  	v43 =	vshrl.u32 v43, $0x3  }
0x441: {  	v43 =	vshll.u32 v43, v9  }
0x442: {  	v43 =	vbroadcast v43, $0x0  }
0x443: {  	[tilespmem:v42+s15+$0x0] =	vst.idx.msk $0xffff, v41  }
0x444: {  	v42 =	vadd.s32 v13, v43;
	v41 =	vld [tilespmem:s31+$0xFFFFFC50];
	_ =	sdelay $0x4  }
0x445: {  	[tilespmem:v42+s15+$0x0] =	vst.idx.msk $0xffff, v41  }
0x446: {  	v42 =	vadd.s32 v14, v43;
	v41 =	vld [tilespmem:s31+$0xFFFFFC60];
	_ =	sdelay $0x4  }
0x447: {  	[tilespmem:v42+s15+$0x0] =	vst.idx.msk $0xffff, v41  }
0x448: {  	v42 =	vadd.s32 v15, v43;
	v41 =	vld [tilespmem:s31+$0xFFFFFC70];
	_ =	sdelay $0x4  }
0x449: {  	[tilespmem:v42+s15+$0x0] =	vst.idx.msk $0xffff, v41  }
0x44a: {  	s17 =	sadd.s32 $0x2, s1;
	v42 =	vadd.s32 v16, v43;
	v41 =	vld [tilespmem:s31+$0xFFFFFC80]  }
0x44b: {  	v43 =	vmov s17  }
0x44c: {  	v43 =	vshrl.u32 v43, $0x3  }
0x44d: {  	v43 =	vshll.u32 v43, v9  }
0x44e: {  	v43 =	vbroadcast v43, $0x0  }
0x44f: {  	[tilespmem:v42+s15+$0x0] =	vst.idx.msk $0xffff, v41  }
0x450: {  	v42 =	vadd.s32 v17, v43;
	v41 =	vld [tilespmem:s31+$0xFFFFFC90];
	_ =	sdelay $0x4  }
0x451: {  	[tilespmem:v42+s15+$0x0] =	vst.idx.msk $0xffff, v41  }
0x452: {  	v42 =	vadd.s32 v18, v43;
	v41 =	vld [tilespmem:s31+$0xFFFFFCA0];
	_ =	sdelay $0x4  }
0x453: {  	[tilespmem:v42+s15+$0x0] =	vst.idx.msk $0xffff, v41  }
0x454: {  	v42 =	vadd.s32 v19, v43;
	v41 =	vld [tilespmem:s31+$0xFFFFFCB0];
	_ =	sdelay $0x4  }
0x455: {  	[tilespmem:v42+s15+$0x0] =	vst.idx.msk $0xffff, v41  }
0x456: {  	s17 =	sadd.s32 $0x3, s1;
	v42 =	vadd.s32 v20, v43;
	v41 =	vld [tilespmem:s31+$0xFFFFFCC0]  }
0x457: {  	v43 =	vmov s17  }
0x458: {  	v43 =	vshrl.u32 v43, $0x3  }
0x459: {  	v43 =	vshll.u32 v43, v9  }
0x45a: {  	v43 =	vbroadcast v43, $0x0  }
0x45b: {  	[tilespmem:v42+s15+$0x0] =	vst.idx.msk $0xffff, v41  }
0x45c: {  	v42 =	vadd.s32 v21, v43;
	v41 =	vld [tilespmem:s31+$0xFFFFFCD0];
	_ =	sdelay $0x4  }
0x45d: {  	[tilespmem:v42+s15+$0x0] =	vst.idx.msk $0xffff, v41  }
0x45e: {  	v42 =	vadd.s32 v22, v43;
	v41 =	vld [tilespmem:s31+$0xFFFFFCE0];
	_ =	sdelay $0x4  }
0x45f: {  	[tilespmem:v42+s15+$0x0] =	vst.idx.msk $0xffff, v41  }
0x460: {  	v42 =	vadd.s32 v23, v43;
	v41 =	vld [tilespmem:s31+$0xFFFFFCF0];
	_ =	sdelay $0x4  }
0x461: {  	[tilespmem:v42+s15+$0x0] =	vst.idx.msk $0xffff, v41  }
0x462: {  	s17 =	sadd.s32 $0x4, s1;
	v42 =	vadd.s32 v24, v43;
	v41 =	vld [tilespmem:s31+$0xFFFFFD00]  }
0x463: {  	v43 =	vmov s17  }
0x464: {  	v43 =	vshrl.u32 v43, $0x3  }
0x465: {  	v43 =	vshll.u32 v43, v9  }
0x466: {  	v43 =	vbroadcast v43, $0x0  }
0x467: {  	[tilespmem:v42+s15+$0x0] =	vst.idx.msk $0xffff, v41  }
0x468: {  	v42 =	vadd.s32 v25, v43;
	v41 =	vld [tilespmem:s31+$0xFFFFFD10];
	_ =	sdelay $0x4  }
0x469: {  	[tilespmem:v42+s15+$0x0] =	vst.idx.msk $0xffff, v41  }
0x46a: {  	v42 =	vadd.s32 v26, v43;
	v41 =	vld [tilespmem:s31+$0xFFFFFD20];
	_ =	sdelay $0x4  }
0x46b: {  	[tilespmem:v42+s15+$0x0] =	vst.idx.msk $0xffff, v41  }
0x46c: {  	v42 =	vadd.s32 v27, v43;
	v41 =	vld [tilespmem:s31+$0xFFFFFD30];
	_ =	sdelay $0x4  }
0x46d: {  	[tilespmem:v42+s15+$0x0] =	vst.idx.msk $0xffff, v41  }
0x46e: {  	s17 =	sadd.s32 $0x5, s1;
	v42 =	vadd.s32 v28, v43;
	v41 =	vld [tilespmem:s31+$0xFFFFFD40]  }
0x46f: {  	v43 =	vmov s17  }
0x470: {  	v43 =	vshrl.u32 v43, $0x3  }
0x471: {  	v43 =	vshll.u32 v43, v9  }
0x472: {  	v43 =	vbroadcast v43, $0x0  }
0x473: {  	[tilespmem:v42+s15+$0x0] =	vst.idx.msk $0xffff, v41  }
0x474: {  	v42 =	vadd.s32 v29, v43;
	v41 =	vld [tilespmem:s31+$0xFFFFFD50];
	_ =	sdelay $0x4  }
0x475: {  	[tilespmem:v42+s15+$0x0] =	vst.idx.msk $0xffff, v41  }
0x476: {  	v42 =	vadd.s32 v30, v43;
	v41 =	vld [tilespmem:s31+$0xFFFFFD60];
	_ =	sdelay $0x4  }
0x477: {  	[tilespmem:v42+s15+$0x0] =	vst.idx.msk $0xffff, v41  }
0x478: {  	v42 =	vadd.s32 v31, v43;
	v41 =	vld [tilespmem:s31+$0xFFFFFD70];
	_ =	sdelay $0x4  }
0x479: {  	[tilespmem:v42+s15+$0x0] =	vst.idx.msk $0xffff, v41  }
0x47a: {  	s17 =	sadd.s32 $0x6, s1;
	v42 =	vadd.s32 v32, v43;
	v41 =	vld [tilespmem:s31+$0xFFFFFD80]  }
0x47b: {  	v43 =	vmov s17  }
0x47c: {  	v43 =	vshrl.u32 v43, $0x3  }
0x47d: {  	v43 =	vshll.u32 v43, v9  }
0x47e: {  	v43 =	vbroadcast v43, $0x0  }
0x47f: {  	[tilespmem:v42+s15+$0x0] =	vst.idx.msk $0xffff, v41  }
0x480: {  	v42 =	vadd.s32 v33, v43;
	v41 =	vld [tilespmem:s31+$0xFFFFFD90];
	_ =	sdelay $0x4  }
0x481: {  	[tilespmem:v42+s15+$0x0] =	vst.idx.msk $0xffff, v41  }
0x482: {  	v42 =	vadd.s32 v34, v43;
	v41 =	vld [tilespmem:s31+$0xFFFFFDA0];
	_ =	sdelay $0x4  }
0x483: {  	[tilespmem:v42+s15+$0x0] =	vst.idx.msk $0xffff, v41  }
0x484: {  	v42 =	vadd.s32 v35, v43;
	v41 =	vld [tilespmem:s31+$0xFFFFFDB0];
	_ =	sdelay $0x4  }
0x485: {  	[tilespmem:v42+s15+$0x0] =	vst.idx.msk $0xffff, v41  }
0x486: {  	s17 =	sadd.s32 $0x7, s1;
	v42 =	vadd.s32 v36, v43;
	v41 =	vld [tilespmem:s31+$0xFFFFFDC0]  }
0x487: {  	v43 =	vmov s17  }
0x488: {  	v43 =	vshrl.u32 v43, $0x3  }
0x489: {  	v43 =	vshll.u32 v43, v9  }
0x48a: {  	v43 =	vbroadcast v43, $0x0  }
0x48b: {  	[tilespmem:v42+s15+$0x0] =	vst.idx.msk $0xffff, v41  }
0x48c: {  	v42 =	vadd.s32 v37, v43;
	v41 =	vld [tilespmem:s31+$0xFFFFFDD0];
	_ =	sdelay $0x4  }
0x48d: {  	[tilespmem:v42+s15+$0x0] =	vst.idx.msk $0xffff, v41  }
0x48e: {  	v42 =	vadd.s32 v38, v43;
	v41 =	vld [tilespmem:s31+$0xFFFFFDE0];
	_ =	sdelay $0x4  }
0x48f: {  	[tilespmem:v42+s15+$0x0] =	vst.idx.msk $0xffff, v41  }
0x490: {  	v42 =	vadd.s32 v39, v43;
	v41 =	vld [tilespmem:s31+$0xFFFFFDF0];
	_ =	sdelay $0x4  }
0x491: {  	[tilespmem:v42+s15+$0x0] =	vst.idx.msk $0xffff, v41  }
0x492: {  	s17 =	sadd.s32 $0x8, s1;
	v42 =	vadd.s32 v40, v43;
	v41 =	vld [tilespmem:s31+$0xFFFFFE00]  }
0x493: {  	v43 =	vmov s17  }
0x494: {  	v43 =	vshrl.u32 v43, $0x3  }
0x495: {  	v43 =	vshll.u32 v43, v9  }
0x496: {  	v43 =	vbroadcast v43, $0x0  }
0x497: {  	[tilespmem:v42+s15+$0x0] =	vst.idx.msk $0xffff, v41  }
0x498: {  	v42 =	vadd.s32 v6, v43;
	v41 =	vld [tilespmem:s31+$0xFFFFFE10];
	_ =	sdelay $0x4  }
0x499: {  	[tilespmem:v42+s15+$0x0] =	vst.idx.msk $0xffff, v41  }
0x49a: {  	v42 =	vadd.s32 v10, v43;
	v41 =	vld [tilespmem:s31+$0xFFFFFE20];
	_ =	sdelay $0x4  }
0x49b: {  	[tilespmem:v42+s15+$0x0] =	vst.idx.msk $0xffff, v41  }
0x49c: {  	v42 =	vadd.s32 v11, v43;
	v41 =	vld [tilespmem:s31+$0xFFFFFE30];
	_ =	sdelay $0x4  }
0x49d: {  	[tilespmem:v42+s15+$0x0] =	vst.idx.msk $0xffff, v41  }
0x49e: {  	s17 =	sadd.s32 $0x9, s1;
	v42 =	vadd.s32 v12, v43;
	v41 =	vld [tilespmem:s31+$0xFFFFFE40]  }
0x49f: {  	v43 =	vmov s17  }
0x4a0: {  	v43 =	vshrl.u32 v43, $0x3  }
0x4a1: {  	v43 =	vshll.u32 v43, v9  }
0x4a2: {  	v43 =	vbroadcast v43, $0x0  }
0x4a3: {  	[tilespmem:v42+s15+$0x0] =	vst.idx.msk $0xffff, v41  }
0x4a4: {  	v42 =	vadd.s32 v13, v43;
	v41 =	vld [tilespmem:s31+$0xFFFFFE50];
	_ =	sdelay $0x4  }
0x4a5: {  	[tilespmem:v42+s15+$0x0] =	vst.idx.msk $0xffff, v41  }
0x4a6: {  	v42 =	vadd.s32 v14, v43;
	v41 =	vld [tilespmem:s31+$0xFFFFFE60];
	_ =	sdelay $0x4  }
0x4a7: {  	[tilespmem:v42+s15+$0x0] =	vst.idx.msk $0xffff, v41  }
0x4a8: {  	v42 =	vadd.s32 v15, v43;
	v41 =	vld [tilespmem:s31+$0xFFFFFE70];
	_ =	sdelay $0x4  }
0x4a9: {  	[tilespmem:v42+s15+$0x0] =	vst.idx.msk $0xffff, v41  }
0x4aa: {  	s17 =	sadd.s32 $0xA, s1;
	v42 =	vadd.s32 v16, v43;
	v41 =	vld [tilespmem:s31+$0xFFFFFE80]  }
0x4ab: {  	v43 =	vmov s17  }
0x4ac: {  	v43 =	vshrl.u32 v43, $0x3  }
0x4ad: {  	v43 =	vshll.u32 v43, v9  }
0x4ae: {  	v43 =	vbroadcast v43, $0x0  }
0x4af: {  	[tilespmem:v42+s15+$0x0] =	vst.idx.msk $0xffff, v41  }
0x4b0: {  	v42 =	vadd.s32 v17, v43;
	v41 =	vld [tilespmem:s31+$0xFFFFFE90];
	_ =	sdelay $0x4  }
0x4b1: {  	[tilespmem:v42+s15+$0x0] =	vst.idx.msk $0xffff, v41  }
0x4b2: {  	v42 =	vadd.s32 v18, v43;
	v41 =	vld [tilespmem:s31+$0xFFFFFEA0];
	_ =	sdelay $0x4  }
0x4b3: {  	[tilespmem:v42+s15+$0x0] =	vst.idx.msk $0xffff, v41  }
0x4b4: {  	v42 =	vadd.s32 v19, v43;
	v41 =	vld [tilespmem:s31+$0xFFFFFEB0];
	_ =	sdelay $0x4  }
0x4b5: {  	[tilespmem:v42+s15+$0x0] =	vst.idx.msk $0xffff, v41  }
0x4b6: {  	s17 =	sadd.s32 $0xB, s1;
	v42 =	vadd.s32 v20, v43;
	v41 =	vld [tilespmem:s31+$0xFFFFFEC0]  }
0x4b7: {  	v43 =	vmov s17  }
0x4b8: {  	v43 =	vshrl.u32 v43, $0x3  }
0x4b9: {  	v43 =	vshll.u32 v43, v9  }
0x4ba: {  	v43 =	vbroadcast v43, $0x0  }
0x4bb: {  	[tilespmem:v42+s15+$0x0] =	vst.idx.msk $0xffff, v41  }
0x4bc: {  	v42 =	vadd.s32 v21, v43;
	v41 =	vld [tilespmem:s31+$0xFFFFFED0];
	_ =	sdelay $0x4  }
0x4bd: {  	[tilespmem:v42+s15+$0x0] =	vst.idx.msk $0xffff, v41  }
0x4be: {  	v42 =	vadd.s32 v22, v43;
	v41 =	vld [tilespmem:s31+$0xFFFFFEE0];
	_ =	sdelay $0x4  }
0x4bf: {  	[tilespmem:v42+s15+$0x0] =	vst.idx.msk $0xffff, v41  }
0x4c0: {  	v42 =	vadd.s32 v23, v43;
	v41 =	vld [tilespmem:s31+$0xFFFFFEF0];
	_ =	sdelay $0x4  }
0x4c1: {  	[tilespmem:v42+s15+$0x0] =	vst.idx.msk $0xffff, v41  }
0x4c2: {  	s17 =	sadd.s32 $0xC, s1;
	v42 =	vadd.s32 v24, v43;
	v41 =	vld [tilespmem:s31+$0xFFFFFF00]  }
0x4c3: {  	v43 =	vmov s17  }
0x4c4: {  	v43 =	vshrl.u32 v43, $0x3  }
0x4c5: {  	v43 =	vshll.u32 v43, v9  }
0x4c6: {  	v43 =	vbroadcast v43, $0x0  }
0x4c7: {  	[tilespmem:v42+s15+$0x0] =	vst.idx.msk $0xffff, v41  }
0x4c8: {  	v42 =	vadd.s32 v25, v43;
	v41 =	vld [tilespmem:s31+$0xFFFFFF10];
	_ =	sdelay $0x4  }
0x4c9: {  	[tilespmem:v42+s15+$0x0] =	vst.idx.msk $0xffff, v41  }
0x4ca: {  	v42 =	vadd.s32 v26, v43;
	v41 =	vld [tilespmem:s31+$0xFFFFFF20];
	_ =	sdelay $0x4  }
0x4cb: {  	[tilespmem:v42+s15+$0x0] =	vst.idx.msk $0xffff, v41  }
0x4cc: {  	v42 =	vadd.s32 v27, v43;
	v41 =	vld [tilespmem:s31+$0xFFFFFF30];
	_ =	sdelay $0x4  }
0x4cd: {  	[tilespmem:v42+s15+$0x0] =	vst.idx.msk $0xffff, v41  }
0x4ce: {  	s17 =	sadd.s32 $0xD, s1;
	v42 =	vadd.s32 v28, v43;
	v41 =	vld [tilespmem:s31+$0xFFFFFF40]  }
0x4cf: {  	v43 =	vmov s17  }
0x4d0: {  	v43 =	vshrl.u32 v43, $0x3  }
0x4d1: {  	v43 =	vshll.u32 v43, v9  }
0x4d2: {  	v43 =	vbroadcast v43, $0x0  }
0x4d3: {  	[tilespmem:v42+s15+$0x0] =	vst.idx.msk $0xffff, v41  }
0x4d4: {  	v42 =	vadd.s32 v29, v43;
	v41 =	vld [tilespmem:s31+$0xFFFFFF50];
	_ =	sdelay $0x4  }
0x4d5: {  	[tilespmem:v42+s15+$0x0] =	vst.idx.msk $0xffff, v41  }
0x4d6: {  	v42 =	vadd.s32 v30, v43;
	v41 =	vld [tilespmem:s31+$0xFFFFFF60];
	_ =	sdelay $0x4  }
0x4d7: {  	[tilespmem:v42+s15+$0x0] =	vst.idx.msk $0xffff, v41  }
0x4d8: {  	v42 =	vadd.s32 v31, v43;
	v41 =	vld [tilespmem:s31+$0xFFFFFF70];
	_ =	sdelay $0x4  }
0x4d9: {  	[tilespmem:v42+s15+$0x0] =	vst.idx.msk $0xffff, v41  }
0x4da: {  	s17 =	sadd.s32 $0xE, s1;
	v42 =	vadd.s32 v32, v43;
	v41 =	vld [tilespmem:s31+$0xFFFFFF80]  }
0x4db: {  	v43 =	vmov s17  }
0x4dc: {  	v43 =	vshrl.u32 v43, $0x3  }
0x4dd: {  	v43 =	vshll.u32 v43, v9  }
0x4de: {  	v43 =	vbroadcast v43, $0x0  }
0x4df: {  	[tilespmem:v42+s15+$0x0] =	vst.idx.msk $0xffff, v41  }
0x4e0: {  	v42 =	vadd.s32 v33, v43;
	v41 =	vld [tilespmem:s31+$0xFFFFFF90];
	_ =	sdelay $0x4  }
0x4e1: {  	[tilespmem:v42+s15+$0x0] =	vst.idx.msk $0xffff, v41  }
0x4e2: {  	v42 =	vadd.s32 v34, v43;
	v41 =	vld [tilespmem:s31+$0xFFFFFFA0];
	_ =	sdelay $0x4  }
0x4e3: {  	[tilespmem:v42+s15+$0x0] =	vst.idx.msk $0xffff, v41  }
0x4e4: {  	v42 =	vadd.s32 v35, v43;
	v41 =	vld [tilespmem:s31+$0xFFFFFFB0];
	_ =	sdelay $0x4  }
0x4e5: {  	[tilespmem:v42+s15+$0x0] =	vst.idx.msk $0xffff, v41  }
0x4e6: {  	s17 =	sadd.s32 $0xF, s1;
	s1 =	smov.u32 s0;
	v42 =	vadd.s32 v36, v43;
	v41 =	vld [tilespmem:s31+$0xFFFFFFC0]  }
0x4e7: {  	v43 =	vmov s17  }
0x4e8: {  	v43 =	vshrl.u32 v43, $0x3  }
0x4e9: {  	v43 =	vshll.u32 v43, v9  }
0x4ea: {  	v43 =	vbroadcast v43, $0x0  }
0x4eb: {  	[tilespmem:v42+s15+$0x0] =	vst.idx.msk $0xffff, v41  }
0x4ec: {  	v42 =	vadd.s32 v37, v43;
	v41 =	vld [tilespmem:s31+$0xFFFFFFD0];
	_ =	sdelay $0x4  }
0x4ed: {  	[tilespmem:v42+s15+$0x0] =	vst.idx.msk $0xffff, v41  }
0x4ee: {  	v42 =	vadd.s32 v38, v43;
	v41 =	vld [tilespmem:s31+$0xFFFFFFE0];
	_ =	sdelay $0x4  }
0x4ef: {  	[tilespmem:v42+s15+$0x0] =	vst.idx.msk $0xffff, v41  }
0x4f0: {  	v42 =	vadd.s32 v39, v43;
	v41 =	vld [tilespmem:s31+$0xFFFFFFF0];
	_ =	sdelay $0x2  }
.Ltmp5:
0x4f1: {  	(pc) =	sbr.rel @p0 .LBB2_11-.Ltmp5, $4  }
0x4f2: {  	_ = 	snop  }
0x4f3: {  	[tilespmem:v42+s15+$0x0] =	vst.idx.msk $0xffff, v41  }
0x4f4: {  	v42 =	vadd.s32 v40, v43;
	v41 =	vld [tilespmem:s31+$0x0]  }
0x4f5: {  	s0 =	sadd.s32 $0x10, s0;
	v43 =	vmov s1  }
0x4f6: {  	_ = 	snop  }
0x4f7: {  	v43 =	vshrl.u32 v43, $0x3  }
0x4f8: {  	v43 =	vshll.u32 v43, v9  }
0x4f9: {  	v43 =	vbroadcast v43, $0x0  }
0x4fa: {  	s0 =	sadd.s32 $0x400, s31;
	[tilespmem:v42+s15+$0x0] =	vst.idx.msk $0xffff, v41  }
0x4fb: {  	v41 =	vld [tilespmem:s0+$0xFFFFFC10];
	v61 =	vadd.s32 v6, v43;
	_ =	sdelay $0x4  }
0x4fc: {  	[tilespmem:v61+s15+$0x0] =	vst.idx.msk $0xffff, v41  }
0x4fd: {  	v62 =	vadd.s32 v10, v43;
	v41 =	vld [tilespmem:s0+$0xFFFFFC20];
	_ =	sdelay $0x4  }
0x4fe: {  	[tilespmem:v62+s15+$0x0] =	vst.idx.msk $0xffff, v41  }
0x4ff: {  	v63 =	vadd.s32 v11, v43;
	v41 =	vld [tilespmem:s0+$0xFFFFFC30];
	_ =	sdelay $0x4  }
0x500: {  	[tilespmem:v63+s15+$0x0] =	vst.idx.msk $0xffff, v41  }
0x501: {  	s17 =	sadd.s32 $0x1, s1;
	v45 =	vadd.s32 v12, v43;
	v41 =	vld [tilespmem:s0+$0xFFFFFC40]  }
0x502: {  	v46 =	vmov s17  }
0x503: {  	v43 =	vshrl.u32 v46, $0x3  }
0x504: {  	v43 =	vshll.u32 v43, v9  }
0x505: {  	v43 =	vbroadcast v43, $0x0  }
0x506: {  	[tilespmem:v45+s15+$0x0] =	vst.idx.msk $0xffff, v41  }
0x507: {  	v47 =	vadd.s32 v13, v43;
	v41 =	vld [tilespmem:s0+$0xFFFFFC50];
	_ =	sdelay $0x4  }
0x508: {  	[tilespmem:v47+s15+$0x0] =	vst.idx.msk $0xffff, v41  }
0x509: {  	v48 =	vadd.s32 v14, v43;
	v41 =	vld [tilespmem:s0+$0xFFFFFC60];
	_ =	sdelay $0x4  }
0x50a: {  	[tilespmem:v48+s15+$0x0] =	vst.idx.msk $0xffff, v41  }
0x50b: {  	v49 =	vadd.s32 v15, v43;
	v41 =	vld [tilespmem:s0+$0xFFFFFC70];
	_ =	sdelay $0x4  }
0x50c: {  	[tilespmem:v49+s15+$0x0] =	vst.idx.msk $0xffff, v41  }
0x50d: {  	s31 =	sadd.s32 $0x2, s1;
	v50 =	vadd.s32 v16, v43;
	v41 =	vld [tilespmem:s0+$0xFFFFFC80]  }
0x50e: {  	v51 =	vmov s31  }
0x50f: {  	v43 =	vshrl.u32 v51, $0x3  }
0x510: {  	v43 =	vshll.u32 v43, v9  }
0x511: {  	v43 =	vbroadcast v43, $0x0  }
0x512: {  	[tilespmem:v50+s15+$0x0] =	vst.idx.msk $0xffff, v41  }
0x513: {  	v52 =	vadd.s32 v17, v43;
	v41 =	vld [tilespmem:s0+$0xFFFFFC90];
	_ =	sdelay $0x4  }
0x514: {  	[tilespmem:v52+s15+$0x0] =	vst.idx.msk $0xffff, v41  }
0x515: {  	v53 =	vadd.s32 v18, v43;
	v41 =	vld [tilespmem:s0+$0xFFFFFCA0];
	_ =	sdelay $0x4  }
0x516: {  	[tilespmem:v53+s15+$0x0] =	vst.idx.msk $0xffff, v41  }
0x517: {  	v54 =	vadd.s32 v19, v43;
	v41 =	vld [tilespmem:s0+$0xFFFFFCB0];
	_ =	sdelay $0x4  }
0x518: {  	[tilespmem:v54+s15+$0x0] =	vst.idx.msk $0xffff, v41  }
0x519: {  	s31 =	sadd.s32 $0x3, s1;
	v55 =	vadd.s32 v20, v43;
	v41 =	vld [tilespmem:s0+$0xFFFFFCC0]  }
0x51a: {  	v56 =	vmov s31  }
0x51b: {  	v43 =	vshrl.u32 v56, $0x3  }
0x51c: {  	v43 =	vshll.u32 v43, v9  }
0x51d: {  	v43 =	vbroadcast v43, $0x0  }
0x51e: {  	[tilespmem:v55+s15+$0x0] =	vst.idx.msk $0xffff, v41  }
0x51f: {  	v57 =	vadd.s32 v21, v43;
	v41 =	vld [tilespmem:s0+$0xFFFFFCD0];
	_ =	sdelay $0x4  }
0x520: {  	[tilespmem:v57+s15+$0x0] =	vst.idx.msk $0xffff, v41  }
0x521: {  	v58 =	vadd.s32 v22, v43;
	v41 =	vld [tilespmem:s0+$0xFFFFFCE0];
	_ =	sdelay $0x4  }
0x522: {  	[tilespmem:v58+s15+$0x0] =	vst.idx.msk $0xffff, v41  }
0x523: {  	v59 =	vadd.s32 v23, v43;
	v41 =	vld [tilespmem:s0+$0xFFFFFCF0];
	_ =	sdelay $0x4  }
0x524: {  	[tilespmem:v59+s15+$0x0] =	vst.idx.msk $0xffff, v41  }
0x525: {  	s31 =	sadd.s32 $0x4, s1;
	v60 =	vadd.s32 v24, v43;
	v41 =	vld [tilespmem:s0+$0xFFFFFD00]  }
0x526: {  	v61 =	vmov s31  }
0x527: {  	v43 =	vshrl.u32 v61, $0x3  }
0x528: {  	v43 =	vshll.u32 v43, v9  }
0x529: {  	v43 =	vbroadcast v43, $0x0  }
0x52a: {  	[tilespmem:v60+s15+$0x0] =	vst.idx.msk $0xffff, v41  }
0x52b: {  	v62 =	vadd.s32 v25, v43;
	v41 =	vld [tilespmem:s0+$0xFFFFFD10];
	_ =	sdelay $0x4  }
0x52c: {  	[tilespmem:v62+s15+$0x0] =	vst.idx.msk $0xffff, v41  }
0x52d: {  	v63 =	vadd.s32 v26, v43;
	v41 =	vld [tilespmem:s0+$0xFFFFFD20];
	_ =	sdelay $0x4  }
0x52e: {  	[tilespmem:v63+s15+$0x0] =	vst.idx.msk $0xffff, v41  }
0x52f: {  	v45 =	vadd.s32 v27, v43;
	v41 =	vld [tilespmem:s0+$0xFFFFFD30];
	_ =	sdelay $0x4  }
0x530: {  	[tilespmem:v45+s15+$0x0] =	vst.idx.msk $0xffff, v41  }
0x531: {  	s31 =	sadd.s32 $0x5, s1;
	v46 =	vadd.s32 v28, v43;
	v41 =	vld [tilespmem:s0+$0xFFFFFD40]  }
0x532: {  	v47 =	vmov s31  }
0x533: {  	v43 =	vshrl.u32 v47, $0x3  }
0x534: {  	v43 =	vshll.u32 v43, v9  }
0x535: {  	v43 =	vbroadcast v43, $0x0  }
0x536: {  	[tilespmem:v46+s15+$0x0] =	vst.idx.msk $0xffff, v41  }
0x537: {  	v48 =	vadd.s32 v29, v43;
	v41 =	vld [tilespmem:s0+$0xFFFFFD50];
	_ =	sdelay $0x4  }
0x538: {  	[tilespmem:v48+s15+$0x0] =	vst.idx.msk $0xffff, v41  }
0x539: {  	v49 =	vadd.s32 v30, v43;
	v41 =	vld [tilespmem:s0+$0xFFFFFD60];
	_ =	sdelay $0x4  }
0x53a: {  	[tilespmem:v49+s15+$0x0] =	vst.idx.msk $0xffff, v41  }
0x53b: {  	v50 =	vadd.s32 v31, v43;
	v41 =	vld [tilespmem:s0+$0xFFFFFD70];
	_ =	sdelay $0x4  }
0x53c: {  	[tilespmem:v50+s15+$0x0] =	vst.idx.msk $0xffff, v41  }
0x53d: {  	s31 =	sadd.s32 $0x6, s1;
	v51 =	vadd.s32 v32, v43;
	v41 =	vld [tilespmem:s0+$0xFFFFFD80]  }
0x53e: {  	v52 =	vmov s31  }
0x53f: {  	v43 =	vshrl.u32 v52, $0x3  }
0x540: {  	v43 =	vshll.u32 v43, v9  }
0x541: {  	v43 =	vbroadcast v43, $0x0  }
0x542: {  	[tilespmem:v51+s15+$0x0] =	vst.idx.msk $0xffff, v41  }
0x543: {  	v53 =	vadd.s32 v33, v43;
	v41 =	vld [tilespmem:s0+$0xFFFFFD90];
	_ =	sdelay $0x4  }
0x544: {  	[tilespmem:v53+s15+$0x0] =	vst.idx.msk $0xffff, v41  }
0x545: {  	v54 =	vadd.s32 v34, v43;
	v41 =	vld [tilespmem:s0+$0xFFFFFDA0];
	_ =	sdelay $0x4  }
0x546: {  	[tilespmem:v54+s15+$0x0] =	vst.idx.msk $0xffff, v41  }
0x547: {  	v55 =	vadd.s32 v35, v43;
	v41 =	vld [tilespmem:s0+$0xFFFFFDB0];
	_ =	sdelay $0x4  }
0x548: {  	[tilespmem:v55+s15+$0x0] =	vst.idx.msk $0xffff, v41  }
0x549: {  	s31 =	sadd.s32 $0x7, s1;
	v56 =	vadd.s32 v36, v43;
	v41 =	vld [tilespmem:s0+$0xFFFFFDC0]  }
0x54a: {  	v57 =	vmov s31  }
0x54b: {  	v43 =	vshrl.u32 v57, $0x3  }
0x54c: {  	v43 =	vshll.u32 v43, v9  }
0x54d: {  	v43 =	vbroadcast v43, $0x0  }
0x54e: {  	[tilespmem:v56+s15+$0x0] =	vst.idx.msk $0xffff, v41  }
0x54f: {  	v58 =	vadd.s32 v37, v43;
	v41 =	vld [tilespmem:s0+$0xFFFFFDD0];
	_ =	sdelay $0x4  }
0x550: {  	[tilespmem:v58+s15+$0x0] =	vst.idx.msk $0xffff, v41  }
0x551: {  	v59 =	vadd.s32 v38, v43;
	v41 =	vld [tilespmem:s0+$0xFFFFFDE0];
	_ =	sdelay $0x4  }
0x552: {  	[tilespmem:v59+s15+$0x0] =	vst.idx.msk $0xffff, v41  }
0x553: {  	v60 =	vadd.s32 v39, v43;
	v41 =	vld [tilespmem:s0+$0xFFFFFDF0];
	_ =	sdelay $0x4  }
0x554: {  	[tilespmem:v60+s15+$0x0] =	vst.idx.msk $0xffff, v41  }
0x555: {  	s31 =	sadd.s32 $0x8, s1;
	v61 =	vadd.s32 v40, v43;
	v41 =	vld [tilespmem:s0+$0xFFFFFE00]  }
0x556: {  	v62 =	vmov s31  }
0x557: {  	v43 =	vshrl.u32 v62, $0x3  }
0x558: {  	v43 =	vshll.u32 v43, v9  }
0x559: {  	v43 =	vbroadcast v43, $0x0  }
0x55a: {  	[tilespmem:v61+s15+$0x0] =	vst.idx.msk $0xffff, v41  }
0x55b: {  	v63 =	vadd.s32 v6, v43;
	v41 =	vld [tilespmem:s0+$0xFFFFFE10];
	_ =	sdelay $0x4  }
0x55c: {  	[tilespmem:v63+s15+$0x0] =	vst.idx.msk $0xffff, v41  }
0x55d: {  	v45 =	vadd.s32 v10, v43;
	v41 =	vld [tilespmem:s0+$0xFFFFFE20];
	_ =	sdelay $0x4  }
0x55e: {  	[tilespmem:v45+s15+$0x0] =	vst.idx.msk $0xffff, v41  }
0x55f: {  	v46 =	vadd.s32 v11, v43;
	v41 =	vld [tilespmem:s0+$0xFFFFFE30];
	_ =	sdelay $0x4  }
0x560: {  	[tilespmem:v46+s15+$0x0] =	vst.idx.msk $0xffff, v41  }
0x561: {  	s31 =	sadd.s32 $0x9, s1;
	v47 =	vadd.s32 v12, v43;
	v41 =	vld [tilespmem:s0+$0xFFFFFE40]  }
0x562: {  	v48 =	vmov s31  }
0x563: {  	v43 =	vshrl.u32 v48, $0x3  }
0x564: {  	v43 =	vshll.u32 v43, v9  }
0x565: {  	v43 =	vbroadcast v43, $0x0  }
0x566: {  	[tilespmem:v47+s15+$0x0] =	vst.idx.msk $0xffff, v41  }
0x567: {  	v49 =	vadd.s32 v13, v43;
	v41 =	vld [tilespmem:s0+$0xFFFFFE50];
	_ =	sdelay $0x4  }
0x568: {  	[tilespmem:v49+s15+$0x0] =	vst.idx.msk $0xffff, v41  }
0x569: {  	v50 =	vadd.s32 v14, v43;
	v41 =	vld [tilespmem:s0+$0xFFFFFE60];
	_ =	sdelay $0x4  }
0x56a: {  	[tilespmem:v50+s15+$0x0] =	vst.idx.msk $0xffff, v41  }
0x56b: {  	v51 =	vadd.s32 v15, v43;
	v41 =	vld [tilespmem:s0+$0xFFFFFE70];
	_ =	sdelay $0x4  }
0x56c: {  	[tilespmem:v51+s15+$0x0] =	vst.idx.msk $0xffff, v41  }
0x56d: {  	s31 =	sadd.s32 $0xA, s1;
	v52 =	vadd.s32 v16, v43;
	v41 =	vld [tilespmem:s0+$0xFFFFFE80]  }
0x56e: {  	v53 =	vmov s31  }
0x56f: {  	v43 =	vshrl.u32 v53, $0x3  }
0x570: {  	v43 =	vshll.u32 v43, v9  }
0x571: {  	v43 =	vbroadcast v43, $0x0  }
0x572: {  	[tilespmem:v52+s15+$0x0] =	vst.idx.msk $0xffff, v41  }
0x573: {  	v54 =	vadd.s32 v17, v43;
	v41 =	vld [tilespmem:s0+$0xFFFFFE90];
	_ =	sdelay $0x4  }
0x574: {  	[tilespmem:v54+s15+$0x0] =	vst.idx.msk $0xffff, v41  }
0x575: {  	v55 =	vadd.s32 v18, v43;
	v41 =	vld [tilespmem:s0+$0xFFFFFEA0];
	_ =	sdelay $0x4  }
0x576: {  	[tilespmem:v55+s15+$0x0] =	vst.idx.msk $0xffff, v41  }
0x577: {  	v56 =	vadd.s32 v19, v43;
	v41 =	vld [tilespmem:s0+$0xFFFFFEB0];
	_ =	sdelay $0x4  }
0x578: {  	[tilespmem:v56+s15+$0x0] =	vst.idx.msk $0xffff, v41  }
0x579: {  	s31 =	sadd.s32 $0xB, s1;
	v57 =	vadd.s32 v20, v43;
	v41 =	vld [tilespmem:s0+$0xFFFFFEC0]  }
0x57a: {  	v58 =	vmov s31  }
0x57b: {  	v43 =	vshrl.u32 v58, $0x3  }
0x57c: {  	v43 =	vshll.u32 v43, v9  }
0x57d: {  	v43 =	vbroadcast v43, $0x0  }
0x57e: {  	[tilespmem:v57+s15+$0x0] =	vst.idx.msk $0xffff, v41  }
0x57f: {  	v59 =	vadd.s32 v21, v43;
	v41 =	vld [tilespmem:s0+$0xFFFFFED0];
	_ =	sdelay $0x4  }
0x580: {  	[tilespmem:v59+s15+$0x0] =	vst.idx.msk $0xffff, v41  }
0x581: {  	v60 =	vadd.s32 v22, v43;
	v41 =	vld [tilespmem:s0+$0xFFFFFEE0];
	_ =	sdelay $0x4  }
0x582: {  	[tilespmem:v60+s15+$0x0] =	vst.idx.msk $0xffff, v41  }
0x583: {  	v61 =	vadd.s32 v23, v43;
	v41 =	vld [tilespmem:s0+$0xFFFFFEF0];
	_ =	sdelay $0x4  }
0x584: {  	[tilespmem:v61+s15+$0x0] =	vst.idx.msk $0xffff, v41  }
0x585: {  	s31 =	sadd.s32 $0xC, s1;
	v62 =	vadd.s32 v24, v43;
	v41 =	vld [tilespmem:s0+$0xFFFFFF00]  }
0x586: {  	v63 =	vmov s31  }
0x587: {  	v43 =	vshrl.u32 v63, $0x3  }
0x588: {  	v43 =	vshll.u32 v43, v9  }
0x589: {  	v43 =	vbroadcast v43, $0x0  }
0x58a: {  	[tilespmem:v62+s15+$0x0] =	vst.idx.msk $0xffff, v41  }
0x58b: {  	v45 =	vadd.s32 v25, v43;
	v41 =	vld [tilespmem:s0+$0xFFFFFF10];
	_ =	sdelay $0x4  }
0x58c: {  	[tilespmem:v45+s15+$0x0] =	vst.idx.msk $0xffff, v41  }
0x58d: {  	v46 =	vadd.s32 v26, v43;
	v41 =	vld [tilespmem:s0+$0xFFFFFF20];
	_ =	sdelay $0x4  }
0x58e: {  	[tilespmem:v46+s15+$0x0] =	vst.idx.msk $0xffff, v41  }
0x58f: {  	v47 =	vadd.s32 v27, v43;
	v41 =	vld [tilespmem:s0+$0xFFFFFF30];
	_ =	sdelay $0x4  }
0x590: {  	[tilespmem:v47+s15+$0x0] =	vst.idx.msk $0xffff, v41  }
0x591: {  	s31 =	sadd.s32 $0xD, s1;
	v48 =	vadd.s32 v28, v43;
	v41 =	vld [tilespmem:s0+$0xFFFFFF40]  }
0x592: {  	v49 =	vmov s31  }
0x593: {  	v43 =	vshrl.u32 v49, $0x3  }
0x594: {  	v43 =	vshll.u32 v43, v9  }
0x595: {  	v43 =	vbroadcast v43, $0x0  }
0x596: {  	[tilespmem:v48+s15+$0x0] =	vst.idx.msk $0xffff, v41  }
0x597: {  	v50 =	vadd.s32 v29, v43;
	v41 =	vld [tilespmem:s0+$0xFFFFFF50];
	_ =	sdelay $0x4  }
0x598: {  	[tilespmem:v50+s15+$0x0] =	vst.idx.msk $0xffff, v41  }
0x599: {  	v51 =	vadd.s32 v30, v43;
	v41 =	vld [tilespmem:s0+$0xFFFFFF60];
	_ =	sdelay $0x4  }
0x59a: {  	[tilespmem:v51+s15+$0x0] =	vst.idx.msk $0xffff, v41  }
0x59b: {  	v52 =	vadd.s32 v31, v43;
	v41 =	vld [tilespmem:s0+$0xFFFFFF70];
	_ =	sdelay $0x4  }
0x59c: {  	[tilespmem:v52+s15+$0x0] =	vst.idx.msk $0xffff, v41  }
0x59d: {  	s31 =	sadd.s32 $0xE, s1;
	v53 =	vadd.s32 v32, v43;
	v41 =	vld [tilespmem:s0+$0xFFFFFF80]  }
0x59e: {  	v54 =	vmov s31  }
0x59f: {  	v43 =	vshrl.u32 v54, $0x3  }
0x5a0: {  	v43 =	vshll.u32 v43, v9  }
0x5a1: {  	v43 =	vbroadcast v43, $0x0  }
0x5a2: {  	[tilespmem:v53+s15+$0x0] =	vst.idx.msk $0xffff, v41  }
0x5a3: {  	v55 =	vadd.s32 v33, v43;
	v41 =	vld [tilespmem:s0+$0xFFFFFF90];
	_ =	sdelay $0x4  }
0x5a4: {  	[tilespmem:v55+s15+$0x0] =	vst.idx.msk $0xffff, v41  }
0x5a5: {  	v56 =	vadd.s32 v34, v43;
	v41 =	vld [tilespmem:s0+$0xFFFFFFA0];
	_ =	sdelay $0x4  }
0x5a6: {  	[tilespmem:v56+s15+$0x0] =	vst.idx.msk $0xffff, v41  }
0x5a7: {  	v57 =	vadd.s32 v35, v43;
	v41 =	vld [tilespmem:s0+$0xFFFFFFB0];
	_ =	sdelay $0x4  }
0x5a8: {  	[tilespmem:v57+s15+$0x0] =	vst.idx.msk $0xffff, v41  }
0x5a9: {  	s17 =	sadd.s32 $0xF, s1;
	v58 =	vadd.s32 v36, v43;
	v41 =	vld [tilespmem:s0+$0xFFFFFFC0]  }
0x5aa: {  	v59 =	vmov s17  }
0x5ab: {  	v43 =	vshrl.u32 v59, $0x3  }
0x5ac: {  	v43 =	vshll.u32 v43, v9  }
0x5ad: {  	v43 =	vbroadcast v43, $0x0  }
0x5ae: {  	[tilespmem:v58+s15+$0x0] =	vst.idx.msk $0xffff, v41  }
0x5af: {  	v60 =	vadd.s32 v37, v43;
	v41 =	vld [tilespmem:s0+$0xFFFFFFD0];
	_ =	sdelay $0x4  }
0x5b0: {  	[tilespmem:v60+s15+$0x0] =	vst.idx.msk $0xffff, v41  }
0x5b1: {  	v61 =	vadd.s32 v38, v43;
	v41 =	vld [tilespmem:s0+$0xFFFFFFE0];
	_ =	sdelay $0x4  }
0x5b2: {  	[tilespmem:v61+s15+$0x0] =	vst.idx.msk $0xffff, v41  }
0x5b3: {  	v62 =	vadd.s32 v39, v43;
	v41 =	vld [tilespmem:s0+$0xFFFFFFF0];
	_ =	sdelay $0x4  }
0x5b4: {  	[tilespmem:v62+s15+$0x0] =	vst.idx.msk $0xffff, v41  }
0x5b5: {  	v63 =	vadd.s32 v40, v43;
	v41 =	vld [tilespmem:s0+$0x0];
	_ =	sdelay $0x1  }
0x5b6: {  	s0 =	sshll.u32 s30, $0x12  }
0x5b7: {  	s30 =	sor.u32 s5, s0  }
0x5b8: {  	s1 =	sshrl.u32 s30, $0x3  }
0x5b9: {  	s1 =	sadd.s32 s2, s1;
	[tilespmem:v63+s15+$0x0] =	vst.idx.msk $0xffff, v41  }
0x5ba: {  	[hbm4b:s1+s3] =	stream.linear.scatter [tilespmem:s15], [sflag:$0x4], $0x80, $0x38;
	[tilespmem:$0x14C00] =	vst v63  }
0x5bb: {  	s31 =	simm.s32 $0x12A88;
	s17 =	sadd.s32 $0x10, s1  }
0x5bc: {  	[hbm4b:s17+s3] =	stream.linear.scatter [tilespmem:s31], [sflag:$0x4], $0x80, $0x38;
	[tilespmem:$0x14C00] =	vst v63  }
0x5bd: {  	s17 =	sadd.s32 $0x20, s1;
	s31 =	simm.s32 $0x12B10  }
0x5be: {  	[hbm4b:s17+s3] =	stream.linear.scatter [tilespmem:s31], [sflag:$0x4], $0x80, $0x38;
	[tilespmem:$0x14C00] =	vst v63  }
0x5bf: {  	s17 =	sadd.s32 $0x30, s1;
	s31 =	simm.s32 $0x12B98  }
0x5c0: {  	[hbm4b:s17+s3] =	stream.linear.scatter [tilespmem:s31], [sflag:$0x4], $0x80, $0x38;
	[tilespmem:$0x14C00] =	vst v63  }
0x5c1: {  	s17 =	sadd.s32 $0x40, s1;
	s31 =	simm.s32 $0x12C20  }
0x5c2: {  	[hbm4b:s17+s3] =	stream.linear.scatter [tilespmem:s31], [sflag:$0x4], $0x80, $0x38;
	[tilespmem:$0x14C00] =	vst v63  }
0x5c3: {  	s17 =	sadd.s32 $0x50, s1;
	s31 =	simm.s32 $0x12CA8  }
0x5c4: {  	[hbm4b:s17+s3] =	stream.linear.scatter [tilespmem:s31], [sflag:$0x4], $0x80, $0x38;
	[tilespmem:$0x14C00] =	vst v63  }
0x5c5: {  	s17 =	sadd.s32 $0x60, s1;
	s31 =	simm.s32 $0x12D30  }
0x5c6: {  	[hbm4b:s17+s3] =	stream.linear.scatter [tilespmem:s31], [sflag:$0x4], $0x80, $0x38;
	[tilespmem:$0x14C00] =	vst v63  }
0x5c7: {  	s1 =	sadd.s32 $0x70, s1;
	s31 =	simm.s32 $0x12DB8;
	s17 =	sor.u32 s7, s0  }
0x5c8: {  	[hbm4b:s1+s3] =	stream.linear.scatter [tilespmem:s31], [sflag:$0x4], $0x80, $0x38;
	[tilespmem:$0x14C00] =	vst v63  }
0x5c9: {  	s1 =	sshrl.u32 s17, $0x3  }
0x5ca: {  	s30 =	simm.s32 $0x12E40;
	s1 =	sadd.s32 s2, s1  }
0x5cb: {  	[hbm4b:s1+s3] =	stream.linear.scatter [tilespmem:s30], [sflag:$0x4], $0x80, $0x38;
	[tilespmem:$0x14C00] =	vst v63  }
0x5cc: {  	s31 =	simm.s32 $0x12EC8;
	s17 =	sadd.s32 $0x10, s1  }
0x5cd: {  	[hbm4b:s17+s3] =	stream.linear.scatter [tilespmem:s31], [sflag:$0x4], $0x80, $0x38;
	[tilespmem:$0x14C00] =	vst v63  }
0x5ce: {  	s17 =	sadd.s32 $0x20, s1;
	s31 =	simm.s32 $0x12F50  }
0x5cf: {  	[hbm4b:s17+s3] =	stream.linear.scatter [tilespmem:s31], [sflag:$0x4], $0x80, $0x38;
	[tilespmem:$0x14C00] =	vst v63  }
0x5d0: {  	s17 =	sadd.s32 $0x30, s1;
	s31 =	simm.s32 $0x12FD8  }
0x5d1: {  	[hbm4b:s17+s3] =	stream.linear.scatter [tilespmem:s31], [sflag:$0x4], $0x80, $0x38;
	[tilespmem:$0x14C00] =	vst v63  }
0x5d2: {  	s17 =	sadd.s32 $0x40, s1;
	s31 =	simm.s32 $0x13060  }
0x5d3: {  	[hbm4b:s17+s3] =	stream.linear.scatter [tilespmem:s31], [sflag:$0x4], $0x80, $0x38;
	[tilespmem:$0x14C00] =	vst v63  }
0x5d4: {  	s17 =	sadd.s32 $0x50, s1;
	s31 =	simm.s32 $0x130E8  }
0x5d5: {  	[hbm4b:s17+s3] =	stream.linear.scatter [tilespmem:s31], [sflag:$0x4], $0x80, $0x38;
	[tilespmem:$0x14C00] =	vst v63  }
0x5d6: {  	s17 =	sadd.s32 $0x60, s1;
	s31 =	simm.s32 $0x13170  }
0x5d7: {  	[hbm4b:s17+s3] =	stream.linear.scatter [tilespmem:s31], [sflag:$0x4], $0x80, $0x38;
	[tilespmem:$0x14C00] =	vst v63  }
0x5d8: {  	s1 =	sadd.s32 $0x70, s1;
	s31 =	simm.s32 $0x131F8;
	s17 =	sor.u32 s8, s0  }
0x5d9: {  	[hbm4b:s1+s3] =	stream.linear.scatter [tilespmem:s31], [sflag:$0x4], $0x80, $0x38;
	[tilespmem:$0x14C00] =	vst v63  }
0x5da: {  	s1 =	sshrl.u32 s17, $0x3  }
0x5db: {  	s30 =	simm.s32 $0x13280;
	s1 =	sadd.s32 s2, s1  }
0x5dc: {  	[hbm4b:s1+s3] =	stream.linear.scatter [tilespmem:s30], [sflag:$0x4], $0x80, $0x38;
	[tilespmem:$0x14C00] =	vst v63  }
0x5dd: {  	s31 =	simm.s32 $0x13308;
	s17 =	sadd.s32 $0x10, s1  }
0x5de: {  	[hbm4b:s17+s3] =	stream.linear.scatter [tilespmem:s31], [sflag:$0x4], $0x80, $0x38;
	[tilespmem:$0x14C00] =	vst v63  }
0x5df: {  	s17 =	sadd.s32 $0x20, s1;
	s31 =	simm.s32 $0x13390  }
0x5e0: {  	[hbm4b:s17+s3] =	stream.linear.scatter [tilespmem:s31], [sflag:$0x4], $0x80, $0x38;
	[tilespmem:$0x14C00] =	vst v63  }
0x5e1: {  	s17 =	sadd.s32 $0x30, s1;
	s31 =	simm.s32 $0x13418  }
0x5e2: {  	[hbm4b:s17+s3] =	stream.linear.scatter [tilespmem:s31], [sflag:$0x4], $0x80, $0x38;
	[tilespmem:$0x14C00] =	vst v63  }
0x5e3: {  	s17 =	sadd.s32 $0x40, s1;
	s31 =	simm.s32 $0x134A0  }
0x5e4: {  	[hbm4b:s17+s3] =	stream.linear.scatter [tilespmem:s31], [sflag:$0x4], $0x80, $0x38;
	[tilespmem:$0x14C00] =	vst v63  }
0x5e5: {  	s17 =	sadd.s32 $0x50, s1;
	s31 =	simm.s32 $0x13528  }
0x5e6: {  	[hbm4b:s17+s3] =	stream.linear.scatter [tilespmem:s31], [sflag:$0x4], $0x80, $0x38;
	[tilespmem:$0x14C00] =	vst v63  }
0x5e7: {  	s17 =	sadd.s32 $0x60, s1;
	s31 =	simm.s32 $0x135B0  }
0x5e8: {  	[hbm4b:s17+s3] =	stream.linear.scatter [tilespmem:s31], [sflag:$0x4], $0x80, $0x38;
	[tilespmem:$0x14C00] =	vst v63  }
0x5e9: {  	s1 =	sadd.s32 $0x70, s1;
	s31 =	simm.s32 $0x13638;
	s17 =	sor.u32 s9, s0  }
0x5ea: {  	[hbm4b:s1+s3] =	stream.linear.scatter [tilespmem:s31], [sflag:$0x4], $0x80, $0x38;
	[tilespmem:$0x14C00] =	vst v63  }
0x5eb: {  	s1 =	sshrl.u32 s17, $0x3  }
0x5ec: {  	s30 =	simm.s32 $0x136C0;
	s1 =	sadd.s32 s2, s1  }
0x5ed: {  	[hbm4b:s1+s3] =	stream.linear.scatter [tilespmem:s30], [sflag:$0x4], $0x80, $0x38;
	[tilespmem:$0x14C00] =	vst v63  }
0x5ee: {  	s31 =	simm.s32 $0x13748;
	s17 =	sadd.s32 $0x10, s1  }
0x5ef: {  	[hbm4b:s17+s3] =	stream.linear.scatter [tilespmem:s31], [sflag:$0x4], $0x80, $0x38;
	[tilespmem:$0x14C00] =	vst v63  }
0x5f0: {  	s17 =	sadd.s32 $0x20, s1;
	s31 =	simm.s32 $0x137D0  }
0x5f1: {  	[hbm4b:s17+s3] =	stream.linear.scatter [tilespmem:s31], [sflag:$0x4], $0x80, $0x38;
	[tilespmem:$0x14C00] =	vst v63  }
0x5f2: {  	s17 =	sadd.s32 $0x30, s1;
	s31 =	simm.s32 $0x13858  }
0x5f3: {  	[hbm4b:s17+s3] =	stream.linear.scatter [tilespmem:s31], [sflag:$0x4], $0x80, $0x38;
	[tilespmem:$0x14C00] =	vst v63  }
0x5f4: {  	s17 =	sadd.s32 $0x40, s1;
	s31 =	simm.s32 $0x138E0  }
0x5f5: {  	[hbm4b:s17+s3] =	stream.linear.scatter [tilespmem:s31], [sflag:$0x4], $0x80, $0x38;
	[tilespmem:$0x14C00] =	vst v63  }
0x5f6: {  	s17 =	sadd.s32 $0x50, s1;
	s31 =	simm.s32 $0x13968  }
0x5f7: {  	[hbm4b:s17+s3] =	stream.linear.scatter [tilespmem:s31], [sflag:$0x4], $0x80, $0x38;
	[tilespmem:$0x14C00] =	vst v63  }
0x5f8: {  	s17 =	sadd.s32 $0x60, s1;
	s31 =	simm.s32 $0x139F0  }
0x5f9: {  	[hbm4b:s17+s3] =	stream.linear.scatter [tilespmem:s31], [sflag:$0x4], $0x80, $0x38;
	[tilespmem:$0x14C00] =	vst v63  }
0x5fa: {  	s1 =	sadd.s32 $0x70, s1;
	s31 =	simm.s32 $0x13A78;
	s17 =	sor.u32 s10, s0  }
0x5fb: {  	[hbm4b:s1+s3] =	stream.linear.scatter [tilespmem:s31], [sflag:$0x4], $0x80, $0x38;
	[tilespmem:$0x14C00] =	vst v63  }
0x5fc: {  	s1 =	sshrl.u32 s17, $0x3  }
0x5fd: {  	s30 =	simm.s32 $0x13B00;
	s1 =	sadd.s32 s2, s1  }
0x5fe: {  	[hbm4b:s1+s3] =	stream.linear.scatter [tilespmem:s30], [sflag:$0x4], $0x80, $0x38;
	[tilespmem:$0x14C00] =	vst v63  }
0x5ff: {  	s31 =	simm.s32 $0x13B88;
	s17 =	sadd.s32 $0x10, s1  }
0x600: {  	[hbm4b:s17+s3] =	stream.linear.scatter [tilespmem:s31], [sflag:$0x4], $0x80, $0x38;
	[tilespmem:$0x14C00] =	vst v63  }
0x601: {  	s17 =	sadd.s32 $0x20, s1;
	s31 =	simm.s32 $0x13C10  }
0x602: {  	[hbm4b:s17+s3] =	stream.linear.scatter [tilespmem:s31], [sflag:$0x4], $0x80, $0x38;
	[tilespmem:$0x14C00] =	vst v63  }
0x603: {  	s17 =	sadd.s32 $0x30, s1;
	s31 =	simm.s32 $0x13C98  }
0x604: {  	[hbm4b:s17+s3] =	stream.linear.scatter [tilespmem:s31], [sflag:$0x4], $0x80, $0x38;
	[tilespmem:$0x14C00] =	vst v63  }
0x605: {  	s17 =	sadd.s32 $0x40, s1;
	s31 =	simm.s32 $0x13D20  }
0x606: {  	[hbm4b:s17+s3] =	stream.linear.scatter [tilespmem:s31], [sflag:$0x4], $0x80, $0x38;
	[tilespmem:$0x14C00] =	vst v63  }
0x607: {  	s17 =	sadd.s32 $0x50, s1;
	s31 =	simm.s32 $0x13DA8  }
0x608: {  	[hbm4b:s17+s3] =	stream.linear.scatter [tilespmem:s31], [sflag:$0x4], $0x80, $0x38;
	[tilespmem:$0x14C00] =	vst v63  }
0x609: {  	s17 =	sadd.s32 $0x60, s1;
	s31 =	simm.s32 $0x13E30  }
0x60a: {  	[hbm4b:s17+s3] =	stream.linear.scatter [tilespmem:s31], [sflag:$0x4], $0x80, $0x38;
	[tilespmem:$0x14C00] =	vst v63  }
0x60b: {  	s1 =	sadd.s32 $0x70, s1;
	s31 =	simm.s32 $0x13EB8;
	s17 =	sor.u32 s11, s0  }
0x60c: {  	[hbm4b:s1+s3] =	stream.linear.scatter [tilespmem:s31], [sflag:$0x4], $0x80, $0x38;
	[tilespmem:$0x14C00] =	vst v63  }
0x60d: {  	s1 =	sshrl.u32 s17, $0x3  }
0x60e: {  	s30 =	simm.s32 $0x13F40;
	s1 =	sadd.s32 s2, s1  }
0x60f: {  	[hbm4b:s1+s3] =	stream.linear.scatter [tilespmem:s30], [sflag:$0x4], $0x80, $0x38;
	[tilespmem:$0x14C00] =	vst v63  }
0x610: {  	s31 =	simm.s32 $0x13FC8;
	s17 =	sadd.s32 $0x10, s1  }
0x611: {  	[hbm4b:s17+s3] =	stream.linear.scatter [tilespmem:s31], [sflag:$0x4], $0x80, $0x38;
	[tilespmem:$0x14C00] =	vst v63  }
0x612: {  	s17 =	sadd.s32 $0x20, s1;
	s31 =	simm.s32 $0x14050  }
0x613: {  	[hbm4b:s17+s3] =	stream.linear.scatter [tilespmem:s31], [sflag:$0x4], $0x80, $0x38;
	[tilespmem:$0x14C00] =	vst v63  }
0x614: {  	s17 =	sadd.s32 $0x30, s1;
	s31 =	simm.s32 $0x140D8  }
0x615: {  	[hbm4b:s17+s3] =	stream.linear.scatter [tilespmem:s31], [sflag:$0x4], $0x80, $0x38;
	[tilespmem:$0x14C00] =	vst v63  }
0x616: {  	s17 =	sadd.s32 $0x40, s1;
	s31 =	simm.s32 $0x14160  }
0x617: {  	[hbm4b:s17+s3] =	stream.linear.scatter [tilespmem:s31], [sflag:$0x4], $0x80, $0x38;
	[tilespmem:$0x14C00] =	vst v63  }
0x618: {  	s17 =	sadd.s32 $0x50, s1;
	s31 =	simm.s32 $0x141E8  }
0x619: {  	[hbm4b:s17+s3] =	stream.linear.scatter [tilespmem:s31], [sflag:$0x4], $0x80, $0x38;
	[tilespmem:$0x14C00] =	vst v63  }
0x61a: {  	s17 =	sadd.s32 $0x60, s1;
	s31 =	simm.s32 $0x14270  }
0x61b: {  	[hbm4b:s17+s3] =	stream.linear.scatter [tilespmem:s31], [sflag:$0x4], $0x80, $0x38;
	[tilespmem:$0x14C00] =	vst v63  }
0x61c: {  	s1 =	sadd.s32 $0x70, s1;
	s31 =	simm.s32 $0x142F8;
	s17 =	sor.u32 s12, s0  }
0x61d: {  	[hbm4b:s1+s3] =	stream.linear.scatter [tilespmem:s31], [sflag:$0x4], $0x80, $0x38;
	[tilespmem:$0x14C00] =	vst v63  }
0x61e: {  	s1 =	sshrl.u32 s17, $0x3  }
0x61f: {  	s30 =	simm.s32 $0x14380;
	s1 =	sadd.s32 s2, s1  }
0x620: {  	[hbm4b:s1+s3] =	stream.linear.scatter [tilespmem:s30], [sflag:$0x4], $0x80, $0x38;
	[tilespmem:$0x14C00] =	vst v63  }
0x621: {  	s31 =	simm.s32 $0x14408;
	s17 =	sadd.s32 $0x10, s1  }
0x622: {  	[hbm4b:s17+s3] =	stream.linear.scatter [tilespmem:s31], [sflag:$0x4], $0x80, $0x38;
	[tilespmem:$0x14C00] =	vst v63  }
0x623: {  	s17 =	sadd.s32 $0x20, s1;
	s31 =	simm.s32 $0x14490  }
0x624: {  	[hbm4b:s17+s3] =	stream.linear.scatter [tilespmem:s31], [sflag:$0x4], $0x80, $0x38;
	[tilespmem:$0x14C00] =	vst v63  }
0x625: {  	s17 =	sadd.s32 $0x30, s1;
	s31 =	simm.s32 $0x14518  }
0x626: {  	[hbm4b:s17+s3] =	stream.linear.scatter [tilespmem:s31], [sflag:$0x4], $0x80, $0x38;
	[tilespmem:$0x14C00] =	vst v63  }
0x627: {  	s17 =	sadd.s32 $0x40, s1;
	s31 =	simm.s32 $0x145A0  }
0x628: {  	[hbm4b:s17+s3] =	stream.linear.scatter [tilespmem:s31], [sflag:$0x4], $0x80, $0x38;
	[tilespmem:$0x14C00] =	vst v63  }
0x629: {  	s17 =	sadd.s32 $0x50, s1;
	s31 =	simm.s32 $0x14628  }
0x62a: {  	[hbm4b:s17+s3] =	stream.linear.scatter [tilespmem:s31], [sflag:$0x4], $0x80, $0x38;
	[tilespmem:$0x14C00] =	vst v63  }
0x62b: {  	s0 =	sor.u32 s13, s0;
	s17 =	sadd.s32 $0x60, s1;
	s31 =	simm.s32 $0x146B0  }
0x62c: {  	[hbm4b:s17+s3] =	stream.linear.scatter [tilespmem:s31], [sflag:$0x4], $0x80, $0x38;
	[tilespmem:$0x14C00] =	vst v63  }
0x62d: {  	s0 =	sshrl.u32 s0, $0x3;
	s30 =	simm.s32 $0x14738;
	s1 =	sadd.s32 $0x70, s1  }
0x62e: {  	[hbm4b:s1+s3] =	stream.linear.scatter [tilespmem:s30], [sflag:$0x4], $0x80, $0x38;
	[tilespmem:$0x14C00] =	vst v63  }
0x62f: {  	s0 =	sadd.s32 s2, s0;
	s31 =	simm.s32 $0x147C0  }
0x630: {  	[hbm4b:s0+s3] =	stream.linear.scatter [tilespmem:s31], [sflag:$0x4], $0x80, $0x38;
	[tilespmem:$0x14C00] =	vst v63  }
0x631: {  	s17 =	sadd.s32 $0x10, s0  }
0x632: {  	[hbm4b:s17+s3] =	stream.linear.scatter [tilespmem:s18], [sflag:$0x4], $0x80, $0x38;
	[tilespmem:$0x14C00] =	vst v63  }
0x633: {  	s30 =	sadd.s32 $0x20, s0  }
0x634: {  	[hbm4b:s30+s3] =	stream.linear.scatter [tilespmem:s19], [sflag:$0x4], $0x80, $0x38;
	[tilespmem:$0x14C00] =	vst v63  }
0x635: {  	s31 =	sadd.s32 $0x30, s0  }
0x636: {  	[hbm4b:s31+s3] =	stream.linear.scatter [tilespmem:s22], [sflag:$0x4], $0x80, $0x38;
	[tilespmem:$0x14C00] =	vst v63  }
0x637: {  	s29 =	sadd.s32 $0x1, s29;
	s17 =	sadd.s32 $0x40, s0  }
0x638: {  	[hbm4b:s17+s3] =	stream.linear.scatter [tilespmem:s23], [sflag:$0x4], $0x80, $0x38;
	[tilespmem:$0x14C00] =	vst v63  }
0x639: {  	p0 =	sne.s32 s29, $0x64;
	s30 =	sadd.s32 $0x50, s0  }
0x63a: {  	[hbm4b:s30+s3] =	stream.linear.scatter [tilespmem:s24], [sflag:$0x4], $0x80, $0x38;
	[tilespmem:$0x14C00] =	vst v63  }
.Ltmp6:
0x63b: {  	_ = 	snop;
	(pc) =	sbr.rel @p0 .LBB2_4-.Ltmp6, $4  }
0x63c: {  	s31 =	sadd.s32 $0x60, s0  }
0x63d: {  	[hbm4b:s31+s3] =	stream.linear.scatter [tilespmem:s25], [sflag:$0x4], $0x80, $0x38;
	[tilespmem:$0x14C00] =	vst v63  }
0x63e: {  	s0 =	sadd.s32 $0x70, s0  }
0x63f: {  	[hbm4b:s0+s3] =	stream.linear.scatter [tilespmem:s26], [sflag:$0x4], $0x80, $0x38;
	[tilespmem:$0x14C00] =	vst v63  }
0x640: {  	s0 =	simm.s32 $0x3  }
0x641: {  	_ =	swait.ge [sflag:s0], $0x400  }
0x642: {  	[sflag:s0] =	ssyncset.done $0x0  }
0x643: {  	[sflag:s0] =	ssyncadd.s32 $0xFFFFFC00  }
0x644: {  	_ =	swait.ge [sflag:s0], $0x400  }
0x645: {  	[sflag:s0] =	ssyncset.done $0x0  }
0x646: {  	[sflag:s0] =	ssyncadd.s32 $0xFFFFFC00  }
0x647: {  	_ =	swait.ge [sflag:s0], $0x400  }
0x648: {  	[sflag:s0] =	ssyncset.done $0x0  }
0x649: {  	[sflag:s0] =	ssyncadd.s32 $0xFFFFFC00  }
0x64a: {  	_ =	swait.ge [sflag:s0], $0x400  }
0x64b: {  	[sflag:s0] =	ssyncset.done $0x0  }
0x64c: {  	[sflag:s0] =	ssyncadd.s32 $0xFFFFFC00  }
0x64d: {  	_ =	swait.ge [sflag:s0], $0x400  }
0x64e: {  	[sflag:s0] =	ssyncset.done $0x0  }
0x64f: {  	[sflag:s0] =	ssyncadd.s32 $0xFFFFFC00  }
0x650: {  	_ =	swait.ge [sflag:s0], $0x400  }
0x651: {  	[sflag:s0] =	ssyncset.done $0x0  }
0x652: {  	[sflag:s0] =	ssyncadd.s32 $0xFFFFFC00  }
0x653: {  	_ =	swait.ge [sflag:s0], $0x400  }
0x654: {  	[sflag:s0] =	ssyncset.done $0x0  }
0x655: {  	[sflag:s0] =	ssyncadd.s32 $0xFFFFFC00  }
0x656: {  	_ =	swait.ge [sflag:s0], $0x400  }
0x657: {  	[sflag:s0] =	ssyncset.done $0x0  }
0x658: {  	[sflag:s0] =	ssyncadd.s32 $0xFFFFFC00  }
0x659: {  	_ =	swait.ge [sflag:s14], $0x400  }
0x65a: {  	[sflag:s14] =	ssyncset.done $0x0  }
0x65b: {  	[sflag:s14] =	ssyncadd.s32 $0xFFFFFC00  }
0x65c: {  	_ =	swait.ge [sflag:s14], $0x400  }
0x65d: {  	[sflag:s14] =	ssyncset.done $0x0  }
0x65e: {  	[sflag:s14] =	ssyncadd.s32 $0xFFFFFC00  }
0x65f: {  	_ =	swait.ge [sflag:s14], $0x400  }
0x660: {  	[sflag:s14] =	ssyncset.done $0x0  }
0x661: {  	[sflag:s14] =	ssyncadd.s32 $0xFFFFFC00  }
0x662: {  	_ =	swait.ge [sflag:s14], $0x400  }
0x663: {  	[sflag:s14] =	ssyncset.done $0x0  }
0x664: {  	[sflag:s14] =	ssyncadd.s32 $0xFFFFFC00  }
0x665: {  	_ =	swait.ge [sflag:s14], $0x400  }
0x666: {  	[sflag:s14] =	ssyncset.done $0x0  }
0x667: {  	[sflag:s14] =	ssyncadd.s32 $0xFFFFFC00  }
0x668: {  	_ =	swait.ge [sflag:s14], $0x400  }
0x669: {  	[sflag:s14] =	ssyncset.done $0x0  }
0x66a: {  	[sflag:s14] =	ssyncadd.s32 $0xFFFFFC00  }
0x66b: {  	_ =	swait.ge [sflag:s14], $0x400  }
0x66c: {  	[sflag:s14] =	ssyncset.done $0x0  }
0x66d: {  	[sflag:s14] =	ssyncadd.s32 $0xFFFFFC00  }
0x66e: {  	_ =	swait.ge [sflag:s14], $0x400  }
0x66f: {  	s1 =	rddreg [dreg:$0x5]  }
0x670: {  	s31 =	rddreg [dreg:$0x4];
	s1 =	sadd.s32 $0x1, s1  }
0x671: {  	p0 =	sne.s32 s1, s31  }
.Ltmp7:
0x672: {  	_ = 	snop;
	(pc) =	sbr.rel @p0 .LBB2_1-.Ltmp7, $3  }
0x673: {  	_ =	sdelay $0x1  }
0x674: {  	[sflag:s14] =	ssyncset.done $0x0  }
0x675: {  	[sflag:s14] =	ssyncadd.s32 $0xFFFFFC00  }
0x676: {  	_ =	sfence.sel $0x180000  }
0x677: {  	[bflag:$0x0] =	sbarrier.arrive $0xFFFF  }
0x678: {  	_ =	strace $0x90000047  }
0x679: {  	s0 =	stileid.u32;
	[bflag:$0x2] =	sbarrier.arrive $0xFFFF  }
0x67a: {  	p0 =	sne.s32 s0, $0x0;
	s0 =	rddreg [dreg:$0x2]  }
0x67b: {  	s0 =	sadd.s32 @!p0 $0x100000, s0  }
0x67c: {  	[sflag:s0] =	ssyncadd.tile.s32 @!p0 $0x1;
	_ =	shalt  }
.Lfunc_end2:
_tile_overlayer_lowered:
.L_overlay_start_2:
0x67d: {  	(tag) =	ssettag $0x2  }
0x67e: {  	s0 =	rddreg [dreg:$0x0];
	s2 =	stileid.u32  }
0x67f: {  	s1 =	rddreg [dreg:$0x1];
	p0 =	sne.s32 s2, $0x0  }
0x680: {  	s3 =	rddreg [dreg:$0x2];
	[bflag:$0x3] =	sbarrier.arrive $0xFFFF;
	s2 =	simm.s32 @!p0 $0x1C05  }
0x681: {  	[timem:s3], [sflag:s2] =	dma.local @!p0 [hbm:s0], s1  }
0x682: {  	s0 =	simm.s32 @!p0 $0x5  }
0x683: {  	_ =	swait.ge @!p0 [sflag:s0], s1  }
0x684: {  	s1 =	ssub.s32 @!p0 $0x0, s1;
	[sflag:s0] =	ssyncset.done @!p0 $0x0  }
0x685: {  	[sflag:s0] =	ssyncadd.s32 @!p0 s1  }
0x686: {  	[bflag:$0x3] =	sbarrier.arrive $0xFFFF  }
0x687: {  	_ =	shalt  }

</sc_bundles>
